<compile_context>
chip_gen: v7x
topology: tpu7x:2x2x1
jax: 0.10.2.dev20260603
libtpu: 0.0.44.dev20260713+nightly
codegen_flags: <defaults>
</compile_context>

<pallas_src>
import functools

import jax
import jax.numpy as jnp
from jax import lax
from jax.experimental import pallas as pl
from jax.experimental.pallas import tpu as pltpu
from jax.experimental.pallas import tpu_sc as plsc

N = 10000
E = 320000
HID = 128
IN_DIM = 64
NCLS = 8
L = 4

NUM_CORES = 2
NUM_SUBCORES = 16
NW = NUM_CORES * NUM_SUBCORES
CH = 128
CPW = 80
EPAD = CPW * NW * CH
TRASH = N
ZROWS = 632
NPAD = ZROWS * NUM_SUBCORES
OROWS = 624
OTAIL = N - OROWS * NUM_SUBCORES
HS = 40

FAST_C = 1
CF = 152
CS = 8
HSS = 8
FAST_TOT = NUM_SUBCORES * CF

_mesh = plsc.VectorSubcoreMesh(core_axis_name="c", subcore_axis_name="s")


@functools.partial(
    pl.kernel,
    out_type=jax.ShapeDtypeStruct((NUM_CORES, N, HID), jnp.float32),
    mesh=_mesh,
    scratch_types=[
        pltpu.VMEM((HSS, CH), jnp.int32),
        pltpu.VMEM((HSS, CH), jnp.int32),
        pltpu.VMEM((CH, HID), jnp.float32),
        pltpu.VMEM((CH, HID), jnp.float32),
        pltpu.VMEM_SHARED((NPAD, HID), jnp.float32),
        pltpu.SemaphoreType.DMA,
        pltpu.SemaphoreType.DMA,
    ],
)
def _sc_spmm(x_hbm, src_hbm, dst_hbm, z_hbm, out_hbm,
             srcv, dstv, rows0, rows1, acc, sem0, sem1):
    c = lax.axis_index("c")
    s = lax.axis_index("s")
    fast = c == FAST_C
    nst = jnp.where(fast, CF // HSS, CS // HSS)
    wbase = jnp.where(fast, s * CF, FAST_TOT + s * CS)

    def gather(idx, j, buf, sem):
        pltpu.async_copy(x_hbm.at[idx.at[j]], buf, sem)

    def gwait(idx, j, buf, sem):
        pltpu.make_async_copy(x_hbm.at[idx.at[j]], buf, sem).wait()

    pltpu.sync_copy(z_hbm, acc.at[pl.ds(s * ZROWS, ZROWS)])
    plsc.subcore_barrier()

    def stage_body(st, _):
        base = pl.multiple_of(wbase + st * HSS, 8)
        pltpu.sync_copy(src_hbm.at[pl.ds(base, HSS)], srcv)
        pltpu.sync_copy(dst_hbm.at[pl.ds(base, HSS)], dstv)
        gather(srcv, 0, rows0, sem0)
        gather(srcv, 1, rows1, sem1)

        def body(i, _):
            j0 = 2 * i
            gwait(srcv, j0, rows0, sem0)
            pltpu.sync_copy(rows0, acc.at[dstv.at[j0]], add=True)
            gather(srcv, j0 + 2, rows0, sem0)
            gwait(srcv, j0 + 1, rows1, sem1)
            pltpu.sync_copy(rows1, acc.at[dstv.at[j0 + 1]], add=True)
            gather(srcv, j0 + 3, rows1, sem1)
            return 0

        lax.fori_loop(0, (HSS - 2) // 2, body, 0)
        gwait(srcv, HSS - 2, rows0, sem0)
        pltpu.sync_copy(rows0, acc.at[dstv.at[HSS - 2]], add=True)
        gwait(srcv, HSS - 1, rows1, sem1)
        pltpu.sync_copy(rows1, acc.at[dstv.at[HSS - 1]], add=True)
        return 0

    lax.fori_loop(0, nst, stage_body, 0)
    plsc.subcore_barrier()
    pltpu.sync_copy(acc.at[pl.ds(s * OROWS, OROWS)],
                    out_hbm.at[c, pl.ds(s * OROWS, OROWS)])
    @pl.when(s == NUM_SUBCORES - 1)
    def _():
        base = OROWS * NUM_SUBCORES
        pltpu.sync_copy(acc.at[pl.ds(base, OTAIL)],
                        out_hbm.at[c, pl.ds(base, OTAIL)])


@functools.partial(
    pl.kernel,
    out_type=jax.ShapeDtypeStruct((NUM_CORES, N, HID), jnp.float32),
    mesh=_mesh,
    scratch_types=[
        pltpu.VMEM((CPW, CH), jnp.int32),
        pltpu.VMEM((CH, HID), jnp.float32),
        pltpu.VMEM_SHARED((NPAD, HID), jnp.float32),
    ],
)
def _sc_degree(dst_hbm, zdeg_hbm, ones_hbm, out_hbm, dstv, ones_v, acc):
    c = lax.axis_index("c")
    s = lax.axis_index("s")
    w = c * NUM_SUBCORES + s
    pltpu.sync_copy(zdeg_hbm, acc.at[pl.ds(s * ZROWS, ZROWS)])
    pltpu.sync_copy(dst_hbm.at[pl.ds(w * CPW, CPW)], dstv)
    pltpu.sync_copy(ones_hbm, ones_v)
    plsc.subcore_barrier()

    def body(j, _):
        pltpu.sync_copy(ones_v, acc.at[dstv.at[j]], add=True)
        return 0

    lax.fori_loop(0, CPW, body, 0)
    plsc.subcore_barrier()
    pltpu.sync_copy(acc.at[pl.ds(s * OROWS, OROWS)],
                    out_hbm.at[c, pl.ds(s * OROWS, OROWS)])
    @pl.when(s == NUM_SUBCORES - 1)
    def _():
        base = OROWS * NUM_SUBCORES
        pltpu.sync_copy(acc.at[pl.ds(base, OTAIL)],
                        out_hbm.at[c, pl.ds(base, OTAIL)])


def _tc_prep_body(h_ref, emb_ref, degp_ref, x_ref, rdeg_ref):
    hv = h_ref[...]
    iot = lax.broadcasted_iota(jnp.int32, (N, IN_DIM), 1)
    oh = (hv == iot).astype(jnp.float32)
    x_ref[...] = jnp.dot(oh, emb_ref[...],
                         preferred_element_type=jnp.float32,
                         precision=lax.Precision.HIGHEST)
    dp = degp_ref[...]
    d = dp[0, :, 0:1] + dp[1, :, 0:1]
    rdeg_ref[...] = 1.0 / jnp.maximum(d, 1.0)


def _tc_prep(h2, emb_h, degp):
    return pl.pallas_call(
        _tc_prep_body,
        out_shape=(
            jax.ShapeDtypeStruct((N, HID), jnp.float32),
            jax.ShapeDtypeStruct((N, 1), jnp.float32),
        ),
    )(h2, emb_h, degp)


ROWS_BLK = 2000


def _tc_update_body(p_ref, rdeg_ref, x_ref, wg_ref, wa_ref, o_ref):
    pb = p_ref[...]
    agg = (pb[0] + pb[1]) * rdeg_ref[...]
    t = jnp.dot(agg, wg_ref[...], preferred_element_type=jnp.float32,
                precision=lax.Precision.HIGHEST)
    z = 1.0 / (1.0 + jnp.exp(-t))
    o_ref[...] = x_ref[...] + z * jnp.dot(
        agg, wa_ref[...], preferred_element_type=jnp.float32,
        precision=lax.Precision.HIGHEST)


def _tc_update(p, rdeg, x, wg, wa):
    nb = N // ROWS_BLK
    return pl.pallas_call(
        _tc_update_body,
        grid=(nb,),
        in_specs=[
            pl.BlockSpec((NUM_CORES, ROWS_BLK, HID), lambda i: (0, i, 0)),
            pl.BlockSpec((ROWS_BLK, 1), lambda i: (i, 0)),
            pl.BlockSpec((ROWS_BLK, HID), lambda i: (i, 0)),
            pl.BlockSpec((HID, HID), lambda i: (0, 0)),
            pl.BlockSpec((HID, HID), lambda i: (0, 0)),
        ],
        out_specs=pl.BlockSpec((ROWS_BLK, HID), lambda i: (i, 0)),
        out_shape=jax.ShapeDtypeStruct((N, HID), jnp.float32),
    )(p, rdeg, x, wg, wa)


def _tc_mlp_body(x_ref, w1_ref, b1_ref, w2_ref, b2_ref, o_ref):
    mid = jnp.maximum(
        jnp.dot(x_ref[...], w1_ref[...],
                preferred_element_type=jnp.float32,
                precision=lax.Precision.HIGHEST) + b1_ref[...], 0.0)
    o_ref[...] = jnp.dot(mid, w2_ref[...],
                         preferred_element_type=jnp.float32,
                         precision=lax.Precision.HIGHEST) + b2_ref[...]


def _tc_mlp(x, w1, b1, w2, b2):
    nb = N // ROWS_BLK
    return pl.pallas_call(
        _tc_mlp_body,
        grid=(nb,),
        in_specs=[
            pl.BlockSpec((ROWS_BLK, HID), lambda i: (i, 0)),
            pl.BlockSpec((HID, HID // 2), lambda i: (0, 0)),
            pl.BlockSpec((1, HID // 2), lambda i: (0, 0)),
            pl.BlockSpec((HID // 2, NCLS), lambda i: (0, 0)),
            pl.BlockSpec((1, NCLS), lambda i: (0, 0)),
        ],
        out_specs=pl.BlockSpec((ROWS_BLK, NCLS), lambda i: (i, 0)),
        out_shape=jax.ShapeDtypeStruct((N, NCLS), jnp.float32),
    )(x, w1, b1, w2, b2)


def kernel(h, edge_index, e, emb_h, Wa, Wg, W1, b1, W2, b2):
    del e
    src = edge_index[0].astype(jnp.int32)
    dst = edge_index[1].astype(jnp.int32)
    pad = EPAD - E
    src_p = jnp.concatenate(
        [src, jnp.zeros((pad,), jnp.int32)]).reshape(CPW * NW, CH)
    dst_p = jnp.concatenate(
        [dst, jnp.full((pad,), TRASH, jnp.int32)]).reshape(CPW * NW, CH)
    zrow = jnp.zeros((ZROWS, HID), jnp.float32)
    ones_rows = jnp.ones((CH, HID), jnp.float32)

    hi = h.astype(jnp.int32)
    degp = _sc_degree(dst_p, zrow, ones_rows)
    x, rdeg = _tc_prep(hi.reshape(N, 1), emb_h, degp)
    for l in range(L):
        p = _sc_spmm(x, src_p, dst_p, zrow)
        x = _tc_update(p, rdeg, x, Wg[l], Wa[l])
    return _tc_mlp(x, W1, b1.reshape(1, HID // 2), W2, b2.reshape(1, NCLS))

# --- scband reference (transcript-rebuilt; emitter-appended) ---
"""Pipeline reference for scband-sggnnet-33062658245061 (READ-ONLY COPY).

The authoritative reference and input builder live on the scoring server;
editing this copy changes nothing except your own understanding.
"""

import jax, jax.numpy as jnp
import numpy as np

N = 10000
E = 320000
HID = 128
IN_DIM = 64
NC = 8
L = 4

def setup_inputs(seed: int = 0) -> dict:
    key = jax.random.key(seed)
    ks = jax.random.split(key, 10)
    h = jax.random.randint(ks[0], (N,), 0, IN_DIM)
    edge_index = jax.random.randint(ks[1], (2, E), 0, N)
    e = jax.random.normal(ks[2], (E, 1), dtype=jnp.float32)
    emb_h = jax.random.normal(ks[3], (IN_DIM, HID), dtype=jnp.float32) * 0.1
    Wa = jax.random.normal(ks[4], (L, HID, HID), dtype=jnp.float32) * (1.0 / np.sqrt(HID))
    Wg = jax.random.normal(ks[5], (L, HID, HID), dtype=jnp.float32) * (1.0 / np.sqrt(HID))
    W1 = jax.random.normal(ks[6], (HID, HID // 2), dtype=jnp.float32) * (1.0 / np.sqrt(HID))
    b1 = jnp.zeros((HID // 2,), dtype=jnp.float32)
    W2 = jax.random.normal(ks[7], (HID // 2, NC), dtype=jnp.float32) * (1.0 / np.sqrt(HID // 2))
    b2 = jnp.zeros((NC,), dtype=jnp.float32)
    return {"h": h, "edge_index": edge_index, "e": e, "emb_h": emb_h,
            "Wa": Wa, "Wg": Wg, "W1": W1, "b1": b1, "W2": W2, "b2": b2}

def reference(h, edge_index, e, emb_h, Wa, Wg, W1, b1, W2, b2):
    # embedding_h lookup (gather)
    x = jnp.take(emb_h, h, axis=0)
    # dropout p=0.0 -> identity; lap/wl pos enc disabled
    src = edge_index[0]
    dst = edge_index[1]
    # g.in_degrees() analog (scatter-add of ones)
    deg = jax.ops.segment_sum(jnp.ones((E,), dtype=jnp.float32), dst, num_segments=N)
    deg = jnp.maximum(deg, 1.0)[:, None]
    # L layers of SGGN_layer_withoutE (update_E=False; e unused, matching original forward
    # which never writes g.edata): degree-normalized neighbor aggregation + gated linear update
    for l in range(L):
        m = jnp.take(x, src, axis=0)                         # gather messages
        agg = jax.ops.segment_sum(m, dst, num_segments=N)    # scatter-add to dst
        agg = agg / deg
        z = jax.nn.sigmoid(agg @ Wg[l])
        x = x + z * (agg @ Wa[l])
    # MLPReadout: hidden -> hidden//2 -> n_classes
    mid = jax.nn.relu(x @ W1 + b1)
    return mid @ W2 + b2

if __name__ == "__main__":
    import jax
    _d = setup_inputs()
    print(jax.jit(kernel)(*tuple(_d.values())))

</pallas_src>

<mosaic_0001>
#map = affine_map<(d0, d1) -> (0, 0)>
#map1 = affine_map<(d0, d1) -> (0, 0, 0)>
module attributes {stable_mosaic.version = 14 : i64} {
  func.func @_sc_degree(%arg0: i32, %arg1: i32, %arg2: memref<2560x128xi32, #tpu.memory_space<hbm>>, %arg3: memref<632x128xf32, #tpu.memory_space<hbm>>, %arg4: memref<128x128xf32, #tpu.memory_space<hbm>>, %arg5: memref<2x10000x128xf32, #tpu.memory_space<hbm>>, %arg6: memref<80x128xi32, #tpu.memory_space<vmem>>, %arg7: memref<128x128xf32, #tpu.memory_space<vmem>>, %arg8: memref<10112x128xf32, #tpu.memory_space<vmem_shared>>) attributes {dimension_semantics = [#tpu.dimension_semantics<core_parallel>, #tpu.dimension_semantics<subcore_parallel>], iteration_bounds = array<i64: 2, 16>, scalar_prefetch = 0 : i64, scratch_operands = 3 : i64, tpu.core_type = #tpu.core_type<sc_vector_subcore>, window_params = [{transform_indices = #map}, {transform_indices = #map}, {transform_indices = #map}, {transform_indices = #map1}]} {
    %mul3A = arith.constant 16 : i32
    %mul3A_0 = arith.muli %arg0, %mul3A : i32
    %add3A = arith.addi %mul3A_0, %arg1 : i32
    %mul3A_1 = arith.constant 632 : i32
    %mul3A_2 = arith.muli %arg1, %mul3A_1 : i32
    "tpu.region"() ({
      %run_scoped3A = tpu.sem_alloc : memref<!tpu.dma_semaphore, #tpu.memory_space<semaphore_mem>>
      %dma_start3A = arith.constant 0 : i32
      %dma_start3A_18 = tpu.memref_slice %arg8[%mul3A_2, %dma_start3A] : memref<10112x128xf32, #tpu.memory_space<vmem_shared>> -> memref<632x128xf32, #tpu.memory_space<vmem_shared>>
      tpu.enqueue_dma source(%arg3 : memref<632x128xf32, #tpu.memory_space<hbm>>) target(%dma_start3A_18 : memref<632x128xf32, #tpu.memory_space<vmem_shared>>) target_semaphore(%run_scoped3A : memref<!tpu.dma_semaphore, #tpu.memory_space<semaphore_mem>>)
      %dma_wait3A = arith.constant 0 : i32
      %dma_wait3A_19 = tpu.memref_slice %arg8[%mul3A_2, %dma_wait3A] : memref<10112x128xf32, #tpu.memory_space<vmem_shared>> -> memref<632x128xf32, #tpu.memory_space<vmem_shared>>
      tpu.wait_dma2 semaphore(%run_scoped3A : memref<!tpu.dma_semaphore, #tpu.memory_space<semaphore_mem>>) src(%arg3 : memref<632x128xf32, #tpu.memory_space<hbm>>) dst(%dma_wait3A_19 : memref<632x128xf32, #tpu.memory_space<vmem_shared>>)
      tpu.yield
    }) : () -> ()
    %mul3A_3 = arith.constant 80 : i32
    %mul3A_4 = arith.muli %add3A, %mul3A_3 : i32
    "tpu.region"() ({
      %run_scoped3A = tpu.sem_alloc : memref<!tpu.dma_semaphore, #tpu.memory_space<semaphore_mem>>
      %dma_start3A = arith.constant 0 : i32
      %dma_start3A_18 = tpu.memref_slice %arg2[%mul3A_4, %dma_start3A] : memref<2560x128xi32, #tpu.memory_space<hbm>> -> memref<80x128xi32, #tpu.memory_space<hbm>>
      %dma_start3A_19 = arith.constant 0 : i32
      %dma_start3A_20 = tpu.memref_slice %arg2[%mul3A_4, %dma_start3A_19] : memref<2560x128xi32, #tpu.memory_space<hbm>> -> memref<80x128xi32, #tpu.memory_space<hbm>>
      tpu.enqueue_dma source(%dma_start3A_20 : memref<80x128xi32, #tpu.memory_space<hbm>>) target(%arg6 : memref<80x128xi32, #tpu.memory_space<vmem>>) target_semaphore(%run_scoped3A : memref<!tpu.dma_semaphore, #tpu.memory_space<semaphore_mem>>)
      %dma_wait3A = arith.constant 0 : i32
      %dma_wait3A_21 = tpu.memref_slice %arg2[%mul3A_4, %dma_wait3A] : memref<2560x128xi32, #tpu.memory_space<hbm>> -> memref<80x128xi32, #tpu.memory_space<hbm>>
      %dma_wait3A_22 = arith.constant 0 : i32
      %dma_wait3A_23 = tpu.memref_slice %arg2[%mul3A_4, %dma_wait3A_22] : memref<2560x128xi32, #tpu.memory_space<hbm>> -> memref<80x128xi32, #tpu.memory_space<hbm>>
      tpu.wait_dma2 semaphore(%run_scoped3A : memref<!tpu.dma_semaphore, #tpu.memory_space<semaphore_mem>>) src(%dma_wait3A_23 : memref<80x128xi32, #tpu.memory_space<hbm>>) dst(%arg6 : memref<80x128xi32, #tpu.memory_space<vmem>>)
      tpu.yield
    }) : () -> ()
    "tpu.region"() ({
      %run_scoped3A = tpu.sem_alloc : memref<!tpu.dma_semaphore, #tpu.memory_space<semaphore_mem>>
      tpu.enqueue_dma source(%arg4 : memref<128x128xf32, #tpu.memory_space<hbm>>) target(%arg7 : memref<128x128xf32, #tpu.memory_space<vmem>>) target_semaphore(%run_scoped3A : memref<!tpu.dma_semaphore, #tpu.memory_space<semaphore_mem>>)
      tpu.wait_dma2 semaphore(%run_scoped3A : memref<!tpu.dma_semaphore, #tpu.memory_space<semaphore_mem>>) src(%arg4 : memref<128x128xf32, #tpu.memory_space<hbm>>) dst(%arg7 : memref<128x128xf32, #tpu.memory_space<vmem>>)
      tpu.yield
    }) : () -> ()
    %barrier3A = arith.constant 0 : index
    tpu.barrier barrier_id(%barrier3A)
    %scan3A = arith.constant 0 : i32
    %scan3A_5 = arith.constant 0 : i32
    %scan3A_6 = arith.constant 80 : i32
    %scan3A_7 = arith.addi %scan3A_5, %scan3A_6 : i32
    %scan3A_8 = arith.constant 1 : i32
    %scan3A_9 = scf.for %scan3A_18 = %scan3A_5 to %scan3A_7 step %scan3A_8 iter_args(%scan3A_19 = %scan3A) -> (i32)  : i32 {
      "tpu.region"() ({
        %run_scoped3A = tpu.sem_alloc : memref<!tpu.dma_semaphore, #tpu.memory_space<semaphore_mem>>
        %dma_start3A = arith.constant 0 : i32
        %dma_start3A_21 = tpu.memref_slice %arg6[%scan3A_18, %dma_start3A] : memref<80x128xi32, #tpu.memory_space<vmem>> -> memref<1x128xi32, #tpu.memory_space<vmem>>
        %dma_start3A_22 = tpu.memref_squeeze %dma_start3A_21 : memref<1x128xi32, #tpu.memory_space<vmem>> -> memref<128xi32, #tpu.memory_space<vmem>>
        %dma_start3A_23 = arith.constant 0 : i32
        %dma_start3A_24 = arith.constant 0 : i32
        %dma_start3A_25 = tpu.memref_slice %arg8[%dma_start3A_23, %dma_start3A_24] : memref<10112x128xf32, #tpu.memory_space<vmem_shared>> -> memref<10112x128xf32, #tpu.memory_space<vmem_shared>>
        tpu.enqueue_indirect_dma source(%arg7 : memref<128x128xf32, #tpu.memory_space<vmem>>) target(%dma_start3A_25 : memref<10112x128xf32, #tpu.memory_space<vmem_shared>>) offsets(%dma_start3A_22 : memref<128xi32, #tpu.memory_space<vmem>>) semaphore(%run_scoped3A : memref<!tpu.dma_semaphore, #tpu.memory_space<semaphore_mem>>) {add = true}
        %dma_wait3A = arith.constant 0 : i32
        %dma_wait3A_26 = tpu.memref_slice %arg6[%scan3A_18, %dma_wait3A] : memref<80x128xi32, #tpu.memory_space<vmem>> -> memref<1x128xi32, #tpu.memory_space<vmem>>
        %dma_wait3A_27 = tpu.memref_squeeze %dma_wait3A_26 : memref<1x128xi32, #tpu.memory_space<vmem>> -> memref<128xi32, #tpu.memory_space<vmem>>
        %dma_wait3A_28 = arith.constant 0 : i32
        %dma_wait3A_29 = arith.constant 0 : i32
        %dma_wait3A_30 = tpu.memref_slice %arg8[%dma_wait3A_28, %dma_wait3A_29] : memref<10112x128xf32, #tpu.memory_space<vmem_shared>> -> memref<10112x128xf32, #tpu.memory_space<vmem_shared>>
        tpu.wait_indirect_dma semaphore(%run_scoped3A : memref<!tpu.dma_semaphore, #tpu.memory_space<semaphore_mem>>) src(%arg7 : memref<128x128xf32, #tpu.memory_space<vmem>>) dst(%dma_wait3A_30 : memref<10112x128xf32, #tpu.memory_space<vmem_shared>>)
        tpu.yield
      }) : () -> ()
      %scan3A_20 = arith.constant 0 : i32
      scf.yield %scan3A_20 : i32
    }
    %scan3A_10 = arith.constant 80 : i32
    %barrier3A_11 = arith.constant 0 : index
    tpu.barrier barrier_id(%barrier3A_11)
    %mul3A_12 = arith.constant 624 : i32
    %mul3A_13 = arith.muli %arg1, %mul3A_12 : i32
    %mul3A_14 = arith.constant 624 : i32
    %mul3A_15 = arith.muli %arg1, %mul3A_14 : i32
    "tpu.region"() ({
      %run_scoped3A = tpu.sem_alloc : memref<!tpu.dma_semaphore, #tpu.memory_space<semaphore_mem>>
      %dma_start3A = arith.constant 0 : i32
      %dma_start3A_18 = tpu.memref_slice %arg5[%arg0, %mul3A_15, %dma_start3A] : memref<2x10000x128xf32, #tpu.memory_space<hbm>> -> memref<1x624x128xf32, #tpu.memory_space<hbm>>
      %dma_start3A_19 = tpu.memref_squeeze %dma_start3A_18 : memref<1x624x128xf32, #tpu.memory_space<hbm>> -> memref<624x128xf32, #tpu.memory_space<hbm>>
      %dma_start3A_20 = arith.constant 0 : i32
      %dma_start3A_21 = tpu.memref_slice %arg8[%mul3A_13, %dma_start3A_20] : memref<10112x128xf32, #tpu.memory_space<vmem_shared>> -> memref<624x128xf32, #tpu.memory_space<vmem_shared>>
      tpu.enqueue_dma source(%dma_start3A_21 : memref<624x128xf32, #tpu.memory_space<vmem_shared>>) target(%dma_start3A_19 : memref<624x128xf32, #tpu.memory_space<hbm>>) target_semaphore(%run_scoped3A : memref<!tpu.dma_semaphore, #tpu.memory_space<semaphore_mem>>)
      %dma_wait3A = arith.constant 0 : i32
      %dma_wait3A_22 = tpu.memref_slice %arg5[%arg0, %mul3A_15, %dma_wait3A] : memref<2x10000x128xf32, #tpu.memory_space<hbm>> -> memref<1x624x128xf32, #tpu.memory_space<hbm>>
      %dma_wait3A_23 = tpu.memref_squeeze %dma_wait3A_22 : memref<1x624x128xf32, #tpu.memory_space<hbm>> -> memref<624x128xf32, #tpu.memory_space<hbm>>
      %dma_wait3A_24 = arith.constant 0 : i32
      %dma_wait3A_25 = tpu.memref_slice %arg8[%mul3A_13, %dma_wait3A_24] : memref<10112x128xf32, #tpu.memory_space<vmem_shared>> -> memref<624x128xf32, #tpu.memory_space<vmem_shared>>
      tpu.wait_dma2 semaphore(%run_scoped3A : memref<!tpu.dma_semaphore, #tpu.memory_space<semaphore_mem>>) src(%dma_wait3A_25 : memref<624x128xf32, #tpu.memory_space<vmem_shared>>) dst(%dma_wait3A_23 : memref<624x128xf32, #tpu.memory_space<hbm>>)
      tpu.yield
    }) : () -> ()
    %eq3A = arith.constant 15 : i32
    %eq3A_16 = arith.cmpi eq, %arg1, %eq3A : i32
    %convert_element_type3A = arith.extui %eq3A_16 : i1 to i32
    %cond3A = arith.constant 0 : i32
    %cond3A_17 = arith.cmpi ne, %convert_element_type3A, %cond3A : i32
    scf.if %cond3A_17 {
      "tpu.region"() ({
        %run_scoped3A = tpu.sem_alloc : memref<!tpu.dma_semaphore, #tpu.memory_space<semaphore_mem>>
        %dma_start3A = arith.constant 9984 : i32
        %dma_start3A_18 = arith.constant 0 : i32
        %dma_start3A_19 = tpu.memref_slice %arg5[%arg0, %dma_start3A, %dma_start3A_18] : memref<2x10000x128xf32, #tpu.memory_space<hbm>> -> memref<1x16x128xf32, #tpu.memory_space<hbm>>
        %dma_start3A_20 = tpu.memref_squeeze %dma_start3A_19 : memref<1x16x128xf32, #tpu.memory_space<hbm>> -> memref<16x128xf32, #tpu.memory_space<hbm>>
        %dma_start3A_21 = arith.constant 9984 : i32
        %dma_start3A_22 = arith.constant 0 : i32
        %dma_start3A_23 = tpu.memref_slice %arg8[%dma_start3A_21, %dma_start3A_22] : memref<10112x128xf32, #tpu.memory_space<vmem_shared>> -> memref<16x128xf32, #tpu.memory_space<vmem_shared>>
        tpu.enqueue_dma source(%dma_start3A_23 : memref<16x128xf32, #tpu.memory_space<vmem_shared>>) target(%dma_start3A_20 : memref<16x128xf32, #tpu.memory_space<hbm>>) target_semaphore(%run_scoped3A : memref<!tpu.dma_semaphore, #tpu.memory_space<semaphore_mem>>)
        %dma_wait3A = arith.constant 9984 : i32
        %dma_wait3A_24 = arith.constant 0 : i32
        %dma_wait3A_25 = tpu.memref_slice %arg5[%arg0, %dma_wait3A, %dma_wait3A_24] : memref<2x10000x128xf32, #tpu.memory_space<hbm>> -> memref<1x16x128xf32, #tpu.memory_space<hbm>>
        %dma_wait3A_26 = tpu.memref_squeeze %dma_wait3A_25 : memref<1x16x128xf32, #tpu.memory_space<hbm>> -> memref<16x128xf32, #tpu.memory_space<hbm>>
        %dma_wait3A_27 = arith.constant 9984 : i32
        %dma_wait3A_28 = arith.constant 0 : i32
        %dma_wait3A_29 = tpu.memref_slice %arg8[%dma_wait3A_27, %dma_wait3A_28] : memref<10112x128xf32, #tpu.memory_space<vmem_shared>> -> memref<16x128xf32, #tpu.memory_space<vmem_shared>>
        tpu.wait_dma2 semaphore(%run_scoped3A : memref<!tpu.dma_semaphore, #tpu.memory_space<semaphore_mem>>) src(%dma_wait3A_29 : memref<16x128xf32, #tpu.memory_space<vmem_shared>>) dst(%dma_wait3A_26 : memref<16x128xf32, #tpu.memory_space<hbm>>)
        tpu.yield
      }) : () -> ()
    } else {
    }
    return
  }
}

#map = affine_map<(d0, d1) -> (0, 0)>
#map1 = affine_map<(d0, d1) -> (0, 0, 0)>
module attributes {stable_mosaic.version = 14 : i64} {
  func.func @_sc_spmm(%arg0: i32, %arg1: i32, %arg2: memref<10000x128xf32, #tpu.memory_space<hbm>>, %arg3: memref<2560x128xi32, #tpu.memory_space<hbm>>, %arg4: memref<2560x128xi32, #tpu.memory_space<hbm>>, %arg5: memref<632x128xf32, #tpu.memory_space<hbm>>, %arg6: memref<2x10000x128xf32, #tpu.memory_space<hbm>>, %arg7: memref<8x128xi32, #tpu.memory_space<vmem>>, %arg8: memref<8x128xi32, #tpu.memory_space<vmem>>, %arg9: memref<128x128xf32, #tpu.memory_space<vmem>>, %arg10: memref<128x128xf32, #tpu.memory_space<vmem>>, %arg11: memref<10112x128xf32, #tpu.memory_space<vmem_shared>>, %arg12: memref<!tpu.dma_semaphore, #tpu.memory_space<semaphore_mem>>, %arg13: memref<!tpu.dma_semaphore, #tpu.memory_space<semaphore_mem>>) attributes {dimension_semantics = [#tpu.dimension_semantics<core_parallel>, #tpu.dimension_semantics<subcore_parallel>], iteration_bounds = array<i64: 2, 16>, scalar_prefetch = 0 : i64, scratch_operands = 7 : i64, tpu.core_type = #tpu.core_type<sc_vector_subcore>, window_params = [{transform_indices = #map}, {transform_indices = #map}, {transform_indices = #map}, {transform_indices = #map}, {transform_indices = #map1}]} {
    %eq3A = arith.constant 1 : i32
    %eq3A_0 = arith.cmpi eq, %arg0, %eq3A : i32
    %jit3A = arith.constant 19 : i32
    %jit3A_1 = arith.constant 1 : i32
    %select_n3A = arith.select %eq3A_0, %jit3A, %jit3A_1 : i32
    %mul3A = arith.constant 152 : i32
    %mul3A_2 = arith.muli %arg1, %mul3A : i32
    %mul3A_3 = arith.constant 8 : i32
    %mul3A_4 = arith.muli %arg1, %mul3A_3 : i32
    %add3A = arith.constant 2432 : i32
    %add3A_5 = arith.addi %add3A, %mul3A_4 : i32
    %select_n3A_6 = arith.select %eq3A_0, %mul3A_2, %add3A_5 : i32
    %mul3A_7 = arith.constant 632 : i32
    %mul3A_8 = arith.muli %arg1, %mul3A_7 : i32
    "tpu.region"() ({
      %run_scoped3A = tpu.sem_alloc : memref<!tpu.dma_semaphore, #tpu.memory_space<semaphore_mem>>
      %dma_start3A = arith.constant 0 : i32
      %dma_start3A_28 = tpu.memref_slice %arg11[%mul3A_8, %dma_start3A] : memref<10112x128xf32, #tpu.memory_space<vmem_shared>> -> memref<632x128xf32, #tpu.memory_space<vmem_shared>>
      tpu.enqueue_dma source(%arg5 : memref<632x128xf32, #tpu.memory_space<hbm>>) target(%dma_start3A_28 : memref<632x128xf32, #tpu.memory_space<vmem_shared>>) target_semaphore(%run_scoped3A : memref<!tpu.dma_semaphore, #tpu.memory_space<semaphore_mem>>)
      %dma_wait3A = arith.constant 0 : i32
      %dma_wait3A_29 = tpu.memref_slice %arg11[%mul3A_8, %dma_wait3A] : memref<10112x128xf32, #tpu.memory_space<vmem_shared>> -> memref<632x128xf32, #tpu.memory_space<vmem_shared>>
      tpu.wait_dma2 semaphore(%run_scoped3A : memref<!tpu.dma_semaphore, #tpu.memory_space<semaphore_mem>>) src(%arg5 : memref<632x128xf32, #tpu.memory_space<hbm>>) dst(%dma_wait3A_29 : memref<632x128xf32, #tpu.memory_space<vmem_shared>>)
      tpu.yield
    }) : () -> ()
    %barrier3A = arith.constant 0 : index
    tpu.barrier barrier_id(%barrier3A)
    %while3A = arith.constant 0 : i32
    %while3A_9 = arith.constant 0 : i32
    %while3A_10 = arith.subi %select_n3A, %while3A : i32
    %while3A_11 = arith.addi %while3A, %while3A_10 : i32
    %while3A_12 = arith.constant 1 : i32
    %while3A_13 = arith.divsi %while3A_10, %while3A_12 : i32
    %while3A_14 = arith.muli %while3A_13, %while3A_12 : i32
    %while3A_15 = arith.addi %while3A, %while3A_14 : i32
    %while3A_16 = arith.constant 1 : i32
    %while3A_17 = scf.for %while3A_28 = %while3A to %while3A_15 step %while3A_16 iter_args(%while3A_29 = %while3A_9) -> (i32)  : i32 {
      %mul3A_30 = arith.constant 8 : i32
      %mul3A_31 = arith.muli %while3A_28, %mul3A_30 : i32
      %add3A_32 = arith.addi %select_n3A_6, %mul3A_31 : i32
      %multiple_of3A = tpu.assume_multiple %add3A_32, 8 : i32
      "tpu.region"() ({
        %run_scoped3A_67 = tpu.sem_alloc : memref<!tpu.dma_semaphore, #tpu.memory_space<semaphore_mem>>
        %dma_start3A_68 = arith.constant 0 : i32
        %dma_start3A_69 = tpu.memref_slice %arg3[%multiple_of3A, %dma_start3A_68] : memref<2560x128xi32, #tpu.memory_space<hbm>> -> memref<8x128xi32, #tpu.memory_space<hbm>>
        %dma_start3A_70 = arith.constant 0 : i32
        %dma_start3A_71 = tpu.memref_slice %arg3[%multiple_of3A, %dma_start3A_70] : memref<2560x128xi32, #tpu.memory_space<hbm>> -> memref<8x128xi32, #tpu.memory_space<hbm>>
        tpu.enqueue_dma source(%dma_start3A_71 : memref<8x128xi32, #tpu.memory_space<hbm>>) target(%arg7 : memref<8x128xi32, #tpu.memory_space<vmem>>) target_semaphore(%run_scoped3A_67 : memref<!tpu.dma_semaphore, #tpu.memory_space<semaphore_mem>>)
        %dma_wait3A_72 = arith.constant 0 : i32
        %dma_wait3A_73 = tpu.memref_slice %arg3[%multiple_of3A, %dma_wait3A_72] : memref<2560x128xi32, #tpu.memory_space<hbm>> -> memref<8x128xi32, #tpu.memory_space<hbm>>
        %dma_wait3A_74 = arith.constant 0 : i32
        %dma_wait3A_75 = tpu.memref_slice %arg3[%multiple_of3A, %dma_wait3A_74] : memref<2560x128xi32, #tpu.memory_space<hbm>> -> memref<8x128xi32, #tpu.memory_space<hbm>>
        tpu.wait_dma2 semaphore(%run_scoped3A_67 : memref<!tpu.dma_semaphore, #tpu.memory_space<semaphore_mem>>) src(%dma_wait3A_75 : memref<8x128xi32, #tpu.memory_space<hbm>>) dst(%arg7 : memref<8x128xi32, #tpu.memory_space<vmem>>)
        tpu.yield
      }) : () -> ()
      "tpu.region"() ({
        %run_scoped3A_67 = tpu.sem_alloc : memref<!tpu.dma_semaphore, #tpu.memory_space<semaphore_mem>>
        %dma_start3A_68 = arith.constant 0 : i32
        %dma_start3A_69 = tpu.memref_slice %arg4[%multiple_of3A, %dma_start3A_68] : memref<2560x128xi32, #tpu.memory_space<hbm>> -> memref<8x128xi32, #tpu.memory_space<hbm>>
        %dma_start3A_70 = arith.constant 0 : i32
        %dma_start3A_71 = tpu.memref_slice %arg4[%multiple_of3A, %dma_start3A_70] : memref<2560x128xi32, #tpu.memory_space<hbm>> -> memref<8x128xi32, #tpu.memory_space<hbm>>
        tpu.enqueue_dma source(%dma_start3A_71 : memref<8x128xi32, #tpu.memory_space<hbm>>) target(%arg8 : memref<8x128xi32, #tpu.memory_space<vmem>>) target_semaphore(%run_scoped3A_67 : memref<!tpu.dma_semaphore, #tpu.memory_space<semaphore_mem>>)
        %dma_wait3A_72 = arith.constant 0 : i32
        %dma_wait3A_73 = tpu.memref_slice %arg4[%multiple_of3A, %dma_wait3A_72] : memref<2560x128xi32, #tpu.memory_space<hbm>> -> memref<8x128xi32, #tpu.memory_space<hbm>>
        %dma_wait3A_74 = arith.constant 0 : i32
        %dma_wait3A_75 = tpu.memref_slice %arg4[%multiple_of3A, %dma_wait3A_74] : memref<2560x128xi32, #tpu.memory_space<hbm>> -> memref<8x128xi32, #tpu.memory_space<hbm>>
        tpu.wait_dma2 semaphore(%run_scoped3A_67 : memref<!tpu.dma_semaphore, #tpu.memory_space<semaphore_mem>>) src(%dma_wait3A_75 : memref<8x128xi32, #tpu.memory_space<hbm>>) dst(%arg8 : memref<8x128xi32, #tpu.memory_space<vmem>>)
        tpu.yield
      }) : () -> ()
      %dma_start3A = arith.constant 0 : i32
      %dma_start3A_33 = arith.constant 0 : i32
      %dma_start3A_34 = tpu.memref_slice %arg7[%dma_start3A, %dma_start3A_33] : memref<8x128xi32, #tpu.memory_space<vmem>> -> memref<1x128xi32, #tpu.memory_space<vmem>>
      %dma_start3A_35 = tpu.memref_squeeze %dma_start3A_34 : memref<1x128xi32, #tpu.memory_space<vmem>> -> memref<128xi32, #tpu.memory_space<vmem>>
      %dma_start3A_36 = arith.constant 0 : i32
      %dma_start3A_37 = arith.constant 0 : i32
      %dma_start3A_38 = tpu.memref_slice %arg2[%dma_start3A_36, %dma_start3A_37] : memref<10000x128xf32, #tpu.memory_space<hbm>> -> memref<10000x128xf32, #tpu.memory_space<hbm>>
      tpu.enqueue_indirect_dma source(%dma_start3A_38 : memref<10000x128xf32, #tpu.memory_space<hbm>>) target(%arg9 : memref<128x128xf32, #tpu.memory_space<vmem>>) offsets(%dma_start3A_35 : memref<128xi32, #tpu.memory_space<vmem>>) semaphore(%arg12 : memref<!tpu.dma_semaphore, #tpu.memory_space<semaphore_mem>>)
      %dma_start3A_39 = arith.constant 1 : i32
      %dma_start3A_40 = arith.constant 0 : i32
      %dma_start3A_41 = tpu.memref_slice %arg7[%dma_start3A_39, %dma_start3A_40] : memref<8x128xi32, #tpu.memory_space<vmem>> -> memref<1x128xi32, #tpu.memory_space<vmem>>
      %dma_start3A_42 = tpu.memref_squeeze %dma_start3A_41 : memref<1x128xi32, #tpu.memory_space<vmem>> -> memref<128xi32, #tpu.memory_space<vmem>>
      %dma_start3A_43 = arith.constant 0 : i32
      %dma_start3A_44 = arith.constant 0 : i32
      %dma_start3A_45 = tpu.memref_slice %arg2[%dma_start3A_43, %dma_start3A_44] : memref<10000x128xf32, #tpu.memory_space<hbm>> -> memref<10000x128xf32, #tpu.memory_space<hbm>>
      tpu.enqueue_indirect_dma source(%dma_start3A_45 : memref<10000x128xf32, #tpu.memory_space<hbm>>) target(%arg10 : memref<128x128xf32, #tpu.memory_space<vmem>>) offsets(%dma_start3A_42 : memref<128xi32, #tpu.memory_space<vmem>>) semaphore(%arg13 : memref<!tpu.dma_semaphore, #tpu.memory_space<semaphore_mem>>)
      %scan3A = arith.constant 0 : i32
      %scan3A_46 = arith.constant 0 : i32
      %scan3A_47 = arith.constant 3 : i32
      %scan3A_48 = arith.addi %scan3A_46, %scan3A_47 : i32
      %scan3A_49 = arith.constant 1 : i32
      %scan3A_50 = scf.for %scan3A_67 = %scan3A_46 to %scan3A_48 step %scan3A_49 iter_args(%scan3A_68 = %scan3A) -> (i32)  : i32 {
        %mul3A_69 = arith.constant 2 : i32
        %mul3A_70 = arith.muli %mul3A_69, %scan3A_67 : i32
        %dma_wait3A_71 = arith.constant 0 : i32
        %dma_wait3A_72 = tpu.memref_slice %arg7[%mul3A_70, %dma_wait3A_71] : memref<8x128xi32, #tpu.memory_space<vmem>> -> memref<1x128xi32, #tpu.memory_space<vmem>>
        %dma_wait3A_73 = tpu.memref_squeeze %dma_wait3A_72 : memref<1x128xi32, #tpu.memory_space<vmem>> -> memref<128xi32, #tpu.memory_space<vmem>>
        %dma_wait3A_74 = arith.constant 0 : i32
        %dma_wait3A_75 = arith.constant 0 : i32
        %dma_wait3A_76 = tpu.memref_slice %arg2[%dma_wait3A_74, %dma_wait3A_75] : memref<10000x128xf32, #tpu.memory_space<hbm>> -> memref<10000x128xf32, #tpu.memory_space<hbm>>
        tpu.wait_indirect_dma semaphore(%arg12 : memref<!tpu.dma_semaphore, #tpu.memory_space<semaphore_mem>>) src(%dma_wait3A_76 : memref<10000x128xf32, #tpu.memory_space<hbm>>) dst(%arg9 : memref<128x128xf32, #tpu.memory_space<vmem>>)
        "tpu.region"() ({
          %run_scoped3A_104 = tpu.sem_alloc : memref<!tpu.dma_semaphore, #tpu.memory_space<semaphore_mem>>
          %dma_start3A_105 = arith.constant 0 : i32
          %dma_start3A_106 = tpu.memref_slice %arg8[%mul3A_70, %dma_start3A_105] : memref<8x128xi32, #tpu.memory_space<vmem>> -> memref<1x128xi32, #tpu.memory_space<vmem>>
          %dma_start3A_107 = tpu.memref_squeeze %dma_start3A_106 : memref<1x128xi32, #tpu.memory_space<vmem>> -> memref<128xi32, #tpu.memory_space<vmem>>
          %dma_start3A_108 = arith.constant 0 : i32
          %dma_start3A_109 = arith.constant 0 : i32
          %dma_start3A_110 = tpu.memref_slice %arg11[%dma_start3A_108, %dma_start3A_109] : memref<10112x128xf32, #tpu.memory_space<vmem_shared>> -> memref<10112x128xf32, #tpu.memory_space<vmem_shared>>
          tpu.enqueue_indirect_dma source(%arg9 : memref<128x128xf32, #tpu.memory_space<vmem>>) target(%dma_start3A_110 : memref<10112x128xf32, #tpu.memory_space<vmem_shared>>) offsets(%dma_start3A_107 : memref<128xi32, #tpu.memory_space<vmem>>) semaphore(%run_scoped3A_104 : memref<!tpu.dma_semaphore, #tpu.memory_space<semaphore_mem>>) {add = true}
          %dma_wait3A_111 = arith.constant 0 : i32
          %dma_wait3A_112 = tpu.memref_slice %arg8[%mul3A_70, %dma_wait3A_111] : memref<8x128xi32, #tpu.memory_space<vmem>> -> memref<1x128xi32, #tpu.memory_space<vmem>>
          %dma_wait3A_113 = tpu.memref_squeeze %dma_wait3A_112 : memref<1x128xi32, #tpu.memory_space<vmem>> -> memref<128xi32, #tpu.memory_space<vmem>>
          %dma_wait3A_114 = arith.constant 0 : i32
          %dma_wait3A_115 = arith.constant 0 : i32
          %dma_wait3A_116 = tpu.memref_slice %arg11[%dma_wait3A_114, %dma_wait3A_115] : memref<10112x128xf32, #tpu.memory_space<vmem_shared>> -> memref<10112x128xf32, #tpu.memory_space<vmem_shared>>
          tpu.wait_indirect_dma semaphore(%run_scoped3A_104 : memref<!tpu.dma_semaphore, #tpu.memory_space<semaphore_mem>>) src(%arg9 : memref<128x128xf32, #tpu.memory_space<vmem>>) dst(%dma_wait3A_116 : memref<10112x128xf32, #tpu.memory_space<vmem_shared>>)
          tpu.yield
        }) : () -> ()
        %add3A_77 = arith.constant 2 : i32
        %add3A_78 = arith.addi %mul3A_70, %add3A_77 : i32
        %dma_start3A_79 = arith.constant 0 : i32
        %dma_start3A_80 = tpu.memref_slice %arg7[%add3A_78, %dma_start3A_79] : memref<8x128xi32, #tpu.memory_space<vmem>> -> memref<1x128xi32, #tpu.memory_space<vmem>>
        %dma_start3A_81 = tpu.memref_squeeze %dma_start3A_80 : memref<1x128xi32, #tpu.memory_space<vmem>> -> memref<128xi32, #tpu.memory_space<vmem>>
        %dma_start3A_82 = arith.constant 0 : i32
        %dma_start3A_83 = arith.constant 0 : i32
        %dma_start3A_84 = tpu.memref_slice %arg2[%dma_start3A_82, %dma_start3A_83] : memref<10000x128xf32, #tpu.memory_space<hbm>> -> memref<10000x128xf32, #tpu.memory_space<hbm>>
        tpu.enqueue_indirect_dma source(%dma_start3A_84 : memref<10000x128xf32, #tpu.memory_space<hbm>>) target(%arg9 : memref<128x128xf32, #tpu.memory_space<vmem>>) offsets(%dma_start3A_81 : memref<128xi32, #tpu.memory_space<vmem>>) semaphore(%arg12 : memref<!tpu.dma_semaphore, #tpu.memory_space<semaphore_mem>>)
        %add3A_85 = arith.constant 1 : i32
        %add3A_86 = arith.addi %mul3A_70, %add3A_85 : i32
        %dma_wait3A_87 = arith.constant 0 : i32
        %dma_wait3A_88 = tpu.memref_slice %arg7[%add3A_86, %dma_wait3A_87] : memref<8x128xi32, #tpu.memory_space<vmem>> -> memref<1x128xi32, #tpu.memory_space<vmem>>
        %dma_wait3A_89 = tpu.memref_squeeze %dma_wait3A_88 : memref<1x128xi32, #tpu.memory_space<vmem>> -> memref<128xi32, #tpu.memory_space<vmem>>
        %dma_wait3A_90 = arith.constant 0 : i32
        %dma_wait3A_91 = arith.constant 0 : i32
        %dma_wait3A_92 = tpu.memref_slice %arg2[%dma_wait3A_90, %dma_wait3A_91] : memref<10000x128xf32, #tpu.memory_space<hbm>> -> memref<10000x128xf32, #tpu.memory_space<hbm>>
        tpu.wait_indirect_dma semaphore(%arg13 : memref<!tpu.dma_semaphore, #tpu.memory_space<semaphore_mem>>) src(%dma_wait3A_92 : memref<10000x128xf32, #tpu.memory_space<hbm>>) dst(%arg10 : memref<128x128xf32, #tpu.memory_space<vmem>>)
        %add3A_93 = arith.constant 1 : i32
        %add3A_94 = arith.addi %mul3A_70, %add3A_93 : i32
        "tpu.region"() ({
          %run_scoped3A_104 = tpu.sem_alloc : memref<!tpu.dma_semaphore, #tpu.memory_space<semaphore_mem>>
          %dma_start3A_105 = arith.constant 0 : i32
          %dma_start3A_106 = tpu.memref_slice %arg8[%add3A_94, %dma_start3A_105] : memref<8x128xi32, #tpu.memory_space<vmem>> -> memref<1x128xi32, #tpu.memory_space<vmem>>
          %dma_start3A_107 = tpu.memref_squeeze %dma_start3A_106 : memref<1x128xi32, #tpu.memory_space<vmem>> -> memref<128xi32, #tpu.memory_space<vmem>>
          %dma_start3A_108 = arith.constant 0 : i32
          %dma_start3A_109 = arith.constant 0 : i32
          %dma_start3A_110 = tpu.memref_slice %arg11[%dma_start3A_108, %dma_start3A_109] : memref<10112x128xf32, #tpu.memory_space<vmem_shared>> -> memref<10112x128xf32, #tpu.memory_space<vmem_shared>>
          tpu.enqueue_indirect_dma source(%arg10 : memref<128x128xf32, #tpu.memory_space<vmem>>) target(%dma_start3A_110 : memref<10112x128xf32, #tpu.memory_space<vmem_shared>>) offsets(%dma_start3A_107 : memref<128xi32, #tpu.memory_space<vmem>>) semaphore(%run_scoped3A_104 : memref<!tpu.dma_semaphore, #tpu.memory_space<semaphore_mem>>) {add = true}
          %dma_wait3A_111 = arith.constant 0 : i32
          %dma_wait3A_112 = tpu.memref_slice %arg8[%add3A_94, %dma_wait3A_111] : memref<8x128xi32, #tpu.memory_space<vmem>> -> memref<1x128xi32, #tpu.memory_space<vmem>>
          %dma_wait3A_113 = tpu.memref_squeeze %dma_wait3A_112 : memref<1x128xi32, #tpu.memory_space<vmem>> -> memref<128xi32, #tpu.memory_space<vmem>>
          %dma_wait3A_114 = arith.constant 0 : i32
          %dma_wait3A_115 = arith.constant 0 : i32
          %dma_wait3A_116 = tpu.memref_slice %arg11[%dma_wait3A_114, %dma_wait3A_115] : memref<10112x128xf32, #tpu.memory_space<vmem_shared>> -> memref<10112x128xf32, #tpu.memory_space<vmem_shared>>
          tpu.wait_indirect_dma semaphore(%run_scoped3A_104 : memref<!tpu.dma_semaphore, #tpu.memory_space<semaphore_mem>>) src(%arg10 : memref<128x128xf32, #tpu.memory_space<vmem>>) dst(%dma_wait3A_116 : memref<10112x128xf32, #tpu.memory_space<vmem_shared>>)
          tpu.yield
        }) : () -> ()
        %add3A_95 = arith.constant 3 : i32
        %add3A_96 = arith.addi %mul3A_70, %add3A_95 : i32
        %dma_start3A_97 = arith.constant 0 : i32
        %dma_start3A_98 = tpu.memref_slice %arg7[%add3A_96, %dma_start3A_97] : memref<8x128xi32, #tpu.memory_space<vmem>> -> memref<1x128xi32, #tpu.memory_space<vmem>>
        %dma_start3A_99 = tpu.memref_squeeze %dma_start3A_98 : memref<1x128xi32, #tpu.memory_space<vmem>> -> memref<128xi32, #tpu.memory_space<vmem>>
        %dma_start3A_100 = arith.constant 0 : i32
        %dma_start3A_101 = arith.constant 0 : i32
        %dma_start3A_102 = tpu.memref_slice %arg2[%dma_start3A_100, %dma_start3A_101] : memref<10000x128xf32, #tpu.memory_space<hbm>> -> memref<10000x128xf32, #tpu.memory_space<hbm>>
        tpu.enqueue_indirect_dma source(%dma_start3A_102 : memref<10000x128xf32, #tpu.memory_space<hbm>>) target(%arg10 : memref<128x128xf32, #tpu.memory_space<vmem>>) offsets(%dma_start3A_99 : memref<128xi32, #tpu.memory_space<vmem>>) semaphore(%arg13 : memref<!tpu.dma_semaphore, #tpu.memory_space<semaphore_mem>>)
        %scan3A_103 = arith.constant 0 : i32
        scf.yield %scan3A_103 : i32
      }
      %scan3A_51 = arith.constant 3 : i32
      %dma_wait3A = arith.constant 6 : i32
      %dma_wait3A_52 = arith.constant 0 : i32
      %dma_wait3A_53 = tpu.memref_slice %arg7[%dma_wait3A, %dma_wait3A_52] : memref<8x128xi32, #tpu.memory_space<vmem>> -> memref<1x128xi32, #tpu.memory_space<vmem>>
      %dma_wait3A_54 = tpu.memref_squeeze %dma_wait3A_53 : memref<1x128xi32, #tpu.memory_space<vmem>> -> memref<128xi32, #tpu.memory_space<vmem>>
      %dma_wait3A_55 = arith.constant 0 : i32
      %dma_wait3A_56 = arith.constant 0 : i32
      %dma_wait3A_57 = tpu.memref_slice %arg2[%dma_wait3A_55, %dma_wait3A_56] : memref<10000x128xf32, #tpu.memory_space<hbm>> -> memref<10000x128xf32, #tpu.memory_space<hbm>>
      tpu.wait_indirect_dma semaphore(%arg12 : memref<!tpu.dma_semaphore, #tpu.memory_space<semaphore_mem>>) src(%dma_wait3A_57 : memref<10000x128xf32, #tpu.memory_space<hbm>>) dst(%arg9 : memref<128x128xf32, #tpu.memory_space<vmem>>)
      %run_scoped3A = arith.constant 6 : i32
      "tpu.region"() ({
        %run_scoped3A_67 = tpu.sem_alloc : memref<!tpu.dma_semaphore, #tpu.memory_space<semaphore_mem>>
        %dma_start3A_68 = arith.constant 0 : i32
        %dma_start3A_69 = tpu.memref_slice %arg8[%run_scoped3A, %dma_start3A_68] : memref<8x128xi32, #tpu.memory_space<vmem>> -> memref<1x128xi32, #tpu.memory_space<vmem>>
        %dma_start3A_70 = tpu.memref_squeeze %dma_start3A_69 : memref<1x128xi32, #tpu.memory_space<vmem>> -> memref<128xi32, #tpu.memory_space<vmem>>
        %dma_start3A_71 = arith.constant 0 : i32
        %dma_start3A_72 = arith.constant 0 : i32
        %dma_start3A_73 = tpu.memref_slice %arg11[%dma_start3A_71, %dma_start3A_72] : memref<10112x128xf32, #tpu.memory_space<vmem_shared>> -> memref<10112x128xf32, #tpu.memory_space<vmem_shared>>
        tpu.enqueue_indirect_dma source(%arg9 : memref<128x128xf32, #tpu.memory_space<vmem>>) target(%dma_start3A_73 : memref<10112x128xf32, #tpu.memory_space<vmem_shared>>) offsets(%dma_start3A_70 : memref<128xi32, #tpu.memory_space<vmem>>) semaphore(%run_scoped3A_67 : memref<!tpu.dma_semaphore, #tpu.memory_space<semaphore_mem>>) {add = true}
        %dma_wait3A_74 = arith.constant 0 : i32
        %dma_wait3A_75 = tpu.memref_slice %arg8[%run_scoped3A, %dma_wait3A_74] : memref<8x128xi32, #tpu.memory_space<vmem>> -> memref<1x128xi32, #tpu.memory_space<vmem>>
        %dma_wait3A_76 = tpu.memref_squeeze %dma_wait3A_75 : memref<1x128xi32, #tpu.memory_space<vmem>> -> memref<128xi32, #tpu.memory_space<vmem>>
        %dma_wait3A_77 = arith.constant 0 : i32
        %dma_wait3A_78 = arith.constant 0 : i32
        %dma_wait3A_79 = tpu.memref_slice %arg11[%dma_wait3A_77, %dma_wait3A_78] : memref<10112x128xf32, #tpu.memory_space<vmem_shared>> -> memref<10112x128xf32, #tpu.memory_space<vmem_shared>>
        tpu.wait_indirect_dma semaphore(%run_scoped3A_67 : memref<!tpu.dma_semaphore, #tpu.memory_space<semaphore_mem>>) src(%arg9 : memref<128x128xf32, #tpu.memory_space<vmem>>) dst(%dma_wait3A_79 : memref<10112x128xf32, #tpu.memory_space<vmem_shared>>)
        tpu.yield
      }) : () -> ()
      %dma_wait3A_58 = arith.constant 7 : i32
      %dma_wait3A_59 = arith.constant 0 : i32
      %dma_wait3A_60 = tpu.memref_slice %arg7[%dma_wait3A_58, %dma_wait3A_59] : memref<8x128xi32, #tpu.memory_space<vmem>> -> memref<1x128xi32, #tpu.memory_space<vmem>>
      %dma_wait3A_61 = tpu.memref_squeeze %dma_wait3A_60 : memref<1x128xi32, #tpu.memory_space<vmem>> -> memref<128xi32, #tpu.memory_space<vmem>>
      %dma_wait3A_62 = arith.constant 0 : i32
      %dma_wait3A_63 = arith.constant 0 : i32
      %dma_wait3A_64 = tpu.memref_slice %arg2[%dma_wait3A_62, %dma_wait3A_63] : memref<10000x128xf32, #tpu.memory_space<hbm>> -> memref<10000x128xf32, #tpu.memory_space<hbm>>
      tpu.wait_indirect_dma semaphore(%arg13 : memref<!tpu.dma_semaphore, #tpu.memory_space<semaphore_mem>>) src(%dma_wait3A_64 : memref<10000x128xf32, #tpu.memory_space<hbm>>) dst(%arg10 : memref<128x128xf32, #tpu.memory_space<vmem>>)
      %run_scoped3A_65 = arith.constant 7 : i32
      "tpu.region"() ({
        %run_scoped3A_67 = tpu.sem_alloc : memref<!tpu.dma_semaphore, #tpu.memory_space<semaphore_mem>>
        %dma_start3A_68 = arith.constant 0 : i32
        %dma_start3A_69 = tpu.memref_slice %arg8[%run_scoped3A_65, %dma_start3A_68] : memref<8x128xi32, #tpu.memory_space<vmem>> -> memref<1x128xi32, #tpu.memory_space<vmem>>
        %dma_start3A_70 = tpu.memref_squeeze %dma_start3A_69 : memref<1x128xi32, #tpu.memory_space<vmem>> -> memref<128xi32, #tpu.memory_space<vmem>>
        %dma_start3A_71 = arith.constant 0 : i32
        %dma_start3A_72 = arith.constant 0 : i32
        %dma_start3A_73 = tpu.memref_slice %arg11[%dma_start3A_71, %dma_start3A_72] : memref<10112x128xf32, #tpu.memory_space<vmem_shared>> -> memref<10112x128xf32, #tpu.memory_space<vmem_shared>>
        tpu.enqueue_indirect_dma source(%arg10 : memref<128x128xf32, #tpu.memory_space<vmem>>) target(%dma_start3A_73 : memref<10112x128xf32, #tpu.memory_space<vmem_shared>>) offsets(%dma_start3A_70 : memref<128xi32, #tpu.memory_space<vmem>>) semaphore(%run_scoped3A_67 : memref<!tpu.dma_semaphore, #tpu.memory_space<semaphore_mem>>) {add = true}
        %dma_wait3A_74 = arith.constant 0 : i32
        %dma_wait3A_75 = tpu.memref_slice %arg8[%run_scoped3A_65, %dma_wait3A_74] : memref<8x128xi32, #tpu.memory_space<vmem>> -> memref<1x128xi32, #tpu.memory_space<vmem>>
        %dma_wait3A_76 = tpu.memref_squeeze %dma_wait3A_75 : memref<1x128xi32, #tpu.memory_space<vmem>> -> memref<128xi32, #tpu.memory_space<vmem>>
        %dma_wait3A_77 = arith.constant 0 : i32
        %dma_wait3A_78 = arith.constant 0 : i32
        %dma_wait3A_79 = tpu.memref_slice %arg11[%dma_wait3A_77, %dma_wait3A_78] : memref<10112x128xf32, #tpu.memory_space<vmem_shared>> -> memref<10112x128xf32, #tpu.memory_space<vmem_shared>>
        tpu.wait_indirect_dma semaphore(%run_scoped3A_67 : memref<!tpu.dma_semaphore, #tpu.memory_space<semaphore_mem>>) src(%arg10 : memref<128x128xf32, #tpu.memory_space<vmem>>) dst(%dma_wait3A_79 : memref<10112x128xf32, #tpu.memory_space<vmem_shared>>)
        tpu.yield
      }) : () -> ()
      %while3A_66 = arith.constant 0 : i32
      scf.yield %while3A_66 : i32
    }
    %while3A_18 = arith.constant 1 : i32
    %while3A_19 = scf.for %while3A_28 = %while3A_15 to %while3A_11 step %while3A_18 iter_args(%while3A_29 = %while3A_17) -> (i32)  : i32 {
      %mul3A_30 = arith.constant 8 : i32
      %mul3A_31 = arith.muli %while3A_28, %mul3A_30 : i32
      %add3A_32 = arith.addi %select_n3A_6, %mul3A_31 : i32
      %multiple_of3A = tpu.assume_multiple %add3A_32, 8 : i32
      "tpu.region"() ({
        %run_scoped3A_67 = tpu.sem_alloc : memref<!tpu.dma_semaphore, #tpu.memory_space<semaphore_mem>>
        %dma_start3A_68 = arith.constant 0 : i32
        %dma_start3A_69 = tpu.memref_slice %arg3[%multiple_of3A, %dma_start3A_68] : memref<2560x128xi32, #tpu.memory_space<hbm>> -> memref<8x128xi32, #tpu.memory_space<hbm>>
        %dma_start3A_70 = arith.constant 0 : i32
        %dma_start3A_71 = tpu.memref_slice %arg3[%multiple_of3A, %dma_start3A_70] : memref<2560x128xi32, #tpu.memory_space<hbm>> -> memref<8x128xi32, #tpu.memory_space<hbm>>
        tpu.enqueue_dma source(%dma_start3A_71 : memref<8x128xi32, #tpu.memory_space<hbm>>) target(%arg7 : memref<8x128xi32, #tpu.memory_space<vmem>>) target_semaphore(%run_scoped3A_67 : memref<!tpu.dma_semaphore, #tpu.memory_space<semaphore_mem>>)
        %dma_wait3A_72 = arith.constant 0 : i32
        %dma_wait3A_73 = tpu.memref_slice %arg3[%multiple_of3A, %dma_wait3A_72] : memref<2560x128xi32, #tpu.memory_space<hbm>> -> memref<8x128xi32, #tpu.memory_space<hbm>>
        %dma_wait3A_74 = arith.constant 0 : i32
        %dma_wait3A_75 = tpu.memref_slice %arg3[%multiple_of3A, %dma_wait3A_74] : memref<2560x128xi32, #tpu.memory_space<hbm>> -> memref<8x128xi32, #tpu.memory_space<hbm>>
        tpu.wait_dma2 semaphore(%run_scoped3A_67 : memref<!tpu.dma_semaphore, #tpu.memory_space<semaphore_mem>>) src(%dma_wait3A_75 : memref<8x128xi32, #tpu.memory_space<hbm>>) dst(%arg7 : memref<8x128xi32, #tpu.memory_space<vmem>>)
        tpu.yield
      }) : () -> ()
      "tpu.region"() ({
        %run_scoped3A_67 = tpu.sem_alloc : memref<!tpu.dma_semaphore, #tpu.memory_space<semaphore_mem>>
        %dma_start3A_68 = arith.constant 0 : i32
        %dma_start3A_69 = tpu.memref_slice %arg4[%multiple_of3A, %dma_start3A_68] : memref<2560x128xi32, #tpu.memory_space<hbm>> -> memref<8x128xi32, #tpu.memory_space<hbm>>
        %dma_start3A_70 = arith.constant 0 : i32
        %dma_start3A_71 = tpu.memref_slice %arg4[%multiple_of3A, %dma_start3A_70] : memref<2560x128xi32, #tpu.memory_space<hbm>> -> memref<8x128xi32, #tpu.memory_space<hbm>>
        tpu.enqueue_dma source(%dma_start3A_71 : memref<8x128xi32, #tpu.memory_space<hbm>>) target(%arg8 : memref<8x128xi32, #tpu.memory_space<vmem>>) target_semaphore(%run_scoped3A_67 : memref<!tpu.dma_semaphore, #tpu.memory_space<semaphore_mem>>)
        %dma_wait3A_72 = arith.constant 0 : i32
        %dma_wait3A_73 = tpu.memref_slice %arg4[%multiple_of3A, %dma_wait3A_72] : memref<2560x128xi32, #tpu.memory_space<hbm>> -> memref<8x128xi32, #tpu.memory_space<hbm>>
        %dma_wait3A_74 = arith.constant 0 : i32
        %dma_wait3A_75 = tpu.memref_slice %arg4[%multiple_of3A, %dma_wait3A_74] : memref<2560x128xi32, #tpu.memory_space<hbm>> -> memref<8x128xi32, #tpu.memory_space<hbm>>
        tpu.wait_dma2 semaphore(%run_scoped3A_67 : memref<!tpu.dma_semaphore, #tpu.memory_space<semaphore_mem>>) src(%dma_wait3A_75 : memref<8x128xi32, #tpu.memory_space<hbm>>) dst(%arg8 : memref<8x128xi32, #tpu.memory_space<vmem>>)
        tpu.yield
      }) : () -> ()
      %dma_start3A = arith.constant 0 : i32
      %dma_start3A_33 = arith.constant 0 : i32
      %dma_start3A_34 = tpu.memref_slice %arg7[%dma_start3A, %dma_start3A_33] : memref<8x128xi32, #tpu.memory_space<vmem>> -> memref<1x128xi32, #tpu.memory_space<vmem>>
      %dma_start3A_35 = tpu.memref_squeeze %dma_start3A_34 : memref<1x128xi32, #tpu.memory_space<vmem>> -> memref<128xi32, #tpu.memory_space<vmem>>
      %dma_start3A_36 = arith.constant 0 : i32
      %dma_start3A_37 = arith.constant 0 : i32
      %dma_start3A_38 = tpu.memref_slice %arg2[%dma_start3A_36, %dma_start3A_37] : memref<10000x128xf32, #tpu.memory_space<hbm>> -> memref<10000x128xf32, #tpu.memory_space<hbm>>
      tpu.enqueue_indirect_dma source(%dma_start3A_38 : memref<10000x128xf32, #tpu.memory_space<hbm>>) target(%arg9 : memref<128x128xf32, #tpu.memory_space<vmem>>) offsets(%dma_start3A_35 : memref<128xi32, #tpu.memory_space<vmem>>) semaphore(%arg12 : memref<!tpu.dma_semaphore, #tpu.memory_space<semaphore_mem>>)
      %dma_start3A_39 = arith.constant 1 : i32
      %dma_start3A_40 = arith.constant 0 : i32
      %dma_start3A_41 = tpu.memref_slice %arg7[%dma_start3A_39, %dma_start3A_40] : memref<8x128xi32, #tpu.memory_space<vmem>> -> memref<1x128xi32, #tpu.memory_space<vmem>>
      %dma_start3A_42 = tpu.memref_squeeze %dma_start3A_41 : memref<1x128xi32, #tpu.memory_space<vmem>> -> memref<128xi32, #tpu.memory_space<vmem>>
      %dma_start3A_43 = arith.constant 0 : i32
      %dma_start3A_44 = arith.constant 0 : i32
      %dma_start3A_45 = tpu.memref_slice %arg2[%dma_start3A_43, %dma_start3A_44] : memref<10000x128xf32, #tpu.memory_space<hbm>> -> memref<10000x128xf32, #tpu.memory_space<hbm>>
      tpu.enqueue_indirect_dma source(%dma_start3A_45 : memref<10000x128xf32, #tpu.memory_space<hbm>>) target(%arg10 : memref<128x128xf32, #tpu.memory_space<vmem>>) offsets(%dma_start3A_42 : memref<128xi32, #tpu.memory_space<vmem>>) semaphore(%arg13 : memref<!tpu.dma_semaphore, #tpu.memory_space<semaphore_mem>>)
      %scan3A = arith.constant 0 : i32
      %scan3A_46 = arith.constant 0 : i32
      %scan3A_47 = arith.constant 3 : i32
      %scan3A_48 = arith.addi %scan3A_46, %scan3A_47 : i32
      %scan3A_49 = arith.constant 1 : i32
      %scan3A_50 = scf.for %scan3A_67 = %scan3A_46 to %scan3A_48 step %scan3A_49 iter_args(%scan3A_68 = %scan3A) -> (i32)  : i32 {
        %mul3A_69 = arith.constant 2 : i32
        %mul3A_70 = arith.muli %mul3A_69, %scan3A_67 : i32
        %dma_wait3A_71 = arith.constant 0 : i32
        %dma_wait3A_72 = tpu.memref_slice %arg7[%mul3A_70, %dma_wait3A_71] : memref<8x128xi32, #tpu.memory_space<vmem>> -> memref<1x128xi32, #tpu.memory_space<vmem>>
        %dma_wait3A_73 = tpu.memref_squeeze %dma_wait3A_72 : memref<1x128xi32, #tpu.memory_space<vmem>> -> memref<128xi32, #tpu.memory_space<vmem>>
        %dma_wait3A_74 = arith.constant 0 : i32
        %dma_wait3A_75 = arith.constant 0 : i32
        %dma_wait3A_76 = tpu.memref_slice %arg2[%dma_wait3A_74, %dma_wait3A_75] : memref<10000x128xf32, #tpu.memory_space<hbm>> -> memref<10000x128xf32, #tpu.memory_space<hbm>>
        tpu.wait_indirect_dma semaphore(%arg12 : memref<!tpu.dma_semaphore, #tpu.memory_space<semaphore_mem>>) src(%dma_wait3A_76 : memref<10000x128xf32, #tpu.memory_space<hbm>>) dst(%arg9 : memref<128x128xf32, #tpu.memory_space<vmem>>)
        "tpu.region"() ({
          %run_scoped3A_104 = tpu.sem_alloc : memref<!tpu.dma_semaphore, #tpu.memory_space<semaphore_mem>>
          %dma_start3A_105 = arith.constant 0 : i32
          %dma_start3A_106 = tpu.memref_slice %arg8[%mul3A_70, %dma_start3A_105] : memref<8x128xi32, #tpu.memory_space<vmem>> -> memref<1x128xi32, #tpu.memory_space<vmem>>
          %dma_start3A_107 = tpu.memref_squeeze %dma_start3A_106 : memref<1x128xi32, #tpu.memory_space<vmem>> -> memref<128xi32, #tpu.memory_space<vmem>>
          %dma_start3A_108 = arith.constant 0 : i32
          %dma_start3A_109 = arith.constant 0 : i32
          %dma_start3A_110 = tpu.memref_slice %arg11[%dma_start3A_108, %dma_start3A_109] : memref<10112x128xf32, #tpu.memory_space<vmem_shared>> -> memref<10112x128xf32, #tpu.memory_space<vmem_shared>>
          tpu.enqueue_indirect_dma source(%arg9 : memref<128x128xf32, #tpu.memory_space<vmem>>) target(%dma_start3A_110 : memref<10112x128xf32, #tpu.memory_space<vmem_shared>>) offsets(%dma_start3A_107 : memref<128xi32, #tpu.memory_space<vmem>>) semaphore(%run_scoped3A_104 : memref<!tpu.dma_semaphore, #tpu.memory_space<semaphore_mem>>) {add = true}
          %dma_wait3A_111 = arith.constant 0 : i32
          %dma_wait3A_112 = tpu.memref_slice %arg8[%mul3A_70, %dma_wait3A_111] : memref<8x128xi32, #tpu.memory_space<vmem>> -> memref<1x128xi32, #tpu.memory_space<vmem>>
          %dma_wait3A_113 = tpu.memref_squeeze %dma_wait3A_112 : memref<1x128xi32, #tpu.memory_space<vmem>> -> memref<128xi32, #tpu.memory_space<vmem>>
          %dma_wait3A_114 = arith.constant 0 : i32
          %dma_wait3A_115 = arith.constant 0 : i32
          %dma_wait3A_116 = tpu.memref_slice %arg11[%dma_wait3A_114, %dma_wait3A_115] : memref<10112x128xf32, #tpu.memory_space<vmem_shared>> -> memref<10112x128xf32, #tpu.memory_space<vmem_shared>>
          tpu.wait_indirect_dma semaphore(%run_scoped3A_104 : memref<!tpu.dma_semaphore, #tpu.memory_space<semaphore_mem>>) src(%arg9 : memref<128x128xf32, #tpu.memory_space<vmem>>) dst(%dma_wait3A_116 : memref<10112x128xf32, #tpu.memory_space<vmem_shared>>)
          tpu.yield
        }) : () -> ()
        %add3A_77 = arith.constant 2 : i32
        %add3A_78 = arith.addi %mul3A_70, %add3A_77 : i32
        %dma_start3A_79 = arith.constant 0 : i32
        %dma_start3A_80 = tpu.memref_slice %arg7[%add3A_78, %dma_start3A_79] : memref<8x128xi32, #tpu.memory_space<vmem>> -> memref<1x128xi32, #tpu.memory_space<vmem>>
        %dma_start3A_81 = tpu.memref_squeeze %dma_start3A_80 : memref<1x128xi32, #tpu.memory_space<vmem>> -> memref<128xi32, #tpu.memory_space<vmem>>
        %dma_start3A_82 = arith.constant 0 : i32
        %dma_start3A_83 = arith.constant 0 : i32
        %dma_start3A_84 = tpu.memref_slice %arg2[%dma_start3A_82, %dma_start3A_83] : memref<10000x128xf32, #tpu.memory_space<hbm>> -> memref<10000x128xf32, #tpu.memory_space<hbm>>
        tpu.enqueue_indirect_dma source(%dma_start3A_84 : memref<10000x128xf32, #tpu.memory_space<hbm>>) target(%arg9 : memref<128x128xf32, #tpu.memory_space<vmem>>) offsets(%dma_start3A_81 : memref<128xi32, #tpu.memory_space<vmem>>) semaphore(%arg12 : memref<!tpu.dma_semaphore, #tpu.memory_space<semaphore_mem>>)
        %add3A_85 = arith.constant 1 : i32
        %add3A_86 = arith.addi %mul3A_70, %add3A_85 : i32
        %dma_wait3A_87 = arith.constant 0 : i32
        %dma_wait3A_88 = tpu.memref_slice %arg7[%add3A_86, %dma_wait3A_87] : memref<8x128xi32, #tpu.memory_space<vmem>> -> memref<1x128xi32, #tpu.memory_space<vmem>>
        %dma_wait3A_89 = tpu.memref_squeeze %dma_wait3A_88 : memref<1x128xi32, #tpu.memory_space<vmem>> -> memref<128xi32, #tpu.memory_space<vmem>>
        %dma_wait3A_90 = arith.constant 0 : i32
        %dma_wait3A_91 = arith.constant 0 : i32
        %dma_wait3A_92 = tpu.memref_slice %arg2[%dma_wait3A_90, %dma_wait3A_91] : memref<10000x128xf32, #tpu.memory_space<hbm>> -> memref<10000x128xf32, #tpu.memory_space<hbm>>
        tpu.wait_indirect_dma semaphore(%arg13 : memref<!tpu.dma_semaphore, #tpu.memory_space<semaphore_mem>>) src(%dma_wait3A_92 : memref<10000x128xf32, #tpu.memory_space<hbm>>) dst(%arg10 : memref<128x128xf32, #tpu.memory_space<vmem>>)
        %add3A_93 = arith.constant 1 : i32
        %add3A_94 = arith.addi %mul3A_70, %add3A_93 : i32
        "tpu.region"() ({
          %run_scoped3A_104 = tpu.sem_alloc : memref<!tpu.dma_semaphore, #tpu.memory_space<semaphore_mem>>
          %dma_start3A_105 = arith.constant 0 : i32
          %dma_start3A_106 = tpu.memref_slice %arg8[%add3A_94, %dma_start3A_105] : memref<8x128xi32, #tpu.memory_space<vmem>> -> memref<1x128xi32, #tpu.memory_space<vmem>>
          %dma_start3A_107 = tpu.memref_squeeze %dma_start3A_106 : memref<1x128xi32, #tpu.memory_space<vmem>> -> memref<128xi32, #tpu.memory_space<vmem>>
          %dma_start3A_108 = arith.constant 0 : i32
          %dma_start3A_109 = arith.constant 0 : i32
          %dma_start3A_110 = tpu.memref_slice %arg11[%dma_start3A_108, %dma_start3A_109] : memref<10112x128xf32, #tpu.memory_space<vmem_shared>> -> memref<10112x128xf32, #tpu.memory_space<vmem_shared>>
          tpu.enqueue_indirect_dma source(%arg10 : memref<128x128xf32, #tpu.memory_space<vmem>>) target(%dma_start3A_110 : memref<10112x128xf32, #tpu.memory_space<vmem_shared>>) offsets(%dma_start3A_107 : memref<128xi32, #tpu.memory_space<vmem>>) semaphore(%run_scoped3A_104 : memref<!tpu.dma_semaphore, #tpu.memory_space<semaphore_mem>>) {add = true}
          %dma_wait3A_111 = arith.constant 0 : i32
          %dma_wait3A_112 = tpu.memref_slice %arg8[%add3A_94, %dma_wait3A_111] : memref<8x128xi32, #tpu.memory_space<vmem>> -> memref<1x128xi32, #tpu.memory_space<vmem>>
          %dma_wait3A_113 = tpu.memref_squeeze %dma_wait3A_112 : memref<1x128xi32, #tpu.memory_space<vmem>> -> memref<128xi32, #tpu.memory_space<vmem>>
          %dma_wait3A_114 = arith.constant 0 : i32
          %dma_wait3A_115 = arith.constant 0 : i32
          %dma_wait3A_116 = tpu.memref_slice %arg11[%dma_wait3A_114, %dma_wait3A_115] : memref<10112x128xf32, #tpu.memory_space<vmem_shared>> -> memref<10112x128xf32, #tpu.memory_space<vmem_shared>>
          tpu.wait_indirect_dma semaphore(%run_scoped3A_104 : memref<!tpu.dma_semaphore, #tpu.memory_space<semaphore_mem>>) src(%arg10 : memref<128x128xf32, #tpu.memory_space<vmem>>) dst(%dma_wait3A_116 : memref<10112x128xf32, #tpu.memory_space<vmem_shared>>)
          tpu.yield
        }) : () -> ()
        %add3A_95 = arith.constant 3 : i32
        %add3A_96 = arith.addi %mul3A_70, %add3A_95 : i32
        %dma_start3A_97 = arith.constant 0 : i32
        %dma_start3A_98 = tpu.memref_slice %arg7[%add3A_96, %dma_start3A_97] : memref<8x128xi32, #tpu.memory_space<vmem>> -> memref<1x128xi32, #tpu.memory_space<vmem>>
        %dma_start3A_99 = tpu.memref_squeeze %dma_start3A_98 : memref<1x128xi32, #tpu.memory_space<vmem>> -> memref<128xi32, #tpu.memory_space<vmem>>
        %dma_start3A_100 = arith.constant 0 : i32
        %dma_start3A_101 = arith.constant 0 : i32
        %dma_start3A_102 = tpu.memref_slice %arg2[%dma_start3A_100, %dma_start3A_101] : memref<10000x128xf32, #tpu.memory_space<hbm>> -> memref<10000x128xf32, #tpu.memory_space<hbm>>
        tpu.enqueue_indirect_dma source(%dma_start3A_102 : memref<10000x128xf32, #tpu.memory_space<hbm>>) target(%arg10 : memref<128x128xf32, #tpu.memory_space<vmem>>) offsets(%dma_start3A_99 : memref<128xi32, #tpu.memory_space<vmem>>) semaphore(%arg13 : memref<!tpu.dma_semaphore, #tpu.memory_space<semaphore_mem>>)
        %scan3A_103 = arith.constant 0 : i32
        scf.yield %scan3A_103 : i32
      }
      %scan3A_51 = arith.constant 3 : i32
      %dma_wait3A = arith.constant 6 : i32
      %dma_wait3A_52 = arith.constant 0 : i32
      %dma_wait3A_53 = tpu.memref_slice %arg7[%dma_wait3A, %dma_wait3A_52] : memref<8x128xi32, #tpu.memory_space<vmem>> -> memref<1x128xi32, #tpu.memory_space<vmem>>
      %dma_wait3A_54 = tpu.memref_squeeze %dma_wait3A_53 : memref<1x128xi32, #tpu.memory_space<vmem>> -> memref<128xi32, #tpu.memory_space<vmem>>
      %dma_wait3A_55 = arith.constant 0 : i32
      %dma_wait3A_56 = arith.constant 0 : i32
      %dma_wait3A_57 = tpu.memref_slice %arg2[%dma_wait3A_55, %dma_wait3A_56] : memref<10000x128xf32, #tpu.memory_space<hbm>> -> memref<10000x128xf32, #tpu.memory_space<hbm>>
      tpu.wait_indirect_dma semaphore(%arg12 : memref<!tpu.dma_semaphore, #tpu.memory_space<semaphore_mem>>) src(%dma_wait3A_57 : memref<10000x128xf32, #tpu.memory_space<hbm>>) dst(%arg9 : memref<128x128xf32, #tpu.memory_space<vmem>>)
      %run_scoped3A = arith.constant 6 : i32
      "tpu.region"() ({
        %run_scoped3A_67 = tpu.sem_alloc : memref<!tpu.dma_semaphore, #tpu.memory_space<semaphore_mem>>
        %dma_start3A_68 = arith.constant 0 : i32
        %dma_start3A_69 = tpu.memref_slice %arg8[%run_scoped3A, %dma_start3A_68] : memref<8x128xi32, #tpu.memory_space<vmem>> -> memref<1x128xi32, #tpu.memory_space<vmem>>
        %dma_start3A_70 = tpu.memref_squeeze %dma_start3A_69 : memref<1x128xi32, #tpu.memory_space<vmem>> -> memref<128xi32, #tpu.memory_space<vmem>>
        %dma_start3A_71 = arith.constant 0 : i32
        %dma_start3A_72 = arith.constant 0 : i32
        %dma_start3A_73 = tpu.memref_slice %arg11[%dma_start3A_71, %dma_start3A_72] : memref<10112x128xf32, #tpu.memory_space<vmem_shared>> -> memref<10112x128xf32, #tpu.memory_space<vmem_shared>>
        tpu.enqueue_indirect_dma source(%arg9 : memref<128x128xf32, #tpu.memory_space<vmem>>) target(%dma_start3A_73 : memref<10112x128xf32, #tpu.memory_space<vmem_shared>>) offsets(%dma_start3A_70 : memref<128xi32, #tpu.memory_space<vmem>>) semaphore(%run_scoped3A_67 : memref<!tpu.dma_semaphore, #tpu.memory_space<semaphore_mem>>) {add = true}
        %dma_wait3A_74 = arith.constant 0 : i32
        %dma_wait3A_75 = tpu.memref_slice %arg8[%run_scoped3A, %dma_wait3A_74] : memref<8x128xi32, #tpu.memory_space<vmem>> -> memref<1x128xi32, #tpu.memory_space<vmem>>
        %dma_wait3A_76 = tpu.memref_squeeze %dma_wait3A_75 : memref<1x128xi32, #tpu.memory_space<vmem>> -> memref<128xi32, #tpu.memory_space<vmem>>
        %dma_wait3A_77 = arith.constant 0 : i32
        %dma_wait3A_78 = arith.constant 0 : i32
        %dma_wait3A_79 = tpu.memref_slice %arg11[%dma_wait3A_77, %dma_wait3A_78] : memref<10112x128xf32, #tpu.memory_space<vmem_shared>> -> memref<10112x128xf32, #tpu.memory_space<vmem_shared>>
        tpu.wait_indirect_dma semaphore(%run_scoped3A_67 : memref<!tpu.dma_semaphore, #tpu.memory_space<semaphore_mem>>) src(%arg9 : memref<128x128xf32, #tpu.memory_space<vmem>>) dst(%dma_wait3A_79 : memref<10112x128xf32, #tpu.memory_space<vmem_shared>>)
        tpu.yield
      }) : () -> ()
      %dma_wait3A_58 = arith.constant 7 : i32
      %dma_wait3A_59 = arith.constant 0 : i32
      %dma_wait3A_60 = tpu.memref_slice %arg7[%dma_wait3A_58, %dma_wait3A_59] : memref<8x128xi32, #tpu.memory_space<vmem>> -> memref<1x128xi32, #tpu.memory_space<vmem>>
      %dma_wait3A_61 = tpu.memref_squeeze %dma_wait3A_60 : memref<1x128xi32, #tpu.memory_space<vmem>> -> memref<128xi32, #tpu.memory_space<vmem>>
      %dma_wait3A_62 = arith.constant 0 : i32
      %dma_wait3A_63 = arith.constant 0 : i32
      %dma_wait3A_64 = tpu.memref_slice %arg2[%dma_wait3A_62, %dma_wait3A_63] : memref<10000x128xf32, #tpu.memory_space<hbm>> -> memref<10000x128xf32, #tpu.memory_space<hbm>>
      tpu.wait_indirect_dma semaphore(%arg13 : memref<!tpu.dma_semaphore, #tpu.memory_space<semaphore_mem>>) src(%dma_wait3A_64 : memref<10000x128xf32, #tpu.memory_space<hbm>>) dst(%arg10 : memref<128x128xf32, #tpu.memory_space<vmem>>)
      %run_scoped3A_65 = arith.constant 7 : i32
      "tpu.region"() ({
        %run_scoped3A_67 = tpu.sem_alloc : memref<!tpu.dma_semaphore, #tpu.memory_space<semaphore_mem>>
        %dma_start3A_68 = arith.constant 0 : i32
        %dma_start3A_69 = tpu.memref_slice %arg8[%run_scoped3A_65, %dma_start3A_68] : memref<8x128xi32, #tpu.memory_space<vmem>> -> memref<1x128xi32, #tpu.memory_space<vmem>>
        %dma_start3A_70 = tpu.memref_squeeze %dma_start3A_69 : memref<1x128xi32, #tpu.memory_space<vmem>> -> memref<128xi32, #tpu.memory_space<vmem>>
        %dma_start3A_71 = arith.constant 0 : i32
        %dma_start3A_72 = arith.constant 0 : i32
        %dma_start3A_73 = tpu.memref_slice %arg11[%dma_start3A_71, %dma_start3A_72] : memref<10112x128xf32, #tpu.memory_space<vmem_shared>> -> memref<10112x128xf32, #tpu.memory_space<vmem_shared>>
        tpu.enqueue_indirect_dma source(%arg10 : memref<128x128xf32, #tpu.memory_space<vmem>>) target(%dma_start3A_73 : memref<10112x128xf32, #tpu.memory_space<vmem_shared>>) offsets(%dma_start3A_70 : memref<128xi32, #tpu.memory_space<vmem>>) semaphore(%run_scoped3A_67 : memref<!tpu.dma_semaphore, #tpu.memory_space<semaphore_mem>>) {add = true}
        %dma_wait3A_74 = arith.constant 0 : i32
        %dma_wait3A_75 = tpu.memref_slice %arg8[%run_scoped3A_65, %dma_wait3A_74] : memref<8x128xi32, #tpu.memory_space<vmem>> -> memref<1x128xi32, #tpu.memory_space<vmem>>
        %dma_wait3A_76 = tpu.memref_squeeze %dma_wait3A_75 : memref<1x128xi32, #tpu.memory_space<vmem>> -> memref<128xi32, #tpu.memory_space<vmem>>
        %dma_wait3A_77 = arith.constant 0 : i32
        %dma_wait3A_78 = arith.constant 0 : i32
        %dma_wait3A_79 = tpu.memref_slice %arg11[%dma_wait3A_77, %dma_wait3A_78] : memref<10112x128xf32, #tpu.memory_space<vmem_shared>> -> memref<10112x128xf32, #tpu.memory_space<vmem_shared>>
        tpu.wait_indirect_dma semaphore(%run_scoped3A_67 : memref<!tpu.dma_semaphore, #tpu.memory_space<semaphore_mem>>) src(%arg10 : memref<128x128xf32, #tpu.memory_space<vmem>>) dst(%dma_wait3A_79 : memref<10112x128xf32, #tpu.memory_space<vmem_shared>>)
        tpu.yield
      }) : () -> ()
      %while3A_66 = arith.constant 0 : i32
      scf.yield %while3A_66 : i32
    }
    %barrier3A_20 = arith.constant 0 : index
    tpu.barrier barrier_id(%barrier3A_20)
    %mul3A_21 = arith.constant 624 : i32
    %mul3A_22 = arith.muli %arg1, %mul3A_21 : i32
    %mul3A_23 = arith.constant 624 : i32
    %mul3A_24 = arith.muli %arg1, %mul3A_23 : i32
    "tpu.region"() ({
      %run_scoped3A = tpu.sem_alloc : memref<!tpu.dma_semaphore, #tpu.memory_space<semaphore_mem>>
      %dma_start3A = arith.constant 0 : i32
      %dma_start3A_28 = tpu.memref_slice %arg6[%arg0, %mul3A_24, %dma_start3A] : memref<2x10000x128xf32, #tpu.memory_space<hbm>> -> memref<1x624x128xf32, #tpu.memory_space<hbm>>
      %dma_start3A_29 = tpu.memref_squeeze %dma_start3A_28 : memref<1x624x128xf32, #tpu.memory_space<hbm>> -> memref<624x128xf32, #tpu.memory_space<hbm>>
      %dma_start3A_30 = arith.constant 0 : i32
      %dma_start3A_31 = tpu.memref_slice %arg11[%mul3A_22, %dma_start3A_30] : memref<10112x128xf32, #tpu.memory_space<vmem_shared>> -> memref<624x128xf32, #tpu.memory_space<vmem_shared>>
      tpu.enqueue_dma source(%dma_start3A_31 : memref<624x128xf32, #tpu.memory_space<vmem_shared>>) target(%dma_start3A_29 : memref<624x128xf32, #tpu.memory_space<hbm>>) target_semaphore(%run_scoped3A : memref<!tpu.dma_semaphore, #tpu.memory_space<semaphore_mem>>)
      %dma_wait3A = arith.constant 0 : i32
      %dma_wait3A_32 = tpu.memref_slice %arg6[%arg0, %mul3A_24, %dma_wait3A] : memref<2x10000x128xf32, #tpu.memory_space<hbm>> -> memref<1x624x128xf32, #tpu.memory_space<hbm>>
      %dma_wait3A_33 = tpu.memref_squeeze %dma_wait3A_32 : memref<1x624x128xf32, #tpu.memory_space<hbm>> -> memref<624x128xf32, #tpu.memory_space<hbm>>
      %dma_wait3A_34 = arith.constant 0 : i32
      %dma_wait3A_35 = tpu.memref_slice %arg11[%mul3A_22, %dma_wait3A_34] : memref<10112x128xf32, #tpu.memory_space<vmem_shared>> -> memref<624x128xf32, #tpu.memory_space<vmem_shared>>
      tpu.wait_dma2 semaphore(%run_scoped3A : memref<!tpu.dma_semaphore, #tpu.memory_space<semaphore_mem>>) src(%dma_wait3A_35 : memref<624x128xf32, #tpu.memory_space<vmem_shared>>) dst(%dma_wait3A_33 : memref<624x128xf32, #tpu.memory_space<hbm>>)
      tpu.yield
    }) : () -> ()
    %eq3A_25 = arith.constant 15 : i32
    %eq3A_26 = arith.cmpi eq, %arg1, %eq3A_25 : i32
    %convert_element_type3A = arith.extui %eq3A_26 : i1 to i32
    %cond3A = arith.constant 0 : i32
    %cond3A_27 = arith.cmpi ne, %convert_element_type3A, %cond3A : i32
    scf.if %cond3A_27 {
      "tpu.region"() ({
        %run_scoped3A = tpu.sem_alloc : memref<!tpu.dma_semaphore, #tpu.memory_space<semaphore_mem>>
        %dma_start3A = arith.constant 9984 : i32
        %dma_start3A_28 = arith.constant 0 : i32
        %dma_start3A_29 = tpu.memref_slice %arg6[%arg0, %dma_start3A, %dma_start3A_28] : memref<2x10000x128xf32, #tpu.memory_space<hbm>> -> memref<1x16x128xf32, #tpu.memory_space<hbm>>
        %dma_start3A_30 = tpu.memref_squeeze %dma_start3A_29 : memref<1x16x128xf32, #tpu.memory_space<hbm>> -> memref<16x128xf32, #tpu.memory_space<hbm>>
        %dma_start3A_31 = arith.constant 9984 : i32
        %dma_start3A_32 = arith.constant 0 : i32
        %dma_start3A_33 = tpu.memref_slice %arg11[%dma_start3A_31, %dma_start3A_32] : memref<10112x128xf32, #tpu.memory_space<vmem_shared>> -> memref<16x128xf32, #tpu.memory_space<vmem_shared>>
        tpu.enqueue_dma source(%dma_start3A_33 : memref<16x128xf32, #tpu.memory_space<vmem_shared>>) target(%dma_start3A_30 : memref<16x128xf32, #tpu.memory_space<hbm>>) target_semaphore(%run_scoped3A : memref<!tpu.dma_semaphore, #tpu.memory_space<semaphore_mem>>)
        %dma_wait3A = arith.constant 9984 : i32
        %dma_wait3A_34 = arith.constant 0 : i32
        %dma_wait3A_35 = tpu.memref_slice %arg6[%arg0, %dma_wait3A, %dma_wait3A_34] : memref<2x10000x128xf32, #tpu.memory_space<hbm>> -> memref<1x16x128xf32, #tpu.memory_space<hbm>>
        %dma_wait3A_36 = tpu.memref_squeeze %dma_wait3A_35 : memref<1x16x128xf32, #tpu.memory_space<hbm>> -> memref<16x128xf32, #tpu.memory_space<hbm>>
        %dma_wait3A_37 = arith.constant 9984 : i32
        %dma_wait3A_38 = arith.constant 0 : i32
        %dma_wait3A_39 = tpu.memref_slice %arg11[%dma_wait3A_37, %dma_wait3A_38] : memref<10112x128xf32, #tpu.memory_space<vmem_shared>> -> memref<16x128xf32, #tpu.memory_space<vmem_shared>>
        tpu.wait_dma2 semaphore(%run_scoped3A : memref<!tpu.dma_semaphore, #tpu.memory_space<semaphore_mem>>) src(%dma_wait3A_39 : memref<16x128xf32, #tpu.memory_space<vmem_shared>>) dst(%dma_wait3A_36 : memref<16x128xf32, #tpu.memory_space<hbm>>)
        tpu.yield
      }) : () -> ()
    } else {
    }
    return
  }
}

#map = affine_map<(d0, d1) -> (0, 0)>
#map1 = affine_map<(d0, d1) -> (0, 0, 0)>
module attributes {stable_mosaic.version = 14 : i64} {
  func.func @_sc_spmm(%arg0: i32, %arg1: i32, %arg2: memref<10000x128xf32, #tpu.memory_space<hbm>>, %arg3: memref<2560x128xi32, #tpu.memory_space<hbm>>, %arg4: memref<2560x128xi32, #tpu.memory_space<hbm>>, %arg5: memref<632x128xf32, #tpu.memory_space<hbm>>, %arg6: memref<2x10000x128xf32, #tpu.memory_space<hbm>>, %arg7: memref<8x128xi32, #tpu.memory_space<vmem>>, %arg8: memref<8x128xi32, #tpu.memory_space<vmem>>, %arg9: memref<128x128xf32, #tpu.memory_space<vmem>>, %arg10: memref<128x128xf32, #tpu.memory_space<vmem>>, %arg11: memref<10112x128xf32, #tpu.memory_space<vmem_shared>>, %arg12: memref<!tpu.dma_semaphore, #tpu.memory_space<semaphore_mem>>, %arg13: memref<!tpu.dma_semaphore, #tpu.memory_space<semaphore_mem>>) attributes {dimension_semantics = [#tpu.dimension_semantics<core_parallel>, #tpu.dimension_semantics<subcore_parallel>], iteration_bounds = array<i64: 2, 16>, scalar_prefetch = 0 : i64, scratch_operands = 7 : i64, tpu.core_type = #tpu.core_type<sc_vector_subcore>, window_params = [{transform_indices = #map}, {transform_indices = #map}, {transform_indices = #map}, {transform_indices = #map}, {transform_indices = #map1}]} {
    %eq3A = arith.constant 1 : i32
    %eq3A_0 = arith.cmpi eq, %arg0, %eq3A : i32
    %jit3A = arith.constant 19 : i32
    %jit3A_1 = arith.constant 1 : i32
    %select_n3A = arith.select %eq3A_0, %jit3A, %jit3A_1 : i32
    %mul3A = arith.constant 152 : i32
    %mul3A_2 = arith.muli %arg1, %mul3A : i32
    %mul3A_3 = arith.constant 8 : i32
    %mul3A_4 = arith.muli %arg1, %mul3A_3 : i32
    %add3A = arith.constant 2432 : i32
    %add3A_5 = arith.addi %add3A, %mul3A_4 : i32
    %select_n3A_6 = arith.select %eq3A_0, %mul3A_2, %add3A_5 : i32
    %mul3A_7 = arith.constant 632 : i32
    %mul3A_8 = arith.muli %arg1, %mul3A_7 : i32
    "tpu.region"() ({
      %run_scoped3A = tpu.sem_alloc : memref<!tpu.dma_semaphore, #tpu.memory_space<semaphore_mem>>
      %dma_start3A = arith.constant 0 : i32
      %dma_start3A_28 = tpu.memref_slice %arg11[%mul3A_8, %dma_start3A] : memref<10112x128xf32, #tpu.memory_space<vmem_shared>> -> memref<632x128xf32, #tpu.memory_space<vmem_shared>>
      tpu.enqueue_dma source(%arg5 : memref<632x128xf32, #tpu.memory_space<hbm>>) target(%dma_start3A_28 : memref<632x128xf32, #tpu.memory_space<vmem_shared>>) target_semaphore(%run_scoped3A : memref<!tpu.dma_semaphore, #tpu.memory_space<semaphore_mem>>)
      %dma_wait3A = arith.constant 0 : i32
      %dma_wait3A_29 = tpu.memref_slice %arg11[%mul3A_8, %dma_wait3A] : memref<10112x128xf32, #tpu.memory_space<vmem_shared>> -> memref<632x128xf32, #tpu.memory_space<vmem_shared>>
      tpu.wait_dma2 semaphore(%run_scoped3A : memref<!tpu.dma_semaphore, #tpu.memory_space<semaphore_mem>>) src(%arg5 : memref<632x128xf32, #tpu.memory_space<hbm>>) dst(%dma_wait3A_29 : memref<632x128xf32, #tpu.memory_space<vmem_shared>>)
      tpu.yield
    }) : () -> ()
    %barrier3A = arith.constant 0 : index
    tpu.barrier barrier_id(%barrier3A)
    %while3A = arith.constant 0 : i32
    %while3A_9 = arith.constant 0 : i32
    %while3A_10 = arith.subi %select_n3A, %while3A : i32
    %while3A_11 = arith.addi %while3A, %while3A_10 : i32
    %while3A_12 = arith.constant 1 : i32
    %while3A_13 = arith.divsi %while3A_10, %while3A_12 : i32
    %while3A_14 = arith.muli %while3A_13, %while3A_12 : i32
    %while3A_15 = arith.addi %while3A, %while3A_14 : i32
    %while3A_16 = arith.constant 1 : i32
    %while3A_17 = scf.for %while3A_28 = %while3A to %while3A_15 step %while3A_16 iter_args(%while3A_29 = %while3A_9) -> (i32)  : i32 {
      %mul3A_30 = arith.constant 8 : i32
      %mul3A_31 = arith.muli %while3A_28, %mul3A_30 : i32
      %add3A_32 = arith.addi %select_n3A_6, %mul3A_31 : i32
      %multiple_of3A = tpu.assume_multiple %add3A_32, 8 : i32
      "tpu.region"() ({
        %run_scoped3A_67 = tpu.sem_alloc : memref<!tpu.dma_semaphore, #tpu.memory_space<semaphore_mem>>
        %dma_start3A_68 = arith.constant 0 : i32
        %dma_start3A_69 = tpu.memref_slice %arg3[%multiple_of3A, %dma_start3A_68] : memref<2560x128xi32, #tpu.memory_space<hbm>> -> memref<8x128xi32, #tpu.memory_space<hbm>>
        %dma_start3A_70 = arith.constant 0 : i32
        %dma_start3A_71 = tpu.memref_slice %arg3[%multiple_of3A, %dma_start3A_70] : memref<2560x128xi32, #tpu.memory_space<hbm>> -> memref<8x128xi32, #tpu.memory_space<hbm>>
        tpu.enqueue_dma source(%dma_start3A_71 : memref<8x128xi32, #tpu.memory_space<hbm>>) target(%arg7 : memref<8x128xi32, #tpu.memory_space<vmem>>) target_semaphore(%run_scoped3A_67 : memref<!tpu.dma_semaphore, #tpu.memory_space<semaphore_mem>>)
        %dma_wait3A_72 = arith.constant 0 : i32
        %dma_wait3A_73 = tpu.memref_slice %arg3[%multiple_of3A, %dma_wait3A_72] : memref<2560x128xi32, #tpu.memory_space<hbm>> -> memref<8x128xi32, #tpu.memory_space<hbm>>
        %dma_wait3A_74 = arith.constant 0 : i32
        %dma_wait3A_75 = tpu.memref_slice %arg3[%multiple_of3A, %dma_wait3A_74] : memref<2560x128xi32, #tpu.memory_space<hbm>> -> memref<8x128xi32, #tpu.memory_space<hbm>>
        tpu.wait_dma2 semaphore(%run_scoped3A_67 : memref<!tpu.dma_semaphore, #tpu.memory_space<semaphore_mem>>) src(%dma_wait3A_75 : memref<8x128xi32, #tpu.memory_space<hbm>>) dst(%arg7 : memref<8x128xi32, #tpu.memory_space<vmem>>)
        tpu.yield
      }) : () -> ()
      "tpu.region"() ({
        %run_scoped3A_67 = tpu.sem_alloc : memref<!tpu.dma_semaphore, #tpu.memory_space<semaphore_mem>>
        %dma_start3A_68 = arith.constant 0 : i32
        %dma_start3A_69 = tpu.memref_slice %arg4[%multiple_of3A, %dma_start3A_68] : memref<2560x128xi32, #tpu.memory_space<hbm>> -> memref<8x128xi32, #tpu.memory_space<hbm>>
        %dma_start3A_70 = arith.constant 0 : i32
        %dma_start3A_71 = tpu.memref_slice %arg4[%multiple_of3A, %dma_start3A_70] : memref<2560x128xi32, #tpu.memory_space<hbm>> -> memref<8x128xi32, #tpu.memory_space<hbm>>
        tpu.enqueue_dma source(%dma_start3A_71 : memref<8x128xi32, #tpu.memory_space<hbm>>) target(%arg8 : memref<8x128xi32, #tpu.memory_space<vmem>>) target_semaphore(%run_scoped3A_67 : memref<!tpu.dma_semaphore, #tpu.memory_space<semaphore_mem>>)
        %dma_wait3A_72 = arith.constant 0 : i32
        %dma_wait3A_73 = tpu.memref_slice %arg4[%multiple_of3A, %dma_wait3A_72] : memref<2560x128xi32, #tpu.memory_space<hbm>> -> memref<8x128xi32, #tpu.memory_space<hbm>>
        %dma_wait3A_74 = arith.constant 0 : i32
        %dma_wait3A_75 = tpu.memref_slice %arg4[%multiple_of3A, %dma_wait3A_74] : memref<2560x128xi32, #tpu.memory_space<hbm>> -> memref<8x128xi32, #tpu.memory_space<hbm>>
        tpu.wait_dma2 semaphore(%run_scoped3A_67 : memref<!tpu.dma_semaphore, #tpu.memory_space<semaphore_mem>>) src(%dma_wait3A_75 : memref<8x128xi32, #tpu.memory_space<hbm>>) dst(%arg8 : memref<8x128xi32, #tpu.memory_space<vmem>>)
        tpu.yield
      }) : () -> ()
      %dma_start3A = arith.constant 0 : i32
      %dma_start3A_33 = arith.constant 0 : i32
      %dma_start3A_34 = tpu.memref_slice %arg7[%dma_start3A, %dma_start3A_33] : memref<8x128xi32, #tpu.memory_space<vmem>> -> memref<1x128xi32, #tpu.memory_space<vmem>>
      %dma_start3A_35 = tpu.memref_squeeze %dma_start3A_34 : memref<1x128xi32, #tpu.memory_space<vmem>> -> memref<128xi32, #tpu.memory_space<vmem>>
      %dma_start3A_36 = arith.constant 0 : i32
      %dma_start3A_37 = arith.constant 0 : i32
      %dma_start3A_38 = tpu.memref_slice %arg2[%dma_start3A_36, %dma_start3A_37] : memref<10000x128xf32, #tpu.memory_space<hbm>> -> memref<10000x128xf32, #tpu.memory_space<hbm>>
      tpu.enqueue_indirect_dma source(%dma_start3A_38 : memref<10000x128xf32, #tpu.memory_space<hbm>>) target(%arg9 : memref<128x128xf32, #tpu.memory_space<vmem>>) offsets(%dma_start3A_35 : memref<128xi32, #tpu.memory_space<vmem>>) semaphore(%arg12 : memref<!tpu.dma_semaphore, #tpu.memory_space<semaphore_mem>>)
      %dma_start3A_39 = arith.constant 1 : i32
      %dma_start3A_40 = arith.constant 0 : i32
      %dma_start3A_41 = tpu.memref_slice %arg7[%dma_start3A_39, %dma_start3A_40] : memref<8x128xi32, #tpu.memory_space<vmem>> -> memref<1x128xi32, #tpu.memory_space<vmem>>
      %dma_start3A_42 = tpu.memref_squeeze %dma_start3A_41 : memref<1x128xi32, #tpu.memory_space<vmem>> -> memref<128xi32, #tpu.memory_space<vmem>>
      %dma_start3A_43 = arith.constant 0 : i32
      %dma_start3A_44 = arith.constant 0 : i32
      %dma_start3A_45 = tpu.memref_slice %arg2[%dma_start3A_43, %dma_start3A_44] : memref<10000x128xf32, #tpu.memory_space<hbm>> -> memref<10000x128xf32, #tpu.memory_space<hbm>>
      tpu.enqueue_indirect_dma source(%dma_start3A_45 : memref<10000x128xf32, #tpu.memory_space<hbm>>) target(%arg10 : memref<128x128xf32, #tpu.memory_space<vmem>>) offsets(%dma_start3A_42 : memref<128xi32, #tpu.memory_space<vmem>>) semaphore(%arg13 : memref<!tpu.dma_semaphore, #tpu.memory_space<semaphore_mem>>)
      %scan3A = arith.constant 0 : i32
      %scan3A_46 = arith.constant 0 : i32
      %scan3A_47 = arith.constant 3 : i32
      %scan3A_48 = arith.addi %scan3A_46, %scan3A_47 : i32
      %scan3A_49 = arith.constant 1 : i32
      %scan3A_50 = scf.for %scan3A_67 = %scan3A_46 to %scan3A_48 step %scan3A_49 iter_args(%scan3A_68 = %scan3A) -> (i32)  : i32 {
        %mul3A_69 = arith.constant 2 : i32
        %mul3A_70 = arith.muli %mul3A_69, %scan3A_67 : i32
        %dma_wait3A_71 = arith.constant 0 : i32
        %dma_wait3A_72 = tpu.memref_slice %arg7[%mul3A_70, %dma_wait3A_71] : memref<8x128xi32, #tpu.memory_space<vmem>> -> memref<1x128xi32, #tpu.memory_space<vmem>>
        %dma_wait3A_73 = tpu.memref_squeeze %dma_wait3A_72 : memref<1x128xi32, #tpu.memory_space<vmem>> -> memref<128xi32, #tpu.memory_space<vmem>>
        %dma_wait3A_74 = arith.constant 0 : i32
        %dma_wait3A_75 = arith.constant 0 : i32
        %dma_wait3A_76 = tpu.memref_slice %arg2[%dma_wait3A_74, %dma_wait3A_75] : memref<10000x128xf32, #tpu.memory_space<hbm>> -> memref<10000x128xf32, #tpu.memory_space<hbm>>
        tpu.wait_indirect_dma semaphore(%arg12 : memref<!tpu.dma_semaphore, #tpu.memory_space<semaphore_mem>>) src(%dma_wait3A_76 : memref<10000x128xf32, #tpu.memory_space<hbm>>) dst(%arg9 : memref<128x128xf32, #tpu.memory_space<vmem>>)
        "tpu.region"() ({
          %run_scoped3A_104 = tpu.sem_alloc : memref<!tpu.dma_semaphore, #tpu.memory_space<semaphore_mem>>
          %dma_start3A_105 = arith.constant 0 : i32
          %dma_start3A_106 = tpu.memref_slice %arg8[%mul3A_70, %dma_start3A_105] : memref<8x128xi32, #tpu.memory_space<vmem>> -> memref<1x128xi32, #tpu.memory_space<vmem>>
          %dma_start3A_107 = tpu.memref_squeeze %dma_start3A_106 : memref<1x128xi32, #tpu.memory_space<vmem>> -> memref<128xi32, #tpu.memory_space<vmem>>
          %dma_start3A_108 = arith.constant 0 : i32
          %dma_start3A_109 = arith.constant 0 : i32
          %dma_start3A_110 = tpu.memref_slice %arg11[%dma_start3A_108, %dma_start3A_109] : memref<10112x128xf32, #tpu.memory_space<vmem_shared>> -> memref<10112x128xf32, #tpu.memory_space<vmem_shared>>
          tpu.enqueue_indirect_dma source(%arg9 : memref<128x128xf32, #tpu.memory_space<vmem>>) target(%dma_start3A_110 : memref<10112x128xf32, #tpu.memory_space<vmem_shared>>) offsets(%dma_start3A_107 : memref<128xi32, #tpu.memory_space<vmem>>) semaphore(%run_scoped3A_104 : memref<!tpu.dma_semaphore, #tpu.memory_space<semaphore_mem>>) {add = true}
          %dma_wait3A_111 = arith.constant 0 : i32
          %dma_wait3A_112 = tpu.memref_slice %arg8[%mul3A_70, %dma_wait3A_111] : memref<8x128xi32, #tpu.memory_space<vmem>> -> memref<1x128xi32, #tpu.memory_space<vmem>>
          %dma_wait3A_113 = tpu.memref_squeeze %dma_wait3A_112 : memref<1x128xi32, #tpu.memory_space<vmem>> -> memref<128xi32, #tpu.memory_space<vmem>>
          %dma_wait3A_114 = arith.constant 0 : i32
          %dma_wait3A_115 = arith.constant 0 : i32
          %dma_wait3A_116 = tpu.memref_slice %arg11[%dma_wait3A_114, %dma_wait3A_115] : memref<10112x128xf32, #tpu.memory_space<vmem_shared>> -> memref<10112x128xf32, #tpu.memory_space<vmem_shared>>
          tpu.wait_indirect_dma semaphore(%run_scoped3A_104 : memref<!tpu.dma_semaphore, #tpu.memory_space<semaphore_mem>>) src(%arg9 : memref<128x128xf32, #tpu.memory_space<vmem>>) dst(%dma_wait3A_116 : memref<10112x128xf32, #tpu.memory_space<vmem_shared>>)
          tpu.yield
        }) : () -> ()
        %add3A_77 = arith.constant 2 : i32
        %add3A_78 = arith.addi %mul3A_70, %add3A_77 : i32
        %dma_start3A_79 = arith.constant 0 : i32
        %dma_start3A_80 = tpu.memref_slice %arg7[%add3A_78, %dma_start3A_79] : memref<8x128xi32, #tpu.memory_space<vmem>> -> memref<1x128xi32, #tpu.memory_space<vmem>>
        %dma_start3A_81 = tpu.memref_squeeze %dma_start3A_80 : memref<1x128xi32, #tpu.memory_space<vmem>> -> memref<128xi32, #tpu.memory_space<vmem>>
        %dma_start3A_82 = arith.constant 0 : i32
        %dma_start3A_83 = arith.constant 0 : i32
        %dma_start3A_84 = tpu.memref_slice %arg2[%dma_start3A_82, %dma_start3A_83] : memref<10000x128xf32, #tpu.memory_space<hbm>> -> memref<10000x128xf32, #tpu.memory_space<hbm>>
        tpu.enqueue_indirect_dma source(%dma_start3A_84 : memref<10000x128xf32, #tpu.memory_space<hbm>>) target(%arg9 : memref<128x128xf32, #tpu.memory_space<vmem>>) offsets(%dma_start3A_81 : memref<128xi32, #tpu.memory_space<vmem>>) semaphore(%arg12 : memref<!tpu.dma_semaphore, #tpu.memory_space<semaphore_mem>>)
        %add3A_85 = arith.constant 1 : i32
        %add3A_86 = arith.addi %mul3A_70, %add3A_85 : i32
        %dma_wait3A_87 = arith.constant 0 : i32
        %dma_wait3A_88 = tpu.memref_slice %arg7[%add3A_86, %dma_wait3A_87] : memref<8x128xi32, #tpu.memory_space<vmem>> -> memref<1x128xi32, #tpu.memory_space<vmem>>
        %dma_wait3A_89 = tpu.memref_squeeze %dma_wait3A_88 : memref<1x128xi32, #tpu.memory_space<vmem>> -> memref<128xi32, #tpu.memory_space<vmem>>
        %dma_wait3A_90 = arith.constant 0 : i32
        %dma_wait3A_91 = arith.constant 0 : i32
        %dma_wait3A_92 = tpu.memref_slice %arg2[%dma_wait3A_90, %dma_wait3A_91] : memref<10000x128xf32, #tpu.memory_space<hbm>> -> memref<10000x128xf32, #tpu.memory_space<hbm>>
        tpu.wait_indirect_dma semaphore(%arg13 : memref<!tpu.dma_semaphore, #tpu.memory_space<semaphore_mem>>) src(%dma_wait3A_92 : memref<10000x128xf32, #tpu.memory_space<hbm>>) dst(%arg10 : memref<128x128xf32, #tpu.memory_space<vmem>>)
        %add3A_93 = arith.constant 1 : i32
        %add3A_94 = arith.addi %mul3A_70, %add3A_93 : i32
        "tpu.region"() ({
          %run_scoped3A_104 = tpu.sem_alloc : memref<!tpu.dma_semaphore, #tpu.memory_space<semaphore_mem>>
          %dma_start3A_105 = arith.constant 0 : i32
          %dma_start3A_106 = tpu.memref_slice %arg8[%add3A_94, %dma_start3A_105] : memref<8x128xi32, #tpu.memory_space<vmem>> -> memref<1x128xi32, #tpu.memory_space<vmem>>
          %dma_start3A_107 = tpu.memref_squeeze %dma_start3A_106 : memref<1x128xi32, #tpu.memory_space<vmem>> -> memref<128xi32, #tpu.memory_space<vmem>>
          %dma_start3A_108 = arith.constant 0 : i32
          %dma_start3A_109 = arith.constant 0 : i32
          %dma_start3A_110 = tpu.memref_slice %arg11[%dma_start3A_108, %dma_start3A_109] : memref<10112x128xf32, #tpu.memory_space<vmem_shared>> -> memref<10112x128xf32, #tpu.memory_space<vmem_shared>>
          tpu.enqueue_indirect_dma source(%arg10 : memref<128x128xf32, #tpu.memory_space<vmem>>) target(%dma_start3A_110 : memref<10112x128xf32, #tpu.memory_space<vmem_shared>>) offsets(%dma_start3A_107 : memref<128xi32, #tpu.memory_space<vmem>>) semaphore(%run_scoped3A_104 : memref<!tpu.dma_semaphore, #tpu.memory_space<semaphore_mem>>) {add = true}
          %dma_wait3A_111 = arith.constant 0 : i32
          %dma_wait3A_112 = tpu.memref_slice %arg8[%add3A_94, %dma_wait3A_111] : memref<8x128xi32, #tpu.memory_space<vmem>> -> memref<1x128xi32, #tpu.memory_space<vmem>>
          %dma_wait3A_113 = tpu.memref_squeeze %dma_wait3A_112 : memref<1x128xi32, #tpu.memory_space<vmem>> -> memref<128xi32, #tpu.memory_space<vmem>>
          %dma_wait3A_114 = arith.constant 0 : i32
          %dma_wait3A_115 = arith.constant 0 : i32
          %dma_wait3A_116 = tpu.memref_slice %arg11[%dma_wait3A_114, %dma_wait3A_115] : memref<10112x128xf32, #tpu.memory_space<vmem_shared>> -> memref<10112x128xf32, #tpu.memory_space<vmem_shared>>
          tpu.wait_indirect_dma semaphore(%run_scoped3A_104 : memref<!tpu.dma_semaphore, #tpu.memory_space<semaphore_mem>>) src(%arg10 : memref<128x128xf32, #tpu.memory_space<vmem>>) dst(%dma_wait3A_116 : memref<10112x128xf32, #tpu.memory_space<vmem_shared>>)
          tpu.yield
        }) : () -> ()
        %add3A_95 = arith.constant 3 : i32
        %add3A_96 = arith.addi %mul3A_70, %add3A_95 : i32
        %dma_start3A_97 = arith.constant 0 : i32
        %dma_start3A_98 = tpu.memref_slice %arg7[%add3A_96, %dma_start3A_97] : memref<8x128xi32, #tpu.memory_space<vmem>> -> memref<1x128xi32, #tpu.memory_space<vmem>>
        %dma_start3A_99 = tpu.memref_squeeze %dma_start3A_98 : memref<1x128xi32, #tpu.memory_space<vmem>> -> memref<128xi32, #tpu.memory_space<vmem>>
        %dma_start3A_100 = arith.constant 0 : i32
        %dma_start3A_101 = arith.constant 0 : i32
        %dma_start3A_102 = tpu.memref_slice %arg2[%dma_start3A_100, %dma_start3A_101] : memref<10000x128xf32, #tpu.memory_space<hbm>> -> memref<10000x128xf32, #tpu.memory_space<hbm>>
        tpu.enqueue_indirect_dma source(%dma_start3A_102 : memref<10000x128xf32, #tpu.memory_space<hbm>>) target(%arg10 : memref<128x128xf32, #tpu.memory_space<vmem>>) offsets(%dma_start3A_99 : memref<128xi32, #tpu.memory_space<vmem>>) semaphore(%arg13 : memref<!tpu.dma_semaphore, #tpu.memory_space<semaphore_mem>>)
        %scan3A_103 = arith.constant 0 : i32
        scf.yield %scan3A_103 : i32
      }
      %scan3A_51 = arith.constant 3 : i32
      %dma_wait3A = arith.constant 6 : i32
      %dma_wait3A_52 = arith.constant 0 : i32
      %dma_wait3A_53 = tpu.memref_slice %arg7[%dma_wait3A, %dma_wait3A_52] : memref<8x128xi32, #tpu.memory_space<vmem>> -> memref<1x128xi32, #tpu.memory_space<vmem>>
      %dma_wait3A_54 = tpu.memref_squeeze %dma_wait3A_53 : memref<1x128xi32, #tpu.memory_space<vmem>> -> memref<128xi32, #tpu.memory_space<vmem>>
      %dma_wait3A_55 = arith.constant 0 : i32
      %dma_wait3A_56 = arith.constant 0 : i32
      %dma_wait3A_57 = tpu.memref_slice %arg2[%dma_wait3A_55, %dma_wait3A_56] : memref<10000x128xf32, #tpu.memory_space<hbm>> -> memref<10000x128xf32, #tpu.memory_space<hbm>>
      tpu.wait_indirect_dma semaphore(%arg12 : memref<!tpu.dma_semaphore, #tpu.memory_space<semaphore_mem>>) src(%dma_wait3A_57 : memref<10000x128xf32, #tpu.memory_space<hbm>>) dst(%arg9 : memref<128x128xf32, #tpu.memory_space<vmem>>)
      %run_scoped3A = arith.constant 6 : i32
      "tpu.region"() ({
        %run_scoped3A_67 = tpu.sem_alloc : memref<!tpu.dma_semaphore, #tpu.memory_space<semaphore_mem>>
        %dma_start3A_68 = arith.constant 0 : i32
        %dma_start3A_69 = tpu.memref_slice %arg8[%run_scoped3A, %dma_start3A_68] : memref<8x128xi32, #tpu.memory_space<vmem>> -> memref<1x128xi32, #tpu.memory_space<vmem>>
        %dma_start3A_70 = tpu.memref_squeeze %dma_start3A_69 : memref<1x128xi32, #tpu.memory_space<vmem>> -> memref<128xi32, #tpu.memory_space<vmem>>
        %dma_start3A_71 = arith.constant 0 : i32
        %dma_start3A_72 = arith.constant 0 : i32
        %dma_start3A_73 = tpu.memref_slice %arg11[%dma_start3A_71, %dma_start3A_72] : memref<10112x128xf32, #tpu.memory_space<vmem_shared>> -> memref<10112x128xf32, #tpu.memory_space<vmem_shared>>
        tpu.enqueue_indirect_dma source(%arg9 : memref<128x128xf32, #tpu.memory_space<vmem>>) target(%dma_start3A_73 : memref<10112x128xf32, #tpu.memory_space<vmem_shared>>) offsets(%dma_start3A_70 : memref<128xi32, #tpu.memory_space<vmem>>) semaphore(%run_scoped3A_67 : memref<!tpu.dma_semaphore, #tpu.memory_space<semaphore_mem>>) {add = true}
        %dma_wait3A_74 = arith.constant 0 : i32
        %dma_wait3A_75 = tpu.memref_slice %arg8[%run_scoped3A, %dma_wait3A_74] : memref<8x128xi32, #tpu.memory_space<vmem>> -> memref<1x128xi32, #tpu.memory_space<vmem>>
        %dma_wait3A_76 = tpu.memref_squeeze %dma_wait3A_75 : memref<1x128xi32, #tpu.memory_space<vmem>> -> memref<128xi32, #tpu.memory_space<vmem>>
        %dma_wait3A_77 = arith.constant 0 : i32
        %dma_wait3A_78 = arith.constant 0 : i32
        %dma_wait3A_79 = tpu.memref_slice %arg11[%dma_wait3A_77, %dma_wait3A_78] : memref<10112x128xf32, #tpu.memory_space<vmem_shared>> -> memref<10112x128xf32, #tpu.memory_space<vmem_shared>>
        tpu.wait_indirect_dma semaphore(%run_scoped3A_67 : memref<!tpu.dma_semaphore, #tpu.memory_space<semaphore_mem>>) src(%arg9 : memref<128x128xf32, #tpu.memory_space<vmem>>) dst(%dma_wait3A_79 : memref<10112x128xf32, #tpu.memory_space<vmem_shared>>)
        tpu.yield
      }) : () -> ()
      %dma_wait3A_58 = arith.constant 7 : i32
      %dma_wait3A_59 = arith.constant 0 : i32
      %dma_wait3A_60 = tpu.memref_slice %arg7[%dma_wait3A_58, %dma_wait3A_59] : memref<8x128xi32, #tpu.memory_space<vmem>> -> memref<1x128xi32, #tpu.memory_space<vmem>>
      %dma_wait3A_61 = tpu.memref_squeeze %dma_wait3A_60 : memref<1x128xi32, #tpu.memory_space<vmem>> -> memref<128xi32, #tpu.memory_space<vmem>>
      %dma_wait3A_62 = arith.constant 0 : i32
      %dma_wait3A_63 = arith.constant 0 : i32
      %dma_wait3A_64 = tpu.memref_slice %arg2[%dma_wait3A_62, %dma_wait3A_63] : memref<10000x128xf32, #tpu.memory_space<hbm>> -> memref<10000x128xf32, #tpu.memory_space<hbm>>
      tpu.wait_indirect_dma semaphore(%arg13 : memref<!tpu.dma_semaphore, #tpu.memory_space<semaphore_mem>>) src(%dma_wait3A_64 : memref<10000x128xf32, #tpu.memory_space<hbm>>) dst(%arg10 : memref<128x128xf32, #tpu.memory_space<vmem>>)
      %run_scoped3A_65 = arith.constant 7 : i32
      "tpu.region"() ({
        %run_scoped3A_67 = tpu.sem_alloc : memref<!tpu.dma_semaphore, #tpu.memory_space<semaphore_mem>>
        %dma_start3A_68 = arith.constant 0 : i32
        %dma_start3A_69 = tpu.memref_slice %arg8[%run_scoped3A_65, %dma_start3A_68] : memref<8x128xi32, #tpu.memory_space<vmem>> -> memref<1x128xi32, #tpu.memory_space<vmem>>
        %dma_start3A_70 = tpu.memref_squeeze %dma_start3A_69 : memref<1x128xi32, #tpu.memory_space<vmem>> -> memref<128xi32, #tpu.memory_space<vmem>>
        %dma_start3A_71 = arith.constant 0 : i32
        %dma_start3A_72 = arith.constant 0 : i32
        %dma_start3A_73 = tpu.memref_slice %arg11[%dma_start3A_71, %dma_start3A_72] : memref<10112x128xf32, #tpu.memory_space<vmem_shared>> -> memref<10112x128xf32, #tpu.memory_space<vmem_shared>>
        tpu.enqueue_indirect_dma source(%arg10 : memref<128x128xf32, #tpu.memory_space<vmem>>) target(%dma_start3A_73 : memref<10112x128xf32, #tpu.memory_space<vmem_shared>>) offsets(%dma_start3A_70 : memref<128xi32, #tpu.memory_space<vmem>>) semaphore(%run_scoped3A_67 : memref<!tpu.dma_semaphore, #tpu.memory_space<semaphore_mem>>) {add = true}
        %dma_wait3A_74 = arith.constant 0 : i32
        %dma_wait3A_75 = tpu.memref_slice %arg8[%run_scoped3A_65, %dma_wait3A_74] : memref<8x128xi32, #tpu.memory_space<vmem>> -> memref<1x128xi32, #tpu.memory_space<vmem>>
        %dma_wait3A_76 = tpu.memref_squeeze %dma_wait3A_75 : memref<1x128xi32, #tpu.memory_space<vmem>> -> memref<128xi32, #tpu.memory_space<vmem>>
        %dma_wait3A_77 = arith.constant 0 : i32
        %dma_wait3A_78 = arith.constant 0 : i32
        %dma_wait3A_79 = tpu.memref_slice %arg11[%dma_wait3A_77, %dma_wait3A_78] : memref<10112x128xf32, #tpu.memory_space<vmem_shared>> -> memref<10112x128xf32, #tpu.memory_space<vmem_shared>>
        tpu.wait_indirect_dma semaphore(%run_scoped3A_67 : memref<!tpu.dma_semaphore, #tpu.memory_space<semaphore_mem>>) src(%arg10 : memref<128x128xf32, #tpu.memory_space<vmem>>) dst(%dma_wait3A_79 : memref<10112x128xf32, #tpu.memory_space<vmem_shared>>)
        tpu.yield
      }) : () -> ()
      %while3A_66 = arith.constant 0 : i32
      scf.yield %while3A_66 : i32
    }
    %while3A_18 = arith.constant 1 : i32
    %while3A_19 = scf.for %while3A_28 = %while3A_15 to %while3A_11 step %while3A_18 iter_args(%while3A_29 = %while3A_17) -> (i32)  : i32 {
      %mul3A_30 = arith.constant 8 : i32
      %mul3A_31 = arith.muli %while3A_28, %mul3A_30 : i32
      %add3A_32 = arith.addi %select_n3A_6, %mul3A_31 : i32
      %multiple_of3A = tpu.assume_multiple %add3A_32, 8 : i32
      "tpu.region"() ({
        %run_scoped3A_67 = tpu.sem_alloc : memref<!tpu.dma_semaphore, #tpu.memory_space<semaphore_mem>>
        %dma_start3A_68 = arith.constant 0 : i32
        %dma_start3A_69 = tpu.memref_slice %arg3[%multiple_of3A, %dma_start3A_68] : memref<2560x128xi32, #tpu.memory_space<hbm>> -> memref<8x128xi32, #tpu.memory_space<hbm>>
        %dma_start3A_70 = arith.constant 0 : i32
        %dma_start3A_71 = tpu.memref_slice %arg3[%multiple_of3A, %dma_start3A_70] : memref<2560x128xi32, #tpu.memory_space<hbm>> -> memref<8x128xi32, #tpu.memory_space<hbm>>
        tpu.enqueue_dma source(%dma_start3A_71 : memref<8x128xi32, #tpu.memory_space<hbm>>) target(%arg7 : memref<8x128xi32, #tpu.memory_space<vmem>>) target_semaphore(%run_scoped3A_67 : memref<!tpu.dma_semaphore, #tpu.memory_space<semaphore_mem>>)
        %dma_wait3A_72 = arith.constant 0 : i32
        %dma_wait3A_73 = tpu.memref_slice %arg3[%multiple_of3A, %dma_wait3A_72] : memref<2560x128xi32, #tpu.memory_space<hbm>> -> memref<8x128xi32, #tpu.memory_space<hbm>>
        %dma_wait3A_74 = arith.constant 0 : i32
        %dma_wait3A_75 = tpu.memref_slice %arg3[%multiple_of3A, %dma_wait3A_74] : memref<2560x128xi32, #tpu.memory_space<hbm>> -> memref<8x128xi32, #tpu.memory_space<hbm>>
        tpu.wait_dma2 semaphore(%run_scoped3A_67 : memref<!tpu.dma_semaphore, #tpu.memory_space<semaphore_mem>>) src(%dma_wait3A_75 : memref<8x128xi32, #tpu.memory_space<hbm>>) dst(%arg7 : memref<8x128xi32, #tpu.memory_space<vmem>>)
        tpu.yield
      }) : () -> ()
      "tpu.region"() ({
        %run_scoped3A_67 = tpu.sem_alloc : memref<!tpu.dma_semaphore, #tpu.memory_space<semaphore_mem>>
        %dma_start3A_68 = arith.constant 0 : i32
        %dma_start3A_69 = tpu.memref_slice %arg4[%multiple_of3A, %dma_start3A_68] : memref<2560x128xi32, #tpu.memory_space<hbm>> -> memref<8x128xi32, #tpu.memory_space<hbm>>
        %dma_start3A_70 = arith.constant 0 : i32
        %dma_start3A_71 = tpu.memref_slice %arg4[%multiple_of3A, %dma_start3A_70] : memref<2560x128xi32, #tpu.memory_space<hbm>> -> memref<8x128xi32, #tpu.memory_space<hbm>>
        tpu.enqueue_dma source(%dma_start3A_71 : memref<8x128xi32, #tpu.memory_space<hbm>>) target(%arg8 : memref<8x128xi32, #tpu.memory_space<vmem>>) target_semaphore(%run_scoped3A_67 : memref<!tpu.dma_semaphore, #tpu.memory_space<semaphore_mem>>)
        %dma_wait3A_72 = arith.constant 0 : i32
        %dma_wait3A_73 = tpu.memref_slice %arg4[%multiple_of3A, %dma_wait3A_72] : memref<2560x128xi32, #tpu.memory_space<hbm>> -> memref<8x128xi32, #tpu.memory_space<hbm>>
        %dma_wait3A_74 = arith.constant 0 : i32
        %dma_wait3A_75 = tpu.memref_slice %arg4[%multiple_of3A, %dma_wait3A_74] : memref<2560x128xi32, #tpu.memory_space<hbm>> -> memref<8x128xi32, #tpu.memory_space<hbm>>
        tpu.wait_dma2 semaphore(%run_scoped3A_67 : memref<!tpu.dma_semaphore, #tpu.memory_space<semaphore_mem>>) src(%dma_wait3A_75 : memref<8x128xi32, #tpu.memory_space<hbm>>) dst(%arg8 : memref<8x128xi32, #tpu.memory_space<vmem>>)
        tpu.yield
      }) : () -> ()
      %dma_start3A = arith.constant 0 : i32
      %dma_start3A_33 = arith.constant 0 : i32
      %dma_start3A_34 = tpu.memref_slice %arg7[%dma_start3A, %dma_start3A_33] : memref<8x128xi32, #tpu.memory_space<vmem>> -> memref<1x128xi32, #tpu.memory_space<vmem>>
      %dma_start3A_35 = tpu.memref_squeeze %dma_start3A_34 : memref<1x128xi32, #tpu.memory_space<vmem>> -> memref<128xi32, #tpu.memory_space<vmem>>
      %dma_start3A_36 = arith.constant 0 : i32
      %dma_start3A_37 = arith.constant 0 : i32
      %dma_start3A_38 = tpu.memref_slice %arg2[%dma_start3A_36, %dma_start3A_37] : memref<10000x128xf32, #tpu.memory_space<hbm>> -> memref<10000x128xf32, #tpu.memory_space<hbm>>
      tpu.enqueue_indirect_dma source(%dma_start3A_38 : memref<10000x128xf32, #tpu.memory_space<hbm>>) target(%arg9 : memref<128x128xf32, #tpu.memory_space<vmem>>) offsets(%dma_start3A_35 : memref<128xi32, #tpu.memory_space<vmem>>) semaphore(%arg12 : memref<!tpu.dma_semaphore, #tpu.memory_space<semaphore_mem>>)
      %dma_start3A_39 = arith.constant 1 : i32
      %dma_start3A_40 = arith.constant 0 : i32
      %dma_start3A_41 = tpu.memref_slice %arg7[%dma_start3A_39, %dma_start3A_40] : memref<8x128xi32, #tpu.memory_space<vmem>> -> memref<1x128xi32, #tpu.memory_space<vmem>>
      %dma_start3A_42 = tpu.memref_squeeze %dma_start3A_41 : memref<1x128xi32, #tpu.memory_space<vmem>> -> memref<128xi32, #tpu.memory_space<vmem>>
      %dma_start3A_43 = arith.constant 0 : i32
      %dma_start3A_44 = arith.constant 0 : i32
      %dma_start3A_45 = tpu.memref_slice %arg2[%dma_start3A_43, %dma_start3A_44] : memref<10000x128xf32, #tpu.memory_space<hbm>> -> memref<10000x128xf32, #tpu.memory_space<hbm>>
      tpu.enqueue_indirect_dma source(%dma_start3A_45 : memref<10000x128xf32, #tpu.memory_space<hbm>>) target(%arg10 : memref<128x128xf32, #tpu.memory_space<vmem>>) offsets(%dma_start3A_42 : memref<128xi32, #tpu.memory_space<vmem>>) semaphore(%arg13 : memref<!tpu.dma_semaphore, #tpu.memory_space<semaphore_mem>>)
      %scan3A = arith.constant 0 : i32
      %scan3A_46 = arith.constant 0 : i32
      %scan3A_47 = arith.constant 3 : i32
      %scan3A_48 = arith.addi %scan3A_46, %scan3A_47 : i32
      %scan3A_49 = arith.constant 1 : i32
      %scan3A_50 = scf.for %scan3A_67 = %scan3A_46 to %scan3A_48 step %scan3A_49 iter_args(%scan3A_68 = %scan3A) -> (i32)  : i32 {
        %mul3A_69 = arith.constant 2 : i32
        %mul3A_70 = arith.muli %mul3A_69, %scan3A_67 : i32
        %dma_wait3A_71 = arith.constant 0 : i32
        %dma_wait3A_72 = tpu.memref_slice %arg7[%mul3A_70, %dma_wait3A_71] : memref<8x128xi32, #tpu.memory_space<vmem>> -> memref<1x128xi32, #tpu.memory_space<vmem>>
        %dma_wait3A_73 = tpu.memref_squeeze %dma_wait3A_72 : memref<1x128xi32, #tpu.memory_space<vmem>> -> memref<128xi32, #tpu.memory_space<vmem>>
        %dma_wait3A_74 = arith.constant 0 : i32
        %dma_wait3A_75 = arith.constant 0 : i32
        %dma_wait3A_76 = tpu.memref_slice %arg2[%dma_wait3A_74, %dma_wait3A_75] : memref<10000x128xf32, #tpu.memory_space<hbm>> -> memref<10000x128xf32, #tpu.memory_space<hbm>>
        tpu.wait_indirect_dma semaphore(%arg12 : memref<!tpu.dma_semaphore, #tpu.memory_space<semaphore_mem>>) src(%dma_wait3A_76 : memref<10000x128xf32, #tpu.memory_space<hbm>>) dst(%arg9 : memref<128x128xf32, #tpu.memory_space<vmem>>)
        "tpu.region"() ({
          %run_scoped3A_104 = tpu.sem_alloc : memref<!tpu.dma_semaphore, #tpu.memory_space<semaphore_mem>>
          %dma_start3A_105 = arith.constant 0 : i32
          %dma_start3A_106 = tpu.memref_slice %arg8[%mul3A_70, %dma_start3A_105] : memref<8x128xi32, #tpu.memory_space<vmem>> -> memref<1x128xi32, #tpu.memory_space<vmem>>
          %dma_start3A_107 = tpu.memref_squeeze %dma_start3A_106 : memref<1x128xi32, #tpu.memory_space<vmem>> -> memref<128xi32, #tpu.memory_space<vmem>>
          %dma_start3A_108 = arith.constant 0 : i32
          %dma_start3A_109 = arith.constant 0 : i32
          %dma_start3A_110 = tpu.memref_slice %arg11[%dma_start3A_108, %dma_start3A_109] : memref<10112x128xf32, #tpu.memory_space<vmem_shared>> -> memref<10112x128xf32, #tpu.memory_space<vmem_shared>>
          tpu.enqueue_indirect_dma source(%arg9 : memref<128x128xf32, #tpu.memory_space<vmem>>) target(%dma_start3A_110 : memref<10112x128xf32, #tpu.memory_space<vmem_shared>>) offsets(%dma_start3A_107 : memref<128xi32, #tpu.memory_space<vmem>>) semaphore(%run_scoped3A_104 : memref<!tpu.dma_semaphore, #tpu.memory_space<semaphore_mem>>) {add = true}
          %dma_wait3A_111 = arith.constant 0 : i32
          %dma_wait3A_112 = tpu.memref_slice %arg8[%mul3A_70, %dma_wait3A_111] : memref<8x128xi32, #tpu.memory_space<vmem>> -> memref<1x128xi32, #tpu.memory_space<vmem>>
          %dma_wait3A_113 = tpu.memref_squeeze %dma_wait3A_112 : memref<1x128xi32, #tpu.memory_space<vmem>> -> memref<128xi32, #tpu.memory_space<vmem>>
          %dma_wait3A_114 = arith.constant 0 : i32
          %dma_wait3A_115 = arith.constant 0 : i32
          %dma_wait3A_116 = tpu.memref_slice %arg11[%dma_wait3A_114, %dma_wait3A_115] : memref<10112x128xf32, #tpu.memory_space<vmem_shared>> -> memref<10112x128xf32, #tpu.memory_space<vmem_shared>>
          tpu.wait_indirect_dma semaphore(%run_scoped3A_104 : memref<!tpu.dma_semaphore, #tpu.memory_space<semaphore_mem>>) src(%arg9 : memref<128x128xf32, #tpu.memory_space<vmem>>) dst(%dma_wait3A_116 : memref<10112x128xf32, #tpu.memory_space<vmem_shared>>)
          tpu.yield
        }) : () -> ()
        %add3A_77 = arith.constant 2 : i32
        %add3A_78 = arith.addi %mul3A_70, %add3A_77 : i32
        %dma_start3A_79 = arith.constant 0 : i32
        %dma_start3A_80 = tpu.memref_slice %arg7[%add3A_78, %dma_start3A_79] : memref<8x128xi32, #tpu.memory_space<vmem>> -> memref<1x128xi32, #tpu.memory_space<vmem>>
        %dma_start3A_81 = tpu.memref_squeeze %dma_start3A_80 : memref<1x128xi32, #tpu.memory_space<vmem>> -> memref<128xi32, #tpu.memory_space<vmem>>
        %dma_start3A_82 = arith.constant 0 : i32
        %dma_start3A_83 = arith.constant 0 : i32
        %dma_start3A_84 = tpu.memref_slice %arg2[%dma_start3A_82, %dma_start3A_83] : memref<10000x128xf32, #tpu.memory_space<hbm>> -> memref<10000x128xf32, #tpu.memory_space<hbm>>
        tpu.enqueue_indirect_dma source(%dma_start3A_84 : memref<10000x128xf32, #tpu.memory_space<hbm>>) target(%arg9 : memref<128x128xf32, #tpu.memory_space<vmem>>) offsets(%dma_start3A_81 : memref<128xi32, #tpu.memory_space<vmem>>) semaphore(%arg12 : memref<!tpu.dma_semaphore, #tpu.memory_space<semaphore_mem>>)
        %add3A_85 = arith.constant 1 : i32
        %add3A_86 = arith.addi %mul3A_70, %add3A_85 : i32
        %dma_wait3A_87 = arith.constant 0 : i32
        %dma_wait3A_88 = tpu.memref_slice %arg7[%add3A_86, %dma_wait3A_87] : memref<8x128xi32, #tpu.memory_space<vmem>> -> memref<1x128xi32, #tpu.memory_space<vmem>>
        %dma_wait3A_89 = tpu.memref_squeeze %dma_wait3A_88 : memref<1x128xi32, #tpu.memory_space<vmem>> -> memref<128xi32, #tpu.memory_space<vmem>>
        %dma_wait3A_90 = arith.constant 0 : i32
        %dma_wait3A_91 = arith.constant 0 : i32
        %dma_wait3A_92 = tpu.memref_slice %arg2[%dma_wait3A_90, %dma_wait3A_91] : memref<10000x128xf32, #tpu.memory_space<hbm>> -> memref<10000x128xf32, #tpu.memory_space<hbm>>
        tpu.wait_indirect_dma semaphore(%arg13 : memref<!tpu.dma_semaphore, #tpu.memory_space<semaphore_mem>>) src(%dma_wait3A_92 : memref<10000x128xf32, #tpu.memory_space<hbm>>) dst(%arg10 : memref<128x128xf32, #tpu.memory_space<vmem>>)
        %add3A_93 = arith.constant 1 : i32
        %add3A_94 = arith.addi %mul3A_70, %add3A_93 : i32
        "tpu.region"() ({
          %run_scoped3A_104 = tpu.sem_alloc : memref<!tpu.dma_semaphore, #tpu.memory_space<semaphore_mem>>
          %dma_start3A_105 = arith.constant 0 : i32
          %dma_start3A_106 = tpu.memref_slice %arg8[%add3A_94, %dma_start3A_105] : memref<8x128xi32, #tpu.memory_space<vmem>> -> memref<1x128xi32, #tpu.memory_space<vmem>>
          %dma_start3A_107 = tpu.memref_squeeze %dma_start3A_106 : memref<1x128xi32, #tpu.memory_space<vmem>> -> memref<128xi32, #tpu.memory_space<vmem>>
          %dma_start3A_108 = arith.constant 0 : i32
          %dma_start3A_109 = arith.constant 0 : i32
          %dma_start3A_110 = tpu.memref_slice %arg11[%dma_start3A_108, %dma_start3A_109] : memref<10112x128xf32, #tpu.memory_space<vmem_shared>> -> memref<10112x128xf32, #tpu.memory_space<vmem_shared>>
          tpu.enqueue_indirect_dma source(%arg10 : memref<128x128xf32, #tpu.memory_space<vmem>>) target(%dma_start3A_110 : memref<10112x128xf32, #tpu.memory_space<vmem_shared>>) offsets(%dma_start3A_107 : memref<128xi32, #tpu.memory_space<vmem>>) semaphore(%run_scoped3A_104 : memref<!tpu.dma_semaphore, #tpu.memory_space<semaphore_mem>>) {add = true}
          %dma_wait3A_111 = arith.constant 0 : i32
          %dma_wait3A_112 = tpu.memref_slice %arg8[%add3A_94, %dma_wait3A_111] : memref<8x128xi32, #tpu.memory_space<vmem>> -> memref<1x128xi32, #tpu.memory_space<vmem>>
          %dma_wait3A_113 = tpu.memref_squeeze %dma_wait3A_112 : memref<1x128xi32, #tpu.memory_space<vmem>> -> memref<128xi32, #tpu.memory_space<vmem>>
          %dma_wait3A_114 = arith.constant 0 : i32
          %dma_wait3A_115 = arith.constant 0 : i32
          %dma_wait3A_116 = tpu.memref_slice %arg11[%dma_wait3A_114, %dma_wait3A_115] : memref<10112x128xf32, #tpu.memory_space<vmem_shared>> -> memref<10112x128xf32, #tpu.memory_space<vmem_shared>>
          tpu.wait_indirect_dma semaphore(%run_scoped3A_104 : memref<!tpu.dma_semaphore, #tpu.memory_space<semaphore_mem>>) src(%arg10 : memref<128x128xf32, #tpu.memory_space<vmem>>) dst(%dma_wait3A_116 : memref<10112x128xf32, #tpu.memory_space<vmem_shared>>)
          tpu.yield
        }) : () -> ()
        %add3A_95 = arith.constant 3 : i32
        %add3A_96 = arith.addi %mul3A_70, %add3A_95 : i32
        %dma_start3A_97 = arith.constant 0 : i32
        %dma_start3A_98 = tpu.memref_slice %arg7[%add3A_96, %dma_start3A_97] : memref<8x128xi32, #tpu.memory_space<vmem>> -> memref<1x128xi32, #tpu.memory_space<vmem>>
        %dma_start3A_99 = tpu.memref_squeeze %dma_start3A_98 : memref<1x128xi32, #tpu.memory_space<vmem>> -> memref<128xi32, #tpu.memory_space<vmem>>
        %dma_start3A_100 = arith.constant 0 : i32
        %dma_start3A_101 = arith.constant 0 : i32
        %dma_start3A_102 = tpu.memref_slice %arg2[%dma_start3A_100, %dma_start3A_101] : memref<10000x128xf32, #tpu.memory_space<hbm>> -> memref<10000x128xf32, #tpu.memory_space<hbm>>
        tpu.enqueue_indirect_dma source(%dma_start3A_102 : memref<10000x128xf32, #tpu.memory_space<hbm>>) target(%arg10 : memref<128x128xf32, #tpu.memory_space<vmem>>) offsets(%dma_start3A_99 : memref<128xi32, #tpu.memory_space<vmem>>) semaphore(%arg13 : memref<!tpu.dma_semaphore, #tpu.memory_space<semaphore_mem>>)
        %scan3A_103 = arith.constant 0 : i32
        scf.yield %scan3A_103 : i32
      }
      %scan3A_51 = arith.constant 3 : i32
      %dma_wait3A = arith.constant 6 : i32
      %dma_wait3A_52 = arith.constant 0 : i32
      %dma_wait3A_53 = tpu.memref_slice %arg7[%dma_wait3A, %dma_wait3A_52] : memref<8x128xi32, #tpu.memory_space<vmem>> -> memref<1x128xi32, #tpu.memory_space<vmem>>
      %dma_wait3A_54 = tpu.memref_squeeze %dma_wait3A_53 : memref<1x128xi32, #tpu.memory_space<vmem>> -> memref<128xi32, #tpu.memory_space<vmem>>
      %dma_wait3A_55 = arith.constant 0 : i32
      %dma_wait3A_56 = arith.constant 0 : i32
      %dma_wait3A_57 = tpu.memref_slice %arg2[%dma_wait3A_55, %dma_wait3A_56] : memref<10000x128xf32, #tpu.memory_space<hbm>> -> memref<10000x128xf32, #tpu.memory_space<hbm>>
      tpu.wait_indirect_dma semaphore(%arg12 : memref<!tpu.dma_semaphore, #tpu.memory_space<semaphore_mem>>) src(%dma_wait3A_57 : memref<10000x128xf32, #tpu.memory_space<hbm>>) dst(%arg9 : memref<128x128xf32, #tpu.memory_space<vmem>>)
      %run_scoped3A = arith.constant 6 : i32
      "tpu.region"() ({
        %run_scoped3A_67 = tpu.sem_alloc : memref<!tpu.dma_semaphore, #tpu.memory_space<semaphore_mem>>
        %dma_start3A_68 = arith.constant 0 : i32
        %dma_start3A_69 = tpu.memref_slice %arg8[%run_scoped3A, %dma_start3A_68] : memref<8x128xi32, #tpu.memory_space<vmem>> -> memref<1x128xi32, #tpu.memory_space<vmem>>
        %dma_start3A_70 = tpu.memref_squeeze %dma_start3A_69 : memref<1x128xi32, #tpu.memory_space<vmem>> -> memref<128xi32, #tpu.memory_space<vmem>>
        %dma_start3A_71 = arith.constant 0 : i32
        %dma_start3A_72 = arith.constant 0 : i32
        %dma_start3A_73 = tpu.memref_slice %arg11[%dma_start3A_71, %dma_start3A_72] : memref<10112x128xf32, #tpu.memory_space<vmem_shared>> -> memref<10112x128xf32, #tpu.memory_space<vmem_shared>>
        tpu.enqueue_indirect_dma source(%arg9 : memref<128x128xf32, #tpu.memory_space<vmem>>) target(%dma_start3A_73 : memref<10112x128xf32, #tpu.memory_space<vmem_shared>>) offsets(%dma_start3A_70 : memref<128xi32, #tpu.memory_space<vmem>>) semaphore(%run_scoped3A_67 : memref<!tpu.dma_semaphore, #tpu.memory_space<semaphore_mem>>) {add = true}
        %dma_wait3A_74 = arith.constant 0 : i32
        %dma_wait3A_75 = tpu.memref_slice %arg8[%run_scoped3A, %dma_wait3A_74] : memref<8x128xi32, #tpu.memory_space<vmem>> -> memref<1x128xi32, #tpu.memory_space<vmem>>
        %dma_wait3A_76 = tpu.memref_squeeze %dma_wait3A_75 : memref<1x128xi32, #tpu.memory_space<vmem>> -> memref<128xi32, #tpu.memory_space<vmem>>
        %dma_wait3A_77 = arith.constant 0 : i32
        %dma_wait3A_78 = arith.constant 0 : i32
        %dma_wait3A_79 = tpu.memref_slice %arg11[%dma_wait3A_77, %dma_wait3A_78] : memref<10112x128xf32, #tpu.memory_space<vmem_shared>> -> memref<10112x128xf32, #tpu.memory_space<vmem_shared>>
        tpu.wait_indirect_dma semaphore(%run_scoped3A_67 : memref<!tpu.dma_semaphore, #tpu.memory_space<semaphore_mem>>) src(%arg9 : memref<128x128xf32, #tpu.memory_space<vmem>>) dst(%dma_wait3A_79 : memref<10112x128xf32, #tpu.memory_space<vmem_shared>>)
        tpu.yield
      }) : () -> ()
      %dma_wait3A_58 = arith.constant 7 : i32
      %dma_wait3A_59 = arith.constant 0 : i32
      %dma_wait3A_60 = tpu.memref_slice %arg7[%dma_wait3A_58, %dma_wait3A_59] : memref<8x128xi32, #tpu.memory_space<vmem>> -> memref<1x128xi32, #tpu.memory_space<vmem>>
      %dma_wait3A_61 = tpu.memref_squeeze %dma_wait3A_60 : memref<1x128xi32, #tpu.memory_space<vmem>> -> memref<128xi32, #tpu.memory_space<vmem>>
      %dma_wait3A_62 = arith.constant 0 : i32
      %dma_wait3A_63 = arith.constant 0 : i32
      %dma_wait3A_64 = tpu.memref_slice %arg2[%dma_wait3A_62, %dma_wait3A_63] : memref<10000x128xf32, #tpu.memory_space<hbm>> -> memref<10000x128xf32, #tpu.memory_space<hbm>>
      tpu.wait_indirect_dma semaphore(%arg13 : memref<!tpu.dma_semaphore, #tpu.memory_space<semaphore_mem>>) src(%dma_wait3A_64 : memref<10000x128xf32, #tpu.memory_space<hbm>>) dst(%arg10 : memref<128x128xf32, #tpu.memory_space<vmem>>)
      %run_scoped3A_65 = arith.constant 7 : i32
      "tpu.region"() ({
        %run_scoped3A_67 = tpu.sem_alloc : memref<!tpu.dma_semaphore, #tpu.memory_space<semaphore_mem>>
        %dma_start3A_68 = arith.constant 0 : i32
        %dma_start3A_69 = tpu.memref_slice %arg8[%run_scoped3A_65, %dma_start3A_68] : memref<8x128xi32, #tpu.memory_space<vmem>> -> memref<1x128xi32, #tpu.memory_space<vmem>>
        %dma_start3A_70 = tpu.memref_squeeze %dma_start3A_69 : memref<1x128xi32, #tpu.memory_space<vmem>> -> memref<128xi32, #tpu.memory_space<vmem>>
        %dma_start3A_71 = arith.constant 0 : i32
        %dma_start3A_72 = arith.constant 0 : i32
        %dma_start3A_73 = tpu.memref_slice %arg11[%dma_start3A_71, %dma_start3A_72] : memref<10112x128xf32, #tpu.memory_space<vmem_shared>> -> memref<10112x128xf32, #tpu.memory_space<vmem_shared>>
        tpu.enqueue_indirect_dma source(%arg10 : memref<128x128xf32, #tpu.memory_space<vmem>>) target(%dma_start3A_73 : memref<10112x128xf32, #tpu.memory_space<vmem_shared>>) offsets(%dma_start3A_70 : memref<128xi32, #tpu.memory_space<vmem>>) semaphore(%run_scoped3A_67 : memref<!tpu.dma_semaphore, #tpu.memory_space<semaphore_mem>>) {add = true}
        %dma_wait3A_74 = arith.constant 0 : i32
        %dma_wait3A_75 = tpu.memref_slice %arg8[%run_scoped3A_65, %dma_wait3A_74] : memref<8x128xi32, #tpu.memory_space<vmem>> -> memref<1x128xi32, #tpu.memory_space<vmem>>
        %dma_wait3A_76 = tpu.memref_squeeze %dma_wait3A_75 : memref<1x128xi32, #tpu.memory_space<vmem>> -> memref<128xi32, #tpu.memory_space<vmem>>
        %dma_wait3A_77 = arith.constant 0 : i32
        %dma_wait3A_78 = arith.constant 0 : i32
        %dma_wait3A_79 = tpu.memref_slice %arg11[%dma_wait3A_77, %dma_wait3A_78] : memref<10112x128xf32, #tpu.memory_space<vmem_shared>> -> memref<10112x128xf32, #tpu.memory_space<vmem_shared>>
        tpu.wait_indirect_dma semaphore(%run_scoped3A_67 : memref<!tpu.dma_semaphore, #tpu.memory_space<semaphore_mem>>) src(%arg10 : memref<128x128xf32, #tpu.memory_space<vmem>>) dst(%dma_wait3A_79 : memref<10112x128xf32, #tpu.memory_space<vmem_shared>>)
        tpu.yield
      }) : () -> ()
      %while3A_66 = arith.constant 0 : i32
      scf.yield %while3A_66 : i32
    }
    %barrier3A_20 = arith.constant 0 : index
    tpu.barrier barrier_id(%barrier3A_20)
    %mul3A_21 = arith.constant 624 : i32
    %mul3A_22 = arith.muli %arg1, %mul3A_21 : i32
    %mul3A_23 = arith.constant 624 : i32
    %mul3A_24 = arith.muli %arg1, %mul3A_23 : i32
    "tpu.region"() ({
      %run_scoped3A = tpu.sem_alloc : memref<!tpu.dma_semaphore, #tpu.memory_space<semaphore_mem>>
      %dma_start3A = arith.constant 0 : i32
      %dma_start3A_28 = tpu.memref_slice %arg6[%arg0, %mul3A_24, %dma_start3A] : memref<2x10000x128xf32, #tpu.memory_space<hbm>> -> memref<1x624x128xf32, #tpu.memory_space<hbm>>
      %dma_start3A_29 = tpu.memref_squeeze %dma_start3A_28 : memref<1x624x128xf32, #tpu.memory_space<hbm>> -> memref<624x128xf32, #tpu.memory_space<hbm>>
      %dma_start3A_30 = arith.constant 0 : i32
      %dma_start3A_31 = tpu.memref_slice %arg11[%mul3A_22, %dma_start3A_30] : memref<10112x128xf32, #tpu.memory_space<vmem_shared>> -> memref<624x128xf32, #tpu.memory_space<vmem_shared>>
      tpu.enqueue_dma source(%dma_start3A_31 : memref<624x128xf32, #tpu.memory_space<vmem_shared>>) target(%dma_start3A_29 : memref<624x128xf32, #tpu.memory_space<hbm>>) target_semaphore(%run_scoped3A : memref<!tpu.dma_semaphore, #tpu.memory_space<semaphore_mem>>)
      %dma_wait3A = arith.constant 0 : i32
      %dma_wait3A_32 = tpu.memref_slice %arg6[%arg0, %mul3A_24, %dma_wait3A] : memref<2x10000x128xf32, #tpu.memory_space<hbm>> -> memref<1x624x128xf32, #tpu.memory_space<hbm>>
      %dma_wait3A_33 = tpu.memref_squeeze %dma_wait3A_32 : memref<1x624x128xf32, #tpu.memory_space<hbm>> -> memref<624x128xf32, #tpu.memory_space<hbm>>
      %dma_wait3A_34 = arith.constant 0 : i32
      %dma_wait3A_35 = tpu.memref_slice %arg11[%mul3A_22, %dma_wait3A_34] : memref<10112x128xf32, #tpu.memory_space<vmem_shared>> -> memref<624x128xf32, #tpu.memory_space<vmem_shared>>
      tpu.wait_dma2 semaphore(%run_scoped3A : memref<!tpu.dma_semaphore, #tpu.memory_space<semaphore_mem>>) src(%dma_wait3A_35 : memref<624x128xf32, #tpu.memory_space<vmem_shared>>) dst(%dma_wait3A_33 : memref<624x128xf32, #tpu.memory_space<hbm>>)
      tpu.yield
    }) : () -> ()
    %eq3A_25 = arith.constant 15 : i32
    %eq3A_26 = arith.cmpi eq, %arg1, %eq3A_25 : i32
    %convert_element_type3A = arith.extui %eq3A_26 : i1 to i32
    %cond3A = arith.constant 0 : i32
    %cond3A_27 = arith.cmpi ne, %convert_element_type3A, %cond3A : i32
    scf.if %cond3A_27 {
      "tpu.region"() ({
        %run_scoped3A = tpu.sem_alloc : memref<!tpu.dma_semaphore, #tpu.memory_space<semaphore_mem>>
        %dma_start3A = arith.constant 9984 : i32
        %dma_start3A_28 = arith.constant 0 : i32
        %dma_start3A_29 = tpu.memref_slice %arg6[%arg0, %dma_start3A, %dma_start3A_28] : memref<2x10000x128xf32, #tpu.memory_space<hbm>> -> memref<1x16x128xf32, #tpu.memory_space<hbm>>
        %dma_start3A_30 = tpu.memref_squeeze %dma_start3A_29 : memref<1x16x128xf32, #tpu.memory_space<hbm>> -> memref<16x128xf32, #tpu.memory_space<hbm>>
        %dma_start3A_31 = arith.constant 9984 : i32
        %dma_start3A_32 = arith.constant 0 : i32
        %dma_start3A_33 = tpu.memref_slice %arg11[%dma_start3A_31, %dma_start3A_32] : memref<10112x128xf32, #tpu.memory_space<vmem_shared>> -> memref<16x128xf32, #tpu.memory_space<vmem_shared>>
        tpu.enqueue_dma source(%dma_start3A_33 : memref<16x128xf32, #tpu.memory_space<vmem_shared>>) target(%dma_start3A_30 : memref<16x128xf32, #tpu.memory_space<hbm>>) target_semaphore(%run_scoped3A : memref<!tpu.dma_semaphore, #tpu.memory_space<semaphore_mem>>)
        %dma_wait3A = arith.constant 9984 : i32
        %dma_wait3A_34 = arith.constant 0 : i32
        %dma_wait3A_35 = tpu.memref_slice %arg6[%arg0, %dma_wait3A, %dma_wait3A_34] : memref<2x10000x128xf32, #tpu.memory_space<hbm>> -> memref<1x16x128xf32, #tpu.memory_space<hbm>>
        %dma_wait3A_36 = tpu.memref_squeeze %dma_wait3A_35 : memref<1x16x128xf32, #tpu.memory_space<hbm>> -> memref<16x128xf32, #tpu.memory_space<hbm>>
        %dma_wait3A_37 = arith.constant 9984 : i32
        %dma_wait3A_38 = arith.constant 0 : i32
        %dma_wait3A_39 = tpu.memref_slice %arg11[%dma_wait3A_37, %dma_wait3A_38] : memref<10112x128xf32, #tpu.memory_space<vmem_shared>> -> memref<16x128xf32, #tpu.memory_space<vmem_shared>>
        tpu.wait_dma2 semaphore(%run_scoped3A : memref<!tpu.dma_semaphore, #tpu.memory_space<semaphore_mem>>) src(%dma_wait3A_39 : memref<16x128xf32, #tpu.memory_space<vmem_shared>>) dst(%dma_wait3A_36 : memref<16x128xf32, #tpu.memory_space<hbm>>)
        tpu.yield
      }) : () -> ()
    } else {
    }
    return
  }
}

#map = affine_map<(d0, d1) -> (0, 0)>
#map1 = affine_map<(d0, d1) -> (0, 0, 0)>
module attributes {stable_mosaic.version = 14 : i64} {
  func.func @_sc_spmm(%arg0: i32, %arg1: i32, %arg2: memref<10000x128xf32, #tpu.memory_space<hbm>>, %arg3: memref<2560x128xi32, #tpu.memory_space<hbm>>, %arg4: memref<2560x128xi32, #tpu.memory_space<hbm>>, %arg5: memref<632x128xf32, #tpu.memory_space<hbm>>, %arg6: memref<2x10000x128xf32, #tpu.memory_space<hbm>>, %arg7: memref<8x128xi32, #tpu.memory_space<vmem>>, %arg8: memref<8x128xi32, #tpu.memory_space<vmem>>, %arg9: memref<128x128xf32, #tpu.memory_space<vmem>>, %arg10: memref<128x128xf32, #tpu.memory_space<vmem>>, %arg11: memref<10112x128xf32, #tpu.memory_space<vmem_shared>>, %arg12: memref<!tpu.dma_semaphore, #tpu.memory_space<semaphore_mem>>, %arg13: memref<!tpu.dma_semaphore, #tpu.memory_space<semaphore_mem>>) attributes {dimension_semantics = [#tpu.dimension_semantics<core_parallel>, #tpu.dimension_semantics<subcore_parallel>], iteration_bounds = array<i64: 2, 16>, scalar_prefetch = 0 : i64, scratch_operands = 7 : i64, tpu.core_type = #tpu.core_type<sc_vector_subcore>, window_params = [{transform_indices = #map}, {transform_indices = #map}, {transform_indices = #map}, {transform_indices = #map}, {transform_indices = #map1}]} {
    %eq3A = arith.constant 1 : i32
    %eq3A_0 = arith.cmpi eq, %arg0, %eq3A : i32
    %jit3A = arith.constant 19 : i32
    %jit3A_1 = arith.constant 1 : i32
    %select_n3A = arith.select %eq3A_0, %jit3A, %jit3A_1 : i32
    %mul3A = arith.constant 152 : i32
    %mul3A_2 = arith.muli %arg1, %mul3A : i32
    %mul3A_3 = arith.constant 8 : i32
    %mul3A_4 = arith.muli %arg1, %mul3A_3 : i32
    %add3A = arith.constant 2432 : i32
    %add3A_5 = arith.addi %add3A, %mul3A_4 : i32
    %select_n3A_6 = arith.select %eq3A_0, %mul3A_2, %add3A_5 : i32
    %mul3A_7 = arith.constant 632 : i32
    %mul3A_8 = arith.muli %arg1, %mul3A_7 : i32
    "tpu.region"() ({
      %run_scoped3A = tpu.sem_alloc : memref<!tpu.dma_semaphore, #tpu.memory_space<semaphore_mem>>
      %dma_start3A = arith.constant 0 : i32
      %dma_start3A_28 = tpu.memref_slice %arg11[%mul3A_8, %dma_start3A] : memref<10112x128xf32, #tpu.memory_space<vmem_shared>> -> memref<632x128xf32, #tpu.memory_space<vmem_shared>>
      tpu.enqueue_dma source(%arg5 : memref<632x128xf32, #tpu.memory_space<hbm>>) target(%dma_start3A_28 : memref<632x128xf32, #tpu.memory_space<vmem_shared>>) target_semaphore(%run_scoped3A : memref<!tpu.dma_semaphore, #tpu.memory_space<semaphore_mem>>)
      %dma_wait3A = arith.constant 0 : i32
      %dma_wait3A_29 = tpu.memref_slice %arg11[%mul3A_8, %dma_wait3A] : memref<10112x128xf32, #tpu.memory_space<vmem_shared>> -> memref<632x128xf32, #tpu.memory_space<vmem_shared>>
      tpu.wait_dma2 semaphore(%run_scoped3A : memref<!tpu.dma_semaphore, #tpu.memory_space<semaphore_mem>>) src(%arg5 : memref<632x128xf32, #tpu.memory_space<hbm>>) dst(%dma_wait3A_29 : memref<632x128xf32, #tpu.memory_space<vmem_shared>>)
      tpu.yield
    }) : () -> ()
    %barrier3A = arith.constant 0 : index
    tpu.barrier barrier_id(%barrier3A)
    %while3A = arith.constant 0 : i32
    %while3A_9 = arith.constant 0 : i32
    %while3A_10 = arith.subi %select_n3A, %while3A : i32
    %while3A_11 = arith.addi %while3A, %while3A_10 : i32
    %while3A_12 = arith.constant 1 : i32
    %while3A_13 = arith.divsi %while3A_10, %while3A_12 : i32
    %while3A_14 = arith.muli %while3A_13, %while3A_12 : i32
    %while3A_15 = arith.addi %while3A, %while3A_14 : i32
    %while3A_16 = arith.constant 1 : i32
    %while3A_17 = scf.for %while3A_28 = %while3A to %while3A_15 step %while3A_16 iter_args(%while3A_29 = %while3A_9) -> (i32)  : i32 {
      %mul3A_30 = arith.constant 8 : i32
      %mul3A_31 = arith.muli %while3A_28, %mul3A_30 : i32
      %add3A_32 = arith.addi %select_n3A_6, %mul3A_31 : i32
      %multiple_of3A = tpu.assume_multiple %add3A_32, 8 : i32
      "tpu.region"() ({
        %run_scoped3A_67 = tpu.sem_alloc : memref<!tpu.dma_semaphore, #tpu.memory_space<semaphore_mem>>
        %dma_start3A_68 = arith.constant 0 : i32
        %dma_start3A_69 = tpu.memref_slice %arg3[%multiple_of3A, %dma_start3A_68] : memref<2560x128xi32, #tpu.memory_space<hbm>> -> memref<8x128xi32, #tpu.memory_space<hbm>>
        %dma_start3A_70 = arith.constant 0 : i32
        %dma_start3A_71 = tpu.memref_slice %arg3[%multiple_of3A, %dma_start3A_70] : memref<2560x128xi32, #tpu.memory_space<hbm>> -> memref<8x128xi32, #tpu.memory_space<hbm>>
        tpu.enqueue_dma source(%dma_start3A_71 : memref<8x128xi32, #tpu.memory_space<hbm>>) target(%arg7 : memref<8x128xi32, #tpu.memory_space<vmem>>) target_semaphore(%run_scoped3A_67 : memref<!tpu.dma_semaphore, #tpu.memory_space<semaphore_mem>>)
        %dma_wait3A_72 = arith.constant 0 : i32
        %dma_wait3A_73 = tpu.memref_slice %arg3[%multiple_of3A, %dma_wait3A_72] : memref<2560x128xi32, #tpu.memory_space<hbm>> -> memref<8x128xi32, #tpu.memory_space<hbm>>
        %dma_wait3A_74 = arith.constant 0 : i32
        %dma_wait3A_75 = tpu.memref_slice %arg3[%multiple_of3A, %dma_wait3A_74] : memref<2560x128xi32, #tpu.memory_space<hbm>> -> memref<8x128xi32, #tpu.memory_space<hbm>>
        tpu.wait_dma2 semaphore(%run_scoped3A_67 : memref<!tpu.dma_semaphore, #tpu.memory_space<semaphore_mem>>) src(%dma_wait3A_75 : memref<8x128xi32, #tpu.memory_space<hbm>>) dst(%arg7 : memref<8x128xi32, #tpu.memory_space<vmem>>)
        tpu.yield
      }) : () -> ()
      "tpu.region"() ({
        %run_scoped3A_67 = tpu.sem_alloc : memref<!tpu.dma_semaphore, #tpu.memory_space<semaphore_mem>>
        %dma_start3A_68 = arith.constant 0 : i32
        %dma_start3A_69 = tpu.memref_slice %arg4[%multiple_of3A, %dma_start3A_68] : memref<2560x128xi32, #tpu.memory_space<hbm>> -> memref<8x128xi32, #tpu.memory_space<hbm>>
        %dma_start3A_70 = arith.constant 0 : i32
        %dma_start3A_71 = tpu.memref_slice %arg4[%multiple_of3A, %dma_start3A_70] : memref<2560x128xi32, #tpu.memory_space<hbm>> -> memref<8x128xi32, #tpu.memory_space<hbm>>
        tpu.enqueue_dma source(%dma_start3A_71 : memref<8x128xi32, #tpu.memory_space<hbm>>) target(%arg8 : memref<8x128xi32, #tpu.memory_space<vmem>>) target_semaphore(%run_scoped3A_67 : memref<!tpu.dma_semaphore, #tpu.memory_space<semaphore_mem>>)
        %dma_wait3A_72 = arith.constant 0 : i32
        %dma_wait3A_73 = tpu.memref_slice %arg4[%multiple_of3A, %dma_wait3A_72] : memref<2560x128xi32, #tpu.memory_space<hbm>> -> memref<8x128xi32, #tpu.memory_space<hbm>>
        %dma_wait3A_74 = arith.constant 0 : i32
        %dma_wait3A_75 = tpu.memref_slice %arg4[%multiple_of3A, %dma_wait3A_74] : memref<2560x128xi32, #tpu.memory_space<hbm>> -> memref<8x128xi32, #tpu.memory_space<hbm>>
        tpu.wait_dma2 semaphore(%run_scoped3A_67 : memref<!tpu.dma_semaphore, #tpu.memory_space<semaphore_mem>>) src(%dma_wait3A_75 : memref<8x128xi32, #tpu.memory_space<hbm>>) dst(%arg8 : memref<8x128xi32, #tpu.memory_space<vmem>>)
        tpu.yield
      }) : () -> ()
      %dma_start3A = arith.constant 0 : i32
      %dma_start3A_33 = arith.constant 0 : i32
      %dma_start3A_34 = tpu.memref_slice %arg7[%dma_start3A, %dma_start3A_33] : memref<8x128xi32, #tpu.memory_space<vmem>> -> memref<1x128xi32, #tpu.memory_space<vmem>>
      %dma_start3A_35 = tpu.memref_squeeze %dma_start3A_34 : memref<1x128xi32, #tpu.memory_space<vmem>> -> memref<128xi32, #tpu.memory_space<vmem>>
      %dma_start3A_36 = arith.constant 0 : i32
      %dma_start3A_37 = arith.constant 0 : i32
      %dma_start3A_38 = tpu.memref_slice %arg2[%dma_start3A_36, %dma_start3A_37] : memref<10000x128xf32, #tpu.memory_space<hbm>> -> memref<10000x128xf32, #tpu.memory_space<hbm>>
      tpu.enqueue_indirect_dma source(%dma_start3A_38 : memref<10000x128xf32, #tpu.memory_space<hbm>>) target(%arg9 : memref<128x128xf32, #tpu.memory_space<vmem>>) offsets(%dma_start3A_35 : memref<128xi32, #tpu.memory_space<vmem>>) semaphore(%arg12 : memref<!tpu.dma_semaphore, #tpu.memory_space<semaphore_mem>>)
      %dma_start3A_39 = arith.constant 1 : i32
      %dma_start3A_40 = arith.constant 0 : i32
      %dma_start3A_41 = tpu.memref_slice %arg7[%dma_start3A_39, %dma_start3A_40] : memref<8x128xi32, #tpu.memory_space<vmem>> -> memref<1x128xi32, #tpu.memory_space<vmem>>
      %dma_start3A_42 = tpu.memref_squeeze %dma_start3A_41 : memref<1x128xi32, #tpu.memory_space<vmem>> -> memref<128xi32, #tpu.memory_space<vmem>>
      %dma_start3A_43 = arith.constant 0 : i32
      %dma_start3A_44 = arith.constant 0 : i32
      %dma_start3A_45 = tpu.memref_slice %arg2[%dma_start3A_43, %dma_start3A_44] : memref<10000x128xf32, #tpu.memory_space<hbm>> -> memref<10000x128xf32, #tpu.memory_space<hbm>>
      tpu.enqueue_indirect_dma source(%dma_start3A_45 : memref<10000x128xf32, #tpu.memory_space<hbm>>) target(%arg10 : memref<128x128xf32, #tpu.memory_space<vmem>>) offsets(%dma_start3A_42 : memref<128xi32, #tpu.memory_space<vmem>>) semaphore(%arg13 : memref<!tpu.dma_semaphore, #tpu.memory_space<semaphore_mem>>)
      %scan3A = arith.constant 0 : i32
      %scan3A_46 = arith.constant 0 : i32
      %scan3A_47 = arith.constant 3 : i32
      %scan3A_48 = arith.addi %scan3A_46, %scan3A_47 : i32
      %scan3A_49 = arith.constant 1 : i32
      %scan3A_50 = scf.for %scan3A_67 = %scan3A_46 to %scan3A_48 step %scan3A_49 iter_args(%scan3A_68 = %scan3A) -> (i32)  : i32 {
        %mul3A_69 = arith.constant 2 : i32
        %mul3A_70 = arith.muli %mul3A_69, %scan3A_67 : i32
        %dma_wait3A_71 = arith.constant 0 : i32
        %dma_wait3A_72 = tpu.memref_slice %arg7[%mul3A_70, %dma_wait3A_71] : memref<8x128xi32, #tpu.memory_space<vmem>> -> memref<1x128xi32, #tpu.memory_space<vmem>>
        %dma_wait3A_73 = tpu.memref_squeeze %dma_wait3A_72 : memref<1x128xi32, #tpu.memory_space<vmem>> -> memref<128xi32, #tpu.memory_space<vmem>>
        %dma_wait3A_74 = arith.constant 0 : i32
        %dma_wait3A_75 = arith.constant 0 : i32
        %dma_wait3A_76 = tpu.memref_slice %arg2[%dma_wait3A_74, %dma_wait3A_75] : memref<10000x128xf32, #tpu.memory_space<hbm>> -> memref<10000x128xf32, #tpu.memory_space<hbm>>
        tpu.wait_indirect_dma semaphore(%arg12 : memref<!tpu.dma_semaphore, #tpu.memory_space<semaphore_mem>>) src(%dma_wait3A_76 : memref<10000x128xf32, #tpu.memory_space<hbm>>) dst(%arg9 : memref<128x128xf32, #tpu.memory_space<vmem>>)
        "tpu.region"() ({
          %run_scoped3A_104 = tpu.sem_alloc : memref<!tpu.dma_semaphore, #tpu.memory_space<semaphore_mem>>
          %dma_start3A_105 = arith.constant 0 : i32
          %dma_start3A_106 = tpu.memref_slice %arg8[%mul3A_70, %dma_start3A_105] : memref<8x128xi32, #tpu.memory_space<vmem>> -> memref<1x128xi32, #tpu.memory_space<vmem>>
          %dma_start3A_107 = tpu.memref_squeeze %dma_start3A_106 : memref<1x128xi32, #tpu.memory_space<vmem>> -> memref<128xi32, #tpu.memory_space<vmem>>
          %dma_start3A_108 = arith.constant 0 : i32
          %dma_start3A_109 = arith.constant 0 : i32
          %dma_start3A_110 = tpu.memref_slice %arg11[%dma_start3A_108, %dma_start3A_109] : memref<10112x128xf32, #tpu.memory_space<vmem_shared>> -> memref<10112x128xf32, #tpu.memory_space<vmem_shared>>
          tpu.enqueue_indirect_dma source(%arg9 : memref<128x128xf32, #tpu.memory_space<vmem>>) target(%dma_start3A_110 : memref<10112x128xf32, #tpu.memory_space<vmem_shared>>) offsets(%dma_start3A_107 : memref<128xi32, #tpu.memory_space<vmem>>) semaphore(%run_scoped3A_104 : memref<!tpu.dma_semaphore, #tpu.memory_space<semaphore_mem>>) {add = true}
          %dma_wait3A_111 = arith.constant 0 : i32
          %dma_wait3A_112 = tpu.memref_slice %arg8[%mul3A_70, %dma_wait3A_111] : memref<8x128xi32, #tpu.memory_space<vmem>> -> memref<1x128xi32, #tpu.memory_space<vmem>>
          %dma_wait3A_113 = tpu.memref_squeeze %dma_wait3A_112 : memref<1x128xi32, #tpu.memory_space<vmem>> -> memref<128xi32, #tpu.memory_space<vmem>>
          %dma_wait3A_114 = arith.constant 0 : i32
          %dma_wait3A_115 = arith.constant 0 : i32
          %dma_wait3A_116 = tpu.memref_slice %arg11[%dma_wait3A_114, %dma_wait3A_115] : memref<10112x128xf32, #tpu.memory_space<vmem_shared>> -> memref<10112x128xf32, #tpu.memory_space<vmem_shared>>
          tpu.wait_indirect_dma semaphore(%run_scoped3A_104 : memref<!tpu.dma_semaphore, #tpu.memory_space<semaphore_mem>>) src(%arg9 : memref<128x128xf32, #tpu.memory_space<vmem>>) dst(%dma_wait3A_116 : memref<10112x128xf32, #tpu.memory_space<vmem_shared>>)
          tpu.yield
        }) : () -> ()
        %add3A_77 = arith.constant 2 : i32
        %add3A_78 = arith.addi %mul3A_70, %add3A_77 : i32
        %dma_start3A_79 = arith.constant 0 : i32
        %dma_start3A_80 = tpu.memref_slice %arg7[%add3A_78, %dma_start3A_79] : memref<8x128xi32, #tpu.memory_space<vmem>> -> memref<1x128xi32, #tpu.memory_space<vmem>>
        %dma_start3A_81 = tpu.memref_squeeze %dma_start3A_80 : memref<1x128xi32, #tpu.memory_space<vmem>> -> memref<128xi32, #tpu.memory_space<vmem>>
        %dma_start3A_82 = arith.constant 0 : i32
        %dma_start3A_83 = arith.constant 0 : i32
        %dma_start3A_84 = tpu.memref_slice %arg2[%dma_start3A_82, %dma_start3A_83] : memref<10000x128xf32, #tpu.memory_space<hbm>> -> memref<10000x128xf32, #tpu.memory_space<hbm>>
        tpu.enqueue_indirect_dma source(%dma_start3A_84 : memref<10000x128xf32, #tpu.memory_space<hbm>>) target(%arg9 : memref<128x128xf32, #tpu.memory_space<vmem>>) offsets(%dma_start3A_81 : memref<128xi32, #tpu.memory_space<vmem>>) semaphore(%arg12 : memref<!tpu.dma_semaphore, #tpu.memory_space<semaphore_mem>>)
        %add3A_85 = arith.constant 1 : i32
        %add3A_86 = arith.addi %mul3A_70, %add3A_85 : i32
        %dma_wait3A_87 = arith.constant 0 : i32
        %dma_wait3A_88 = tpu.memref_slice %arg7[%add3A_86, %dma_wait3A_87] : memref<8x128xi32, #tpu.memory_space<vmem>> -> memref<1x128xi32, #tpu.memory_space<vmem>>
        %dma_wait3A_89 = tpu.memref_squeeze %dma_wait3A_88 : memref<1x128xi32, #tpu.memory_space<vmem>> -> memref<128xi32, #tpu.memory_space<vmem>>
        %dma_wait3A_90 = arith.constant 0 : i32
        %dma_wait3A_91 = arith.constant 0 : i32
        %dma_wait3A_92 = tpu.memref_slice %arg2[%dma_wait3A_90, %dma_wait3A_91] : memref<10000x128xf32, #tpu.memory_space<hbm>> -> memref<10000x128xf32, #tpu.memory_space<hbm>>
        tpu.wait_indirect_dma semaphore(%arg13 : memref<!tpu.dma_semaphore, #tpu.memory_space<semaphore_mem>>) src(%dma_wait3A_92 : memref<10000x128xf32, #tpu.memory_space<hbm>>) dst(%arg10 : memref<128x128xf32, #tpu.memory_space<vmem>>)
        %add3A_93 = arith.constant 1 : i32
        %add3A_94 = arith.addi %mul3A_70, %add3A_93 : i32
        "tpu.region"() ({
          %run_scoped3A_104 = tpu.sem_alloc : memref<!tpu.dma_semaphore, #tpu.memory_space<semaphore_mem>>
          %dma_start3A_105 = arith.constant 0 : i32
          %dma_start3A_106 = tpu.memref_slice %arg8[%add3A_94, %dma_start3A_105] : memref<8x128xi32, #tpu.memory_space<vmem>> -> memref<1x128xi32, #tpu.memory_space<vmem>>
          %dma_start3A_107 = tpu.memref_squeeze %dma_start3A_106 : memref<1x128xi32, #tpu.memory_space<vmem>> -> memref<128xi32, #tpu.memory_space<vmem>>
          %dma_start3A_108 = arith.constant 0 : i32
          %dma_start3A_109 = arith.constant 0 : i32
          %dma_start3A_110 = tpu.memref_slice %arg11[%dma_start3A_108, %dma_start3A_109] : memref<10112x128xf32, #tpu.memory_space<vmem_shared>> -> memref<10112x128xf32, #tpu.memory_space<vmem_shared>>
          tpu.enqueue_indirect_dma source(%arg10 : memref<128x128xf32, #tpu.memory_space<vmem>>) target(%dma_start3A_110 : memref<10112x128xf32, #tpu.memory_space<vmem_shared>>) offsets(%dma_start3A_107 : memref<128xi32, #tpu.memory_space<vmem>>) semaphore(%run_scoped3A_104 : memref<!tpu.dma_semaphore, #tpu.memory_space<semaphore_mem>>) {add = true}
          %dma_wait3A_111 = arith.constant 0 : i32
          %dma_wait3A_112 = tpu.memref_slice %arg8[%add3A_94, %dma_wait3A_111] : memref<8x128xi32, #tpu.memory_space<vmem>> -> memref<1x128xi32, #tpu.memory_space<vmem>>
          %dma_wait3A_113 = tpu.memref_squeeze %dma_wait3A_112 : memref<1x128xi32, #tpu.memory_space<vmem>> -> memref<128xi32, #tpu.memory_space<vmem>>
          %dma_wait3A_114 = arith.constant 0 : i32
          %dma_wait3A_115 = arith.constant 0 : i32
          %dma_wait3A_116 = tpu.memref_slice %arg11[%dma_wait3A_114, %dma_wait3A_115] : memref<10112x128xf32, #tpu.memory_space<vmem_shared>> -> memref<10112x128xf32, #tpu.memory_space<vmem_shared>>
          tpu.wait_indirect_dma semaphore(%run_scoped3A_104 : memref<!tpu.dma_semaphore, #tpu.memory_space<semaphore_mem>>) src(%arg10 : memref<128x128xf32, #tpu.memory_space<vmem>>) dst(%dma_wait3A_116 : memref<10112x128xf32, #tpu.memory_space<vmem_shared>>)
          tpu.yield
        }) : () -> ()
        %add3A_95 = arith.constant 3 : i32
        %add3A_96 = arith.addi %mul3A_70, %add3A_95 : i32
        %dma_start3A_97 = arith.constant 0 : i32
        %dma_start3A_98 = tpu.memref_slice %arg7[%add3A_96, %dma_start3A_97] : memref<8x128xi32, #tpu.memory_space<vmem>> -> memref<1x128xi32, #tpu.memory_space<vmem>>
        %dma_start3A_99 = tpu.memref_squeeze %dma_start3A_98 : memref<1x128xi32, #tpu.memory_space<vmem>> -> memref<128xi32, #tpu.memory_space<vmem>>
        %dma_start3A_100 = arith.constant 0 : i32
        %dma_start3A_101 = arith.constant 0 : i32
        %dma_start3A_102 = tpu.memref_slice %arg2[%dma_start3A_100, %dma_start3A_101] : memref<10000x128xf32, #tpu.memory_space<hbm>> -> memref<10000x128xf32, #tpu.memory_space<hbm>>
        tpu.enqueue_indirect_dma source(%dma_start3A_102 : memref<10000x128xf32, #tpu.memory_space<hbm>>) target(%arg10 : memref<128x128xf32, #tpu.memory_space<vmem>>) offsets(%dma_start3A_99 : memref<128xi32, #tpu.memory_space<vmem>>) semaphore(%arg13 : memref<!tpu.dma_semaphore, #tpu.memory_space<semaphore_mem>>)
        %scan3A_103 = arith.constant 0 : i32
        scf.yield %scan3A_103 : i32
      }
      %scan3A_51 = arith.constant 3 : i32
      %dma_wait3A = arith.constant 6 : i32
      %dma_wait3A_52 = arith.constant 0 : i32
      %dma_wait3A_53 = tpu.memref_slice %arg7[%dma_wait3A, %dma_wait3A_52] : memref<8x128xi32, #tpu.memory_space<vmem>> -> memref<1x128xi32, #tpu.memory_space<vmem>>
      %dma_wait3A_54 = tpu.memref_squeeze %dma_wait3A_53 : memref<1x128xi32, #tpu.memory_space<vmem>> -> memref<128xi32, #tpu.memory_space<vmem>>
      %dma_wait3A_55 = arith.constant 0 : i32
      %dma_wait3A_56 = arith.constant 0 : i32
      %dma_wait3A_57 = tpu.memref_slice %arg2[%dma_wait3A_55, %dma_wait3A_56] : memref<10000x128xf32, #tpu.memory_space<hbm>> -> memref<10000x128xf32, #tpu.memory_space<hbm>>
      tpu.wait_indirect_dma semaphore(%arg12 : memref<!tpu.dma_semaphore, #tpu.memory_space<semaphore_mem>>) src(%dma_wait3A_57 : memref<10000x128xf32, #tpu.memory_space<hbm>>) dst(%arg9 : memref<128x128xf32, #tpu.memory_space<vmem>>)
      %run_scoped3A = arith.constant 6 : i32
      "tpu.region"() ({
        %run_scoped3A_67 = tpu.sem_alloc : memref<!tpu.dma_semaphore, #tpu.memory_space<semaphore_mem>>
        %dma_start3A_68 = arith.constant 0 : i32
        %dma_start3A_69 = tpu.memref_slice %arg8[%run_scoped3A, %dma_start3A_68] : memref<8x128xi32, #tpu.memory_space<vmem>> -> memref<1x128xi32, #tpu.memory_space<vmem>>
        %dma_start3A_70 = tpu.memref_squeeze %dma_start3A_69 : memref<1x128xi32, #tpu.memory_space<vmem>> -> memref<128xi32, #tpu.memory_space<vmem>>
        %dma_start3A_71 = arith.constant 0 : i32
        %dma_start3A_72 = arith.constant 0 : i32
        %dma_start3A_73 = tpu.memref_slice %arg11[%dma_start3A_71, %dma_start3A_72] : memref<10112x128xf32, #tpu.memory_space<vmem_shared>> -> memref<10112x128xf32, #tpu.memory_space<vmem_shared>>
        tpu.enqueue_indirect_dma source(%arg9 : memref<128x128xf32, #tpu.memory_space<vmem>>) target(%dma_start3A_73 : memref<10112x128xf32, #tpu.memory_space<vmem_shared>>) offsets(%dma_start3A_70 : memref<128xi32, #tpu.memory_space<vmem>>) semaphore(%run_scoped3A_67 : memref<!tpu.dma_semaphore, #tpu.memory_space<semaphore_mem>>) {add = true}
        %dma_wait3A_74 = arith.constant 0 : i32
        %dma_wait3A_75 = tpu.memref_slice %arg8[%run_scoped3A, %dma_wait3A_74] : memref<8x128xi32, #tpu.memory_space<vmem>> -> memref<1x128xi32, #tpu.memory_space<vmem>>
        %dma_wait3A_76 = tpu.memref_squeeze %dma_wait3A_75 : memref<1x128xi32, #tpu.memory_space<vmem>> -> memref<128xi32, #tpu.memory_space<vmem>>
        %dma_wait3A_77 = arith.constant 0 : i32
        %dma_wait3A_78 = arith.constant 0 : i32
        %dma_wait3A_79 = tpu.memref_slice %arg11[%dma_wait3A_77, %dma_wait3A_78] : memref<10112x128xf32, #tpu.memory_space<vmem_shared>> -> memref<10112x128xf32, #tpu.memory_space<vmem_shared>>
        tpu.wait_indirect_dma semaphore(%run_scoped3A_67 : memref<!tpu.dma_semaphore, #tpu.memory_space<semaphore_mem>>) src(%arg9 : memref<128x128xf32, #tpu.memory_space<vmem>>) dst(%dma_wait3A_79 : memref<10112x128xf32, #tpu.memory_space<vmem_shared>>)
        tpu.yield
      }) : () -> ()
      %dma_wait3A_58 = arith.constant 7 : i32
      %dma_wait3A_59 = arith.constant 0 : i32
      %dma_wait3A_60 = tpu.memref_slice %arg7[%dma_wait3A_58, %dma_wait3A_59] : memref<8x128xi32, #tpu.memory_space<vmem>> -> memref<1x128xi32, #tpu.memory_space<vmem>>
      %dma_wait3A_61 = tpu.memref_squeeze %dma_wait3A_60 : memref<1x128xi32, #tpu.memory_space<vmem>> -> memref<128xi32, #tpu.memory_space<vmem>>
      %dma_wait3A_62 = arith.constant 0 : i32
      %dma_wait3A_63 = arith.constant 0 : i32
      %dma_wait3A_64 = tpu.memref_slice %arg2[%dma_wait3A_62, %dma_wait3A_63] : memref<10000x128xf32, #tpu.memory_space<hbm>> -> memref<10000x128xf32, #tpu.memory_space<hbm>>
      tpu.wait_indirect_dma semaphore(%arg13 : memref<!tpu.dma_semaphore, #tpu.memory_space<semaphore_mem>>) src(%dma_wait3A_64 : memref<10000x128xf32, #tpu.memory_space<hbm>>) dst(%arg10 : memref<128x128xf32, #tpu.memory_space<vmem>>)
      %run_scoped3A_65 = arith.constant 7 : i32
      "tpu.region"() ({
        %run_scoped3A_67 = tpu.sem_alloc : memref<!tpu.dma_semaphore, #tpu.memory_space<semaphore_mem>>
        %dma_start3A_68 = arith.constant 0 : i32
        %dma_start3A_69 = tpu.memref_slice %arg8[%run_scoped3A_65, %dma_start3A_68] : memref<8x128xi32, #tpu.memory_space<vmem>> -> memref<1x128xi32, #tpu.memory_space<vmem>>
        %dma_start3A_70 = tpu.memref_squeeze %dma_start3A_69 : memref<1x128xi32, #tpu.memory_space<vmem>> -> memref<128xi32, #tpu.memory_space<vmem>>
        %dma_start3A_71 = arith.constant 0 : i32
        %dma_start3A_72 = arith.constant 0 : i32
        %dma_start3A_73 = tpu.memref_slice %arg11[%dma_start3A_71, %dma_start3A_72] : memref<10112x128xf32, #tpu.memory_space<vmem_shared>> -> memref<10112x128xf32, #tpu.memory_space<vmem_shared>>
        tpu.enqueue_indirect_dma source(%arg10 : memref<128x128xf32, #tpu.memory_space<vmem>>) target(%dma_start3A_73 : memref<10112x128xf32, #tpu.memory_space<vmem_shared>>) offsets(%dma_start3A_70 : memref<128xi32, #tpu.memory_space<vmem>>) semaphore(%run_scoped3A_67 : memref<!tpu.dma_semaphore, #tpu.memory_space<semaphore_mem>>) {add = true}
        %dma_wait3A_74 = arith.constant 0 : i32
        %dma_wait3A_75 = tpu.memref_slice %arg8[%run_scoped3A_65, %dma_wait3A_74] : memref<8x128xi32, #tpu.memory_space<vmem>> -> memref<1x128xi32, #tpu.memory_space<vmem>>
        %dma_wait3A_76 = tpu.memref_squeeze %dma_wait3A_75 : memref<1x128xi32, #tpu.memory_space<vmem>> -> memref<128xi32, #tpu.memory_space<vmem>>
        %dma_wait3A_77 = arith.constant 0 : i32
        %dma_wait3A_78 = arith.constant 0 : i32
        %dma_wait3A_79 = tpu.memref_slice %arg11[%dma_wait3A_77, %dma_wait3A_78] : memref<10112x128xf32, #tpu.memory_space<vmem_shared>> -> memref<10112x128xf32, #tpu.memory_space<vmem_shared>>
        tpu.wait_indirect_dma semaphore(%run_scoped3A_67 : memref<!tpu.dma_semaphore, #tpu.memory_space<semaphore_mem>>) src(%arg10 : memref<128x128xf32, #tpu.memory_space<vmem>>) dst(%dma_wait3A_79 : memref<10112x128xf32, #tpu.memory_space<vmem_shared>>)
        tpu.yield
      }) : () -> ()
      %while3A_66 = arith.constant 0 : i32
      scf.yield %while3A_66 : i32
    }
    %while3A_18 = arith.constant 1 : i32
    %while3A_19 = scf.for %while3A_28 = %while3A_15 to %while3A_11 step %while3A_18 iter_args(%while3A_29 = %while3A_17) -> (i32)  : i32 {
      %mul3A_30 = arith.constant 8 : i32
      %mul3A_31 = arith.muli %while3A_28, %mul3A_30 : i32
      %add3A_32 = arith.addi %select_n3A_6, %mul3A_31 : i32
      %multiple_of3A = tpu.assume_multiple %add3A_32, 8 : i32
      "tpu.region"() ({
        %run_scoped3A_67 = tpu.sem_alloc : memref<!tpu.dma_semaphore, #tpu.memory_space<semaphore_mem>>
        %dma_start3A_68 = arith.constant 0 : i32
        %dma_start3A_69 = tpu.memref_slice %arg3[%multiple_of3A, %dma_start3A_68] : memref<2560x128xi32, #tpu.memory_space<hbm>> -> memref<8x128xi32, #tpu.memory_space<hbm>>
        %dma_start3A_70 = arith.constant 0 : i32
        %dma_start3A_71 = tpu.memref_slice %arg3[%multiple_of3A, %dma_start3A_70] : memref<2560x128xi32, #tpu.memory_space<hbm>> -> memref<8x128xi32, #tpu.memory_space<hbm>>
        tpu.enqueue_dma source(%dma_start3A_71 : memref<8x128xi32, #tpu.memory_space<hbm>>) target(%arg7 : memref<8x128xi32, #tpu.memory_space<vmem>>) target_semaphore(%run_scoped3A_67 : memref<!tpu.dma_semaphore, #tpu.memory_space<semaphore_mem>>)
        %dma_wait3A_72 = arith.constant 0 : i32
        %dma_wait3A_73 = tpu.memref_slice %arg3[%multiple_of3A, %dma_wait3A_72] : memref<2560x128xi32, #tpu.memory_space<hbm>> -> memref<8x128xi32, #tpu.memory_space<hbm>>
        %dma_wait3A_74 = arith.constant 0 : i32
        %dma_wait3A_75 = tpu.memref_slice %arg3[%multiple_of3A, %dma_wait3A_74] : memref<2560x128xi32, #tpu.memory_space<hbm>> -> memref<8x128xi32, #tpu.memory_space<hbm>>
        tpu.wait_dma2 semaphore(%run_scoped3A_67 : memref<!tpu.dma_semaphore, #tpu.memory_space<semaphore_mem>>) src(%dma_wait3A_75 : memref<8x128xi32, #tpu.memory_space<hbm>>) dst(%arg7 : memref<8x128xi32, #tpu.memory_space<vmem>>)
        tpu.yield
      }) : () -> ()
      "tpu.region"() ({
        %run_scoped3A_67 = tpu.sem_alloc : memref<!tpu.dma_semaphore, #tpu.memory_space<semaphore_mem>>
        %dma_start3A_68 = arith.constant 0 : i32
        %dma_start3A_69 = tpu.memref_slice %arg4[%multiple_of3A, %dma_start3A_68] : memref<2560x128xi32, #tpu.memory_space<hbm>> -> memref<8x128xi32, #tpu.memory_space<hbm>>
        %dma_start3A_70 = arith.constant 0 : i32
        %dma_start3A_71 = tpu.memref_slice %arg4[%multiple_of3A, %dma_start3A_70] : memref<2560x128xi32, #tpu.memory_space<hbm>> -> memref<8x128xi32, #tpu.memory_space<hbm>>
        tpu.enqueue_dma source(%dma_start3A_71 : memref<8x128xi32, #tpu.memory_space<hbm>>) target(%arg8 : memref<8x128xi32, #tpu.memory_space<vmem>>) target_semaphore(%run_scoped3A_67 : memref<!tpu.dma_semaphore, #tpu.memory_space<semaphore_mem>>)
        %dma_wait3A_72 = arith.constant 0 : i32
        %dma_wait3A_73 = tpu.memref_slice %arg4[%multiple_of3A, %dma_wait3A_72] : memref<2560x128xi32, #tpu.memory_space<hbm>> -> memref<8x128xi32, #tpu.memory_space<hbm>>
        %dma_wait3A_74 = arith.constant 0 : i32
        %dma_wait3A_75 = tpu.memref_slice %arg4[%multiple_of3A, %dma_wait3A_74] : memref<2560x128xi32, #tpu.memory_space<hbm>> -> memref<8x128xi32, #tpu.memory_space<hbm>>
        tpu.wait_dma2 semaphore(%run_scoped3A_67 : memref<!tpu.dma_semaphore, #tpu.memory_space<semaphore_mem>>) src(%dma_wait3A_75 : memref<8x128xi32, #tpu.memory_space<hbm>>) dst(%arg8 : memref<8x128xi32, #tpu.memory_space<vmem>>)
        tpu.yield
      }) : () -> ()
      %dma_start3A = arith.constant 0 : i32
      %dma_start3A_33 = arith.constant 0 : i32
      %dma_start3A_34 = tpu.memref_slice %arg7[%dma_start3A, %dma_start3A_33] : memref<8x128xi32, #tpu.memory_space<vmem>> -> memref<1x128xi32, #tpu.memory_space<vmem>>
      %dma_start3A_35 = tpu.memref_squeeze %dma_start3A_34 : memref<1x128xi32, #tpu.memory_space<vmem>> -> memref<128xi32, #tpu.memory_space<vmem>>
      %dma_start3A_36 = arith.constant 0 : i32
      %dma_start3A_37 = arith.constant 0 : i32
      %dma_start3A_38 = tpu.memref_slice %arg2[%dma_start3A_36, %dma_start3A_37] : memref<10000x128xf32, #tpu.memory_space<hbm>> -> memref<10000x128xf32, #tpu.memory_space<hbm>>
      tpu.enqueue_indirect_dma source(%dma_start3A_38 : memref<10000x128xf32, #tpu.memory_space<hbm>>) target(%arg9 : memref<128x128xf32, #tpu.memory_space<vmem>>) offsets(%dma_start3A_35 : memref<128xi32, #tpu.memory_space<vmem>>) semaphore(%arg12 : memref<!tpu.dma_semaphore, #tpu.memory_space<semaphore_mem>>)
      %dma_start3A_39 = arith.constant 1 : i32
      %dma_start3A_40 = arith.constant 0 : i32
      %dma_start3A_41 = tpu.memref_slice %arg7[%dma_start3A_39, %dma_start3A_40] : memref<8x128xi32, #tpu.memory_space<vmem>> -> memref<1x128xi32, #tpu.memory_space<vmem>>
      %dma_start3A_42 = tpu.memref_squeeze %dma_start3A_41 : memref<1x128xi32, #tpu.memory_space<vmem>> -> memref<128xi32, #tpu.memory_space<vmem>>
      %dma_start3A_43 = arith.constant 0 : i32
      %dma_start3A_44 = arith.constant 0 : i32
      %dma_start3A_45 = tpu.memref_slice %arg2[%dma_start3A_43, %dma_start3A_44] : memref<10000x128xf32, #tpu.memory_space<hbm>> -> memref<10000x128xf32, #tpu.memory_space<hbm>>
      tpu.enqueue_indirect_dma source(%dma_start3A_45 : memref<10000x128xf32, #tpu.memory_space<hbm>>) target(%arg10 : memref<128x128xf32, #tpu.memory_space<vmem>>) offsets(%dma_start3A_42 : memref<128xi32, #tpu.memory_space<vmem>>) semaphore(%arg13 : memref<!tpu.dma_semaphore, #tpu.memory_space<semaphore_mem>>)
      %scan3A = arith.constant 0 : i32
      %scan3A_46 = arith.constant 0 : i32
      %scan3A_47 = arith.constant 3 : i32
      %scan3A_48 = arith.addi %scan3A_46, %scan3A_47 : i32
      %scan3A_49 = arith.constant 1 : i32
      %scan3A_50 = scf.for %scan3A_67 = %scan3A_46 to %scan3A_48 step %scan3A_49 iter_args(%scan3A_68 = %scan3A) -> (i32)  : i32 {
        %mul3A_69 = arith.constant 2 : i32
        %mul3A_70 = arith.muli %mul3A_69, %scan3A_67 : i32
        %dma_wait3A_71 = arith.constant 0 : i32
        %dma_wait3A_72 = tpu.memref_slice %arg7[%mul3A_70, %dma_wait3A_71] : memref<8x128xi32, #tpu.memory_space<vmem>> -> memref<1x128xi32, #tpu.memory_space<vmem>>
        %dma_wait3A_73 = tpu.memref_squeeze %dma_wait3A_72 : memref<1x128xi32, #tpu.memory_space<vmem>> -> memref<128xi32, #tpu.memory_space<vmem>>
        %dma_wait3A_74 = arith.constant 0 : i32
        %dma_wait3A_75 = arith.constant 0 : i32
        %dma_wait3A_76 = tpu.memref_slice %arg2[%dma_wait3A_74, %dma_wait3A_75] : memref<10000x128xf32, #tpu.memory_space<hbm>> -> memref<10000x128xf32, #tpu.memory_space<hbm>>
        tpu.wait_indirect_dma semaphore(%arg12 : memref<!tpu.dma_semaphore, #tpu.memory_space<semaphore_mem>>) src(%dma_wait3A_76 : memref<10000x128xf32, #tpu.memory_space<hbm>>) dst(%arg9 : memref<128x128xf32, #tpu.memory_space<vmem>>)
        "tpu.region"() ({
          %run_scoped3A_104 = tpu.sem_alloc : memref<!tpu.dma_semaphore, #tpu.memory_space<semaphore_mem>>
          %dma_start3A_105 = arith.constant 0 : i32
          %dma_start3A_106 = tpu.memref_slice %arg8[%mul3A_70, %dma_start3A_105] : memref<8x128xi32, #tpu.memory_space<vmem>> -> memref<1x128xi32, #tpu.memory_space<vmem>>
          %dma_start3A_107 = tpu.memref_squeeze %dma_start3A_106 : memref<1x128xi32, #tpu.memory_space<vmem>> -> memref<128xi32, #tpu.memory_space<vmem>>
          %dma_start3A_108 = arith.constant 0 : i32
          %dma_start3A_109 = arith.constant 0 : i32
          %dma_start3A_110 = tpu.memref_slice %arg11[%dma_start3A_108, %dma_start3A_109] : memref<10112x128xf32, #tpu.memory_space<vmem_shared>> -> memref<10112x128xf32, #tpu.memory_space<vmem_shared>>
          tpu.enqueue_indirect_dma source(%arg9 : memref<128x128xf32, #tpu.memory_space<vmem>>) target(%dma_start3A_110 : memref<10112x128xf32, #tpu.memory_space<vmem_shared>>) offsets(%dma_start3A_107 : memref<128xi32, #tpu.memory_space<vmem>>) semaphore(%run_scoped3A_104 : memref<!tpu.dma_semaphore, #tpu.memory_space<semaphore_mem>>) {add = true}
          %dma_wait3A_111 = arith.constant 0 : i32
          %dma_wait3A_112 = tpu.memref_slice %arg8[%mul3A_70, %dma_wait3A_111] : memref<8x128xi32, #tpu.memory_space<vmem>> -> memref<1x128xi32, #tpu.memory_space<vmem>>
          %dma_wait3A_113 = tpu.memref_squeeze %dma_wait3A_112 : memref<1x128xi32, #tpu.memory_space<vmem>> -> memref<128xi32, #tpu.memory_space<vmem>>
          %dma_wait3A_114 = arith.constant 0 : i32
          %dma_wait3A_115 = arith.constant 0 : i32
          %dma_wait3A_116 = tpu.memref_slice %arg11[%dma_wait3A_114, %dma_wait3A_115] : memref<10112x128xf32, #tpu.memory_space<vmem_shared>> -> memref<10112x128xf32, #tpu.memory_space<vmem_shared>>
          tpu.wait_indirect_dma semaphore(%run_scoped3A_104 : memref<!tpu.dma_semaphore, #tpu.memory_space<semaphore_mem>>) src(%arg9 : memref<128x128xf32, #tpu.memory_space<vmem>>) dst(%dma_wait3A_116 : memref<10112x128xf32, #tpu.memory_space<vmem_shared>>)
          tpu.yield
        }) : () -> ()
        %add3A_77 = arith.constant 2 : i32
        %add3A_78 = arith.addi %mul3A_70, %add3A_77 : i32
        %dma_start3A_79 = arith.constant 0 : i32
        %dma_start3A_80 = tpu.memref_slice %arg7[%add3A_78, %dma_start3A_79] : memref<8x128xi32, #tpu.memory_space<vmem>> -> memref<1x128xi32, #tpu.memory_space<vmem>>
        %dma_start3A_81 = tpu.memref_squeeze %dma_start3A_80 : memref<1x128xi32, #tpu.memory_space<vmem>> -> memref<128xi32, #tpu.memory_space<vmem>>
        %dma_start3A_82 = arith.constant 0 : i32
        %dma_start3A_83 = arith.constant 0 : i32
        %dma_start3A_84 = tpu.memref_slice %arg2[%dma_start3A_82, %dma_start3A_83] : memref<10000x128xf32, #tpu.memory_space<hbm>> -> memref<10000x128xf32, #tpu.memory_space<hbm>>
        tpu.enqueue_indirect_dma source(%dma_start3A_84 : memref<10000x128xf32, #tpu.memory_space<hbm>>) target(%arg9 : memref<128x128xf32, #tpu.memory_space<vmem>>) offsets(%dma_start3A_81 : memref<128xi32, #tpu.memory_space<vmem>>) semaphore(%arg12 : memref<!tpu.dma_semaphore, #tpu.memory_space<semaphore_mem>>)
        %add3A_85 = arith.constant 1 : i32
        %add3A_86 = arith.addi %mul3A_70, %add3A_85 : i32
        %dma_wait3A_87 = arith.constant 0 : i32
        %dma_wait3A_88 = tpu.memref_slice %arg7[%add3A_86, %dma_wait3A_87] : memref<8x128xi32, #tpu.memory_space<vmem>> -> memref<1x128xi32, #tpu.memory_space<vmem>>
        %dma_wait3A_89 = tpu.memref_squeeze %dma_wait3A_88 : memref<1x128xi32, #tpu.memory_space<vmem>> -> memref<128xi32, #tpu.memory_space<vmem>>
        %dma_wait3A_90 = arith.constant 0 : i32
        %dma_wait3A_91 = arith.constant 0 : i32
        %dma_wait3A_92 = tpu.memref_slice %arg2[%dma_wait3A_90, %dma_wait3A_91] : memref<10000x128xf32, #tpu.memory_space<hbm>> -> memref<10000x128xf32, #tpu.memory_space<hbm>>
        tpu.wait_indirect_dma semaphore(%arg13 : memref<!tpu.dma_semaphore, #tpu.memory_space<semaphore_mem>>) src(%dma_wait3A_92 : memref<10000x128xf32, #tpu.memory_space<hbm>>) dst(%arg10 : memref<128x128xf32, #tpu.memory_space<vmem>>)
        %add3A_93 = arith.constant 1 : i32
        %add3A_94 = arith.addi %mul3A_70, %add3A_93 : i32
        "tpu.region"() ({
          %run_scoped3A_104 = tpu.sem_alloc : memref<!tpu.dma_semaphore, #tpu.memory_space<semaphore_mem>>
          %dma_start3A_105 = arith.constant 0 : i32
          %dma_start3A_106 = tpu.memref_slice %arg8[%add3A_94, %dma_start3A_105] : memref<8x128xi32, #tpu.memory_space<vmem>> -> memref<1x128xi32, #tpu.memory_space<vmem>>
          %dma_start3A_107 = tpu.memref_squeeze %dma_start3A_106 : memref<1x128xi32, #tpu.memory_space<vmem>> -> memref<128xi32, #tpu.memory_space<vmem>>
          %dma_start3A_108 = arith.constant 0 : i32
          %dma_start3A_109 = arith.constant 0 : i32
          %dma_start3A_110 = tpu.memref_slice %arg11[%dma_start3A_108, %dma_start3A_109] : memref<10112x128xf32, #tpu.memory_space<vmem_shared>> -> memref<10112x128xf32, #tpu.memory_space<vmem_shared>>
          tpu.enqueue_indirect_dma source(%arg10 : memref<128x128xf32, #tpu.memory_space<vmem>>) target(%dma_start3A_110 : memref<10112x128xf32, #tpu.memory_space<vmem_shared>>) offsets(%dma_start3A_107 : memref<128xi32, #tpu.memory_space<vmem>>) semaphore(%run_scoped3A_104 : memref<!tpu.dma_semaphore, #tpu.memory_space<semaphore_mem>>) {add = true}
          %dma_wait3A_111 = arith.constant 0 : i32
          %dma_wait3A_112 = tpu.memref_slice %arg8[%add3A_94, %dma_wait3A_111] : memref<8x128xi32, #tpu.memory_space<vmem>> -> memref<1x128xi32, #tpu.memory_space<vmem>>
          %dma_wait3A_113 = tpu.memref_squeeze %dma_wait3A_112 : memref<1x128xi32, #tpu.memory_space<vmem>> -> memref<128xi32, #tpu.memory_space<vmem>>
          %dma_wait3A_114 = arith.constant 0 : i32
          %dma_wait3A_115 = arith.constant 0 : i32
          %dma_wait3A_116 = tpu.memref_slice %arg11[%dma_wait3A_114, %dma_wait3A_115] : memref<10112x128xf32, #tpu.memory_space<vmem_shared>> -> memref<10112x128xf32, #tpu.memory_space<vmem_shared>>
          tpu.wait_indirect_dma semaphore(%run_scoped3A_104 : memref<!tpu.dma_semaphore, #tpu.memory_space<semaphore_mem>>) src(%arg10 : memref<128x128xf32, #tpu.memory_space<vmem>>) dst(%dma_wait3A_116 : memref<10112x128xf32, #tpu.memory_space<vmem_shared>>)
          tpu.yield
        }) : () -> ()
        %add3A_95 = arith.constant 3 : i32
        %add3A_96 = arith.addi %mul3A_70, %add3A_95 : i32
        %dma_start3A_97 = arith.constant 0 : i32
        %dma_start3A_98 = tpu.memref_slice %arg7[%add3A_96, %dma_start3A_97] : memref<8x128xi32, #tpu.memory_space<vmem>> -> memref<1x128xi32, #tpu.memory_space<vmem>>
        %dma_start3A_99 = tpu.memref_squeeze %dma_start3A_98 : memref<1x128xi32, #tpu.memory_space<vmem>> -> memref<128xi32, #tpu.memory_space<vmem>>
        %dma_start3A_100 = arith.constant 0 : i32
        %dma_start3A_101 = arith.constant 0 : i32
        %dma_start3A_102 = tpu.memref_slice %arg2[%dma_start3A_100, %dma_start3A_101] : memref<10000x128xf32, #tpu.memory_space<hbm>> -> memref<10000x128xf32, #tpu.memory_space<hbm>>
        tpu.enqueue_indirect_dma source(%dma_start3A_102 : memref<10000x128xf32, #tpu.memory_space<hbm>>) target(%arg10 : memref<128x128xf32, #tpu.memory_space<vmem>>) offsets(%dma_start3A_99 : memref<128xi32, #tpu.memory_space<vmem>>) semaphore(%arg13 : memref<!tpu.dma_semaphore, #tpu.memory_space<semaphore_mem>>)
        %scan3A_103 = arith.constant 0 : i32
        scf.yield %scan3A_103 : i32
      }
      %scan3A_51 = arith.constant 3 : i32
      %dma_wait3A = arith.constant 6 : i32
      %dma_wait3A_52 = arith.constant 0 : i32
      %dma_wait3A_53 = tpu.memref_slice %arg7[%dma_wait3A, %dma_wait3A_52] : memref<8x128xi32, #tpu.memory_space<vmem>> -> memref<1x128xi32, #tpu.memory_space<vmem>>
      %dma_wait3A_54 = tpu.memref_squeeze %dma_wait3A_53 : memref<1x128xi32, #tpu.memory_space<vmem>> -> memref<128xi32, #tpu.memory_space<vmem>>
      %dma_wait3A_55 = arith.constant 0 : i32
      %dma_wait3A_56 = arith.constant 0 : i32
      %dma_wait3A_57 = tpu.memref_slice %arg2[%dma_wait3A_55, %dma_wait3A_56] : memref<10000x128xf32, #tpu.memory_space<hbm>> -> memref<10000x128xf32, #tpu.memory_space<hbm>>
      tpu.wait_indirect_dma semaphore(%arg12 : memref<!tpu.dma_semaphore, #tpu.memory_space<semaphore_mem>>) src(%dma_wait3A_57 : memref<10000x128xf32, #tpu.memory_space<hbm>>) dst(%arg9 : memref<128x128xf32, #tpu.memory_space<vmem>>)
      %run_scoped3A = arith.constant 6 : i32
      "tpu.region"() ({
        %run_scoped3A_67 = tpu.sem_alloc : memref<!tpu.dma_semaphore, #tpu.memory_space<semaphore_mem>>
        %dma_start3A_68 = arith.constant 0 : i32
        %dma_start3A_69 = tpu.memref_slice %arg8[%run_scoped3A, %dma_start3A_68] : memref<8x128xi32, #tpu.memory_space<vmem>> -> memref<1x128xi32, #tpu.memory_space<vmem>>
        %dma_start3A_70 = tpu.memref_squeeze %dma_start3A_69 : memref<1x128xi32, #tpu.memory_space<vmem>> -> memref<128xi32, #tpu.memory_space<vmem>>
        %dma_start3A_71 = arith.constant 0 : i32
        %dma_start3A_72 = arith.constant 0 : i32
        %dma_start3A_73 = tpu.memref_slice %arg11[%dma_start3A_71, %dma_start3A_72] : memref<10112x128xf32, #tpu.memory_space<vmem_shared>> -> memref<10112x128xf32, #tpu.memory_space<vmem_shared>>
        tpu.enqueue_indirect_dma source(%arg9 : memref<128x128xf32, #tpu.memory_space<vmem>>) target(%dma_start3A_73 : memref<10112x128xf32, #tpu.memory_space<vmem_shared>>) offsets(%dma_start3A_70 : memref<128xi32, #tpu.memory_space<vmem>>) semaphore(%run_scoped3A_67 : memref<!tpu.dma_semaphore, #tpu.memory_space<semaphore_mem>>) {add = true}
        %dma_wait3A_74 = arith.constant 0 : i32
        %dma_wait3A_75 = tpu.memref_slice %arg8[%run_scoped3A, %dma_wait3A_74] : memref<8x128xi32, #tpu.memory_space<vmem>> -> memref<1x128xi32, #tpu.memory_space<vmem>>
        %dma_wait3A_76 = tpu.memref_squeeze %dma_wait3A_75 : memref<1x128xi32, #tpu.memory_space<vmem>> -> memref<128xi32, #tpu.memory_space<vmem>>
        %dma_wait3A_77 = arith.constant 0 : i32
        %dma_wait3A_78 = arith.constant 0 : i32
        %dma_wait3A_79 = tpu.memref_slice %arg11[%dma_wait3A_77, %dma_wait3A_78] : memref<10112x128xf32, #tpu.memory_space<vmem_shared>> -> memref<10112x128xf32, #tpu.memory_space<vmem_shared>>
        tpu.wait_indirect_dma semaphore(%run_scoped3A_67 : memref<!tpu.dma_semaphore, #tpu.memory_space<semaphore_mem>>) src(%arg9 : memref<128x128xf32, #tpu.memory_space<vmem>>) dst(%dma_wait3A_79 : memref<10112x128xf32, #tpu.memory_space<vmem_shared>>)
        tpu.yield
      }) : () -> ()
      %dma_wait3A_58 = arith.constant 7 : i32
      %dma_wait3A_59 = arith.constant 0 : i32
      %dma_wait3A_60 = tpu.memref_slice %arg7[%dma_wait3A_58, %dma_wait3A_59] : memref<8x128xi32, #tpu.memory_space<vmem>> -> memref<1x128xi32, #tpu.memory_space<vmem>>
      %dma_wait3A_61 = tpu.memref_squeeze %dma_wait3A_60 : memref<1x128xi32, #tpu.memory_space<vmem>> -> memref<128xi32, #tpu.memory_space<vmem>>
      %dma_wait3A_62 = arith.constant 0 : i32
      %dma_wait3A_63 = arith.constant 0 : i32
      %dma_wait3A_64 = tpu.memref_slice %arg2[%dma_wait3A_62, %dma_wait3A_63] : memref<10000x128xf32, #tpu.memory_space<hbm>> -> memref<10000x128xf32, #tpu.memory_space<hbm>>
      tpu.wait_indirect_dma semaphore(%arg13 : memref<!tpu.dma_semaphore, #tpu.memory_space<semaphore_mem>>) src(%dma_wait3A_64 : memref<10000x128xf32, #tpu.memory_space<hbm>>) dst(%arg10 : memref<128x128xf32, #tpu.memory_space<vmem>>)
      %run_scoped3A_65 = arith.constant 7 : i32
      "tpu.region"() ({
        %run_scoped3A_67 = tpu.sem_alloc : memref<!tpu.dma_semaphore, #tpu.memory_space<semaphore_mem>>
        %dma_start3A_68 = arith.constant 0 : i32
        %dma_start3A_69 = tpu.memref_slice %arg8[%run_scoped3A_65, %dma_start3A_68] : memref<8x128xi32, #tpu.memory_space<vmem>> -> memref<1x128xi32, #tpu.memory_space<vmem>>
        %dma_start3A_70 = tpu.memref_squeeze %dma_start3A_69 : memref<1x128xi32, #tpu.memory_space<vmem>> -> memref<128xi32, #tpu.memory_space<vmem>>
        %dma_start3A_71 = arith.constant 0 : i32
        %dma_start3A_72 = arith.constant 0 : i32
        %dma_start3A_73 = tpu.memref_slice %arg11[%dma_start3A_71, %dma_start3A_72] : memref<10112x128xf32, #tpu.memory_space<vmem_shared>> -> memref<10112x128xf32, #tpu.memory_space<vmem_shared>>
        tpu.enqueue_indirect_dma source(%arg10 : memref<128x128xf32, #tpu.memory_space<vmem>>) target(%dma_start3A_73 : memref<10112x128xf32, #tpu.memory_space<vmem_shared>>) offsets(%dma_start3A_70 : memref<128xi32, #tpu.memory_space<vmem>>) semaphore(%run_scoped3A_67 : memref<!tpu.dma_semaphore, #tpu.memory_space<semaphore_mem>>) {add = true}
        %dma_wait3A_74 = arith.constant 0 : i32
        %dma_wait3A_75 = tpu.memref_slice %arg8[%run_scoped3A_65, %dma_wait3A_74] : memref<8x128xi32, #tpu.memory_space<vmem>> -> memref<1x128xi32, #tpu.memory_space<vmem>>
        %dma_wait3A_76 = tpu.memref_squeeze %dma_wait3A_75 : memref<1x128xi32, #tpu.memory_space<vmem>> -> memref<128xi32, #tpu.memory_space<vmem>>
        %dma_wait3A_77 = arith.constant 0 : i32
        %dma_wait3A_78 = arith.constant 0 : i32
        %dma_wait3A_79 = tpu.memref_slice %arg11[%dma_wait3A_77, %dma_wait3A_78] : memref<10112x128xf32, #tpu.memory_space<vmem_shared>> -> memref<10112x128xf32, #tpu.memory_space<vmem_shared>>
        tpu.wait_indirect_dma semaphore(%run_scoped3A_67 : memref<!tpu.dma_semaphore, #tpu.memory_space<semaphore_mem>>) src(%arg10 : memref<128x128xf32, #tpu.memory_space<vmem>>) dst(%dma_wait3A_79 : memref<10112x128xf32, #tpu.memory_space<vmem_shared>>)
        tpu.yield
      }) : () -> ()
      %while3A_66 = arith.constant 0 : i32
      scf.yield %while3A_66 : i32
    }
    %barrier3A_20 = arith.constant 0 : index
    tpu.barrier barrier_id(%barrier3A_20)
    %mul3A_21 = arith.constant 624 : i32
    %mul3A_22 = arith.muli %arg1, %mul3A_21 : i32
    %mul3A_23 = arith.constant 624 : i32
    %mul3A_24 = arith.muli %arg1, %mul3A_23 : i32
    "tpu.region"() ({
      %run_scoped3A = tpu.sem_alloc : memref<!tpu.dma_semaphore, #tpu.memory_space<semaphore_mem>>
      %dma_start3A = arith.constant 0 : i32
      %dma_start3A_28 = tpu.memref_slice %arg6[%arg0, %mul3A_24, %dma_start3A] : memref<2x10000x128xf32, #tpu.memory_space<hbm>> -> memref<1x624x128xf32, #tpu.memory_space<hbm>>
      %dma_start3A_29 = tpu.memref_squeeze %dma_start3A_28 : memref<1x624x128xf32, #tpu.memory_space<hbm>> -> memref<624x128xf32, #tpu.memory_space<hbm>>
      %dma_start3A_30 = arith.constant 0 : i32
      %dma_start3A_31 = tpu.memref_slice %arg11[%mul3A_22, %dma_start3A_30] : memref<10112x128xf32, #tpu.memory_space<vmem_shared>> -> memref<624x128xf32, #tpu.memory_space<vmem_shared>>
      tpu.enqueue_dma source(%dma_start3A_31 : memref<624x128xf32, #tpu.memory_space<vmem_shared>>) target(%dma_start3A_29 : memref<624x128xf32, #tpu.memory_space<hbm>>) target_semaphore(%run_scoped3A : memref<!tpu.dma_semaphore, #tpu.memory_space<semaphore_mem>>)
      %dma_wait3A = arith.constant 0 : i32
      %dma_wait3A_32 = tpu.memref_slice %arg6[%arg0, %mul3A_24, %dma_wait3A] : memref<2x10000x128xf32, #tpu.memory_space<hbm>> -> memref<1x624x128xf32, #tpu.memory_space<hbm>>
      %dma_wait3A_33 = tpu.memref_squeeze %dma_wait3A_32 : memref<1x624x128xf32, #tpu.memory_space<hbm>> -> memref<624x128xf32, #tpu.memory_space<hbm>>
      %dma_wait3A_34 = arith.constant 0 : i32
      %dma_wait3A_35 = tpu.memref_slice %arg11[%mul3A_22, %dma_wait3A_34] : memref<10112x128xf32, #tpu.memory_space<vmem_shared>> -> memref<624x128xf32, #tpu.memory_space<vmem_shared>>
      tpu.wait_dma2 semaphore(%run_scoped3A : memref<!tpu.dma_semaphore, #tpu.memory_space<semaphore_mem>>) src(%dma_wait3A_35 : memref<624x128xf32, #tpu.memory_space<vmem_shared>>) dst(%dma_wait3A_33 : memref<624x128xf32, #tpu.memory_space<hbm>>)
      tpu.yield
    }) : () -> ()
    %eq3A_25 = arith.constant 15 : i32
    %eq3A_26 = arith.cmpi eq, %arg1, %eq3A_25 : i32
    %convert_element_type3A = arith.extui %eq3A_26 : i1 to i32
    %cond3A = arith.constant 0 : i32
    %cond3A_27 = arith.cmpi ne, %convert_element_type3A, %cond3A : i32
    scf.if %cond3A_27 {
      "tpu.region"() ({
        %run_scoped3A = tpu.sem_alloc : memref<!tpu.dma_semaphore, #tpu.memory_space<semaphore_mem>>
        %dma_start3A = arith.constant 9984 : i32
        %dma_start3A_28 = arith.constant 0 : i32
        %dma_start3A_29 = tpu.memref_slice %arg6[%arg0, %dma_start3A, %dma_start3A_28] : memref<2x10000x128xf32, #tpu.memory_space<hbm>> -> memref<1x16x128xf32, #tpu.memory_space<hbm>>
        %dma_start3A_30 = tpu.memref_squeeze %dma_start3A_29 : memref<1x16x128xf32, #tpu.memory_space<hbm>> -> memref<16x128xf32, #tpu.memory_space<hbm>>
        %dma_start3A_31 = arith.constant 9984 : i32
        %dma_start3A_32 = arith.constant 0 : i32
        %dma_start3A_33 = tpu.memref_slice %arg11[%dma_start3A_31, %dma_start3A_32] : memref<10112x128xf32, #tpu.memory_space<vmem_shared>> -> memref<16x128xf32, #tpu.memory_space<vmem_shared>>
        tpu.enqueue_dma source(%dma_start3A_33 : memref<16x128xf32, #tpu.memory_space<vmem_shared>>) target(%dma_start3A_30 : memref<16x128xf32, #tpu.memory_space<hbm>>) target_semaphore(%run_scoped3A : memref<!tpu.dma_semaphore, #tpu.memory_space<semaphore_mem>>)
        %dma_wait3A = arith.constant 9984 : i32
        %dma_wait3A_34 = arith.constant 0 : i32
        %dma_wait3A_35 = tpu.memref_slice %arg6[%arg0, %dma_wait3A, %dma_wait3A_34] : memref<2x10000x128xf32, #tpu.memory_space<hbm>> -> memref<1x16x128xf32, #tpu.memory_space<hbm>>
        %dma_wait3A_36 = tpu.memref_squeeze %dma_wait3A_35 : memref<1x16x128xf32, #tpu.memory_space<hbm>> -> memref<16x128xf32, #tpu.memory_space<hbm>>
        %dma_wait3A_37 = arith.constant 9984 : i32
        %dma_wait3A_38 = arith.constant 0 : i32
        %dma_wait3A_39 = tpu.memref_slice %arg11[%dma_wait3A_37, %dma_wait3A_38] : memref<10112x128xf32, #tpu.memory_space<vmem_shared>> -> memref<16x128xf32, #tpu.memory_space<vmem_shared>>
        tpu.wait_dma2 semaphore(%run_scoped3A : memref<!tpu.dma_semaphore, #tpu.memory_space<semaphore_mem>>) src(%dma_wait3A_39 : memref<16x128xf32, #tpu.memory_space<vmem_shared>>) dst(%dma_wait3A_36 : memref<16x128xf32, #tpu.memory_space<hbm>>)
        tpu.yield
      }) : () -> ()
    } else {
    }
    return
  }
}

#map = affine_map<(d0, d1) -> (0, 0)>
#map1 = affine_map<(d0, d1) -> (0, 0, 0)>
module attributes {stable_mosaic.version = 14 : i64} {
  func.func @_sc_spmm(%arg0: i32, %arg1: i32, %arg2: memref<10000x128xf32, #tpu.memory_space<hbm>>, %arg3: memref<2560x128xi32, #tpu.memory_space<hbm>>, %arg4: memref<2560x128xi32, #tpu.memory_space<hbm>>, %arg5: memref<632x128xf32, #tpu.memory_space<hbm>>, %arg6: memref<2x10000x128xf32, #tpu.memory_space<hbm>>, %arg7: memref<8x128xi32, #tpu.memory_space<vmem>>, %arg8: memref<8x128xi32, #tpu.memory_space<vmem>>, %arg9: memref<128x128xf32, #tpu.memory_space<vmem>>, %arg10: memref<128x128xf32, #tpu.memory_space<vmem>>, %arg11: memref<10112x128xf32, #tpu.memory_space<vmem_shared>>, %arg12: memref<!tpu.dma_semaphore, #tpu.memory_space<semaphore_mem>>, %arg13: memref<!tpu.dma_semaphore, #tpu.memory_space<semaphore_mem>>) attributes {dimension_semantics = [#tpu.dimension_semantics<core_parallel>, #tpu.dimension_semantics<subcore_parallel>], iteration_bounds = array<i64: 2, 16>, scalar_prefetch = 0 : i64, scratch_operands = 7 : i64, tpu.core_type = #tpu.core_type<sc_vector_subcore>, window_params = [{transform_indices = #map}, {transform_indices = #map}, {transform_indices = #map}, {transform_indices = #map}, {transform_indices = #map1}]} {
    %eq3A = arith.constant 1 : i32
    %eq3A_0 = arith.cmpi eq, %arg0, %eq3A : i32
    %jit3A = arith.constant 19 : i32
    %jit3A_1 = arith.constant 1 : i32
    %select_n3A = arith.select %eq3A_0, %jit3A, %jit3A_1 : i32
    %mul3A = arith.constant 152 : i32
    %mul3A_2 = arith.muli %arg1, %mul3A : i32
    %mul3A_3 = arith.constant 8 : i32
    %mul3A_4 = arith.muli %arg1, %mul3A_3 : i32
    %add3A = arith.constant 2432 : i32
    %add3A_5 = arith.addi %add3A, %mul3A_4 : i32
    %select_n3A_6 = arith.select %eq3A_0, %mul3A_2, %add3A_5 : i32
    %mul3A_7 = arith.constant 632 : i32
    %mul3A_8 = arith.muli %arg1, %mul3A_7 : i32
    "tpu.region"() ({
      %run_scoped3A = tpu.sem_alloc : memref<!tpu.dma_semaphore, #tpu.memory_space<semaphore_mem>>
      %dma_start3A = arith.constant 0 : i32
      %dma_start3A_28 = tpu.memref_slice %arg11[%mul3A_8, %dma_start3A] : memref<10112x128xf32, #tpu.memory_space<vmem_shared>> -> memref<632x128xf32, #tpu.memory_space<vmem_shared>>
      tpu.enqueue_dma source(%arg5 : memref<632x128xf32, #tpu.memory_space<hbm>>) target(%dma_start3A_28 : memref<632x128xf32, #tpu.memory_space<vmem_shared>>) target_semaphore(%run_scoped3A : memref<!tpu.dma_semaphore, #tpu.memory_space<semaphore_mem>>)
      %dma_wait3A = arith.constant 0 : i32
      %dma_wait3A_29 = tpu.memref_slice %arg11[%mul3A_8, %dma_wait3A] : memref<10112x128xf32, #tpu.memory_space<vmem_shared>> -> memref<632x128xf32, #tpu.memory_space<vmem_shared>>
      tpu.wait_dma2 semaphore(%run_scoped3A : memref<!tpu.dma_semaphore, #tpu.memory_space<semaphore_mem>>) src(%arg5 : memref<632x128xf32, #tpu.memory_space<hbm>>) dst(%dma_wait3A_29 : memref<632x128xf32, #tpu.memory_space<vmem_shared>>)
      tpu.yield
    }) : () -> ()
    %barrier3A = arith.constant 0 : index
    tpu.barrier barrier_id(%barrier3A)
    %while3A = arith.constant 0 : i32
    %while3A_9 = arith.constant 0 : i32
    %while3A_10 = arith.subi %select_n3A, %while3A : i32
    %while3A_11 = arith.addi %while3A, %while3A_10 : i32
    %while3A_12 = arith.constant 1 : i32
    %while3A_13 = arith.divsi %while3A_10, %while3A_12 : i32
    %while3A_14 = arith.muli %while3A_13, %while3A_12 : i32
    %while3A_15 = arith.addi %while3A, %while3A_14 : i32
    %while3A_16 = arith.constant 1 : i32
    %while3A_17 = scf.for %while3A_28 = %while3A to %while3A_15 step %while3A_16 iter_args(%while3A_29 = %while3A_9) -> (i32)  : i32 {
      %mul3A_30 = arith.constant 8 : i32
      %mul3A_31 = arith.muli %while3A_28, %mul3A_30 : i32
      %add3A_32 = arith.addi %select_n3A_6, %mul3A_31 : i32
      %multiple_of3A = tpu.assume_multiple %add3A_32, 8 : i32
      "tpu.region"() ({
        %run_scoped3A_67 = tpu.sem_alloc : memref<!tpu.dma_semaphore, #tpu.memory_space<semaphore_mem>>
        %dma_start3A_68 = arith.constant 0 : i32
        %dma_start3A_69 = tpu.memref_slice %arg3[%multiple_of3A, %dma_start3A_68] : memref<2560x128xi32, #tpu.memory_space<hbm>> -> memref<8x128xi32, #tpu.memory_space<hbm>>
        %dma_start3A_70 = arith.constant 0 : i32
        %dma_start3A_71 = tpu.memref_slice %arg3[%multiple_of3A, %dma_start3A_70] : memref<2560x128xi32, #tpu.memory_space<hbm>> -> memref<8x128xi32, #tpu.memory_space<hbm>>
        tpu.enqueue_dma source(%dma_start3A_71 : memref<8x128xi32, #tpu.memory_space<hbm>>) target(%arg7 : memref<8x128xi32, #tpu.memory_space<vmem>>) target_semaphore(%run_scoped3A_67 : memref<!tpu.dma_semaphore, #tpu.memory_space<semaphore_mem>>)
        %dma_wait3A_72 = arith.constant 0 : i32
        %dma_wait3A_73 = tpu.memref_slice %arg3[%multiple_of3A, %dma_wait3A_72] : memref<2560x128xi32, #tpu.memory_space<hbm>> -> memref<8x128xi32, #tpu.memory_space<hbm>>
        %dma_wait3A_74 = arith.constant 0 : i32
        %dma_wait3A_75 = tpu.memref_slice %arg3[%multiple_of3A, %dma_wait3A_74] : memref<2560x128xi32, #tpu.memory_space<hbm>> -> memref<8x128xi32, #tpu.memory_space<hbm>>
        tpu.wait_dma2 semaphore(%run_scoped3A_67 : memref<!tpu.dma_semaphore, #tpu.memory_space<semaphore_mem>>) src(%dma_wait3A_75 : memref<8x128xi32, #tpu.memory_space<hbm>>) dst(%arg7 : memref<8x128xi32, #tpu.memory_space<vmem>>)
        tpu.yield
      }) : () -> ()
      "tpu.region"() ({
        %run_scoped3A_67 = tpu.sem_alloc : memref<!tpu.dma_semaphore, #tpu.memory_space<semaphore_mem>>
        %dma_start3A_68 = arith.constant 0 : i32
        %dma_start3A_69 = tpu.memref_slice %arg4[%multiple_of3A, %dma_start3A_68] : memref<2560x128xi32, #tpu.memory_space<hbm>> -> memref<8x128xi32, #tpu.memory_space<hbm>>
        %dma_start3A_70 = arith.constant 0 : i32
        %dma_start3A_71 = tpu.memref_slice %arg4[%multiple_of3A, %dma_start3A_70] : memref<2560x128xi32, #tpu.memory_space<hbm>> -> memref<8x128xi32, #tpu.memory_space<hbm>>
        tpu.enqueue_dma source(%dma_start3A_71 : memref<8x128xi32, #tpu.memory_space<hbm>>) target(%arg8 : memref<8x128xi32, #tpu.memory_space<vmem>>) target_semaphore(%run_scoped3A_67 : memref<!tpu.dma_semaphore, #tpu.memory_space<semaphore_mem>>)
        %dma_wait3A_72 = arith.constant 0 : i32
        %dma_wait3A_73 = tpu.memref_slice %arg4[%multiple_of3A, %dma_wait3A_72] : memref<2560x128xi32, #tpu.memory_space<hbm>> -> memref<8x128xi32, #tpu.memory_space<hbm>>
        %dma_wait3A_74 = arith.constant 0 : i32
        %dma_wait3A_75 = tpu.memref_slice %arg4[%multiple_of3A, %dma_wait3A_74] : memref<2560x128xi32, #tpu.memory_space<hbm>> -> memref<8x128xi32, #tpu.memory_space<hbm>>
        tpu.wait_dma2 semaphore(%run_scoped3A_67 : memref<!tpu.dma_semaphore, #tpu.memory_space<semaphore_mem>>) src(%dma_wait3A_75 : memref<8x128xi32, #tpu.memory_space<hbm>>) dst(%arg8 : memref<8x128xi32, #tpu.memory_space<vmem>>)
        tpu.yield
      }) : () -> ()
      %dma_start3A = arith.constant 0 : i32
      %dma_start3A_33 = arith.constant 0 : i32
      %dma_start3A_34 = tpu.memref_slice %arg7[%dma_start3A, %dma_start3A_33] : memref<8x128xi32, #tpu.memory_space<vmem>> -> memref<1x128xi32, #tpu.memory_space<vmem>>
      %dma_start3A_35 = tpu.memref_squeeze %dma_start3A_34 : memref<1x128xi32, #tpu.memory_space<vmem>> -> memref<128xi32, #tpu.memory_space<vmem>>
      %dma_start3A_36 = arith.constant 0 : i32
      %dma_start3A_37 = arith.constant 0 : i32
      %dma_start3A_38 = tpu.memref_slice %arg2[%dma_start3A_36, %dma_start3A_37] : memref<10000x128xf32, #tpu.memory_space<hbm>> -> memref<10000x128xf32, #tpu.memory_space<hbm>>
      tpu.enqueue_indirect_dma source(%dma_start3A_38 : memref<10000x128xf32, #tpu.memory_space<hbm>>) target(%arg9 : memref<128x128xf32, #tpu.memory_space<vmem>>) offsets(%dma_start3A_35 : memref<128xi32, #tpu.memory_space<vmem>>) semaphore(%arg12 : memref<!tpu.dma_semaphore, #tpu.memory_space<semaphore_mem>>)
      %dma_start3A_39 = arith.constant 1 : i32
      %dma_start3A_40 = arith.constant 0 : i32
      %dma_start3A_41 = tpu.memref_slice %arg7[%dma_start3A_39, %dma_start3A_40] : memref<8x128xi32, #tpu.memory_space<vmem>> -> memref<1x128xi32, #tpu.memory_space<vmem>>
      %dma_start3A_42 = tpu.memref_squeeze %dma_start3A_41 : memref<1x128xi32, #tpu.memory_space<vmem>> -> memref<128xi32, #tpu.memory_space<vmem>>
      %dma_start3A_43 = arith.constant 0 : i32
      %dma_start3A_44 = arith.constant 0 : i32
      %dma_start3A_45 = tpu.memref_slice %arg2[%dma_start3A_43, %dma_start3A_44] : memref<10000x128xf32, #tpu.memory_space<hbm>> -> memref<10000x128xf32, #tpu.memory_space<hbm>>
      tpu.enqueue_indirect_dma source(%dma_start3A_45 : memref<10000x128xf32, #tpu.memory_space<hbm>>) target(%arg10 : memref<128x128xf32, #tpu.memory_space<vmem>>) offsets(%dma_start3A_42 : memref<128xi32, #tpu.memory_space<vmem>>) semaphore(%arg13 : memref<!tpu.dma_semaphore, #tpu.memory_space<semaphore_mem>>)
      %scan3A = arith.constant 0 : i32
      %scan3A_46 = arith.constant 0 : i32
      %scan3A_47 = arith.constant 3 : i32
      %scan3A_48 = arith.addi %scan3A_46, %scan3A_47 : i32
      %scan3A_49 = arith.constant 1 : i32
      %scan3A_50 = scf.for %scan3A_67 = %scan3A_46 to %scan3A_48 step %scan3A_49 iter_args(%scan3A_68 = %scan3A) -> (i32)  : i32 {
        %mul3A_69 = arith.constant 2 : i32
        %mul3A_70 = arith.muli %mul3A_69, %scan3A_67 : i32
        %dma_wait3A_71 = arith.constant 0 : i32
        %dma_wait3A_72 = tpu.memref_slice %arg7[%mul3A_70, %dma_wait3A_71] : memref<8x128xi32, #tpu.memory_space<vmem>> -> memref<1x128xi32, #tpu.memory_space<vmem>>
        %dma_wait3A_73 = tpu.memref_squeeze %dma_wait3A_72 : memref<1x128xi32, #tpu.memory_space<vmem>> -> memref<128xi32, #tpu.memory_space<vmem>>
        %dma_wait3A_74 = arith.constant 0 : i32
        %dma_wait3A_75 = arith.constant 0 : i32
        %dma_wait3A_76 = tpu.memref_slice %arg2[%dma_wait3A_74, %dma_wait3A_75] : memref<10000x128xf32, #tpu.memory_space<hbm>> -> memref<10000x128xf32, #tpu.memory_space<hbm>>
        tpu.wait_indirect_dma semaphore(%arg12 : memref<!tpu.dma_semaphore, #tpu.memory_space<semaphore_mem>>) src(%dma_wait3A_76 : memref<10000x128xf32, #tpu.memory_space<hbm>>) dst(%arg9 : memref<128x128xf32, #tpu.memory_space<vmem>>)
        "tpu.region"() ({
          %run_scoped3A_104 = tpu.sem_alloc : memref<!tpu.dma_semaphore, #tpu.memory_space<semaphore_mem>>
          %dma_start3A_105 = arith.constant 0 : i32
          %dma_start3A_106 = tpu.memref_slice %arg8[%mul3A_70, %dma_start3A_105] : memref<8x128xi32, #tpu.memory_space<vmem>> -> memref<1x128xi32, #tpu.memory_space<vmem>>
          %dma_start3A_107 = tpu.memref_squeeze %dma_start3A_106 : memref<1x128xi32, #tpu.memory_space<vmem>> -> memref<128xi32, #tpu.memory_space<vmem>>
          %dma_start3A_108 = arith.constant 0 : i32
          %dma_start3A_109 = arith.constant 0 : i32
          %dma_start3A_110 = tpu.memref_slice %arg11[%dma_start3A_108, %dma_start3A_109] : memref<10112x128xf32, #tpu.memory_space<vmem_shared>> -> memref<10112x128xf32, #tpu.memory_space<vmem_shared>>
          tpu.enqueue_indirect_dma source(%arg9 : memref<128x128xf32, #tpu.memory_space<vmem>>) target(%dma_start3A_110 : memref<10112x128xf32, #tpu.memory_space<vmem_shared>>) offsets(%dma_start3A_107 : memref<128xi32, #tpu.memory_space<vmem>>) semaphore(%run_scoped3A_104 : memref<!tpu.dma_semaphore, #tpu.memory_space<semaphore_mem>>) {add = true}
          %dma_wait3A_111 = arith.constant 0 : i32
          %dma_wait3A_112 = tpu.memref_slice %arg8[%mul3A_70, %dma_wait3A_111] : memref<8x128xi32, #tpu.memory_space<vmem>> -> memref<1x128xi32, #tpu.memory_space<vmem>>
          %dma_wait3A_113 = tpu.memref_squeeze %dma_wait3A_112 : memref<1x128xi32, #tpu.memory_space<vmem>> -> memref<128xi32, #tpu.memory_space<vmem>>
          %dma_wait3A_114 = arith.constant 0 : i32
          %dma_wait3A_115 = arith.constant 0 : i32
          %dma_wait3A_116 = tpu.memref_slice %arg11[%dma_wait3A_114, %dma_wait3A_115] : memref<10112x128xf32, #tpu.memory_space<vmem_shared>> -> memref<10112x128xf32, #tpu.memory_space<vmem_shared>>
          tpu.wait_indirect_dma semaphore(%run_scoped3A_104 : memref<!tpu.dma_semaphore, #tpu.memory_space<semaphore_mem>>) src(%arg9 : memref<128x128xf32, #tpu.memory_space<vmem>>) dst(%dma_wait3A_116 : memref<10112x128xf32, #tpu.memory_space<vmem_shared>>)
          tpu.yield
        }) : () -> ()
        %add3A_77 = arith.constant 2 : i32
        %add3A_78 = arith.addi %mul3A_70, %add3A_77 : i32
        %dma_start3A_79 = arith.constant 0 : i32
        %dma_start3A_80 = tpu.memref_slice %arg7[%add3A_78, %dma_start3A_79] : memref<8x128xi32, #tpu.memory_space<vmem>> -> memref<1x128xi32, #tpu.memory_space<vmem>>
        %dma_start3A_81 = tpu.memref_squeeze %dma_start3A_80 : memref<1x128xi32, #tpu.memory_space<vmem>> -> memref<128xi32, #tpu.memory_space<vmem>>
        %dma_start3A_82 = arith.constant 0 : i32
        %dma_start3A_83 = arith.constant 0 : i32
        %dma_start3A_84 = tpu.memref_slice %arg2[%dma_start3A_82, %dma_start3A_83] : memref<10000x128xf32, #tpu.memory_space<hbm>> -> memref<10000x128xf32, #tpu.memory_space<hbm>>
        tpu.enqueue_indirect_dma source(%dma_start3A_84 : memref<10000x128xf32, #tpu.memory_space<hbm>>) target(%arg9 : memref<128x128xf32, #tpu.memory_space<vmem>>) offsets(%dma_start3A_81 : memref<128xi32, #tpu.memory_space<vmem>>) semaphore(%arg12 : memref<!tpu.dma_semaphore, #tpu.memory_space<semaphore_mem>>)
        %add3A_85 = arith.constant 1 : i32
        %add3A_86 = arith.addi %mul3A_70, %add3A_85 : i32
        %dma_wait3A_87 = arith.constant 0 : i32
        %dma_wait3A_88 = tpu.memref_slice %arg7[%add3A_86, %dma_wait3A_87] : memref<8x128xi32, #tpu.memory_space<vmem>> -> memref<1x128xi32, #tpu.memory_space<vmem>>
        %dma_wait3A_89 = tpu.memref_squeeze %dma_wait3A_88 : memref<1x128xi32, #tpu.memory_space<vmem>> -> memref<128xi32, #tpu.memory_space<vmem>>
        %dma_wait3A_90 = arith.constant 0 : i32
        %dma_wait3A_91 = arith.constant 0 : i32
        %dma_wait3A_92 = tpu.memref_slice %arg2[%dma_wait3A_90, %dma_wait3A_91] : memref<10000x128xf32, #tpu.memory_space<hbm>> -> memref<10000x128xf32, #tpu.memory_space<hbm>>
        tpu.wait_indirect_dma semaphore(%arg13 : memref<!tpu.dma_semaphore, #tpu.memory_space<semaphore_mem>>) src(%dma_wait3A_92 : memref<10000x128xf32, #tpu.memory_space<hbm>>) dst(%arg10 : memref<128x128xf32, #tpu.memory_space<vmem>>)
        %add3A_93 = arith.constant 1 : i32
        %add3A_94 = arith.addi %mul3A_70, %add3A_93 : i32
        "tpu.region"() ({
          %run_scoped3A_104 = tpu.sem_alloc : memref<!tpu.dma_semaphore, #tpu.memory_space<semaphore_mem>>
          %dma_start3A_105 = arith.constant 0 : i32
          %dma_start3A_106 = tpu.memref_slice %arg8[%add3A_94, %dma_start3A_105] : memref<8x128xi32, #tpu.memory_space<vmem>> -> memref<1x128xi32, #tpu.memory_space<vmem>>
          %dma_start3A_107 = tpu.memref_squeeze %dma_start3A_106 : memref<1x128xi32, #tpu.memory_space<vmem>> -> memref<128xi32, #tpu.memory_space<vmem>>
          %dma_start3A_108 = arith.constant 0 : i32
          %dma_start3A_109 = arith.constant 0 : i32
          %dma_start3A_110 = tpu.memref_slice %arg11[%dma_start3A_108, %dma_start3A_109] : memref<10112x128xf32, #tpu.memory_space<vmem_shared>> -> memref<10112x128xf32, #tpu.memory_space<vmem_shared>>
          tpu.enqueue_indirect_dma source(%arg10 : memref<128x128xf32, #tpu.memory_space<vmem>>) target(%dma_start3A_110 : memref<10112x128xf32, #tpu.memory_space<vmem_shared>>) offsets(%dma_start3A_107 : memref<128xi32, #tpu.memory_space<vmem>>) semaphore(%run_scoped3A_104 : memref<!tpu.dma_semaphore, #tpu.memory_space<semaphore_mem>>) {add = true}
          %dma_wait3A_111 = arith.constant 0 : i32
          %dma_wait3A_112 = tpu.memref_slice %arg8[%add3A_94, %dma_wait3A_111] : memref<8x128xi32, #tpu.memory_space<vmem>> -> memref<1x128xi32, #tpu.memory_space<vmem>>
          %dma_wait3A_113 = tpu.memref_squeeze %dma_wait3A_112 : memref<1x128xi32, #tpu.memory_space<vmem>> -> memref<128xi32, #tpu.memory_space<vmem>>
          %dma_wait3A_114 = arith.constant 0 : i32
          %dma_wait3A_115 = arith.constant 0 : i32
          %dma_wait3A_116 = tpu.memref_slice %arg11[%dma_wait3A_114, %dma_wait3A_115] : memref<10112x128xf32, #tpu.memory_space<vmem_shared>> -> memref<10112x128xf32, #tpu.memory_space<vmem_shared>>
          tpu.wait_indirect_dma semaphore(%run_scoped3A_104 : memref<!tpu.dma_semaphore, #tpu.memory_space<semaphore_mem>>) src(%arg10 : memref<128x128xf32, #tpu.memory_space<vmem>>) dst(%dma_wait3A_116 : memref<10112x128xf32, #tpu.memory_space<vmem_shared>>)
          tpu.yield
        }) : () -> ()
        %add3A_95 = arith.constant 3 : i32
        %add3A_96 = arith.addi %mul3A_70, %add3A_95 : i32
        %dma_start3A_97 = arith.constant 0 : i32
        %dma_start3A_98 = tpu.memref_slice %arg7[%add3A_96, %dma_start3A_97] : memref<8x128xi32, #tpu.memory_space<vmem>> -> memref<1x128xi32, #tpu.memory_space<vmem>>
        %dma_start3A_99 = tpu.memref_squeeze %dma_start3A_98 : memref<1x128xi32, #tpu.memory_space<vmem>> -> memref<128xi32, #tpu.memory_space<vmem>>
        %dma_start3A_100 = arith.constant 0 : i32
        %dma_start3A_101 = arith.constant 0 : i32
        %dma_start3A_102 = tpu.memref_slice %arg2[%dma_start3A_100, %dma_start3A_101] : memref<10000x128xf32, #tpu.memory_space<hbm>> -> memref<10000x128xf32, #tpu.memory_space<hbm>>
        tpu.enqueue_indirect_dma source(%dma_start3A_102 : memref<10000x128xf32, #tpu.memory_space<hbm>>) target(%arg10 : memref<128x128xf32, #tpu.memory_space<vmem>>) offsets(%dma_start3A_99 : memref<128xi32, #tpu.memory_space<vmem>>) semaphore(%arg13 : memref<!tpu.dma_semaphore, #tpu.memory_space<semaphore_mem>>)
        %scan3A_103 = arith.constant 0 : i32
        scf.yield %scan3A_103 : i32
      }
      %scan3A_51 = arith.constant 3 : i32
      %dma_wait3A = arith.constant 6 : i32
      %dma_wait3A_52 = arith.constant 0 : i32
      %dma_wait3A_53 = tpu.memref_slice %arg7[%dma_wait3A, %dma_wait3A_52] : memref<8x128xi32, #tpu.memory_space<vmem>> -> memref<1x128xi32, #tpu.memory_space<vmem>>
      %dma_wait3A_54 = tpu.memref_squeeze %dma_wait3A_53 : memref<1x128xi32, #tpu.memory_space<vmem>> -> memref<128xi32, #tpu.memory_space<vmem>>
      %dma_wait3A_55 = arith.constant 0 : i32
      %dma_wait3A_56 = arith.constant 0 : i32
      %dma_wait3A_57 = tpu.memref_slice %arg2[%dma_wait3A_55, %dma_wait3A_56] : memref<10000x128xf32, #tpu.memory_space<hbm>> -> memref<10000x128xf32, #tpu.memory_space<hbm>>
      tpu.wait_indirect_dma semaphore(%arg12 : memref<!tpu.dma_semaphore, #tpu.memory_space<semaphore_mem>>) src(%dma_wait3A_57 : memref<10000x128xf32, #tpu.memory_space<hbm>>) dst(%arg9 : memref<128x128xf32, #tpu.memory_space<vmem>>)
      %run_scoped3A = arith.constant 6 : i32
      "tpu.region"() ({
        %run_scoped3A_67 = tpu.sem_alloc : memref<!tpu.dma_semaphore, #tpu.memory_space<semaphore_mem>>
        %dma_start3A_68 = arith.constant 0 : i32
        %dma_start3A_69 = tpu.memref_slice %arg8[%run_scoped3A, %dma_start3A_68] : memref<8x128xi32, #tpu.memory_space<vmem>> -> memref<1x128xi32, #tpu.memory_space<vmem>>
        %dma_start3A_70 = tpu.memref_squeeze %dma_start3A_69 : memref<1x128xi32, #tpu.memory_space<vmem>> -> memref<128xi32, #tpu.memory_space<vmem>>
        %dma_start3A_71 = arith.constant 0 : i32
        %dma_start3A_72 = arith.constant 0 : i32
        %dma_start3A_73 = tpu.memref_slice %arg11[%dma_start3A_71, %dma_start3A_72] : memref<10112x128xf32, #tpu.memory_space<vmem_shared>> -> memref<10112x128xf32, #tpu.memory_space<vmem_shared>>
        tpu.enqueue_indirect_dma source(%arg9 : memref<128x128xf32, #tpu.memory_space<vmem>>) target(%dma_start3A_73 : memref<10112x128xf32, #tpu.memory_space<vmem_shared>>) offsets(%dma_start3A_70 : memref<128xi32, #tpu.memory_space<vmem>>) semaphore(%run_scoped3A_67 : memref<!tpu.dma_semaphore, #tpu.memory_space<semaphore_mem>>) {add = true}
        %dma_wait3A_74 = arith.constant 0 : i32
        %dma_wait3A_75 = tpu.memref_slice %arg8[%run_scoped3A, %dma_wait3A_74] : memref<8x128xi32, #tpu.memory_space<vmem>> -> memref<1x128xi32, #tpu.memory_space<vmem>>
        %dma_wait3A_76 = tpu.memref_squeeze %dma_wait3A_75 : memref<1x128xi32, #tpu.memory_space<vmem>> -> memref<128xi32, #tpu.memory_space<vmem>>
        %dma_wait3A_77 = arith.constant 0 : i32
        %dma_wait3A_78 = arith.constant 0 : i32
        %dma_wait3A_79 = tpu.memref_slice %arg11[%dma_wait3A_77, %dma_wait3A_78] : memref<10112x128xf32, #tpu.memory_space<vmem_shared>> -> memref<10112x128xf32, #tpu.memory_space<vmem_shared>>
        tpu.wait_indirect_dma semaphore(%run_scoped3A_67 : memref<!tpu.dma_semaphore, #tpu.memory_space<semaphore_mem>>) src(%arg9 : memref<128x128xf32, #tpu.memory_space<vmem>>) dst(%dma_wait3A_79 : memref<10112x128xf32, #tpu.memory_space<vmem_shared>>)
        tpu.yield
      }) : () -> ()
      %dma_wait3A_58 = arith.constant 7 : i32
      %dma_wait3A_59 = arith.constant 0 : i32
      %dma_wait3A_60 = tpu.memref_slice %arg7[%dma_wait3A_58, %dma_wait3A_59] : memref<8x128xi32, #tpu.memory_space<vmem>> -> memref<1x128xi32, #tpu.memory_space<vmem>>
      %dma_wait3A_61 = tpu.memref_squeeze %dma_wait3A_60 : memref<1x128xi32, #tpu.memory_space<vmem>> -> memref<128xi32, #tpu.memory_space<vmem>>
      %dma_wait3A_62 = arith.constant 0 : i32
      %dma_wait3A_63 = arith.constant 0 : i32
      %dma_wait3A_64 = tpu.memref_slice %arg2[%dma_wait3A_62, %dma_wait3A_63] : memref<10000x128xf32, #tpu.memory_space<hbm>> -> memref<10000x128xf32, #tpu.memory_space<hbm>>
      tpu.wait_indirect_dma semaphore(%arg13 : memref<!tpu.dma_semaphore, #tpu.memory_space<semaphore_mem>>) src(%dma_wait3A_64 : memref<10000x128xf32, #tpu.memory_space<hbm>>) dst(%arg10 : memref<128x128xf32, #tpu.memory_space<vmem>>)
      %run_scoped3A_65 = arith.constant 7 : i32
      "tpu.region"() ({
        %run_scoped3A_67 = tpu.sem_alloc : memref<!tpu.dma_semaphore, #tpu.memory_space<semaphore_mem>>
        %dma_start3A_68 = arith.constant 0 : i32
        %dma_start3A_69 = tpu.memref_slice %arg8[%run_scoped3A_65, %dma_start3A_68] : memref<8x128xi32, #tpu.memory_space<vmem>> -> memref<1x128xi32, #tpu.memory_space<vmem>>
        %dma_start3A_70 = tpu.memref_squeeze %dma_start3A_69 : memref<1x128xi32, #tpu.memory_space<vmem>> -> memref<128xi32, #tpu.memory_space<vmem>>
        %dma_start3A_71 = arith.constant 0 : i32
        %dma_start3A_72 = arith.constant 0 : i32
        %dma_start3A_73 = tpu.memref_slice %arg11[%dma_start3A_71, %dma_start3A_72] : memref<10112x128xf32, #tpu.memory_space<vmem_shared>> -> memref<10112x128xf32, #tpu.memory_space<vmem_shared>>
        tpu.enqueue_indirect_dma source(%arg10 : memref<128x128xf32, #tpu.memory_space<vmem>>) target(%dma_start3A_73 : memref<10112x128xf32, #tpu.memory_space<vmem_shared>>) offsets(%dma_start3A_70 : memref<128xi32, #tpu.memory_space<vmem>>) semaphore(%run_scoped3A_67 : memref<!tpu.dma_semaphore, #tpu.memory_space<semaphore_mem>>) {add = true}
        %dma_wait3A_74 = arith.constant 0 : i32
        %dma_wait3A_75 = tpu.memref_slice %arg8[%run_scoped3A_65, %dma_wait3A_74] : memref<8x128xi32, #tpu.memory_space<vmem>> -> memref<1x128xi32, #tpu.memory_space<vmem>>
        %dma_wait3A_76 = tpu.memref_squeeze %dma_wait3A_75 : memref<1x128xi32, #tpu.memory_space<vmem>> -> memref<128xi32, #tpu.memory_space<vmem>>
        %dma_wait3A_77 = arith.constant 0 : i32
        %dma_wait3A_78 = arith.constant 0 : i32
        %dma_wait3A_79 = tpu.memref_slice %arg11[%dma_wait3A_77, %dma_wait3A_78] : memref<10112x128xf32, #tpu.memory_space<vmem_shared>> -> memref<10112x128xf32, #tpu.memory_space<vmem_shared>>
        tpu.wait_indirect_dma semaphore(%run_scoped3A_67 : memref<!tpu.dma_semaphore, #tpu.memory_space<semaphore_mem>>) src(%arg10 : memref<128x128xf32, #tpu.memory_space<vmem>>) dst(%dma_wait3A_79 : memref<10112x128xf32, #tpu.memory_space<vmem_shared>>)
        tpu.yield
      }) : () -> ()
      %while3A_66 = arith.constant 0 : i32
      scf.yield %while3A_66 : i32
    }
    %while3A_18 = arith.constant 1 : i32
    %while3A_19 = scf.for %while3A_28 = %while3A_15 to %while3A_11 step %while3A_18 iter_args(%while3A_29 = %while3A_17) -> (i32)  : i32 {
      %mul3A_30 = arith.constant 8 : i32
      %mul3A_31 = arith.muli %while3A_28, %mul3A_30 : i32
      %add3A_32 = arith.addi %select_n3A_6, %mul3A_31 : i32
      %multiple_of3A = tpu.assume_multiple %add3A_32, 8 : i32
      "tpu.region"() ({
        %run_scoped3A_67 = tpu.sem_alloc : memref<!tpu.dma_semaphore, #tpu.memory_space<semaphore_mem>>
        %dma_start3A_68 = arith.constant 0 : i32
        %dma_start3A_69 = tpu.memref_slice %arg3[%multiple_of3A, %dma_start3A_68] : memref<2560x128xi32, #tpu.memory_space<hbm>> -> memref<8x128xi32, #tpu.memory_space<hbm>>
        %dma_start3A_70 = arith.constant 0 : i32
        %dma_start3A_71 = tpu.memref_slice %arg3[%multiple_of3A, %dma_start3A_70] : memref<2560x128xi32, #tpu.memory_space<hbm>> -> memref<8x128xi32, #tpu.memory_space<hbm>>
        tpu.enqueue_dma source(%dma_start3A_71 : memref<8x128xi32, #tpu.memory_space<hbm>>) target(%arg7 : memref<8x128xi32, #tpu.memory_space<vmem>>) target_semaphore(%run_scoped3A_67 : memref<!tpu.dma_semaphore, #tpu.memory_space<semaphore_mem>>)
        %dma_wait3A_72 = arith.constant 0 : i32
        %dma_wait3A_73 = tpu.memref_slice %arg3[%multiple_of3A, %dma_wait3A_72] : memref<2560x128xi32, #tpu.memory_space<hbm>> -> memref<8x128xi32, #tpu.memory_space<hbm>>
        %dma_wait3A_74 = arith.constant 0 : i32
        %dma_wait3A_75 = tpu.memref_slice %arg3[%multiple_of3A, %dma_wait3A_74] : memref<2560x128xi32, #tpu.memory_space<hbm>> -> memref<8x128xi32, #tpu.memory_space<hbm>>
        tpu.wait_dma2 semaphore(%run_scoped3A_67 : memref<!tpu.dma_semaphore, #tpu.memory_space<semaphore_mem>>) src(%dma_wait3A_75 : memref<8x128xi32, #tpu.memory_space<hbm>>) dst(%arg7 : memref<8x128xi32, #tpu.memory_space<vmem>>)
        tpu.yield
      }) : () -> ()
      "tpu.region"() ({
        %run_scoped3A_67 = tpu.sem_alloc : memref<!tpu.dma_semaphore, #tpu.memory_space<semaphore_mem>>
        %dma_start3A_68 = arith.constant 0 : i32
        %dma_start3A_69 = tpu.memref_slice %arg4[%multiple_of3A, %dma_start3A_68] : memref<2560x128xi32, #tpu.memory_space<hbm>> -> memref<8x128xi32, #tpu.memory_space<hbm>>
        %dma_start3A_70 = arith.constant 0 : i32
        %dma_start3A_71 = tpu.memref_slice %arg4[%multiple_of3A, %dma_start3A_70] : memref<2560x128xi32, #tpu.memory_space<hbm>> -> memref<8x128xi32, #tpu.memory_space<hbm>>
        tpu.enqueue_dma source(%dma_start3A_71 : memref<8x128xi32, #tpu.memory_space<hbm>>) target(%arg8 : memref<8x128xi32, #tpu.memory_space<vmem>>) target_semaphore(%run_scoped3A_67 : memref<!tpu.dma_semaphore, #tpu.memory_space<semaphore_mem>>)
        %dma_wait3A_72 = arith.constant 0 : i32
        %dma_wait3A_73 = tpu.memref_slice %arg4[%multiple_of3A, %dma_wait3A_72] : memref<2560x128xi32, #tpu.memory_space<hbm>> -> memref<8x128xi32, #tpu.memory_space<hbm>>
        %dma_wait3A_74 = arith.constant 0 : i32
        %dma_wait3A_75 = tpu.memref_slice %arg4[%multiple_of3A, %dma_wait3A_74] : memref<2560x128xi32, #tpu.memory_space<hbm>> -> memref<8x128xi32, #tpu.memory_space<hbm>>
        tpu.wait_dma2 semaphore(%run_scoped3A_67 : memref<!tpu.dma_semaphore, #tpu.memory_space<semaphore_mem>>) src(%dma_wait3A_75 : memref<8x128xi32, #tpu.memory_space<hbm>>) dst(%arg8 : memref<8x128xi32, #tpu.memory_space<vmem>>)
        tpu.yield
      }) : () -> ()
      %dma_start3A = arith.constant 0 : i32
      %dma_start3A_33 = arith.constant 0 : i32
      %dma_start3A_34 = tpu.memref_slice %arg7[%dma_start3A, %dma_start3A_33] : memref<8x128xi32, #tpu.memory_space<vmem>> -> memref<1x128xi32, #tpu.memory_space<vmem>>
      %dma_start3A_35 = tpu.memref_squeeze %dma_start3A_34 : memref<1x128xi32, #tpu.memory_space<vmem>> -> memref<128xi32, #tpu.memory_space<vmem>>
      %dma_start3A_36 = arith.constant 0 : i32
      %dma_start3A_37 = arith.constant 0 : i32
      %dma_start3A_38 = tpu.memref_slice %arg2[%dma_start3A_36, %dma_start3A_37] : memref<10000x128xf32, #tpu.memory_space<hbm>> -> memref<10000x128xf32, #tpu.memory_space<hbm>>
      tpu.enqueue_indirect_dma source(%dma_start3A_38 : memref<10000x128xf32, #tpu.memory_space<hbm>>) target(%arg9 : memref<128x128xf32, #tpu.memory_space<vmem>>) offsets(%dma_start3A_35 : memref<128xi32, #tpu.memory_space<vmem>>) semaphore(%arg12 : memref<!tpu.dma_semaphore, #tpu.memory_space<semaphore_mem>>)
      %dma_start3A_39 = arith.constant 1 : i32
      %dma_start3A_40 = arith.constant 0 : i32
      %dma_start3A_41 = tpu.memref_slice %arg7[%dma_start3A_39, %dma_start3A_40] : memref<8x128xi32, #tpu.memory_space<vmem>> -> memref<1x128xi32, #tpu.memory_space<vmem>>
      %dma_start3A_42 = tpu.memref_squeeze %dma_start3A_41 : memref<1x128xi32, #tpu.memory_space<vmem>> -> memref<128xi32, #tpu.memory_space<vmem>>
      %dma_start3A_43 = arith.constant 0 : i32
      %dma_start3A_44 = arith.constant 0 : i32
      %dma_start3A_45 = tpu.memref_slice %arg2[%dma_start3A_43, %dma_start3A_44] : memref<10000x128xf32, #tpu.memory_space<hbm>> -> memref<10000x128xf32, #tpu.memory_space<hbm>>
      tpu.enqueue_indirect_dma source(%dma_start3A_45 : memref<10000x128xf32, #tpu.memory_space<hbm>>) target(%arg10 : memref<128x128xf32, #tpu.memory_space<vmem>>) offsets(%dma_start3A_42 : memref<128xi32, #tpu.memory_space<vmem>>) semaphore(%arg13 : memref<!tpu.dma_semaphore, #tpu.memory_space<semaphore_mem>>)
      %scan3A = arith.constant 0 : i32
      %scan3A_46 = arith.constant 0 : i32
      %scan3A_47 = arith.constant 3 : i32
      %scan3A_48 = arith.addi %scan3A_46, %scan3A_47 : i32
      %scan3A_49 = arith.constant 1 : i32
      %scan3A_50 = scf.for %scan3A_67 = %scan3A_46 to %scan3A_48 step %scan3A_49 iter_args(%scan3A_68 = %scan3A) -> (i32)  : i32 {
        %mul3A_69 = arith.constant 2 : i32
        %mul3A_70 = arith.muli %mul3A_69, %scan3A_67 : i32
        %dma_wait3A_71 = arith.constant 0 : i32
        %dma_wait3A_72 = tpu.memref_slice %arg7[%mul3A_70, %dma_wait3A_71] : memref<8x128xi32, #tpu.memory_space<vmem>> -> memref<1x128xi32, #tpu.memory_space<vmem>>
        %dma_wait3A_73 = tpu.memref_squeeze %dma_wait3A_72 : memref<1x128xi32, #tpu.memory_space<vmem>> -> memref<128xi32, #tpu.memory_space<vmem>>
        %dma_wait3A_74 = arith.constant 0 : i32
        %dma_wait3A_75 = arith.constant 0 : i32
        %dma_wait3A_76 = tpu.memref_slice %arg2[%dma_wait3A_74, %dma_wait3A_75] : memref<10000x128xf32, #tpu.memory_space<hbm>> -> memref<10000x128xf32, #tpu.memory_space<hbm>>
        tpu.wait_indirect_dma semaphore(%arg12 : memref<!tpu.dma_semaphore, #tpu.memory_space<semaphore_mem>>) src(%dma_wait3A_76 : memref<10000x128xf32, #tpu.memory_space<hbm>>) dst(%arg9 : memref<128x128xf32, #tpu.memory_space<vmem>>)
        "tpu.region"() ({
          %run_scoped3A_104 = tpu.sem_alloc : memref<!tpu.dma_semaphore, #tpu.memory_space<semaphore_mem>>
          %dma_start3A_105 = arith.constant 0 : i32
          %dma_start3A_106 = tpu.memref_slice %arg8[%mul3A_70, %dma_start3A_105] : memref<8x128xi32, #tpu.memory_space<vmem>> -> memref<1x128xi32, #tpu.memory_space<vmem>>
          %dma_start3A_107 = tpu.memref_squeeze %dma_start3A_106 : memref<1x128xi32, #tpu.memory_space<vmem>> -> memref<128xi32, #tpu.memory_space<vmem>>
          %dma_start3A_108 = arith.constant 0 : i32
          %dma_start3A_109 = arith.constant 0 : i32
          %dma_start3A_110 = tpu.memref_slice %arg11[%dma_start3A_108, %dma_start3A_109] : memref<10112x128xf32, #tpu.memory_space<vmem_shared>> -> memref<10112x128xf32, #tpu.memory_space<vmem_shared>>
          tpu.enqueue_indirect_dma source(%arg9 : memref<128x128xf32, #tpu.memory_space<vmem>>) target(%dma_start3A_110 : memref<10112x128xf32, #tpu.memory_space<vmem_shared>>) offsets(%dma_start3A_107 : memref<128xi32, #tpu.memory_space<vmem>>) semaphore(%run_scoped3A_104 : memref<!tpu.dma_semaphore, #tpu.memory_space<semaphore_mem>>) {add = true}
          %dma_wait3A_111 = arith.constant 0 : i32
          %dma_wait3A_112 = tpu.memref_slice %arg8[%mul3A_70, %dma_wait3A_111] : memref<8x128xi32, #tpu.memory_space<vmem>> -> memref<1x128xi32, #tpu.memory_space<vmem>>
          %dma_wait3A_113 = tpu.memref_squeeze %dma_wait3A_112 : memref<1x128xi32, #tpu.memory_space<vmem>> -> memref<128xi32, #tpu.memory_space<vmem>>
          %dma_wait3A_114 = arith.constant 0 : i32
          %dma_wait3A_115 = arith.constant 0 : i32
          %dma_wait3A_116 = tpu.memref_slice %arg11[%dma_wait3A_114, %dma_wait3A_115] : memref<10112x128xf32, #tpu.memory_space<vmem_shared>> -> memref<10112x128xf32, #tpu.memory_space<vmem_shared>>
          tpu.wait_indirect_dma semaphore(%run_scoped3A_104 : memref<!tpu.dma_semaphore, #tpu.memory_space<semaphore_mem>>) src(%arg9 : memref<128x128xf32, #tpu.memory_space<vmem>>) dst(%dma_wait3A_116 : memref<10112x128xf32, #tpu.memory_space<vmem_shared>>)
          tpu.yield
        }) : () -> ()
        %add3A_77 = arith.constant 2 : i32
        %add3A_78 = arith.addi %mul3A_70, %add3A_77 : i32
        %dma_start3A_79 = arith.constant 0 : i32
        %dma_start3A_80 = tpu.memref_slice %arg7[%add3A_78, %dma_start3A_79] : memref<8x128xi32, #tpu.memory_space<vmem>> -> memref<1x128xi32, #tpu.memory_space<vmem>>
        %dma_start3A_81 = tpu.memref_squeeze %dma_start3A_80 : memref<1x128xi32, #tpu.memory_space<vmem>> -> memref<128xi32, #tpu.memory_space<vmem>>
        %dma_start3A_82 = arith.constant 0 : i32
        %dma_start3A_83 = arith.constant 0 : i32
        %dma_start3A_84 = tpu.memref_slice %arg2[%dma_start3A_82, %dma_start3A_83] : memref<10000x128xf32, #tpu.memory_space<hbm>> -> memref<10000x128xf32, #tpu.memory_space<hbm>>
        tpu.enqueue_indirect_dma source(%dma_start3A_84 : memref<10000x128xf32, #tpu.memory_space<hbm>>) target(%arg9 : memref<128x128xf32, #tpu.memory_space<vmem>>) offsets(%dma_start3A_81 : memref<128xi32, #tpu.memory_space<vmem>>) semaphore(%arg12 : memref<!tpu.dma_semaphore, #tpu.memory_space<semaphore_mem>>)
        %add3A_85 = arith.constant 1 : i32
        %add3A_86 = arith.addi %mul3A_70, %add3A_85 : i32
        %dma_wait3A_87 = arith.constant 0 : i32
        %dma_wait3A_88 = tpu.memref_slice %arg7[%add3A_86, %dma_wait3A_87] : memref<8x128xi32, #tpu.memory_space<vmem>> -> memref<1x128xi32, #tpu.memory_space<vmem>>
        %dma_wait3A_89 = tpu.memref_squeeze %dma_wait3A_88 : memref<1x128xi32, #tpu.memory_space<vmem>> -> memref<128xi32, #tpu.memory_space<vmem>>
        %dma_wait3A_90 = arith.constant 0 : i32
        %dma_wait3A_91 = arith.constant 0 : i32
        %dma_wait3A_92 = tpu.memref_slice %arg2[%dma_wait3A_90, %dma_wait3A_91] : memref<10000x128xf32, #tpu.memory_space<hbm>> -> memref<10000x128xf32, #tpu.memory_space<hbm>>
        tpu.wait_indirect_dma semaphore(%arg13 : memref<!tpu.dma_semaphore, #tpu.memory_space<semaphore_mem>>) src(%dma_wait3A_92 : memref<10000x128xf32, #tpu.memory_space<hbm>>) dst(%arg10 : memref<128x128xf32, #tpu.memory_space<vmem>>)
        %add3A_93 = arith.constant 1 : i32
        %add3A_94 = arith.addi %mul3A_70, %add3A_93 : i32
        "tpu.region"() ({
          %run_scoped3A_104 = tpu.sem_alloc : memref<!tpu.dma_semaphore, #tpu.memory_space<semaphore_mem>>
          %dma_start3A_105 = arith.constant 0 : i32
          %dma_start3A_106 = tpu.memref_slice %arg8[%add3A_94, %dma_start3A_105] : memref<8x128xi32, #tpu.memory_space<vmem>> -> memref<1x128xi32, #tpu.memory_space<vmem>>
          %dma_start3A_107 = tpu.memref_squeeze %dma_start3A_106 : memref<1x128xi32, #tpu.memory_space<vmem>> -> memref<128xi32, #tpu.memory_space<vmem>>
          %dma_start3A_108 = arith.constant 0 : i32
          %dma_start3A_109 = arith.constant 0 : i32
          %dma_start3A_110 = tpu.memref_slice %arg11[%dma_start3A_108, %dma_start3A_109] : memref<10112x128xf32, #tpu.memory_space<vmem_shared>> -> memref<10112x128xf32, #tpu.memory_space<vmem_shared>>
          tpu.enqueue_indirect_dma source(%arg10 : memref<128x128xf32, #tpu.memory_space<vmem>>) target(%dma_start3A_110 : memref<10112x128xf32, #tpu.memory_space<vmem_shared>>) offsets(%dma_start3A_107 : memref<128xi32, #tpu.memory_space<vmem>>) semaphore(%run_scoped3A_104 : memref<!tpu.dma_semaphore, #tpu.memory_space<semaphore_mem>>) {add = true}
          %dma_wait3A_111 = arith.constant 0 : i32
          %dma_wait3A_112 = tpu.memref_slice %arg8[%add3A_94, %dma_wait3A_111] : memref<8x128xi32, #tpu.memory_space<vmem>> -> memref<1x128xi32, #tpu.memory_space<vmem>>
          %dma_wait3A_113 = tpu.memref_squeeze %dma_wait3A_112 : memref<1x128xi32, #tpu.memory_space<vmem>> -> memref<128xi32, #tpu.memory_space<vmem>>
          %dma_wait3A_114 = arith.constant 0 : i32
          %dma_wait3A_115 = arith.constant 0 : i32
          %dma_wait3A_116 = tpu.memref_slice %arg11[%dma_wait3A_114, %dma_wait3A_115] : memref<10112x128xf32, #tpu.memory_space<vmem_shared>> -> memref<10112x128xf32, #tpu.memory_space<vmem_shared>>
          tpu.wait_indirect_dma semaphore(%run_scoped3A_104 : memref<!tpu.dma_semaphore, #tpu.memory_space<semaphore_mem>>) src(%arg10 : memref<128x128xf32, #tpu.memory_space<vmem>>) dst(%dma_wait3A_116 : memref<10112x128xf32, #tpu.memory_space<vmem_shared>>)
          tpu.yield
        }) : () -> ()
        %add3A_95 = arith.constant 3 : i32
        %add3A_96 = arith.addi %mul3A_70, %add3A_95 : i32
        %dma_start3A_97 = arith.constant 0 : i32
        %dma_start3A_98 = tpu.memref_slice %arg7[%add3A_96, %dma_start3A_97] : memref<8x128xi32, #tpu.memory_space<vmem>> -> memref<1x128xi32, #tpu.memory_space<vmem>>
        %dma_start3A_99 = tpu.memref_squeeze %dma_start3A_98 : memref<1x128xi32, #tpu.memory_space<vmem>> -> memref<128xi32, #tpu.memory_space<vmem>>
        %dma_start3A_100 = arith.constant 0 : i32
        %dma_start3A_101 = arith.constant 0 : i32
        %dma_start3A_102 = tpu.memref_slice %arg2[%dma_start3A_100, %dma_start3A_101] : memref<10000x128xf32, #tpu.memory_space<hbm>> -> memref<10000x128xf32, #tpu.memory_space<hbm>>
        tpu.enqueue_indirect_dma source(%dma_start3A_102 : memref<10000x128xf32, #tpu.memory_space<hbm>>) target(%arg10 : memref<128x128xf32, #tpu.memory_space<vmem>>) offsets(%dma_start3A_99 : memref<128xi32, #tpu.memory_space<vmem>>) semaphore(%arg13 : memref<!tpu.dma_semaphore, #tpu.memory_space<semaphore_mem>>)
        %scan3A_103 = arith.constant 0 : i32
        scf.yield %scan3A_103 : i32
      }
      %scan3A_51 = arith.constant 3 : i32
      %dma_wait3A = arith.constant 6 : i32
      %dma_wait3A_52 = arith.constant 0 : i32
      %dma_wait3A_53 = tpu.memref_slice %arg7[%dma_wait3A, %dma_wait3A_52] : memref<8x128xi32, #tpu.memory_space<vmem>> -> memref<1x128xi32, #tpu.memory_space<vmem>>
      %dma_wait3A_54 = tpu.memref_squeeze %dma_wait3A_53 : memref<1x128xi32, #tpu.memory_space<vmem>> -> memref<128xi32, #tpu.memory_space<vmem>>
      %dma_wait3A_55 = arith.constant 0 : i32
      %dma_wait3A_56 = arith.constant 0 : i32
      %dma_wait3A_57 = tpu.memref_slice %arg2[%dma_wait3A_55, %dma_wait3A_56] : memref<10000x128xf32, #tpu.memory_space<hbm>> -> memref<10000x128xf32, #tpu.memory_space<hbm>>
      tpu.wait_indirect_dma semaphore(%arg12 : memref<!tpu.dma_semaphore, #tpu.memory_space<semaphore_mem>>) src(%dma_wait3A_57 : memref<10000x128xf32, #tpu.memory_space<hbm>>) dst(%arg9 : memref<128x128xf32, #tpu.memory_space<vmem>>)
      %run_scoped3A = arith.constant 6 : i32
      "tpu.region"() ({
        %run_scoped3A_67 = tpu.sem_alloc : memref<!tpu.dma_semaphore, #tpu.memory_space<semaphore_mem>>
        %dma_start3A_68 = arith.constant 0 : i32
        %dma_start3A_69 = tpu.memref_slice %arg8[%run_scoped3A, %dma_start3A_68] : memref<8x128xi32, #tpu.memory_space<vmem>> -> memref<1x128xi32, #tpu.memory_space<vmem>>
        %dma_start3A_70 = tpu.memref_squeeze %dma_start3A_69 : memref<1x128xi32, #tpu.memory_space<vmem>> -> memref<128xi32, #tpu.memory_space<vmem>>
        %dma_start3A_71 = arith.constant 0 : i32
        %dma_start3A_72 = arith.constant 0 : i32
        %dma_start3A_73 = tpu.memref_slice %arg11[%dma_start3A_71, %dma_start3A_72] : memref<10112x128xf32, #tpu.memory_space<vmem_shared>> -> memref<10112x128xf32, #tpu.memory_space<vmem_shared>>
        tpu.enqueue_indirect_dma source(%arg9 : memref<128x128xf32, #tpu.memory_space<vmem>>) target(%dma_start3A_73 : memref<10112x128xf32, #tpu.memory_space<vmem_shared>>) offsets(%dma_start3A_70 : memref<128xi32, #tpu.memory_space<vmem>>) semaphore(%run_scoped3A_67 : memref<!tpu.dma_semaphore, #tpu.memory_space<semaphore_mem>>) {add = true}
        %dma_wait3A_74 = arith.constant 0 : i32
        %dma_wait3A_75 = tpu.memref_slice %arg8[%run_scoped3A, %dma_wait3A_74] : memref<8x128xi32, #tpu.memory_space<vmem>> -> memref<1x128xi32, #tpu.memory_space<vmem>>
        %dma_wait3A_76 = tpu.memref_squeeze %dma_wait3A_75 : memref<1x128xi32, #tpu.memory_space<vmem>> -> memref<128xi32, #tpu.memory_space<vmem>>
        %dma_wait3A_77 = arith.constant 0 : i32
        %dma_wait3A_78 = arith.constant 0 : i32
        %dma_wait3A_79 = tpu.memref_slice %arg11[%dma_wait3A_77, %dma_wait3A_78] : memref<10112x128xf32, #tpu.memory_space<vmem_shared>> -> memref<10112x128xf32, #tpu.memory_space<vmem_shared>>
        tpu.wait_indirect_dma semaphore(%run_scoped3A_67 : memref<!tpu.dma_semaphore, #tpu.memory_space<semaphore_mem>>) src(%arg9 : memref<128x128xf32, #tpu.memory_space<vmem>>) dst(%dma_wait3A_79 : memref<10112x128xf32, #tpu.memory_space<vmem_shared>>)
        tpu.yield
      }) : () -> ()
      %dma_wait3A_58 = arith.constant 7 : i32
      %dma_wait3A_59 = arith.constant 0 : i32
      %dma_wait3A_60 = tpu.memref_slice %arg7[%dma_wait3A_58, %dma_wait3A_59] : memref<8x128xi32, #tpu.memory_space<vmem>> -> memref<1x128xi32, #tpu.memory_space<vmem>>
      %dma_wait3A_61 = tpu.memref_squeeze %dma_wait3A_60 : memref<1x128xi32, #tpu.memory_space<vmem>> -> memref<128xi32, #tpu.memory_space<vmem>>
      %dma_wait3A_62 = arith.constant 0 : i32
      %dma_wait3A_63 = arith.constant 0 : i32
      %dma_wait3A_64 = tpu.memref_slice %arg2[%dma_wait3A_62, %dma_wait3A_63] : memref<10000x128xf32, #tpu.memory_space<hbm>> -> memref<10000x128xf32, #tpu.memory_space<hbm>>
      tpu.wait_indirect_dma semaphore(%arg13 : memref<!tpu.dma_semaphore, #tpu.memory_space<semaphore_mem>>) src(%dma_wait3A_64 : memref<10000x128xf32, #tpu.memory_space<hbm>>) dst(%arg10 : memref<128x128xf32, #tpu.memory_space<vmem>>)
      %run_scoped3A_65 = arith.constant 7 : i32
      "tpu.region"() ({
        %run_scoped3A_67 = tpu.sem_alloc : memref<!tpu.dma_semaphore, #tpu.memory_space<semaphore_mem>>
        %dma_start3A_68 = arith.constant 0 : i32
        %dma_start3A_69 = tpu.memref_slice %arg8[%run_scoped3A_65, %dma_start3A_68] : memref<8x128xi32, #tpu.memory_space<vmem>> -> memref<1x128xi32, #tpu.memory_space<vmem>>
        %dma_start3A_70 = tpu.memref_squeeze %dma_start3A_69 : memref<1x128xi32, #tpu.memory_space<vmem>> -> memref<128xi32, #tpu.memory_space<vmem>>
        %dma_start3A_71 = arith.constant 0 : i32
        %dma_start3A_72 = arith.constant 0 : i32
        %dma_start3A_73 = tpu.memref_slice %arg11[%dma_start3A_71, %dma_start3A_72] : memref<10112x128xf32, #tpu.memory_space<vmem_shared>> -> memref<10112x128xf32, #tpu.memory_space<vmem_shared>>
        tpu.enqueue_indirect_dma source(%arg10 : memref<128x128xf32, #tpu.memory_space<vmem>>) target(%dma_start3A_73 : memref<10112x128xf32, #tpu.memory_space<vmem_shared>>) offsets(%dma_start3A_70 : memref<128xi32, #tpu.memory_space<vmem>>) semaphore(%run_scoped3A_67 : memref<!tpu.dma_semaphore, #tpu.memory_space<semaphore_mem>>) {add = true}
        %dma_wait3A_74 = arith.constant 0 : i32
        %dma_wait3A_75 = tpu.memref_slice %arg8[%run_scoped3A_65, %dma_wait3A_74] : memref<8x128xi32, #tpu.memory_space<vmem>> -> memref<1x128xi32, #tpu.memory_space<vmem>>
        %dma_wait3A_76 = tpu.memref_squeeze %dma_wait3A_75 : memref<1x128xi32, #tpu.memory_space<vmem>> -> memref<128xi32, #tpu.memory_space<vmem>>
        %dma_wait3A_77 = arith.constant 0 : i32
        %dma_wait3A_78 = arith.constant 0 : i32
        %dma_wait3A_79 = tpu.memref_slice %arg11[%dma_wait3A_77, %dma_wait3A_78] : memref<10112x128xf32, #tpu.memory_space<vmem_shared>> -> memref<10112x128xf32, #tpu.memory_space<vmem_shared>>
        tpu.wait_indirect_dma semaphore(%run_scoped3A_67 : memref<!tpu.dma_semaphore, #tpu.memory_space<semaphore_mem>>) src(%arg10 : memref<128x128xf32, #tpu.memory_space<vmem>>) dst(%dma_wait3A_79 : memref<10112x128xf32, #tpu.memory_space<vmem_shared>>)
        tpu.yield
      }) : () -> ()
      %while3A_66 = arith.constant 0 : i32
      scf.yield %while3A_66 : i32
    }
    %barrier3A_20 = arith.constant 0 : index
    tpu.barrier barrier_id(%barrier3A_20)
    %mul3A_21 = arith.constant 624 : i32
    %mul3A_22 = arith.muli %arg1, %mul3A_21 : i32
    %mul3A_23 = arith.constant 624 : i32
    %mul3A_24 = arith.muli %arg1, %mul3A_23 : i32
    "tpu.region"() ({
      %run_scoped3A = tpu.sem_alloc : memref<!tpu.dma_semaphore, #tpu.memory_space<semaphore_mem>>
      %dma_start3A = arith.constant 0 : i32
      %dma_start3A_28 = tpu.memref_slice %arg6[%arg0, %mul3A_24, %dma_start3A] : memref<2x10000x128xf32, #tpu.memory_space<hbm>> -> memref<1x624x128xf32, #tpu.memory_space<hbm>>
      %dma_start3A_29 = tpu.memref_squeeze %dma_start3A_28 : memref<1x624x128xf32, #tpu.memory_space<hbm>> -> memref<624x128xf32, #tpu.memory_space<hbm>>
      %dma_start3A_30 = arith.constant 0 : i32
      %dma_start3A_31 = tpu.memref_slice %arg11[%mul3A_22, %dma_start3A_30] : memref<10112x128xf32, #tpu.memory_space<vmem_shared>> -> memref<624x128xf32, #tpu.memory_space<vmem_shared>>
      tpu.enqueue_dma source(%dma_start3A_31 : memref<624x128xf32, #tpu.memory_space<vmem_shared>>) target(%dma_start3A_29 : memref<624x128xf32, #tpu.memory_space<hbm>>) target_semaphore(%run_scoped3A : memref<!tpu.dma_semaphore, #tpu.memory_space<semaphore_mem>>)
      %dma_wait3A = arith.constant 0 : i32
      %dma_wait3A_32 = tpu.memref_slice %arg6[%arg0, %mul3A_24, %dma_wait3A] : memref<2x10000x128xf32, #tpu.memory_space<hbm>> -> memref<1x624x128xf32, #tpu.memory_space<hbm>>
      %dma_wait3A_33 = tpu.memref_squeeze %dma_wait3A_32 : memref<1x624x128xf32, #tpu.memory_space<hbm>> -> memref<624x128xf32, #tpu.memory_space<hbm>>
      %dma_wait3A_34 = arith.constant 0 : i32
      %dma_wait3A_35 = tpu.memref_slice %arg11[%mul3A_22, %dma_wait3A_34] : memref<10112x128xf32, #tpu.memory_space<vmem_shared>> -> memref<624x128xf32, #tpu.memory_space<vmem_shared>>
      tpu.wait_dma2 semaphore(%run_scoped3A : memref<!tpu.dma_semaphore, #tpu.memory_space<semaphore_mem>>) src(%dma_wait3A_35 : memref<624x128xf32, #tpu.memory_space<vmem_shared>>) dst(%dma_wait3A_33 : memref<624x128xf32, #tpu.memory_space<hbm>>)
      tpu.yield
    }) : () -> ()
    %eq3A_25 = arith.constant 15 : i32
    %eq3A_26 = arith.cmpi eq, %arg1, %eq3A_25 : i32
    %convert_element_type3A = arith.extui %eq3A_26 : i1 to i32
    %cond3A = arith.constant 0 : i32
    %cond3A_27 = arith.cmpi ne, %convert_element_type3A, %cond3A : i32
    scf.if %cond3A_27 {
      "tpu.region"() ({
        %run_scoped3A = tpu.sem_alloc : memref<!tpu.dma_semaphore, #tpu.memory_space<semaphore_mem>>
        %dma_start3A = arith.constant 9984 : i32
        %dma_start3A_28 = arith.constant 0 : i32
        %dma_start3A_29 = tpu.memref_slice %arg6[%arg0, %dma_start3A, %dma_start3A_28] : memref<2x10000x128xf32, #tpu.memory_space<hbm>> -> memref<1x16x128xf32, #tpu.memory_space<hbm>>
        %dma_start3A_30 = tpu.memref_squeeze %dma_start3A_29 : memref<1x16x128xf32, #tpu.memory_space<hbm>> -> memref<16x128xf32, #tpu.memory_space<hbm>>
        %dma_start3A_31 = arith.constant 9984 : i32
        %dma_start3A_32 = arith.constant 0 : i32
        %dma_start3A_33 = tpu.memref_slice %arg11[%dma_start3A_31, %dma_start3A_32] : memref<10112x128xf32, #tpu.memory_space<vmem_shared>> -> memref<16x128xf32, #tpu.memory_space<vmem_shared>>
        tpu.enqueue_dma source(%dma_start3A_33 : memref<16x128xf32, #tpu.memory_space<vmem_shared>>) target(%dma_start3A_30 : memref<16x128xf32, #tpu.memory_space<hbm>>) target_semaphore(%run_scoped3A : memref<!tpu.dma_semaphore, #tpu.memory_space<semaphore_mem>>)
        %dma_wait3A = arith.constant 9984 : i32
        %dma_wait3A_34 = arith.constant 0 : i32
        %dma_wait3A_35 = tpu.memref_slice %arg6[%arg0, %dma_wait3A, %dma_wait3A_34] : memref<2x10000x128xf32, #tpu.memory_space<hbm>> -> memref<1x16x128xf32, #tpu.memory_space<hbm>>
        %dma_wait3A_36 = tpu.memref_squeeze %dma_wait3A_35 : memref<1x16x128xf32, #tpu.memory_space<hbm>> -> memref<16x128xf32, #tpu.memory_space<hbm>>
        %dma_wait3A_37 = arith.constant 9984 : i32
        %dma_wait3A_38 = arith.constant 0 : i32
        %dma_wait3A_39 = tpu.memref_slice %arg11[%dma_wait3A_37, %dma_wait3A_38] : memref<10112x128xf32, #tpu.memory_space<vmem_shared>> -> memref<16x128xf32, #tpu.memory_space<vmem_shared>>
        tpu.wait_dma2 semaphore(%run_scoped3A : memref<!tpu.dma_semaphore, #tpu.memory_space<semaphore_mem>>) src(%dma_wait3A_39 : memref<16x128xf32, #tpu.memory_space<vmem_shared>>) dst(%dma_wait3A_36 : memref<16x128xf32, #tpu.memory_space<hbm>>)
        tpu.yield
      }) : () -> ()
    } else {
    }
    return
  }
}

module attributes {stable_mosaic.version = 14 : i64} {
  func.func @_tc_prep_body(%arg0: memref<10000x1xi32, #tpu.memory_space<vmem>>, %arg1: memref<64x128xf32, #tpu.memory_space<vmem>>, %arg2: memref<2x10000x128xf32, #tpu.memory_space<vmem>>, %arg3: memref<10000x128xf32, #tpu.memory_space<vmem>>, %arg4: memref<10000x1xf32, #tpu.memory_space<vmem>>) attributes {dimension_semantics = [], scalar_prefetch = 0 : i64, scratch_operands = 0 : i64, tpu.core_type = #tpu.core_type<tc>} {
    %get3A = arith.constant 0 : index
    %get3A_0 = arith.constant 0 : index
    %get3A_1 = vector.load %arg0[%get3A, %get3A_0] : memref<10000x1xi32, #tpu.memory_space<vmem>>, vector<10000x1xi32>
    %iota3A = tpu.iota {dimensions = array<i32: 1>} : vector<10000x64xi32>
    %eq3A = vector.broadcast %get3A_1 : vector<10000x1xi32> to vector<10000x64xi32>
    %eq3A_2 = arith.cmpi eq, %eq3A, %iota3A : vector<10000x64xi32>
    %convert_element_type3A = arith.extui %eq3A_2 : vector<10000x64xi1> to vector<10000x64xi32>
    %convert_element_type3A_3 = arith.sitofp %convert_element_type3A : vector<10000x64xi32> to vector<10000x64xf32>
    %get3A_4 = arith.constant 0 : index
    %get3A_5 = arith.constant 0 : index
    %get3A_6 = vector.load %arg1[%get3A_4, %get3A_5] : memref<64x128xf32, #tpu.memory_space<vmem>>, vector<64x128xf32>
    %dot_general3A = arith.constant dense<0.000000e+00> : vector<10000x128xf32>
    %dot_general3A_7 = tpu.matmul %convert_element_type3A_3, %get3A_6, %dot_general3A {dimension_numbers = #tpu.dot_dimension_numbers<[1], [0], [0], [1], [0, 0, 1, 1], [], []>, precision = #tpu.contract_precision<fp32>, transpose_lhs_hint = false} : vector<10000x64xf32>, vector<64x128xf32>, vector<10000x128xf32> -> vector<10000x128xf32>
    %swap3A = arith.constant 0 : index
    %swap3A_8 = arith.constant 0 : index
    %swap3A_9 = vector.load %arg3[%swap3A, %swap3A_8] : memref<10000x128xf32, #tpu.memory_space<vmem>>, vector<10000x128xf32>
    tpu.vector_store %arg3[%swap3A, %swap3A_8], %dot_general3A_7 {strides = array<i32>} : memref<10000x128xf32, #tpu.memory_space<vmem>>, vector<10000x128xf32>,
    %get3A_10 = arith.constant 0 : index
    %get3A_11 = arith.constant 0 : index
    %get3A_12 = arith.constant 0 : index
    %get3A_13 = vector.load %arg2[%get3A_10, %get3A_11, %get3A_12] : memref<2x10000x128xf32, #tpu.memory_space<vmem>>, vector<2x10000x128xf32>
    %slice3A = vector.extract_strided_slice %get3A_13 {offsets = [0, 0, 0], sizes = [1, 10000, 1], strides = [1, 1, 1]} : vector<2x10000x128xf32> to vector<1x10000x1xf32>
    %squeeze3A = vector.shape_cast %slice3A : vector<1x10000x1xf32> to vector<10000x1xf32>
    %slice3A_14 = vector.extract_strided_slice %get3A_13 {offsets = [1, 0, 0], sizes = [1, 10000, 1], strides = [1, 1, 1]} : vector<2x10000x128xf32> to vector<1x10000x1xf32>
    %squeeze3A_15 = vector.shape_cast %slice3A_14 : vector<1x10000x1xf32> to vector<10000x1xf32>
    %add3A = arith.addf %squeeze3A, %squeeze3A_15 : vector<10000x1xf32>
    %max3A = arith.constant 1.000000e+00 : f32
    %max3A_16 = vector.broadcast %max3A : f32 to vector<10000x1xf32>
    %max3A_17 = arith.maximumf %add3A, %max3A_16 : vector<10000x1xf32>
    %div3A = arith.constant 1.000000e+00 : f32
    %div3A_18 = vector.broadcast %div3A : f32 to vector<10000x1xf32>
    %div3A_19 = arith.divf %div3A_18, %max3A_17 : vector<10000x1xf32>
    %swap3A_20 = arith.constant 0 : index
    %swap3A_21 = arith.constant 0 : index
    %swap3A_22 = vector.load %arg4[%swap3A_20, %swap3A_21] : memref<10000x1xf32, #tpu.memory_space<vmem>>, vector<10000x1xf32>
    tpu.vector_store %arg4[%swap3A_20, %swap3A_21], %div3A_19 {strides = array<i32>} : memref<10000x1xf32, #tpu.memory_space<vmem>>, vector<10000x1xf32>,
    return
  }
}

module attributes {stable_mosaic.version = 14 : i64} {
  func.func @_tc_update_body(%arg0: i32, %arg1: memref<2x2000x128xf32, #tpu.memory_space<vmem>>, %arg2: memref<2000x1xf32, #tpu.memory_space<vmem>>, %arg3: memref<2000x128xf32, #tpu.memory_space<vmem>>, %arg4: memref<128x128xf32, #tpu.memory_space<vmem>>, %arg5: memref<128x128xf32, #tpu.memory_space<vmem>>, %arg6: memref<2000x128xf32, #tpu.memory_space<vmem>>) attributes {dimension_semantics = [#tpu.dimension_semantics<arbitrary>], iteration_bounds = array<i64: 5>, scalar_prefetch = 0 : i64, scratch_operands = 0 : i64, tpu.core_type = #tpu.core_type<tc>, window_params = [{transform_indices = @transform_0, window_bounds = array<i64: 2, 2000, 128>}, {transform_indices = @transform_1, window_bounds = array<i64: 2000, 1>}, {transform_indices = @transform_2, window_bounds = array<i64: 2000, 128>}, {pipeline_mode = #tpu.pipeline_mode<synchronous>, transform_indices = @transform_3, window_bounds = array<i64: 128, 128>}, {pipeline_mode = #tpu.pipeline_mode<synchronous>, transform_indices = @transform_4, window_bounds = array<i64: 128, 128>}, {transform_indices = @transform_5, window_bounds = array<i64: 2000, 128>}]} {
    %get3A = arith.constant 0 : index
    %get3A_0 = arith.constant 0 : index
    %get3A_1 = arith.constant 0 : index
    %get3A_2 = vector.load %arg1[%get3A, %get3A_0, %get3A_1] : memref<2x2000x128xf32, #tpu.memory_space<vmem>>, vector<2x2000x128xf32>
    %slice3A = vector.extract_strided_slice %get3A_2 {offsets = [0, 0, 0], sizes = [1, 2000, 128], strides = [1, 1, 1]} : vector<2x2000x128xf32> to vector<1x2000x128xf32>
    %squeeze3A = vector.shape_cast %slice3A : vector<1x2000x128xf32> to vector<2000x128xf32>
    %slice3A_3 = vector.extract_strided_slice %get3A_2 {offsets = [1, 0, 0], sizes = [1, 2000, 128], strides = [1, 1, 1]} : vector<2x2000x128xf32> to vector<1x2000x128xf32>
    %squeeze3A_4 = vector.shape_cast %slice3A_3 : vector<1x2000x128xf32> to vector<2000x128xf32>
    %add3A = arith.addf %squeeze3A, %squeeze3A_4 : vector<2000x128xf32>
    %get3A_5 = arith.constant 0 : index
    %get3A_6 = arith.constant 0 : index
    %get3A_7 = vector.load %arg2[%get3A_5, %get3A_6] : memref<2000x1xf32, #tpu.memory_space<vmem>>, vector<2000x1xf32>
    %mul3A = vector.broadcast %get3A_7 : vector<2000x1xf32> to vector<2000x128xf32>
    %mul3A_8 = arith.mulf %add3A, %mul3A : vector<2000x128xf32>
    %get3A_9 = arith.constant 0 : index
    %get3A_10 = arith.constant 0 : index
    %get3A_11 = vector.load %arg4[%get3A_9, %get3A_10] : memref<128x128xf32, #tpu.memory_space<vmem>>, vector<128x128xf32>
    %dot_general3A = arith.constant dense<0.000000e+00> : vector<2000x128xf32>
    %dot_general3A_12 = tpu.matmul %mul3A_8, %get3A_11, %dot_general3A {dimension_numbers = #tpu.dot_dimension_numbers<[1], [0], [0], [1], [0, 0, 1, 1], [], []>, precision = #tpu.contract_precision<fp32>, transpose_lhs_hint = false} : vector<2000x128xf32>, vector<128x128xf32>, vector<2000x128xf32> -> vector<2000x128xf32>
    %neg3A = arith.constant 0.000000e+00 : f32
    %neg3A_13 = vector.broadcast %neg3A : f32 to vector<2000x128xf32>
    %neg3A_14 = arith.subf %neg3A_13, %dot_general3A_12 : vector<2000x128xf32>
    %exp3A = math.exp %neg3A_14 : vector<2000x128xf32>
    %add3A_15 = arith.constant 1.000000e+00 : f32
    %add3A_16 = vector.broadcast %add3A_15 : f32 to vector<2000x128xf32>
    %add3A_17 = arith.addf %add3A_16, %exp3A : vector<2000x128xf32>
    %div3A = arith.constant 1.000000e+00 : f32
    %div3A_18 = vector.broadcast %div3A : f32 to vector<2000x128xf32>
    %div3A_19 = arith.divf %div3A_18, %add3A_17 : vector<2000x128xf32>
    %get3A_20 = arith.constant 0 : index
    %get3A_21 = arith.constant 0 : index
    %get3A_22 = vector.load %arg3[%get3A_20, %get3A_21] : memref<2000x128xf32, #tpu.memory_space<vmem>>, vector<2000x128xf32>
    %get3A_23 = arith.constant 0 : index
    %get3A_24 = arith.constant 0 : index
    %get3A_25 = vector.load %arg5[%get3A_23, %get3A_24] : memref<128x128xf32, #tpu.memory_space<vmem>>, vector<128x128xf32>
    %dot_general3A_26 = arith.constant dense<0.000000e+00> : vector<2000x128xf32>
    %dot_general3A_27 = tpu.matmul %mul3A_8, %get3A_25, %dot_general3A_26 {dimension_numbers = #tpu.dot_dimension_numbers<[1], [0], [0], [1], [0, 0, 1, 1], [], []>, precision = #tpu.contract_precision<fp32>, transpose_lhs_hint = false} : vector<2000x128xf32>, vector<128x128xf32>, vector<2000x128xf32> -> vector<2000x128xf32>
    %mul3A_28 = arith.mulf %div3A_19, %dot_general3A_27 : vector<2000x128xf32>
    %add3A_29 = arith.addf %get3A_22, %mul3A_28 : vector<2000x128xf32>
    %swap3A = arith.constant 0 : index
    %swap3A_30 = arith.constant 0 : index
    %swap3A_31 = vector.load %arg6[%swap3A, %swap3A_30] : memref<2000x128xf32, #tpu.memory_space<vmem>>, vector<2000x128xf32>
    tpu.vector_store %arg6[%swap3A, %swap3A_30], %add3A_29 {strides = array<i32>} : memref<2000x128xf32, #tpu.memory_space<vmem>>, vector<2000x128xf32>,
    return
  }
  func.func @transform_0(%arg0: i32) -> (i32, i32, i32) {
    %c0_i32 = arith.constant 0 : i32
    %c0_i32_0 = arith.constant 0 : i32
    %c0_i32_1 = arith.constant 0 : i32
    return %c0_i32, %arg0, %c0_i32_0 : i32, i32, i32
  }
  func.func @transform_1(%arg0: i32) -> (i32, i32) {
    %c0_i32 = arith.constant 0 : i32
    %c0_i32_0 = arith.constant 0 : i32
    return %arg0, %c0_i32 : i32, i32
  }
  func.func @transform_2(%arg0: i32) -> (i32, i32) {
    %c0_i32 = arith.constant 0 : i32
    %c0_i32_0 = arith.constant 0 : i32
    return %arg0, %c0_i32 : i32, i32
  }
  func.func @transform_3(%arg0: i32) -> (i32, i32) {
    %c0_i32 = arith.constant 0 : i32
    %c0_i32_0 = arith.constant 0 : i32
    %c0_i32_1 = arith.constant 0 : i32
    return %c0_i32, %c0_i32_0 : i32, i32
  }
  func.func @transform_4(%arg0: i32) -> (i32, i32) {
    %c0_i32 = arith.constant 0 : i32
    %c0_i32_0 = arith.constant 0 : i32
    %c0_i32_1 = arith.constant 0 : i32
    return %c0_i32, %c0_i32_0 : i32, i32
  }
  func.func @transform_5(%arg0: i32) -> (i32, i32) {
    %c0_i32 = arith.constant 0 : i32
    %c0_i32_0 = arith.constant 0 : i32
    return %arg0, %c0_i32 : i32, i32
  }
}

module attributes {stable_mosaic.version = 14 : i64} {
  func.func @_tc_mlp_body(%arg0: i32, %arg1: memref<2000x128xf32, #tpu.memory_space<vmem>>, %arg2: memref<128x64xf32, #tpu.memory_space<vmem>>, %arg3: memref<1x64xf32, #tpu.memory_space<vmem>>, %arg4: memref<64x8xf32, #tpu.memory_space<vmem>>, %arg5: memref<1x8xf32, #tpu.memory_space<vmem>>, %arg6: memref<2000x8xf32, #tpu.memory_space<vmem>>) attributes {dimension_semantics = [#tpu.dimension_semantics<arbitrary>], iteration_bounds = array<i64: 5>, scalar_prefetch = 0 : i64, scratch_operands = 0 : i64, tpu.core_type = #tpu.core_type<tc>, window_params = [{transform_indices = @transform_0, window_bounds = array<i64: 2000, 128>}, {pipeline_mode = #tpu.pipeline_mode<synchronous>, transform_indices = @transform_1, window_bounds = array<i64: 128, 64>}, {pipeline_mode = #tpu.pipeline_mode<synchronous>, transform_indices = @transform_2, window_bounds = array<i64: 1, 64>}, {pipeline_mode = #tpu.pipeline_mode<synchronous>, transform_indices = @transform_3, window_bounds = array<i64: 64, 8>}, {pipeline_mode = #tpu.pipeline_mode<synchronous>, transform_indices = @transform_4, window_bounds = array<i64: 1, 8>}, {transform_indices = @transform_5, window_bounds = array<i64: 2000, 8>}]} {
    %get3A = arith.constant 0 : index
    %get3A_0 = arith.constant 0 : index
    %get3A_1 = vector.load %arg1[%get3A, %get3A_0] : memref<2000x128xf32, #tpu.memory_space<vmem>>, vector<2000x128xf32>
    %get3A_2 = arith.constant 0 : index
    %get3A_3 = arith.constant 0 : index
    %get3A_4 = vector.load %arg2[%get3A_2, %get3A_3] : memref<128x64xf32, #tpu.memory_space<vmem>>, vector<128x64xf32>
    %dot_general3A = arith.constant dense<0.000000e+00> : vector<2000x64xf32>
    %dot_general3A_5 = tpu.matmul %get3A_1, %get3A_4, %dot_general3A {dimension_numbers = #tpu.dot_dimension_numbers<[1], [0], [0], [1], [0, 0, 1, 1], [], []>, precision = #tpu.contract_precision<fp32>, transpose_lhs_hint = false} : vector<2000x128xf32>, vector<128x64xf32>, vector<2000x64xf32> -> vector<2000x64xf32>
    %get3A_6 = arith.constant 0 : index
    %get3A_7 = arith.constant 0 : index
    %get3A_8 = vector.load %arg3[%get3A_6, %get3A_7] : memref<1x64xf32, #tpu.memory_space<vmem>>, vector<1x64xf32>
    %add3A = vector.broadcast %get3A_8 : vector<1x64xf32> to vector<2000x64xf32>
    %add3A_9 = arith.addf %dot_general3A_5, %add3A : vector<2000x64xf32>
    %max3A = arith.constant 0.000000e+00 : f32
    %max3A_10 = vector.broadcast %max3A : f32 to vector<2000x64xf32>
    %max3A_11 = arith.maximumf %add3A_9, %max3A_10 : vector<2000x64xf32>
    %get3A_12 = arith.constant 0 : index
    %get3A_13 = arith.constant 0 : index
    %get3A_14 = vector.load %arg4[%get3A_12, %get3A_13] : memref<64x8xf32, #tpu.memory_space<vmem>>, vector<64x8xf32>
    %dot_general3A_15 = arith.constant dense<0.000000e+00> : vector<2000x8xf32>
    %dot_general3A_16 = tpu.matmul %max3A_11, %get3A_14, %dot_general3A_15 {dimension_numbers = #tpu.dot_dimension_numbers<[1], [0], [0], [1], [0, 0, 1, 1], [], []>, precision = #tpu.contract_precision<fp32>, transpose_lhs_hint = false} : vector<2000x64xf32>, vector<64x8xf32>, vector<2000x8xf32> -> vector<2000x8xf32>
    %get3A_17 = arith.constant 0 : index
    %get3A_18 = arith.constant 0 : index
    %get3A_19 = vector.load %arg5[%get3A_17, %get3A_18] : memref<1x8xf32, #tpu.memory_space<vmem>>, vector<1x8xf32>
    %add3A_20 = vector.broadcast %get3A_19 : vector<1x8xf32> to vector<2000x8xf32>
    %add3A_21 = arith.addf %dot_general3A_16, %add3A_20 : vector<2000x8xf32>
    %swap3A = arith.constant 0 : index
    %swap3A_22 = arith.constant 0 : index
    %swap3A_23 = vector.load %arg6[%swap3A, %swap3A_22] : memref<2000x8xf32, #tpu.memory_space<vmem>>, vector<2000x8xf32>
    tpu.vector_store %arg6[%swap3A, %swap3A_22], %add3A_21 {strides = array<i32>} : memref<2000x8xf32, #tpu.memory_space<vmem>>, vector<2000x8xf32>,
    return
  }
  func.func @transform_0(%arg0: i32) -> (i32, i32) {
    %c0_i32 = arith.constant 0 : i32
    %c0_i32_0 = arith.constant 0 : i32
    return %arg0, %c0_i32 : i32, i32
  }
  func.func @transform_1(%arg0: i32) -> (i32, i32) {
    %c0_i32 = arith.constant 0 : i32
    %c0_i32_0 = arith.constant 0 : i32
    %c0_i32_1 = arith.constant 0 : i32
    return %c0_i32, %c0_i32_0 : i32, i32
  }
  func.func @transform_2(%arg0: i32) -> (i32, i32) {
    %c0_i32 = arith.constant 0 : i32
    %c0_i32_0 = arith.constant 0 : i32
    %c0_i32_1 = arith.constant 0 : i32
    return %c0_i32, %c0_i32_0 : i32, i32
  }
  func.func @transform_3(%arg0: i32) -> (i32, i32) {
    %c0_i32 = arith.constant 0 : i32
    %c0_i32_0 = arith.constant 0 : i32
    %c0_i32_1 = arith.constant 0 : i32
    return %c0_i32, %c0_i32_0 : i32, i32
  }
  func.func @transform_4(%arg0: i32) -> (i32, i32) {
    %c0_i32 = arith.constant 0 : i32
    %c0_i32_0 = arith.constant 0 : i32
    %c0_i32_1 = arith.constant 0 : i32
    return %c0_i32, %c0_i32_0 : i32, i32
  }
  func.func @transform_5(%arg0: i32) -> (i32, i32) {
    %c0_i32 = arith.constant 0 : i32
    %c0_i32_0 = arith.constant 0 : i32
    return %arg0, %c0_i32 : i32, i32
  }
}

</mosaic_0001>

<sc_bundles>
// kernel: kernel.13.cloned.1.call-start
scs
__scs_entry_jumppad:
0x0: {  	(pc) =	sbr.rel $0x88, $3  }
0x1: {  	(tag) =	ssettag $0x0;
	lr =	simm.s32 $0x1  }
0x2: {  	[smem:$0x3F98] =	sst lr;
	_ =	strace $0xD0000000  }
0x3: {  	_ = 	snop  }
0x4: {  	_ = 	snop  }
0x5: {  	_ = 	snop  }
0x6: {  	_ = 	snop  }
0x7: {  	_ = 	snop  }
__scs_overlays_trampoline_lowered:
0x8: {  	[smem:$0x3FA7] =	sst s0  }
0x9: {  	[smem:$0x3FA8] =	sst s1  }
0xa: {  	[smem:$0x3FA9] =	sst s2  }
0xb: {  	[smem:$0x3FAA] =	sst s3  }
0xc: {  	[smem:$0x3FAB] =	sst s4  }
0xd: {  	[smem:$0x3FAC] =	sst s5  }
0xe: {  	[smem:$0x3FAD] =	sst s6  }
0xf: {  	[smem:$0x3FAE] =	sst s7  }
0x10: {  	[smem:$0x3FAF] =	sst s8  }
0x11: {  	[smem:$0x3FB0] =	sst s9;
	s0 =	simm.s32 @!p0 $0x0  }
0x12: {  	s1 =	sld [smem:$0x3F96];
	s0 =	simm.s32 @p0 $0x1  }
0x13: {  	[smem:$0x3FB1] =	sst s0;
	s0 =	simm.s32 @!p1 $0x0  }
0x14: {  	s2 =	sld [smem:$0x3F95];
	s0 =	simm.s32 @p1 $0x1  }
0x15: {  	[smem:$0x3FB2] =	sst s0;
	s0 =	simm.s32 @!p2 $0x0  }
0x16: {  	s3 =	sld [smem:$0x3FDB];
	s0 =	simm.s32 @p2 $0x1  }
0x17: {  	s4 =	simm.s32 $0x1BF5;
	[smem:$0x3FB4] =	sst s0  }
0x18: {  	s0 =	sld [smem:$0x3F97];
	_ =	swait.ge [sflag:s4], $0x0  }
0x19: {  	s7 =	sld [smem:$0x3F98]  }
0x1a: {  	s8 =	sadd.s32 $0xFFFFE003, lr  }
0x1b: {  	s9 =	sadd.s32 $0xFFFFFEF7, lr;
	s5 =	simm.s32 $0xFFFFFFFF;
	p2 =	slt.u32 s8, $0xFFFFF086  }
0x1c: {  	p1 =	slt.u32 s9, $0xF7A;
	s5 =	simm.s32 @!p2 $0x0  }
0x1d: {  	s5 =	simm.s32 @p1 $0x1;
	p0 =	seq.s32 s7, s2  }
0x1e: {  	s7 =	smul.u32 @!p0 $0xF7A, s2;
	p2 =	seq.s32 @!p0 s5, $0x0  }
0x1f: {  	s9 =	smul.u32 $0xF7A, s1;
	s8 =	simm.s32 @!p0 $0x1BF5;
	p2 =	por !p2, p0  }
0x20: {  	[sflag:s8] =	ssyncset.s32 @!p0 $0xFFFFF086;
	s6 =	sadd.s32 @!p0 s3, s7;
	s7 =	simm.s32 @!p0 $0x108  }
0x21: {  	s3 =	sadd.s32 s3, s9;
	s6 =	sadd.s32 @!p0 $0x88, s6;
	s7 =	simm.s32 @p2 $0x1082  }
0x22: {  	[simem:s7], [sflag:s8] =	dma.local @!p0 [hbm:s6], $0xF7A  }
0x23: {  	s9 =	sor.u32 $0xD0000000, s2;
	s6 =	simm.s32 $0x108;
	_ =	swait.ge @!p0 [sflag:s8], $0x0  }
0x24: {  	s3 =	sadd.s32 $0x88, s3;
	s6 =	simm.s32 @!p1 $0x1082;
	[sflag:s4] =	ssyncset.s32 $0xFFFFF086  }
0x25: {  	[simem:s6], [sflag:s4] =	dma.local [hbm:s3], $0xF7A  }
0x26: {  	[smem:$0x3F98] =	sst s1;
	(tag) =	ssettag s2;
	_ =	strace s9  }
0x27: {  	s1 =	sld [smem:$0x3FA8]  }
0x28: {  	s2 =	sld [smem:$0x3FA9]  }
0x29: {  	s4 =	sld [smem:$0x3FAB]  }
0x2a: {  	p0 =	seq.s32 s5, $0x0;
	s5 =	sld [smem:$0x3FAC]  }
0x2b: {  	s6 =	sld [smem:$0x3FAD]  }
0x2c: {  	s7 =	sld [smem:$0x3FAE]  }
0x2d: {  	s3 =	simm.s32 $0x108;
	s8 =	sld [smem:$0x3FAF]  }
0x2e: {  	s3 =	simm.s32 @!p0 $0x1082;
	s9 =	sld [smem:$0x3FB0]  }
0x2f: {  	lr =	sadd.s32 s0, s3;
	s0 =	sld [smem:$0x3FA7]  }
0x30: {  	s3 =	sld [smem:$0x3FAA]  }
0x31: {  	[smem:$0x3FB3] =	sst s10  }
0x32: {  	s10 =	sld [smem:$0x3FB1];
	_ =	sdelay $0x3  }
0x33: {  	p0 =	seq.s32 s10, $0x1;
	s10 =	sld [smem:$0x3FB3];
	_ =	sdelay $0x3  }
0x34: {  	[smem:$0x3FB3] =	sst s10  }
0x35: {  	s10 =	sld [smem:$0x3FB2];
	_ =	sdelay $0x3  }
0x36: {  	p1 =	seq.s32 s10, $0x1;
	s10 =	sld [smem:$0x3FB3];
	_ =	sdelay $0x3  }
0x37: {  	[smem:$0x3FB3] =	sst s10  }
0x38: {  	s10 =	sld [smem:$0x3FB4]  }
0x39: {  	_ = 	snop;
	(pc) =	sbr.ind lr, $3  }
0x3a: {  	_ = 	snop  }
0x3b: {  	_ = 	snop  }
0x3c: {  	p2 =	seq.s32 s10, $0x1;
	s10 =	sld [smem:$0x3FB3]  }
0x3d: {  	_ =	shalt  }
0x3e: {  	_ =	shalt  }
0x3f: {  	_ =	shalt  }
0x40: {  	_ =	shalt  }
0x41: {  	_ =	shalt  }
0x42: {  	_ =	shalt  }
0x43: {  	_ =	shalt  }
0x44: {  	_ =	shalt  }
0x45: {  	_ =	shalt  }
0x46: {  	_ =	shalt  }
0x47: {  	_ =	shalt  }
0x48: {  	_ =	shalt  }
0x49: {  	_ =	shalt  }
0x4a: {  	_ =	shalt  }
0x4b: {  	_ =	shalt  }
0x4c: {  	_ =	shalt  }
0x4d: {  	_ =	shalt  }
0x4e: {  	_ =	shalt  }
0x4f: {  	_ =	shalt  }
0x50: {  	_ =	shalt  }
0x51: {  	_ =	shalt  }
0x52: {  	_ =	shalt  }
0x53: {  	_ =	shalt  }
0x54: {  	_ =	shalt  }
0x55: {  	_ =	shalt  }
0x56: {  	_ =	shalt  }
0x57: {  	_ =	shalt  }
0x58: {  	_ =	shalt  }
0x59: {  	_ =	shalt  }
0x5a: {  	_ =	shalt  }
0x5b: {  	_ =	shalt  }
0x5c: {  	_ =	shalt  }
0x5d: {  	_ =	shalt  }
0x5e: {  	_ =	shalt  }
0x5f: {  	_ =	shalt  }
0x60: {  	_ =	shalt  }
0x61: {  	_ =	shalt  }
0x62: {  	_ =	shalt  }
0x63: {  	_ =	shalt  }
0x64: {  	_ =	shalt  }
0x65: {  	_ =	shalt  }
0x66: {  	_ =	shalt  }
0x67: {  	_ =	shalt  }
0x68: {  	_ =	shalt  }
0x69: {  	_ =	shalt  }
0x6a: {  	_ =	shalt  }
0x6b: {  	_ =	shalt  }
0x6c: {  	_ =	shalt  }
0x6d: {  	_ =	shalt  }
0x6e: {  	_ =	shalt  }
0x6f: {  	_ =	shalt  }
0x70: {  	_ =	shalt  }
0x71: {  	_ =	shalt  }
0x72: {  	_ =	shalt  }
0x73: {  	_ =	shalt  }
0x74: {  	_ =	shalt  }
0x75: {  	_ =	shalt  }
0x76: {  	_ =	shalt  }
0x77: {  	_ =	shalt  }
0x78: {  	_ =	shalt  }
0x79: {  	_ =	shalt  }
0x7a: {  	_ =	shalt  }
0x7b: {  	_ =	shalt  }
0x7c: {  	_ =	shalt  }
0x7d: {  	_ =	shalt  }
0x7e: {  	_ =	shalt  }
0x7f: {  	_ =	shalt  }
0x80: {  	_ =	shalt  }
0x81: {  	_ =	shalt  }
0x82: {  	_ =	shalt  }
0x83: {  	_ =	shalt  }
0x84: {  	_ =	shalt  }
0x85: {  	_ =	shalt  }
0x86: {  	_ =	shalt  }
0x87: {  	_ =	shalt  }
.Lfunc_end0:
.L_simem_size_0:
called_computation_lowered:
.L_overlay_start_0:
0x88: {  	s2 =	sld [smem:$0x3FD9]  }
0x89: {  	s3 =	sld [smem:$0x3FFE];
	_ =	sdelay $0x1  }
0x8a: {  	s1 =	srdreg.scid  }
0x8b: {  	s0 =	sand.u32 $0x1, s1  }
0x8c: {  	s17 =	sshll.u32 s0, $0xA;
	s2 =	sadd.s32 s3, s2  }
0x8d: {  	s2 =	sadd.s32 s2, s17  }
0x8e: {  	[smem:$0x3FBF] =	sst s2  }
0x8f: {  	_ = 	snop  }
0x90: {  	s2 =	sld [smem:$0x3FD0];
	(tm) =	ssettm $0x1  }
0x91: {  	s18 =	sld [smem:$0x3FFB];
	_ =	sdelay $0x3  }
0x92: {  	_ =	strace s18  }
0x93: {  	s3 =	sld [smem:$0x3FFC];
	_ =	sdelay $0x3  }
0x94: {  	_ =	strace s3  }
0x95: {  	s3 =	sld [smem:$0x3FFD];
	_ =	sdelay $0x3  }
0x96: {  	_ =	strace s3  }
0x97: {  	_ =	strace $0x8FFFFFFF  }
0x98: {  	s19 =	sld [smem:$0x3FDB];
	_ =	sdelay $0x1  }
0x99: {  	s4 =	simm.s32 $_scs_section_size  }
0x9a: {  	s5 =	simm.s32 $_size__tile_overlayer_lowered;
	s6 =	simm.s32 $_tile_overlayer_lowered  }
0x9b: {  	s22 =	simm.s32 $0x1BFF;
	s21 =	sshll.u32 s6, $0x1;
	s3 =	sadd.s32 s4, s19  }
0x9c: {  	s7 =	simm.s32 $0x0;
	s20 =	sshll.u32 s5, $0x1;
	s5 =	sadd.s32 s21, s3  }
0x9d: {  	[timem:s7], [sflag:s22] =	dma.local [hbm:s5], s20  }
0x9e: {  	_ =	swait.ge [sflag:s22], s20  }
0x9f: {  	s4 =	ssub.s32 $0x0, s20;
	[sflag:s22] =	ssyncset.done $0x0  }
0xa0: {  	[sflag:s22] =	ssyncadd.s32 s4;
	_ =	sdelay $0x1  }
0xa1: {  	s23 =	simm.s32 $0x1B8B  }
0xa2: {  	_ =	swait.ge [sflag:s23], $0x1  }
0xa3: {  	[sflag:s23] =	ssyncset.done $0x0  }
0xa4: {  	s25 =	simm.s32 $0x1B8E;
	s24 =	sld [smem:$0x3FFE];
	[sflag:s23] =	ssyncadd.s32 $0xFFFFFFFF  }
0xa5: {  	s26 =	simm.s32 $execute0_lowered;
	[smem:$0x3FD2] =	sst s25  }
0xa6: {  	s5 =	sshll.u32 s26, $0x1;
	_ =	strace $0x80000046;
	[dreg:$0x1] =	wrdreg $0xFFFFFFFF  }
0xa7: {  	s28 =	simm.s32 $_size_execute0_lowered;
	s3 =	sadd.s32 s3, s5;
	[dreg:$0x0] =	wrdreg $0x0  }
0xa8: {  	s5 =	sshll.u32 s28, $0x1;
	[dreg:$0x2] =	wrdreg s3  }
0xa9: {  	[dreg:$0x3] =	wrdreg s5  }
0xaa: {  	[dreg:$0x4] =	wrdreg $0xC0  }
0xab: {  	_ =	task [dreg:s7], $0x5FFFF  }
0xac: {  	[dreg:$0x1] =	wrdreg $0xFFFFFFFF  }
0xad: {  	[dreg:$0x0] =	wrdreg $0x60  }
0xae: {  	[dreg:$0x2] =	wrdreg s24  }
0xaf: {  	[dreg:$0x3] =	wrdreg s2  }
0xb0: {  	[dreg:$0x4] =	wrdreg $0x68000  }
0xb1: {  	[dreg:$0x5] =	wrdreg $0x9  }
0xb2: {  	_ =	task.clear_ibuf [dreg:s7], $0x6FFFF;
	_ =	strace $0x90000046  }
0xb3: {  	s29 =	simm.s32 $0x9;
	_ =	strace $0x80000048  }
0xb4: {  	_ =	swait.ge [sflag:s29], $0x1  }
0xb5: {  	[sflag:s29] =	ssyncadd.s32 $0xFFFFFFFF  }
0xb6: {  	_ =	strace $0x90000048  }
0xb7: {  	_ =	sfence  }
0xb8: {  	s30 =	sld [smem:$0x0];
	_ =	sdelay $0x2  }
0xb9: {  	s31 =	sshll.u32 s1, $0xD;
	s1 =	sshrl.u32 s1, $0x2  }
0xba: {  	s3 =	sand.u32 $0x4000, s31;
	s1 =	sadd.s32 s1, s30  }
0xbb: {  	s0 =	sor.u32 s3, s0;
	s1 =	sshll.u32 s1, $0x11  }
0xbc: {  	s0 =	sor.u32 s1, s0  }
0xbd: {  	s0 =	sadd.s32 $0x8F2B, s0  }
0xbe: {  	[sflag:s0] =	ssyncadd.remote.s32 $0x1  }
0xbf: {  	_ =	sfence.sel $0xFFFF  }
0xc0: {  	[dreg:$0x0] =	wrdreg $0xFFFFFFFF;
	(pc) =	sbr.abs _section_cstart, $3  }
0xc1: {  	[dreg:$0x1] =	wrdreg $0xFFFFFFFF  }
0xc2: {  	_ =	task.clear_ibuf [dreg:s7], $0x2FFFF;
	_ =	strace $0x9FFFFFFF  }
0xc3: {  	(tm) =	ssettm $0x7FFFFFFF  }
tec
execute0_lowered:
.L_overlay_start_1:
0x0: {  	(tag) =	ssettag $0x1  }
0x1: {  	s6 =	rddreg [dreg:$0x0]  }
0x2: {  	s2 =	rddreg [dreg:$0x1]  }
0x3: {  	s0 =	srdreg.scid;
	s3 =	rddreg [dreg:$0x2]  }
0x4: {  	s1 =	stileid.u32;
	s4 =	simm.s32 $0x0;
	s17 =	simm.s32 $0x0  }
0x5: {  	s7 =	sand.u32 $0x1, s0;
	s0 =	rddreg [dreg:$0x3];
	s9 =	smul.u32 $0x4F000, s1  }
0x6: {  	[smem:$0x7FF] =	sst s4;
	s10 =	sadd.s32 $0x18000, s6;
	s12 =	smul.u32 $0x13800, s1  }
0x7: {  	s25 =	sshll.u32 s1, $0x6;
	s28 =	smul.u32 $0x4E000, s1;
	s16 =	sadd.s32 $0x138000, s3  }
0x8: {  	p0 =	sne.s32 s1, $0xF;
	s5 =	sshll.u32 s7, $0x4;
	_ =	strace $0x80000047  }
0x9: {  	s23 =	ssub.s32 $0x2, s7;
	s11 =	smul.u32 $0x138800, s7;
	s16 =	sshrl.u32 @!p0 s16, $0x3  }
0xa: {  	s5 =	sor.u32 s1, s5;
	s24 =	sshrl.u32 s23, $0x1;
	s9 =	sshrl.u32 s9, $0x2  }
0xb: {  	s31 =	sshrl.u32 s28, $0x2;
	s5 =	smul.u32 $0x500, s5;
	s13 =	ssub.s32 s23, s24  }
0xc: {  	s14 =	sadd.s32 s9, s3;
	s26 =	sadd.s32 s12, s11;
	s30 =	sshrl.u32 s11, $0x3  }
0xd: {  	s15 =	sadd.s32 s31, s3;
	s12 =	simm.s32 $0x1;
	s29 =	sshrl.u32 s26, $0x3  }
0xe: {  	s9 =	sadd.s32 s10, s30;
	s11 =	sshrl.u32 s14, $0x3;
	s14 =	simm.s32 $0x80  }
0xf: {  	s15 =	sshrl.u32 s15, $0x3;
	s8 =	sadd.s32 s5, s6;
	s5 =	sadd.s32 $0x17800, s6  }
0x10: {  	s6 =	sor.u32 $0x1C01, s25;
	s9 =	sadd.s32 $0x27000, s9;
	s7 =	sadd.s32 $0xD800, s8  }
0x11: {  	s8 =	sadd.s32 s10, s29;
	s10 =	smax.u32 s13, $0x1;
	s13 =	simm.s32 $0x2800  }
.LBB2_1:
0x12: {  	[spmem:s11], [sflag:s6] =	dma.local [hbm:s2], $0x2780  }
0x13: {  	_ =	swait.ge [sflag:s12], $0x2780  }
0x14: {  	[sflag:s12] =	ssyncset.done $0x0  }
0x15: {  	[sflag:s12] =	ssyncadd.s32 $0xFFFFD880  }
0x16: {  	[tilespmem:s4], [sflag:$0x1] =	stream.linear.gather [hbm4b:s7+s4], $0x2800, $0x38;
	[tilespmem:$0x1A400] =	vst v63  }
0x17: {  	_ =	swait.ge [sflag:s12], $0x2800  }
0x18: {  	[sflag:s12] =	ssyncset.done $0x0  }
0x19: {  	[sflag:s12] =	ssyncadd.s32 $0xFFFFD800  }
0x1a: {  	[tilespmem:s13], [sflag:$0x1] =	stream.linear.gather [hbm4b:s5+s4], $0x4000, $0x38;
	[tilespmem:$0x1A400] =	vst v63  }
0x1b: {  	_ =	swait.ge [sflag:s12], $0x4000  }
0x1c: {  	[sflag:s12] =	ssyncset.done $0x0  }
0x1d: {  	[sflag:s12] =	ssyncadd.s32 $0xFFFFC000  }
0x1e: {  	s18 =	simm.s32 $0x0;
	[bflag:$0x0] =	sbarrier.arrive $0xFFFF  }
0x1f: {  	[spmem:s3] =	stream.indirect.scatter.add.f32 [tilespmem:s13], [sflag:$0x1], $0x80, s18, s14, $0xb8;
	[tilespmem:$0x1A400] =	vst v63  }
0x20: {  	_ =	swait.ge [sflag:s12], $0x4000  }
0x21: {  	s18 =	simm.s32 $0x200;
	[sflag:s12] =	ssyncset.done $0x0  }
.LBB2_2:
0x22: {  	s19 =	sshra.s32 s18, $0x2;
	[sflag:s12] =	ssyncadd.s32 $0xFFFFC000;
	p1 =	sne.s32 s18, $0x9E00  }
0x23: {  	[spmem:s3] =	stream.indirect.scatter.add.f32 [tilespmem:s13], [sflag:$0x1], $0x80, s19, s14, $0xb8;
	[tilespmem:$0x1A400] =	vst v63  }
.Ltmp0:
0x24: {  	_ = 	snop;
	(pc) =	sbr.rel @p1 .LBB2_2-.Ltmp0, $4  }
0x25: {  	_ = 	snop  }
0x26: {  	s18 =	sadd.s32 $0x200, s18  }
0x27: {  	_ =	swait.ge [sflag:s12], $0x4000  }
0x28: {  	[sflag:s12] =	ssyncset.done $0x0  }
0x29: {  	[sflag:s12] =	ssyncadd.s32 $0xFFFFC000  }
0x2a: {  	[bflag:$0x0] =	sbarrier.arrive $0xFFFF  }
0x2b: {  	[hbm:s8], [sflag:s6] =	dma.local [spmem:s15], $0x2700  }
0x2c: {  	s17 =	sadd.s32 $0x1, s17;
	_ =	swait.ge [sflag:s12], $0x2700  }
0x2d: {  	p1 =	sne.s32 s17, s10;
	[sflag:s12] =	ssyncset.done $0x0  }
.Ltmp1:
0x2e: {  	s18 =	simm.s32 @!p0 $0x1;
	[sflag:s12] =	ssyncadd.s32 $0xFFFFD900;
	(pc) =	sbr.rel @p1 .LBB2_1-.Ltmp1, $4  }
0x2f: {  	[hbm:s9], [sflag:s6] =	dma.local @!p0 [spmem:s16], $0x100  }
0x30: {  	_ =	swait.ge @!p0 [sflag:s18], $0x100  }
0x31: {  	[sflag:s18] =	ssyncset.done @!p0 $0x0  }
0x32: {  	[sflag:s18] =	ssyncadd.s32 @!p0 $0xFFFFFF00  }
0x33: {  	_ =	sfence.sel $0x180000  }
0x34: {  	[bflag:$0x0] =	sbarrier.arrive $0xFFFF  }
0x35: {  	p0 =	sne.s32 s1, $0x0;
	_ =	strace $0x90000047  }
0x36: {  	s0 =	sadd.s32 @!p0 $0x100000, s0;
	[bflag:$0x2] =	sbarrier.arrive $0xFFFF  }
0x37: {  	[sflag:s0] =	ssyncadd.tile.s32 @!p0 $0x1;
	_ =	shalt  }
.Lfunc_end2:
_tile_overlayer_lowered:
.L_overlay_start_2:
0x38: {  	(tag) =	ssettag $0x2  }
0x39: {  	s0 =	rddreg [dreg:$0x0];
	s2 =	stileid.u32  }
0x3a: {  	s1 =	rddreg [dreg:$0x1];
	p0 =	sne.s32 s2, $0x0  }
0x3b: {  	s3 =	rddreg [dreg:$0x2];
	[bflag:$0x3] =	sbarrier.arrive $0xFFFF;
	s2 =	simm.s32 @!p0 $0x1C01  }
0x3c: {  	[timem:s3], [sflag:s2] =	dma.local @!p0 [hbm:s0], s1  }
0x3d: {  	s0 =	simm.s32 @!p0 $0x1  }
0x3e: {  	_ =	swait.ge @!p0 [sflag:s0], s1  }
0x3f: {  	s1 =	ssub.s32 @!p0 $0x0, s1;
	[sflag:s0] =	ssyncset.done @!p0 $0x0  }
0x40: {  	[sflag:s0] =	ssyncadd.s32 @!p0 s1  }
0x41: {  	[bflag:$0x3] =	sbarrier.arrive $0xFFFF  }
0x42: {  	_ =	shalt  }

// kernel: kernel.16.cloned.1.call-start
scs
__scs_entry_jumppad:
0x0: {  	(pc) =	sbr.rel $0x88, $3  }
0x1: {  	(tag) =	ssettag $0x0;
	lr =	simm.s32 $0x1  }
0x2: {  	[smem:$0x3F98] =	sst lr;
	_ =	strace $0xD0000000  }
0x3: {  	_ = 	snop  }
0x4: {  	_ = 	snop  }
0x5: {  	_ = 	snop  }
0x6: {  	_ = 	snop  }
0x7: {  	_ = 	snop  }
__scs_overlays_trampoline_lowered:
0x8: {  	[smem:$0x3FA7] =	sst s0  }
0x9: {  	[smem:$0x3FA8] =	sst s1  }
0xa: {  	[smem:$0x3FA9] =	sst s2  }
0xb: {  	[smem:$0x3FAA] =	sst s3  }
0xc: {  	[smem:$0x3FAB] =	sst s4  }
0xd: {  	[smem:$0x3FAC] =	sst s5  }
0xe: {  	[smem:$0x3FAD] =	sst s6  }
0xf: {  	[smem:$0x3FAE] =	sst s7  }
0x10: {  	[smem:$0x3FAF] =	sst s8  }
0x11: {  	[smem:$0x3FB0] =	sst s9;
	s0 =	simm.s32 @!p0 $0x0  }
0x12: {  	s1 =	sld [smem:$0x3F96];
	s0 =	simm.s32 @p0 $0x1  }
0x13: {  	[smem:$0x3FB1] =	sst s0;
	s0 =	simm.s32 @!p1 $0x0  }
0x14: {  	s2 =	sld [smem:$0x3F95];
	s0 =	simm.s32 @p1 $0x1  }
0x15: {  	[smem:$0x3FB2] =	sst s0;
	s0 =	simm.s32 @!p2 $0x0  }
0x16: {  	s3 =	sld [smem:$0x3FDB];
	s0 =	simm.s32 @p2 $0x1  }
0x17: {  	s4 =	simm.s32 $0x1BF5;
	[smem:$0x3FB4] =	sst s0  }
0x18: {  	s0 =	sld [smem:$0x3F97];
	_ =	swait.ge [sflag:s4], $0x0  }
0x19: {  	s7 =	sld [smem:$0x3F98]  }
0x1a: {  	s8 =	sadd.s32 $0xFFFFE003, lr  }
0x1b: {  	s9 =	sadd.s32 $0xFFFFFEF7, lr;
	s5 =	simm.s32 $0xFFFFFFFF;
	p2 =	slt.u32 s8, $0xFFFFF086  }
0x1c: {  	p1 =	slt.u32 s9, $0xF7A;
	s5 =	simm.s32 @!p2 $0x0  }
0x1d: {  	s5 =	simm.s32 @p1 $0x1;
	p0 =	seq.s32 s7, s2  }
0x1e: {  	s7 =	smul.u32 @!p0 $0xF7A, s2;
	p2 =	seq.s32 @!p0 s5, $0x0  }
0x1f: {  	s9 =	smul.u32 $0xF7A, s1;
	s8 =	simm.s32 @!p0 $0x1BF5;
	p2 =	por !p2, p0  }
0x20: {  	[sflag:s8] =	ssyncset.s32 @!p0 $0xFFFFF086;
	s6 =	sadd.s32 @!p0 s3, s7;
	s7 =	simm.s32 @!p0 $0x108  }
0x21: {  	s3 =	sadd.s32 s3, s9;
	s6 =	sadd.s32 @!p0 $0x88, s6;
	s7 =	simm.s32 @p2 $0x1082  }
0x22: {  	[simem:s7], [sflag:s8] =	dma.local @!p0 [hbm:s6], $0xF7A  }
0x23: {  	s9 =	sor.u32 $0xD0000000, s2;
	s6 =	simm.s32 $0x108;
	_ =	swait.ge @!p0 [sflag:s8], $0x0  }
0x24: {  	s3 =	sadd.s32 $0x88, s3;
	s6 =	simm.s32 @!p1 $0x1082;
	[sflag:s4] =	ssyncset.s32 $0xFFFFF086  }
0x25: {  	[simem:s6], [sflag:s4] =	dma.local [hbm:s3], $0xF7A  }
0x26: {  	[smem:$0x3F98] =	sst s1;
	(tag) =	ssettag s2;
	_ =	strace s9  }
0x27: {  	s1 =	sld [smem:$0x3FA8]  }
0x28: {  	s2 =	sld [smem:$0x3FA9]  }
0x29: {  	s4 =	sld [smem:$0x3FAB]  }
0x2a: {  	p0 =	seq.s32 s5, $0x0;
	s5 =	sld [smem:$0x3FAC]  }
0x2b: {  	s6 =	sld [smem:$0x3FAD]  }
0x2c: {  	s7 =	sld [smem:$0x3FAE]  }
0x2d: {  	s3 =	simm.s32 $0x108;
	s8 =	sld [smem:$0x3FAF]  }
0x2e: {  	s3 =	simm.s32 @!p0 $0x1082;
	s9 =	sld [smem:$0x3FB0]  }
0x2f: {  	lr =	sadd.s32 s0, s3;
	s0 =	sld [smem:$0x3FA7]  }
0x30: {  	s3 =	sld [smem:$0x3FAA]  }
0x31: {  	[smem:$0x3FB3] =	sst s10  }
0x32: {  	s10 =	sld [smem:$0x3FB1];
	_ =	sdelay $0x3  }
0x33: {  	p0 =	seq.s32 s10, $0x1;
	s10 =	sld [smem:$0x3FB3];
	_ =	sdelay $0x3  }
0x34: {  	[smem:$0x3FB3] =	sst s10  }
0x35: {  	s10 =	sld [smem:$0x3FB2];
	_ =	sdelay $0x3  }
0x36: {  	p1 =	seq.s32 s10, $0x1;
	s10 =	sld [smem:$0x3FB3];
	_ =	sdelay $0x3  }
0x37: {  	[smem:$0x3FB3] =	sst s10  }
0x38: {  	s10 =	sld [smem:$0x3FB4]  }
0x39: {  	_ = 	snop;
	(pc) =	sbr.ind lr, $3  }
0x3a: {  	_ = 	snop  }
0x3b: {  	_ = 	snop  }
0x3c: {  	p2 =	seq.s32 s10, $0x1;
	s10 =	sld [smem:$0x3FB3]  }
0x3d: {  	_ =	shalt  }
0x3e: {  	_ =	shalt  }
0x3f: {  	_ =	shalt  }
0x40: {  	_ =	shalt  }
0x41: {  	_ =	shalt  }
0x42: {  	_ =	shalt  }
0x43: {  	_ =	shalt  }
0x44: {  	_ =	shalt  }
0x45: {  	_ =	shalt  }
0x46: {  	_ =	shalt  }
0x47: {  	_ =	shalt  }
0x48: {  	_ =	shalt  }
0x49: {  	_ =	shalt  }
0x4a: {  	_ =	shalt  }
0x4b: {  	_ =	shalt  }
0x4c: {  	_ =	shalt  }
0x4d: {  	_ =	shalt  }
0x4e: {  	_ =	shalt  }
0x4f: {  	_ =	shalt  }
0x50: {  	_ =	shalt  }
0x51: {  	_ =	shalt  }
0x52: {  	_ =	shalt  }
0x53: {  	_ =	shalt  }
0x54: {  	_ =	shalt  }
0x55: {  	_ =	shalt  }
0x56: {  	_ =	shalt  }
0x57: {  	_ =	shalt  }
0x58: {  	_ =	shalt  }
0x59: {  	_ =	shalt  }
0x5a: {  	_ =	shalt  }
0x5b: {  	_ =	shalt  }
0x5c: {  	_ =	shalt  }
0x5d: {  	_ =	shalt  }
0x5e: {  	_ =	shalt  }
0x5f: {  	_ =	shalt  }
0x60: {  	_ =	shalt  }
0x61: {  	_ =	shalt  }
0x62: {  	_ =	shalt  }
0x63: {  	_ =	shalt  }
0x64: {  	_ =	shalt  }
0x65: {  	_ =	shalt  }
0x66: {  	_ =	shalt  }
0x67: {  	_ =	shalt  }
0x68: {  	_ =	shalt  }
0x69: {  	_ =	shalt  }
0x6a: {  	_ =	shalt  }
0x6b: {  	_ =	shalt  }
0x6c: {  	_ =	shalt  }
0x6d: {  	_ =	shalt  }
0x6e: {  	_ =	shalt  }
0x6f: {  	_ =	shalt  }
0x70: {  	_ =	shalt  }
0x71: {  	_ =	shalt  }
0x72: {  	_ =	shalt  }
0x73: {  	_ =	shalt  }
0x74: {  	_ =	shalt  }
0x75: {  	_ =	shalt  }
0x76: {  	_ =	shalt  }
0x77: {  	_ =	shalt  }
0x78: {  	_ =	shalt  }
0x79: {  	_ =	shalt  }
0x7a: {  	_ =	shalt  }
0x7b: {  	_ =	shalt  }
0x7c: {  	_ =	shalt  }
0x7d: {  	_ =	shalt  }
0x7e: {  	_ =	shalt  }
0x7f: {  	_ =	shalt  }
0x80: {  	_ =	shalt  }
0x81: {  	_ =	shalt  }
0x82: {  	_ =	shalt  }
0x83: {  	_ =	shalt  }
0x84: {  	_ =	shalt  }
0x85: {  	_ =	shalt  }
0x86: {  	_ =	shalt  }
0x87: {  	_ =	shalt  }
.Lfunc_end0:
.L_simem_size_0:
called_computation.1_lowered:
.L_overlay_start_0:
0x88: {  	s2 =	sld [smem:$0x3FD9]  }
0x89: {  	s3 =	sld [smem:$0x3FFE];
	_ =	sdelay $0x1  }
0x8a: {  	s1 =	srdreg.scid  }
0x8b: {  	s0 =	sand.u32 $0x1, s1  }
0x8c: {  	s17 =	sshll.u32 s0, $0xA;
	s2 =	sadd.s32 s3, s2  }
0x8d: {  	s2 =	sadd.s32 s2, s17  }
0x8e: {  	[smem:$0x3FBF] =	sst s2  }
0x8f: {  	_ = 	snop  }
0x90: {  	s2 =	sld [smem:$0x3FD0];
	(tm) =	ssettm $0x1  }
0x91: {  	s18 =	sld [smem:$0x3FFB];
	_ =	sdelay $0x3  }
0x92: {  	_ =	strace s18  }
0x93: {  	s3 =	sld [smem:$0x3FFC];
	_ =	sdelay $0x3  }
0x94: {  	_ =	strace s3  }
0x95: {  	s3 =	sld [smem:$0x3FFD];
	_ =	sdelay $0x3  }
0x96: {  	_ =	strace s3  }
0x97: {  	_ =	strace $0x8FFFFFFF  }
0x98: {  	s19 =	sld [smem:$0x3FDB];
	_ =	sdelay $0x1  }
0x99: {  	s4 =	simm.s32 $_scs_section_size  }
0x9a: {  	s5 =	simm.s32 $_size__tile_overlayer_lowered;
	s6 =	simm.s32 $_tile_overlayer_lowered  }
0x9b: {  	s22 =	simm.s32 $0x1BFF;
	s21 =	sshll.u32 s6, $0x1;
	s3 =	sadd.s32 s4, s19  }
0x9c: {  	s7 =	simm.s32 $0x0;
	s20 =	sshll.u32 s5, $0x1;
	s5 =	sadd.s32 s21, s3  }
0x9d: {  	[timem:s7], [sflag:s22] =	dma.local [hbm:s5], s20  }
0x9e: {  	_ =	swait.ge [sflag:s22], s20  }
0x9f: {  	s4 =	ssub.s32 $0x0, s20;
	[sflag:s22] =	ssyncset.done $0x0  }
0xa0: {  	[sflag:s22] =	ssyncadd.s32 s4;
	_ =	sdelay $0x1  }
0xa1: {  	s23 =	simm.s32 $0x1B8B  }
0xa2: {  	_ =	swait.ge [sflag:s23], $0x1  }
0xa3: {  	[sflag:s23] =	ssyncset.done $0x0  }
0xa4: {  	s25 =	simm.s32 $0x1B8E;
	s24 =	sld [smem:$0x3FFE];
	[sflag:s23] =	ssyncadd.s32 $0xFFFFFFFF  }
0xa5: {  	s26 =	simm.s32 $execute0_lowered;
	[smem:$0x3FD2] =	sst s25  }
0xa6: {  	s5 =	sshll.u32 s26, $0x1;
	_ =	strace $0x80000049;
	[dreg:$0x1] =	wrdreg $0xFFFFFFFF  }
0xa7: {  	s28 =	simm.s32 $_size_execute0_lowered;
	s3 =	sadd.s32 s3, s5;
	[dreg:$0x0] =	wrdreg $0x0  }
0xa8: {  	s5 =	sshll.u32 s28, $0x1;
	[dreg:$0x2] =	wrdreg s3  }
0xa9: {  	[dreg:$0x3] =	wrdreg s5  }
0xaa: {  	[dreg:$0x4] =	wrdreg $0xC0  }
0xab: {  	_ =	task [dreg:s7], $0x5FFFF  }
0xac: {  	[dreg:$0x1] =	wrdreg $0xFFFFFFFF  }
0xad: {  	[dreg:$0x0] =	wrdreg $0x60  }
0xae: {  	[dreg:$0x2] =	wrdreg s24  }
0xaf: {  	[dreg:$0x3] =	wrdreg s2  }
0xb0: {  	[dreg:$0x4] =	wrdreg $0x88000  }
0xb1: {  	[dreg:$0x5] =	wrdreg $0x9  }
0xb2: {  	_ =	task.clear_ibuf [dreg:s7], $0x6FFFF;
	_ =	strace $0x90000049  }
0xb3: {  	s29 =	simm.s32 $0x9;
	_ =	strace $0x8000004B  }
0xb4: {  	_ =	swait.ge [sflag:s29], $0x1  }
0xb5: {  	[sflag:s29] =	ssyncadd.s32 $0xFFFFFFFF  }
0xb6: {  	_ =	strace $0x9000004B  }
0xb7: {  	_ =	sfence  }
0xb8: {  	s30 =	sld [smem:$0x0];
	_ =	sdelay $0x2  }
0xb9: {  	s31 =	sshll.u32 s1, $0xD;
	s1 =	sshrl.u32 s1, $0x2  }
0xba: {  	s3 =	sand.u32 $0x4000, s31;
	s1 =	sadd.s32 s1, s30  }
0xbb: {  	s0 =	sor.u32 s3, s0;
	s1 =	sshll.u32 s1, $0x11  }
0xbc: {  	s0 =	sor.u32 s1, s0  }
0xbd: {  	s0 =	sadd.s32 $0x8F2B, s0  }
0xbe: {  	[sflag:s0] =	ssyncadd.remote.s32 $0x1  }
0xbf: {  	_ =	sfence.sel $0xFFFF  }
0xc0: {  	[dreg:$0x0] =	wrdreg $0xFFFFFFFF;
	(pc) =	sbr.abs _section_cstart, $3  }
0xc1: {  	[dreg:$0x1] =	wrdreg $0xFFFFFFFF  }
0xc2: {  	_ =	task.clear_ibuf [dreg:s7], $0x2FFFF;
	_ =	strace $0x9FFFFFFF  }
0xc3: {  	(tm) =	ssettm $0x7FFFFFFF  }
tec
execute0_lowered:
.L_overlay_start_1:
0x0: {  	(tag) =	ssettag $0x1  }
0x1: {  	s0 =	rddreg [dreg:$0x0]  }
0x2: {  	s3 =	rddreg [dreg:$0x2];
	s4 =	simm.s32 $0x0;
	s1 =	srdreg.scid  }
0x3: {  	s12 =	stileid.u32;
	s13 =	simm.s32 $0x3;
	s14 =	simm.s32 $0x400  }
0x4: {  	s15 =	simm.s32 $0x80;
	s16 =	simm.s32 $0x800;
	s17 =	simm.s32 $0x4800  }
0x5: {  	s18 =	simm.s32 $0x1;
	s19 =	simm.s32 $0x100;
	s20 =	simm.s32 $0x2  }
0x6: {  	s21 =	simm.s32 $0x480;
	s28 =	simm.s32 $0x580;
	s29 =	simm.s32 $0x280  }
0x7: {  	s30 =	simm.s32 $0x600;
	s31 =	simm.s32 $0x300;
	s2 =	smul.u32 $0x98, s12  }
0x8: {  	s1 =	sand.u32 $0x1, s1;
	s5 =	sshll.u32 s12, $0x3;
	s7 =	smul.u32 $0x4F000, s12  }
0x9: {  	[smem:$0x7FF] =	sst s4;
	s9 =	smul.u32 $0x13800, s12;
	s24 =	sshll.u32 s12, $0x6  }
0xa: {  	s10 =	smul.u32 $0x4E000, s12;
	p1 =	sne.s32 s12, $0xF;
	p0 =	seq.s32 s1, $0x1  }
0xb: {  	s6 =	sor.u32 $0x980, s5;
	_ =	strace $0x8000004A;
	s5 =	sadd.s32 $0x17800, s0  }
0xc: {  	s22 =	ssub.s32 $0x2, s1;
	s1 =	smul.u32 $0x138800, s1;
	s6 =	smov.u32 @p0 s2  }
0xd: {  	s8 =	sshrl.u32 s22, $0x1;
	s23 =	sshrl.u32 s7, $0x2;
	s26 =	sshrl.u32 s10, $0x2  }
0xe: {  	s2 =	sshll.u32 s6, $0x4;
	s8 =	ssub.s32 s22, s8;
	s11 =	sadd.s32 s23, s3  }
0xf: {  	s6 =	sor.u32 $0x1C03, s24;
	s25 =	sadd.s32 s9, s1;
	s1 =	sshrl.u32 s1, $0x3  }
0x10: {  	s10 =	sadd.s32 s26, s3;
	s22 =	simm.s32 $0x180;
	s23 =	simm.s32 $0x500  }
0x11: {  	s2 =	sadd.s32 s2, s0;
	s0 =	sadd.s32 $0x3EA00, s0;
	s7 =	sshrl.u32 s25, $0x3  }
0x12: {  	s24 =	smax.u32 s8, $0x1;
	s26 =	sshrl.u32 s11, $0x3;
	s8 =	simm.s32 $0x0  }
0x13: {  	s7 =	sadd.s32 s0, s7;
	s0 =	sadd.s32 s0, s1;
	[dreg:$0x6] =	wrdreg s24  }
0x14: {  	s25 =	sadd.s32 $0xD800, s2;
	s9 =	sadd.s32 $0x3800, s2;
	[dreg:$0x8] =	wrdreg s26  }
0x15: {  	s24 =	sshrl.u32 s10, $0x3;
	s26 =	simm.s32 $0x200;
	[dreg:$0x4] =	wrdreg s7  }
0x16: {  	s2 =	simm.s32 $0x380;
	s0 =	sadd.s32 $0x27000, s0;
	[dreg:$0x7] =	wrdreg s25  }
0x17: {  	s1 =	simm.s32 $0x700;
	[dreg:$0x5] =	wrdreg s0;
	s0 =	sadd.s32 $0x138000, s3  }
0x18: {  	s7 =	simm.s32 $0x780;
	s25 =	sshrl.u32 @!p1 s0, $0x3;
	s0 =	simm.s32 $0x680  }
.LBB2_1:
0x19: {  	s10 =	rddreg [dreg:$0x1]  }
0x1a: {  	s11 =	rddreg [dreg:$0x8]  }
0x1b: {  	[spmem:s11], [sflag:s6] =	dma.local [hbm:s10], $0x2780  }
0x1c: {  	_ =	swait.ge [sflag:s13], $0x2780  }
0x1d: {  	[sflag:s13] =	ssyncset.done $0x0  }
0x1e: {  	[sflag:s13] =	ssyncadd.s32 $0xFFFFD880  }
0x1f: {  	[bflag:$0x0] =	sbarrier.arrive $0xFFFF  }
0x20: {  	s12 =	simm.s32 $0x0;
	s11 =	smov.u32 s9;
	s10 =	rddreg [dreg:$0x7]  }
.LBB2_2:
0x21: {  	[tilespmem:s4], [sflag:$0x3] =	stream.linear.gather [hbm4b:s11+s4], $0x400, $0x38;
	[tilespmem:$0x1C400] =	vst v63  }
0x22: {  	_ =	swait.ge [sflag:s13], $0x400  }
0x23: {  	[sflag:s13] =	ssyncset.done $0x0  }
0x24: {  	[sflag:s13] =	ssyncadd.s32 $0xFFFFFC00  }
0x25: {  	[tilespmem:s14], [sflag:$0x3] =	stream.linear.gather [hbm4b:s10+s4], $0x400, $0x38;
	[tilespmem:$0x1C400] =	vst v63  }
0x26: {  	_ =	swait.ge [sflag:s13], $0x400  }
0x27: {  	[sflag:s13] =	ssyncset.done $0x0  }
0x28: {  	[sflag:s13] =	ssyncadd.s32 $0xFFFFFC00  }
0x29: {  	[tilespmem:s16], [sflag:$0x1] =	stream.indirect.gather [hbm4b:s5+s15], $0x80, s4, s15, $0xb8;
	[tilespmem:$0x1C400] =	vst v63  }
0x2a: {  	_ = 	snop  }
0x2b: {  	[tilespmem:s17], [sflag:$0x2] =	stream.indirect.gather [hbm4b:s5+s15], $0x80, s15, s15, $0xb8;
	[tilespmem:$0x1C400] =	vst v63  }
0x2c: {  	_ =	swait.ge [sflag:s18], $0x4000  }
0x2d: {  	[sflag:s18] =	ssyncset.done $0x0  }
0x2e: {  	[sflag:s18] =	ssyncadd.s32 $0xFFFFC000  }
0x2f: {  	[spmem:s3] =	stream.indirect.scatter.add.f32 [tilespmem:s16], [sflag:$0x3], $0x80, s14, s15, $0xb8;
	[tilespmem:$0x1C400] =	vst v63  }
0x30: {  	_ =	swait.ge [sflag:s13], $0x4000  }
0x31: {  	[sflag:s13] =	ssyncset.done $0x0  }
0x32: {  	[sflag:s13] =	ssyncadd.s32 $0xFFFFC000  }
0x33: {  	[tilespmem:s16], [sflag:$0x1] =	stream.indirect.gather [hbm4b:s5+s15], $0x80, s19, s15, $0xb8;
	[tilespmem:$0x1C400] =	vst v63  }
0x34: {  	_ =	swait.ge [sflag:s20], $0x4000  }
0x35: {  	[sflag:s20] =	ssyncset.done $0x0  }
0x36: {  	[sflag:s20] =	ssyncadd.s32 $0xFFFFC000  }
0x37: {  	[spmem:s3] =	stream.indirect.scatter.add.f32 [tilespmem:s17], [sflag:$0x3], $0x80, s21, s15, $0xb8;
	[tilespmem:$0x1C400] =	vst v63  }
0x38: {  	_ =	swait.ge [sflag:s13], $0x4000  }
0x39: {  	[sflag:s13] =	ssyncset.done $0x0  }
0x3a: {  	[sflag:s13] =	ssyncadd.s32 $0xFFFFC000  }
0x3b: {  	[tilespmem:s17], [sflag:$0x2] =	stream.indirect.gather [hbm4b:s5+s15], $0x80, s22, s15, $0xb8;
	[tilespmem:$0x1C400] =	vst v63  }
0x3c: {  	_ =	swait.ge [sflag:s18], $0x4000  }
0x3d: {  	[sflag:s18] =	ssyncset.done $0x0  }
0x3e: {  	[sflag:s18] =	ssyncadd.s32 $0xFFFFC000  }
0x3f: {  	[spmem:s3] =	stream.indirect.scatter.add.f32 [tilespmem:s16], [sflag:$0x3], $0x80, s23, s15, $0xb8;
	[tilespmem:$0x1C400] =	vst v63  }
0x40: {  	_ =	swait.ge [sflag:s13], $0x4000  }
0x41: {  	[sflag:s13] =	ssyncset.done $0x0  }
0x42: {  	[sflag:s13] =	ssyncadd.s32 $0xFFFFC000  }
0x43: {  	[tilespmem:s16], [sflag:$0x1] =	stream.indirect.gather [hbm4b:s5+s15], $0x80, s26, s15, $0xb8;
	[tilespmem:$0x1C400] =	vst v63  }
0x44: {  	_ =	swait.ge [sflag:s20], $0x4000  }
0x45: {  	[sflag:s20] =	ssyncset.done $0x0  }
0x46: {  	[sflag:s20] =	ssyncadd.s32 $0xFFFFC000  }
0x47: {  	[spmem:s3] =	stream.indirect.scatter.add.f32 [tilespmem:s17], [sflag:$0x3], $0x80, s28, s15, $0xb8;
	[tilespmem:$0x1C400] =	vst v63  }
0x48: {  	_ =	swait.ge [sflag:s13], $0x4000  }
0x49: {  	[sflag:s13] =	ssyncset.done $0x0  }
0x4a: {  	[sflag:s13] =	ssyncadd.s32 $0xFFFFC000  }
0x4b: {  	[tilespmem:s17], [sflag:$0x2] =	stream.indirect.gather [hbm4b:s5+s15], $0x80, s29, s15, $0xb8;
	[tilespmem:$0x1C400] =	vst v63  }
0x4c: {  	_ =	swait.ge [sflag:s18], $0x4000  }
0x4d: {  	[sflag:s18] =	ssyncset.done $0x0  }
0x4e: {  	[sflag:s18] =	ssyncadd.s32 $0xFFFFC000  }
0x4f: {  	[spmem:s3] =	stream.indirect.scatter.add.f32 [tilespmem:s16], [sflag:$0x3], $0x80, s30, s15, $0xb8;
	[tilespmem:$0x1C400] =	vst v63  }
0x50: {  	_ =	swait.ge [sflag:s13], $0x4000  }
0x51: {  	[sflag:s13] =	ssyncset.done $0x0  }
0x52: {  	[sflag:s13] =	ssyncadd.s32 $0xFFFFC000  }
0x53: {  	[tilespmem:s16], [sflag:$0x1] =	stream.indirect.gather [hbm4b:s5+s15], $0x80, s31, s15, $0xb8;
	[tilespmem:$0x1C400] =	vst v63  }
0x54: {  	_ =	swait.ge [sflag:s20], $0x4000  }
0x55: {  	[sflag:s20] =	ssyncset.done $0x0  }
0x56: {  	[sflag:s20] =	ssyncadd.s32 $0xFFFFC000  }
0x57: {  	[spmem:s3] =	stream.indirect.scatter.add.f32 [tilespmem:s17], [sflag:$0x3], $0x80, s0, s15, $0xb8;
	[tilespmem:$0x1C400] =	vst v63  }
0x58: {  	_ =	swait.ge [sflag:s13], $0x4000  }
0x59: {  	[sflag:s13] =	ssyncset.done $0x0  }
0x5a: {  	[sflag:s13] =	ssyncadd.s32 $0xFFFFC000  }
0x5b: {  	[tilespmem:s17], [sflag:$0x2] =	stream.indirect.gather [hbm4b:s5+s15], $0x80, s2, s15, $0xb8;
	[tilespmem:$0x1C400] =	vst v63  }
0x5c: {  	_ =	swait.ge [sflag:s18], $0x4000  }
0x5d: {  	[sflag:s18] =	ssyncset.done $0x0  }
0x5e: {  	[sflag:s18] =	ssyncadd.s32 $0xFFFFC000  }
0x5f: {  	[spmem:s3] =	stream.indirect.scatter.add.f32 [tilespmem:s16], [sflag:$0x3], $0x80, s1, s15, $0xb8;
	[tilespmem:$0x1C400] =	vst v63  }
0x60: {  	_ =	swait.ge [sflag:s13], $0x4000  }
0x61: {  	[sflag:s13] =	ssyncset.done $0x0  }
0x62: {  	p2 =	slt.u32 s12, $0x12;
	[sflag:s13] =	ssyncadd.s32 $0xFFFFC000  }
0x63: {  	p2 =	por !p0, !p2;
	_ =	swait.ge [sflag:s20], $0x4000  }
0x64: {  	p2 =	por !p2, !p2;
	[sflag:s20] =	ssyncset.done $0x0  }
.Ltmp0:
0x65: {  	[sflag:s20] =	ssyncadd.s32 $0xFFFFC000;
	(pc) =	sbr.rel @p2 .LBB2_2-.Ltmp0, $4  }
0x66: {  	[spmem:s3] =	stream.indirect.scatter.add.f32 [tilespmem:s17], [sflag:$0x3], $0x80, s7, s15, $0xb8;
	[tilespmem:$0x1C400] =	vst v63  }
0x67: {  	_ =	swait.ge [sflag:s13], $0x4000  }
0x68: {  	s12 =	sadd.s32 $0x1, s12;
	[sflag:s13] =	ssyncset.done $0x0  }
0x69: {  	s11 =	sadd.s32 $0x80, s11;
	s10 =	sadd.s32 $0x80, s10;
	[sflag:s13] =	ssyncadd.s32 $0xFFFFC000  }
0x6a: {  	[bflag:$0x0] =	sbarrier.arrive $0xFFFF  }
0x6b: {  	s10 =	rddreg [dreg:$0x4]  }
0x6c: {  	[hbm:s10], [sflag:s6] =	dma.local [spmem:s24], $0x2700  }
0x6d: {  	_ =	swait.ge [sflag:s13], $0x2700  }
0x6e: {  	[sflag:s13] =	ssyncset.done $0x0  }
0x6f: {  	s10 =	rddreg [dreg:$0x5];
	[sflag:s13] =	ssyncadd.s32 $0xFFFFD900  }
0x70: {  	[hbm:s10], [sflag:s6] =	dma.local @!p1 [spmem:s25], $0x100  }
0x71: {  	s10 =	simm.s32 @!p1 $0x3  }
0x72: {  	_ =	swait.ge @!p1 [sflag:s10], $0x100  }
0x73: {  	s8 =	sadd.s32 $0x1, s8;
	s11 =	rddreg [dreg:$0x6]  }
0x74: {  	p2 =	sne.s32 s8, s11  }
.Ltmp1:
0x75: {  	_ = 	snop;
	(pc) =	sbr.rel @p2 .LBB2_1-.Ltmp1, $3  }
0x76: {  	_ =	sdelay $0x1  }
0x77: {  	[sflag:s10] =	ssyncset.done @!p1 $0x0  }
0x78: {  	[sflag:s10] =	ssyncadd.s32 @!p1 $0xFFFFFF00  }
0x79: {  	_ =	sfence.sel $0x180000  }
0x7a: {  	[bflag:$0x0] =	sbarrier.arrive $0xFFFF  }
0x7b: {  	_ =	strace $0x9000004A  }
0x7c: {  	s0 =	stileid.u32;
	[bflag:$0x2] =	sbarrier.arrive $0xFFFF  }
0x7d: {  	p0 =	sne.s32 s0, $0x0;
	s0 =	rddreg [dreg:$0x3]  }
0x7e: {  	s0 =	sadd.s32 @!p0 $0x100000, s0  }
0x7f: {  	[sflag:s0] =	ssyncadd.tile.s32 @!p0 $0x1;
	_ =	shalt  }
.Lfunc_end2:
_tile_overlayer_lowered:
.L_overlay_start_2:
0x80: {  	(tag) =	ssettag $0x2  }
0x81: {  	s0 =	rddreg [dreg:$0x0];
	s2 =	stileid.u32  }
0x82: {  	s1 =	rddreg [dreg:$0x1];
	p0 =	sne.s32 s2, $0x0  }
0x83: {  	s3 =	rddreg [dreg:$0x2];
	[bflag:$0x3] =	sbarrier.arrive $0xFFFF;
	s2 =	simm.s32 @!p0 $0x1C03  }
0x84: {  	[timem:s3], [sflag:s2] =	dma.local @!p0 [hbm:s0], s1  }
0x85: {  	s0 =	simm.s32 @!p0 $0x3  }
0x86: {  	_ =	swait.ge @!p0 [sflag:s0], s1  }
0x87: {  	s1 =	ssub.s32 @!p0 $0x0, s1;
	[sflag:s0] =	ssyncset.done @!p0 $0x0  }
0x88: {  	[sflag:s0] =	ssyncadd.s32 @!p0 s1  }
0x89: {  	[bflag:$0x3] =	sbarrier.arrive $0xFFFF  }
0x8a: {  	_ =	shalt  }

// kernel: kernel.19.cloned.1.call-start
scs
__scs_entry_jumppad:
0x0: {  	(pc) =	sbr.rel $0x88, $3  }
0x1: {  	(tag) =	ssettag $0x0;
	lr =	simm.s32 $0x1  }
0x2: {  	[smem:$0x3F98] =	sst lr;
	_ =	strace $0xD0000000  }
0x3: {  	_ = 	snop  }
0x4: {  	_ = 	snop  }
0x5: {  	_ = 	snop  }
0x6: {  	_ = 	snop  }
0x7: {  	_ = 	snop  }
__scs_overlays_trampoline_lowered:
0x8: {  	[smem:$0x3FA7] =	sst s0  }
0x9: {  	[smem:$0x3FA8] =	sst s1  }
0xa: {  	[smem:$0x3FA9] =	sst s2  }
0xb: {  	[smem:$0x3FAA] =	sst s3  }
0xc: {  	[smem:$0x3FAB] =	sst s4  }
0xd: {  	[smem:$0x3FAC] =	sst s5  }
0xe: {  	[smem:$0x3FAD] =	sst s6  }
0xf: {  	[smem:$0x3FAE] =	sst s7  }
0x10: {  	[smem:$0x3FAF] =	sst s8  }
0x11: {  	[smem:$0x3FB0] =	sst s9;
	s0 =	simm.s32 @!p0 $0x0  }
0x12: {  	s1 =	sld [smem:$0x3F96];
	s0 =	simm.s32 @p0 $0x1  }
0x13: {  	[smem:$0x3FB1] =	sst s0;
	s0 =	simm.s32 @!p1 $0x0  }
0x14: {  	s2 =	sld [smem:$0x3F95];
	s0 =	simm.s32 @p1 $0x1  }
0x15: {  	[smem:$0x3FB2] =	sst s0;
	s0 =	simm.s32 @!p2 $0x0  }
0x16: {  	s3 =	sld [smem:$0x3FDB];
	s0 =	simm.s32 @p2 $0x1  }
0x17: {  	s4 =	simm.s32 $0x1BF5;
	[smem:$0x3FB4] =	sst s0  }
0x18: {  	s0 =	sld [smem:$0x3F97];
	_ =	swait.ge [sflag:s4], $0x0  }
0x19: {  	s7 =	sld [smem:$0x3F98]  }
0x1a: {  	s8 =	sadd.s32 $0xFFFFE003, lr  }
0x1b: {  	s9 =	sadd.s32 $0xFFFFFEF7, lr;
	s5 =	simm.s32 $0xFFFFFFFF;
	p2 =	slt.u32 s8, $0xFFFFF086  }
0x1c: {  	p1 =	slt.u32 s9, $0xF7A;
	s5 =	simm.s32 @!p2 $0x0  }
0x1d: {  	s5 =	simm.s32 @p1 $0x1;
	p0 =	seq.s32 s7, s2  }
0x1e: {  	s7 =	smul.u32 @!p0 $0xF7A, s2;
	p2 =	seq.s32 @!p0 s5, $0x0  }
0x1f: {  	s9 =	smul.u32 $0xF7A, s1;
	s8 =	simm.s32 @!p0 $0x1BF5;
	p2 =	por !p2, p0  }
0x20: {  	[sflag:s8] =	ssyncset.s32 @!p0 $0xFFFFF086;
	s6 =	sadd.s32 @!p0 s3, s7;
	s7 =	simm.s32 @!p0 $0x108  }
0x21: {  	s3 =	sadd.s32 s3, s9;
	s6 =	sadd.s32 @!p0 $0x88, s6;
	s7 =	simm.s32 @p2 $0x1082  }
0x22: {  	[simem:s7], [sflag:s8] =	dma.local @!p0 [hbm:s6], $0xF7A  }
0x23: {  	s9 =	sor.u32 $0xD0000000, s2;
	s6 =	simm.s32 $0x108;
	_ =	swait.ge @!p0 [sflag:s8], $0x0  }
0x24: {  	s3 =	sadd.s32 $0x88, s3;
	s6 =	simm.s32 @!p1 $0x1082;
	[sflag:s4] =	ssyncset.s32 $0xFFFFF086  }
0x25: {  	[simem:s6], [sflag:s4] =	dma.local [hbm:s3], $0xF7A  }
0x26: {  	[smem:$0x3F98] =	sst s1;
	(tag) =	ssettag s2;
	_ =	strace s9  }
0x27: {  	s1 =	sld [smem:$0x3FA8]  }
0x28: {  	s2 =	sld [smem:$0x3FA9]  }
0x29: {  	s4 =	sld [smem:$0x3FAB]  }
0x2a: {  	p0 =	seq.s32 s5, $0x0;
	s5 =	sld [smem:$0x3FAC]  }
0x2b: {  	s6 =	sld [smem:$0x3FAD]  }
0x2c: {  	s7 =	sld [smem:$0x3FAE]  }
0x2d: {  	s3 =	simm.s32 $0x108;
	s8 =	sld [smem:$0x3FAF]  }
0x2e: {  	s3 =	simm.s32 @!p0 $0x1082;
	s9 =	sld [smem:$0x3FB0]  }
0x2f: {  	lr =	sadd.s32 s0, s3;
	s0 =	sld [smem:$0x3FA7]  }
0x30: {  	s3 =	sld [smem:$0x3FAA]  }
0x31: {  	[smem:$0x3FB3] =	sst s10  }
0x32: {  	s10 =	sld [smem:$0x3FB1];
	_ =	sdelay $0x3  }
0x33: {  	p0 =	seq.s32 s10, $0x1;
	s10 =	sld [smem:$0x3FB3];
	_ =	sdelay $0x3  }
0x34: {  	[smem:$0x3FB3] =	sst s10  }
0x35: {  	s10 =	sld [smem:$0x3FB2];
	_ =	sdelay $0x3  }
0x36: {  	p1 =	seq.s32 s10, $0x1;
	s10 =	sld [smem:$0x3FB3];
	_ =	sdelay $0x3  }
0x37: {  	[smem:$0x3FB3] =	sst s10  }
0x38: {  	s10 =	sld [smem:$0x3FB4]  }
0x39: {  	_ = 	snop;
	(pc) =	sbr.ind lr, $3  }
0x3a: {  	_ = 	snop  }
0x3b: {  	_ = 	snop  }
0x3c: {  	p2 =	seq.s32 s10, $0x1;
	s10 =	sld [smem:$0x3FB3]  }
0x3d: {  	_ =	shalt  }
0x3e: {  	_ =	shalt  }
0x3f: {  	_ =	shalt  }
0x40: {  	_ =	shalt  }
0x41: {  	_ =	shalt  }
0x42: {  	_ =	shalt  }
0x43: {  	_ =	shalt  }
0x44: {  	_ =	shalt  }
0x45: {  	_ =	shalt  }
0x46: {  	_ =	shalt  }
0x47: {  	_ =	shalt  }
0x48: {  	_ =	shalt  }
0x49: {  	_ =	shalt  }
0x4a: {  	_ =	shalt  }
0x4b: {  	_ =	shalt  }
0x4c: {  	_ =	shalt  }
0x4d: {  	_ =	shalt  }
0x4e: {  	_ =	shalt  }
0x4f: {  	_ =	shalt  }
0x50: {  	_ =	shalt  }
0x51: {  	_ =	shalt  }
0x52: {  	_ =	shalt  }
0x53: {  	_ =	shalt  }
0x54: {  	_ =	shalt  }
0x55: {  	_ =	shalt  }
0x56: {  	_ =	shalt  }
0x57: {  	_ =	shalt  }
0x58: {  	_ =	shalt  }
0x59: {  	_ =	shalt  }
0x5a: {  	_ =	shalt  }
0x5b: {  	_ =	shalt  }
0x5c: {  	_ =	shalt  }
0x5d: {  	_ =	shalt  }
0x5e: {  	_ =	shalt  }
0x5f: {  	_ =	shalt  }
0x60: {  	_ =	shalt  }
0x61: {  	_ =	shalt  }
0x62: {  	_ =	shalt  }
0x63: {  	_ =	shalt  }
0x64: {  	_ =	shalt  }
0x65: {  	_ =	shalt  }
0x66: {  	_ =	shalt  }
0x67: {  	_ =	shalt  }
0x68: {  	_ =	shalt  }
0x69: {  	_ =	shalt  }
0x6a: {  	_ =	shalt  }
0x6b: {  	_ =	shalt  }
0x6c: {  	_ =	shalt  }
0x6d: {  	_ =	shalt  }
0x6e: {  	_ =	shalt  }
0x6f: {  	_ =	shalt  }
0x70: {  	_ =	shalt  }
0x71: {  	_ =	shalt  }
0x72: {  	_ =	shalt  }
0x73: {  	_ =	shalt  }
0x74: {  	_ =	shalt  }
0x75: {  	_ =	shalt  }
0x76: {  	_ =	shalt  }
0x77: {  	_ =	shalt  }
0x78: {  	_ =	shalt  }
0x79: {  	_ =	shalt  }
0x7a: {  	_ =	shalt  }
0x7b: {  	_ =	shalt  }
0x7c: {  	_ =	shalt  }
0x7d: {  	_ =	shalt  }
0x7e: {  	_ =	shalt  }
0x7f: {  	_ =	shalt  }
0x80: {  	_ =	shalt  }
0x81: {  	_ =	shalt  }
0x82: {  	_ =	shalt  }
0x83: {  	_ =	shalt  }
0x84: {  	_ =	shalt  }
0x85: {  	_ =	shalt  }
0x86: {  	_ =	shalt  }
0x87: {  	_ =	shalt  }
.Lfunc_end0:
.L_simem_size_0:
called_computation.2_lowered:
.L_overlay_start_0:
0x88: {  	s2 =	sld [smem:$0x3FD9]  }
0x89: {  	s3 =	sld [smem:$0x3FFE];
	_ =	sdelay $0x1  }
0x8a: {  	s1 =	srdreg.scid  }
0x8b: {  	s0 =	sand.u32 $0x1, s1  }
0x8c: {  	s17 =	sshll.u32 s0, $0xA;
	s2 =	sadd.s32 s3, s2  }
0x8d: {  	s2 =	sadd.s32 s2, s17  }
0x8e: {  	[smem:$0x3FBF] =	sst s2  }
0x8f: {  	_ = 	snop  }
0x90: {  	s2 =	sld [smem:$0x3FD0];
	(tm) =	ssettm $0x1  }
0x91: {  	s18 =	sld [smem:$0x3FFB];
	_ =	sdelay $0x3  }
0x92: {  	_ =	strace s18  }
0x93: {  	s3 =	sld [smem:$0x3FFC];
	_ =	sdelay $0x3  }
0x94: {  	_ =	strace s3  }
0x95: {  	s3 =	sld [smem:$0x3FFD];
	_ =	sdelay $0x3  }
0x96: {  	_ =	strace s3  }
0x97: {  	_ =	strace $0x8FFFFFFF  }
0x98: {  	s19 =	sld [smem:$0x3FDB];
	_ =	sdelay $0x1  }
0x99: {  	s4 =	simm.s32 $_scs_section_size  }
0x9a: {  	s5 =	simm.s32 $_size__tile_overlayer_lowered;
	s6 =	simm.s32 $_tile_overlayer_lowered  }
0x9b: {  	s22 =	simm.s32 $0x1BFF;
	s21 =	sshll.u32 s6, $0x1;
	s3 =	sadd.s32 s4, s19  }
0x9c: {  	s7 =	simm.s32 $0x0;
	s20 =	sshll.u32 s5, $0x1;
	s5 =	sadd.s32 s21, s3  }
0x9d: {  	[timem:s7], [sflag:s22] =	dma.local [hbm:s5], s20  }
0x9e: {  	_ =	swait.ge [sflag:s22], s20  }
0x9f: {  	s4 =	ssub.s32 $0x0, s20;
	[sflag:s22] =	ssyncset.done $0x0  }
0xa0: {  	[sflag:s22] =	ssyncadd.s32 s4;
	_ =	sdelay $0x1  }
0xa1: {  	s23 =	simm.s32 $0x1B8B  }
0xa2: {  	_ =	swait.ge [sflag:s23], $0x1  }
0xa3: {  	[sflag:s23] =	ssyncset.done $0x0  }
0xa4: {  	s25 =	simm.s32 $0x1B8E;
	s24 =	sld [smem:$0x3FFE];
	[sflag:s23] =	ssyncadd.s32 $0xFFFFFFFF  }
0xa5: {  	s26 =	simm.s32 $execute0_lowered;
	[smem:$0x3FD2] =	sst s25  }
0xa6: {  	s5 =	sshll.u32 s26, $0x1;
	_ =	strace $0x8000004C;
	[dreg:$0x1] =	wrdreg $0xFFFFFFFF  }
0xa7: {  	s28 =	simm.s32 $_size_execute0_lowered;
	s3 =	sadd.s32 s3, s5;
	[dreg:$0x0] =	wrdreg $0x0  }
0xa8: {  	s5 =	sshll.u32 s28, $0x1;
	[dreg:$0x2] =	wrdreg s3  }
0xa9: {  	[dreg:$0x3] =	wrdreg s5  }
0xaa: {  	[dreg:$0x4] =	wrdreg $0xC0  }
0xab: {  	_ =	task [dreg:s7], $0x5FFFF  }
0xac: {  	[dreg:$0x1] =	wrdreg $0xFFFFFFFF  }
0xad: {  	[dreg:$0x0] =	wrdreg $0x60  }
0xae: {  	[dreg:$0x2] =	wrdreg s24  }
0xaf: {  	[dreg:$0x3] =	wrdreg s2  }
0xb0: {  	[dreg:$0x4] =	wrdreg $0x88000  }
0xb1: {  	[dreg:$0x5] =	wrdreg $0x9  }
0xb2: {  	_ =	task.clear_ibuf [dreg:s7], $0x6FFFF;
	_ =	strace $0x9000004C  }
0xb3: {  	s29 =	simm.s32 $0x9;
	_ =	strace $0x8000004E  }
0xb4: {  	_ =	swait.ge [sflag:s29], $0x1  }
0xb5: {  	[sflag:s29] =	ssyncadd.s32 $0xFFFFFFFF  }
0xb6: {  	_ =	strace $0x9000004E  }
0xb7: {  	_ =	sfence  }
0xb8: {  	s30 =	sld [smem:$0x0];
	_ =	sdelay $0x2  }
0xb9: {  	s31 =	sshll.u32 s1, $0xD;
	s1 =	sshrl.u32 s1, $0x2  }
0xba: {  	s3 =	sand.u32 $0x4000, s31;
	s1 =	sadd.s32 s1, s30  }
0xbb: {  	s0 =	sor.u32 s3, s0;
	s1 =	sshll.u32 s1, $0x11  }
0xbc: {  	s0 =	sor.u32 s1, s0  }
0xbd: {  	s0 =	sadd.s32 $0x8F2B, s0  }
0xbe: {  	[sflag:s0] =	ssyncadd.remote.s32 $0x1  }
0xbf: {  	_ =	sfence.sel $0xFFFF  }
0xc0: {  	[dreg:$0x0] =	wrdreg $0xFFFFFFFF;
	(pc) =	sbr.abs _section_cstart, $3  }
0xc1: {  	[dreg:$0x1] =	wrdreg $0xFFFFFFFF  }
0xc2: {  	_ =	task.clear_ibuf [dreg:s7], $0x2FFFF;
	_ =	strace $0x9FFFFFFF  }
0xc3: {  	(tm) =	ssettm $0x7FFFFFFF  }
tec
execute0_lowered:
.L_overlay_start_1:
0x0: {  	(tag) =	ssettag $0x1  }
0x1: {  	s0 =	rddreg [dreg:$0x0]  }
0x2: {  	s3 =	rddreg [dreg:$0x2];
	s4 =	simm.s32 $0x0;
	s1 =	srdreg.scid  }
0x3: {  	s12 =	stileid.u32;
	s13 =	simm.s32 $0x3;
	s14 =	simm.s32 $0x400  }
0x4: {  	s15 =	simm.s32 $0x80;
	s16 =	simm.s32 $0x800;
	s17 =	simm.s32 $0x4800  }
0x5: {  	s18 =	simm.s32 $0x1;
	s19 =	simm.s32 $0x100;
	s20 =	simm.s32 $0x2  }
0x6: {  	s21 =	simm.s32 $0x480;
	s28 =	simm.s32 $0x580;
	s29 =	simm.s32 $0x280  }
0x7: {  	s30 =	simm.s32 $0x600;
	s31 =	simm.s32 $0x300;
	s2 =	smul.u32 $0x98, s12  }
0x8: {  	s1 =	sand.u32 $0x1, s1;
	s5 =	sshll.u32 s12, $0x3;
	s7 =	smul.u32 $0x4F000, s12  }
0x9: {  	[smem:$0x7FF] =	sst s4;
	s9 =	smul.u32 $0x13800, s12;
	s24 =	sshll.u32 s12, $0x6  }
0xa: {  	s10 =	smul.u32 $0x4E000, s12;
	p1 =	sne.s32 s12, $0xF;
	p0 =	seq.s32 s1, $0x1  }
0xb: {  	s6 =	sor.u32 $0x980, s5;
	_ =	strace $0x8000004D;
	s5 =	sadd.s32 $0x17800, s0  }
0xc: {  	s22 =	ssub.s32 $0x2, s1;
	s1 =	smul.u32 $0x138800, s1;
	s6 =	smov.u32 @p0 s2  }
0xd: {  	s8 =	sshrl.u32 s22, $0x1;
	s23 =	sshrl.u32 s7, $0x2;
	s26 =	sshrl.u32 s10, $0x2  }
0xe: {  	s2 =	sshll.u32 s6, $0x4;
	s8 =	ssub.s32 s22, s8;
	s11 =	sadd.s32 s23, s3  }
0xf: {  	s6 =	sor.u32 $0x1C03, s24;
	s25 =	sadd.s32 s9, s1;
	s1 =	sshrl.u32 s1, $0x3  }
0x10: {  	s10 =	sadd.s32 s26, s3;
	s22 =	simm.s32 $0x180;
	s23 =	simm.s32 $0x500  }
0x11: {  	s2 =	sadd.s32 s2, s0;
	s0 =	sadd.s32 $0x3EA00, s0;
	s7 =	sshrl.u32 s25, $0x3  }
0x12: {  	s24 =	smax.u32 s8, $0x1;
	s26 =	sshrl.u32 s11, $0x3;
	s8 =	simm.s32 $0x0  }
0x13: {  	s7 =	sadd.s32 s0, s7;
	s0 =	sadd.s32 s0, s1;
	[dreg:$0x6] =	wrdreg s24  }
0x14: {  	s25 =	sadd.s32 $0xD800, s2;
	s9 =	sadd.s32 $0x3800, s2;
	[dreg:$0x8] =	wrdreg s26  }
0x15: {  	s24 =	sshrl.u32 s10, $0x3;
	s26 =	simm.s32 $0x200;
	[dreg:$0x4] =	wrdreg s7  }
0x16: {  	s2 =	simm.s32 $0x380;
	s0 =	sadd.s32 $0x27000, s0;
	[dreg:$0x7] =	wrdreg s25  }
0x17: {  	s1 =	simm.s32 $0x700;
	[dreg:$0x5] =	wrdreg s0;
	s0 =	sadd.s32 $0x138000, s3  }
0x18: {  	s7 =	simm.s32 $0x780;
	s25 =	sshrl.u32 @!p1 s0, $0x3;
	s0 =	simm.s32 $0x680  }
.LBB2_1:
0x19: {  	s10 =	rddreg [dreg:$0x1]  }
0x1a: {  	s11 =	rddreg [dreg:$0x8]  }
0x1b: {  	[spmem:s11], [sflag:s6] =	dma.local [hbm:s10], $0x2780  }
0x1c: {  	_ =	swait.ge [sflag:s13], $0x2780  }
0x1d: {  	[sflag:s13] =	ssyncset.done $0x0  }
0x1e: {  	[sflag:s13] =	ssyncadd.s32 $0xFFFFD880  }
0x1f: {  	[bflag:$0x0] =	sbarrier.arrive $0xFFFF  }
0x20: {  	s12 =	simm.s32 $0x0;
	s11 =	smov.u32 s9;
	s10 =	rddreg [dreg:$0x7]  }
.LBB2_2:
0x21: {  	[tilespmem:s4], [sflag:$0x3] =	stream.linear.gather [hbm4b:s11+s4], $0x400, $0x38;
	[tilespmem:$0x1C400] =	vst v63  }
0x22: {  	_ =	swait.ge [sflag:s13], $0x400  }
0x23: {  	[sflag:s13] =	ssyncset.done $0x0  }
0x24: {  	[sflag:s13] =	ssyncadd.s32 $0xFFFFFC00  }
0x25: {  	[tilespmem:s14], [sflag:$0x3] =	stream.linear.gather [hbm4b:s10+s4], $0x400, $0x38;
	[tilespmem:$0x1C400] =	vst v63  }
0x26: {  	_ =	swait.ge [sflag:s13], $0x400  }
0x27: {  	[sflag:s13] =	ssyncset.done $0x0  }
0x28: {  	[sflag:s13] =	ssyncadd.s32 $0xFFFFFC00  }
0x29: {  	[tilespmem:s16], [sflag:$0x1] =	stream.indirect.gather [hbm4b:s5+s15], $0x80, s4, s15, $0xb8;
	[tilespmem:$0x1C400] =	vst v63  }
0x2a: {  	_ = 	snop  }
0x2b: {  	[tilespmem:s17], [sflag:$0x2] =	stream.indirect.gather [hbm4b:s5+s15], $0x80, s15, s15, $0xb8;
	[tilespmem:$0x1C400] =	vst v63  }
0x2c: {  	_ =	swait.ge [sflag:s18], $0x4000  }
0x2d: {  	[sflag:s18] =	ssyncset.done $0x0  }
0x2e: {  	[sflag:s18] =	ssyncadd.s32 $0xFFFFC000  }
0x2f: {  	[spmem:s3] =	stream.indirect.scatter.add.f32 [tilespmem:s16], [sflag:$0x3], $0x80, s14, s15, $0xb8;
	[tilespmem:$0x1C400] =	vst v63  }
0x30: {  	_ =	swait.ge [sflag:s13], $0x4000  }
0x31: {  	[sflag:s13] =	ssyncset.done $0x0  }
0x32: {  	[sflag:s13] =	ssyncadd.s32 $0xFFFFC000  }
0x33: {  	[tilespmem:s16], [sflag:$0x1] =	stream.indirect.gather [hbm4b:s5+s15], $0x80, s19, s15, $0xb8;
	[tilespmem:$0x1C400] =	vst v63  }
0x34: {  	_ =	swait.ge [sflag:s20], $0x4000  }
0x35: {  	[sflag:s20] =	ssyncset.done $0x0  }
0x36: {  	[sflag:s20] =	ssyncadd.s32 $0xFFFFC000  }
0x37: {  	[spmem:s3] =	stream.indirect.scatter.add.f32 [tilespmem:s17], [sflag:$0x3], $0x80, s21, s15, $0xb8;
	[tilespmem:$0x1C400] =	vst v63  }
0x38: {  	_ =	swait.ge [sflag:s13], $0x4000  }
0x39: {  	[sflag:s13] =	ssyncset.done $0x0  }
0x3a: {  	[sflag:s13] =	ssyncadd.s32 $0xFFFFC000  }
0x3b: {  	[tilespmem:s17], [sflag:$0x2] =	stream.indirect.gather [hbm4b:s5+s15], $0x80, s22, s15, $0xb8;
	[tilespmem:$0x1C400] =	vst v63  }
0x3c: {  	_ =	swait.ge [sflag:s18], $0x4000  }
0x3d: {  	[sflag:s18] =	ssyncset.done $0x0  }
0x3e: {  	[sflag:s18] =	ssyncadd.s32 $0xFFFFC000  }
0x3f: {  	[spmem:s3] =	stream.indirect.scatter.add.f32 [tilespmem:s16], [sflag:$0x3], $0x80, s23, s15, $0xb8;
	[tilespmem:$0x1C400] =	vst v63  }
0x40: {  	_ =	swait.ge [sflag:s13], $0x4000  }
0x41: {  	[sflag:s13] =	ssyncset.done $0x0  }
0x42: {  	[sflag:s13] =	ssyncadd.s32 $0xFFFFC000  }
0x43: {  	[tilespmem:s16], [sflag:$0x1] =	stream.indirect.gather [hbm4b:s5+s15], $0x80, s26, s15, $0xb8;
	[tilespmem:$0x1C400] =	vst v63  }
0x44: {  	_ =	swait.ge [sflag:s20], $0x4000  }
0x45: {  	[sflag:s20] =	ssyncset.done $0x0  }
0x46: {  	[sflag:s20] =	ssyncadd.s32 $0xFFFFC000  }
0x47: {  	[spmem:s3] =	stream.indirect.scatter.add.f32 [tilespmem:s17], [sflag:$0x3], $0x80, s28, s15, $0xb8;
	[tilespmem:$0x1C400] =	vst v63  }
0x48: {  	_ =	swait.ge [sflag:s13], $0x4000  }
0x49: {  	[sflag:s13] =	ssyncset.done $0x0  }
0x4a: {  	[sflag:s13] =	ssyncadd.s32 $0xFFFFC000  }
0x4b: {  	[tilespmem:s17], [sflag:$0x2] =	stream.indirect.gather [hbm4b:s5+s15], $0x80, s29, s15, $0xb8;
	[tilespmem:$0x1C400] =	vst v63  }
0x4c: {  	_ =	swait.ge [sflag:s18], $0x4000  }
0x4d: {  	[sflag:s18] =	ssyncset.done $0x0  }
0x4e: {  	[sflag:s18] =	ssyncadd.s32 $0xFFFFC000  }
0x4f: {  	[spmem:s3] =	stream.indirect.scatter.add.f32 [tilespmem:s16], [sflag:$0x3], $0x80, s30, s15, $0xb8;
	[tilespmem:$0x1C400] =	vst v63  }
0x50: {  	_ =	swait.ge [sflag:s13], $0x4000  }
0x51: {  	[sflag:s13] =	ssyncset.done $0x0  }
0x52: {  	[sflag:s13] =	ssyncadd.s32 $0xFFFFC000  }
0x53: {  	[tilespmem:s16], [sflag:$0x1] =	stream.indirect.gather [hbm4b:s5+s15], $0x80, s31, s15, $0xb8;
	[tilespmem:$0x1C400] =	vst v63  }
0x54: {  	_ =	swait.ge [sflag:s20], $0x4000  }
0x55: {  	[sflag:s20] =	ssyncset.done $0x0  }
0x56: {  	[sflag:s20] =	ssyncadd.s32 $0xFFFFC000  }
0x57: {  	[spmem:s3] =	stream.indirect.scatter.add.f32 [tilespmem:s17], [sflag:$0x3], $0x80, s0, s15, $0xb8;
	[tilespmem:$0x1C400] =	vst v63  }
0x58: {  	_ =	swait.ge [sflag:s13], $0x4000  }
0x59: {  	[sflag:s13] =	ssyncset.done $0x0  }
0x5a: {  	[sflag:s13] =	ssyncadd.s32 $0xFFFFC000  }
0x5b: {  	[tilespmem:s17], [sflag:$0x2] =	stream.indirect.gather [hbm4b:s5+s15], $0x80, s2, s15, $0xb8;
	[tilespmem:$0x1C400] =	vst v63  }
0x5c: {  	_ =	swait.ge [sflag:s18], $0x4000  }
0x5d: {  	[sflag:s18] =	ssyncset.done $0x0  }
0x5e: {  	[sflag:s18] =	ssyncadd.s32 $0xFFFFC000  }
0x5f: {  	[spmem:s3] =	stream.indirect.scatter.add.f32 [tilespmem:s16], [sflag:$0x3], $0x80, s1, s15, $0xb8;
	[tilespmem:$0x1C400] =	vst v63  }
0x60: {  	_ =	swait.ge [sflag:s13], $0x4000  }
0x61: {  	[sflag:s13] =	ssyncset.done $0x0  }
0x62: {  	p2 =	slt.u32 s12, $0x12;
	[sflag:s13] =	ssyncadd.s32 $0xFFFFC000  }
0x63: {  	p2 =	por !p0, !p2;
	_ =	swait.ge [sflag:s20], $0x4000  }
0x64: {  	p2 =	por !p2, !p2;
	[sflag:s20] =	ssyncset.done $0x0  }
.Ltmp0:
0x65: {  	[sflag:s20] =	ssyncadd.s32 $0xFFFFC000;
	(pc) =	sbr.rel @p2 .LBB2_2-.Ltmp0, $4  }
0x66: {  	[spmem:s3] =	stream.indirect.scatter.add.f32 [tilespmem:s17], [sflag:$0x3], $0x80, s7, s15, $0xb8;
	[tilespmem:$0x1C400] =	vst v63  }
0x67: {  	_ =	swait.ge [sflag:s13], $0x4000  }
0x68: {  	s12 =	sadd.s32 $0x1, s12;
	[sflag:s13] =	ssyncset.done $0x0  }
0x69: {  	s11 =	sadd.s32 $0x80, s11;
	s10 =	sadd.s32 $0x80, s10;
	[sflag:s13] =	ssyncadd.s32 $0xFFFFC000  }
0x6a: {  	[bflag:$0x0] =	sbarrier.arrive $0xFFFF  }
0x6b: {  	s10 =	rddreg [dreg:$0x4]  }
0x6c: {  	[hbm:s10], [sflag:s6] =	dma.local [spmem:s24], $0x2700  }
0x6d: {  	_ =	swait.ge [sflag:s13], $0x2700  }
0x6e: {  	[sflag:s13] =	ssyncset.done $0x0  }
0x6f: {  	s10 =	rddreg [dreg:$0x5];
	[sflag:s13] =	ssyncadd.s32 $0xFFFFD900  }
0x70: {  	[hbm:s10], [sflag:s6] =	dma.local @!p1 [spmem:s25], $0x100  }
0x71: {  	s10 =	simm.s32 @!p1 $0x3  }
0x72: {  	_ =	swait.ge @!p1 [sflag:s10], $0x100  }
0x73: {  	s8 =	sadd.s32 $0x1, s8;
	s11 =	rddreg [dreg:$0x6]  }
0x74: {  	p2 =	sne.s32 s8, s11  }
.Ltmp1:
0x75: {  	_ = 	snop;
	(pc) =	sbr.rel @p2 .LBB2_1-.Ltmp1, $3  }
0x76: {  	_ =	sdelay $0x1  }
0x77: {  	[sflag:s10] =	ssyncset.done @!p1 $0x0  }
0x78: {  	[sflag:s10] =	ssyncadd.s32 @!p1 $0xFFFFFF00  }
0x79: {  	_ =	sfence.sel $0x180000  }
0x7a: {  	[bflag:$0x0] =	sbarrier.arrive $0xFFFF  }
0x7b: {  	_ =	strace $0x9000004D  }
0x7c: {  	s0 =	stileid.u32;
	[bflag:$0x2] =	sbarrier.arrive $0xFFFF  }
0x7d: {  	p0 =	sne.s32 s0, $0x0;
	s0 =	rddreg [dreg:$0x3]  }
0x7e: {  	s0 =	sadd.s32 @!p0 $0x100000, s0  }
0x7f: {  	[sflag:s0] =	ssyncadd.tile.s32 @!p0 $0x1;
	_ =	shalt  }
.Lfunc_end2:
_tile_overlayer_lowered:
.L_overlay_start_2:
0x80: {  	(tag) =	ssettag $0x2  }
0x81: {  	s0 =	rddreg [dreg:$0x0];
	s2 =	stileid.u32  }
0x82: {  	s1 =	rddreg [dreg:$0x1];
	p0 =	sne.s32 s2, $0x0  }
0x83: {  	s3 =	rddreg [dreg:$0x2];
	[bflag:$0x3] =	sbarrier.arrive $0xFFFF;
	s2 =	simm.s32 @!p0 $0x1C03  }
0x84: {  	[timem:s3], [sflag:s2] =	dma.local @!p0 [hbm:s0], s1  }
0x85: {  	s0 =	simm.s32 @!p0 $0x3  }
0x86: {  	_ =	swait.ge @!p0 [sflag:s0], s1  }
0x87: {  	s1 =	ssub.s32 @!p0 $0x0, s1;
	[sflag:s0] =	ssyncset.done @!p0 $0x0  }
0x88: {  	[sflag:s0] =	ssyncadd.s32 @!p0 s1  }
0x89: {  	[bflag:$0x3] =	sbarrier.arrive $0xFFFF  }
0x8a: {  	_ =	shalt  }

// kernel: kernel.22.cloned.1.call-start
scs
__scs_entry_jumppad:
0x0: {  	(pc) =	sbr.rel $0x88, $3  }
0x1: {  	(tag) =	ssettag $0x0;
	lr =	simm.s32 $0x1  }
0x2: {  	[smem:$0x3F98] =	sst lr;
	_ =	strace $0xD0000000  }
0x3: {  	_ = 	snop  }
0x4: {  	_ = 	snop  }
0x5: {  	_ = 	snop  }
0x6: {  	_ = 	snop  }
0x7: {  	_ = 	snop  }
__scs_overlays_trampoline_lowered:
0x8: {  	[smem:$0x3FA7] =	sst s0  }
0x9: {  	[smem:$0x3FA8] =	sst s1  }
0xa: {  	[smem:$0x3FA9] =	sst s2  }
0xb: {  	[smem:$0x3FAA] =	sst s3  }
0xc: {  	[smem:$0x3FAB] =	sst s4  }
0xd: {  	[smem:$0x3FAC] =	sst s5  }
0xe: {  	[smem:$0x3FAD] =	sst s6  }
0xf: {  	[smem:$0x3FAE] =	sst s7  }
0x10: {  	[smem:$0x3FAF] =	sst s8  }
0x11: {  	[smem:$0x3FB0] =	sst s9;
	s0 =	simm.s32 @!p0 $0x0  }
0x12: {  	s1 =	sld [smem:$0x3F96];
	s0 =	simm.s32 @p0 $0x1  }
0x13: {  	[smem:$0x3FB1] =	sst s0;
	s0 =	simm.s32 @!p1 $0x0  }
0x14: {  	s2 =	sld [smem:$0x3F95];
	s0 =	simm.s32 @p1 $0x1  }
0x15: {  	[smem:$0x3FB2] =	sst s0;
	s0 =	simm.s32 @!p2 $0x0  }
0x16: {  	s3 =	sld [smem:$0x3FDB];
	s0 =	simm.s32 @p2 $0x1  }
0x17: {  	s4 =	simm.s32 $0x1BF5;
	[smem:$0x3FB4] =	sst s0  }
0x18: {  	s0 =	sld [smem:$0x3F97];
	_ =	swait.ge [sflag:s4], $0x0  }
0x19: {  	s7 =	sld [smem:$0x3F98]  }
0x1a: {  	s8 =	sadd.s32 $0xFFFFE003, lr  }
0x1b: {  	s9 =	sadd.s32 $0xFFFFFEF7, lr;
	s5 =	simm.s32 $0xFFFFFFFF;
	p2 =	slt.u32 s8, $0xFFFFF086  }
0x1c: {  	p1 =	slt.u32 s9, $0xF7A;
	s5 =	simm.s32 @!p2 $0x0  }
0x1d: {  	s5 =	simm.s32 @p1 $0x1;
	p0 =	seq.s32 s7, s2  }
0x1e: {  	s7 =	smul.u32 @!p0 $0xF7A, s2;
	p2 =	seq.s32 @!p0 s5, $0x0  }
0x1f: {  	s9 =	smul.u32 $0xF7A, s1;
	s8 =	simm.s32 @!p0 $0x1BF5;
	p2 =	por !p2, p0  }
0x20: {  	[sflag:s8] =	ssyncset.s32 @!p0 $0xFFFFF086;
	s6 =	sadd.s32 @!p0 s3, s7;
	s7 =	simm.s32 @!p0 $0x108  }
0x21: {  	s3 =	sadd.s32 s3, s9;
	s6 =	sadd.s32 @!p0 $0x88, s6;
	s7 =	simm.s32 @p2 $0x1082  }
0x22: {  	[simem:s7], [sflag:s8] =	dma.local @!p0 [hbm:s6], $0xF7A  }
0x23: {  	s9 =	sor.u32 $0xD0000000, s2;
	s6 =	simm.s32 $0x108;
	_ =	swait.ge @!p0 [sflag:s8], $0x0  }
0x24: {  	s3 =	sadd.s32 $0x88, s3;
	s6 =	simm.s32 @!p1 $0x1082;
	[sflag:s4] =	ssyncset.s32 $0xFFFFF086  }
0x25: {  	[simem:s6], [sflag:s4] =	dma.local [hbm:s3], $0xF7A  }
0x26: {  	[smem:$0x3F98] =	sst s1;
	(tag) =	ssettag s2;
	_ =	strace s9  }
0x27: {  	s1 =	sld [smem:$0x3FA8]  }
0x28: {  	s2 =	sld [smem:$0x3FA9]  }
0x29: {  	s4 =	sld [smem:$0x3FAB]  }
0x2a: {  	p0 =	seq.s32 s5, $0x0;
	s5 =	sld [smem:$0x3FAC]  }
0x2b: {  	s6 =	sld [smem:$0x3FAD]  }
0x2c: {  	s7 =	sld [smem:$0x3FAE]  }
0x2d: {  	s3 =	simm.s32 $0x108;
	s8 =	sld [smem:$0x3FAF]  }
0x2e: {  	s3 =	simm.s32 @!p0 $0x1082;
	s9 =	sld [smem:$0x3FB0]  }
0x2f: {  	lr =	sadd.s32 s0, s3;
	s0 =	sld [smem:$0x3FA7]  }
0x30: {  	s3 =	sld [smem:$0x3FAA]  }
0x31: {  	[smem:$0x3FB3] =	sst s10  }
0x32: {  	s10 =	sld [smem:$0x3FB1];
	_ =	sdelay $0x3  }
0x33: {  	p0 =	seq.s32 s10, $0x1;
	s10 =	sld [smem:$0x3FB3];
	_ =	sdelay $0x3  }
0x34: {  	[smem:$0x3FB3] =	sst s10  }
0x35: {  	s10 =	sld [smem:$0x3FB2];
	_ =	sdelay $0x3  }
0x36: {  	p1 =	seq.s32 s10, $0x1;
	s10 =	sld [smem:$0x3FB3];
	_ =	sdelay $0x3  }
0x37: {  	[smem:$0x3FB3] =	sst s10  }
0x38: {  	s10 =	sld [smem:$0x3FB4]  }
0x39: {  	_ = 	snop;
	(pc) =	sbr.ind lr, $3  }
0x3a: {  	_ = 	snop  }
0x3b: {  	_ = 	snop  }
0x3c: {  	p2 =	seq.s32 s10, $0x1;
	s10 =	sld [smem:$0x3FB3]  }
0x3d: {  	_ =	shalt  }
0x3e: {  	_ =	shalt  }
0x3f: {  	_ =	shalt  }
0x40: {  	_ =	shalt  }
0x41: {  	_ =	shalt  }
0x42: {  	_ =	shalt  }
0x43: {  	_ =	shalt  }
0x44: {  	_ =	shalt  }
0x45: {  	_ =	shalt  }
0x46: {  	_ =	shalt  }
0x47: {  	_ =	shalt  }
0x48: {  	_ =	shalt  }
0x49: {  	_ =	shalt  }
0x4a: {  	_ =	shalt  }
0x4b: {  	_ =	shalt  }
0x4c: {  	_ =	shalt  }
0x4d: {  	_ =	shalt  }
0x4e: {  	_ =	shalt  }
0x4f: {  	_ =	shalt  }
0x50: {  	_ =	shalt  }
0x51: {  	_ =	shalt  }
0x52: {  	_ =	shalt  }
0x53: {  	_ =	shalt  }
0x54: {  	_ =	shalt  }
0x55: {  	_ =	shalt  }
0x56: {  	_ =	shalt  }
0x57: {  	_ =	shalt  }
0x58: {  	_ =	shalt  }
0x59: {  	_ =	shalt  }
0x5a: {  	_ =	shalt  }
0x5b: {  	_ =	shalt  }
0x5c: {  	_ =	shalt  }
0x5d: {  	_ =	shalt  }
0x5e: {  	_ =	shalt  }
0x5f: {  	_ =	shalt  }
0x60: {  	_ =	shalt  }
0x61: {  	_ =	shalt  }
0x62: {  	_ =	shalt  }
0x63: {  	_ =	shalt  }
0x64: {  	_ =	shalt  }
0x65: {  	_ =	shalt  }
0x66: {  	_ =	shalt  }
0x67: {  	_ =	shalt  }
0x68: {  	_ =	shalt  }
0x69: {  	_ =	shalt  }
0x6a: {  	_ =	shalt  }
0x6b: {  	_ =	shalt  }
0x6c: {  	_ =	shalt  }
0x6d: {  	_ =	shalt  }
0x6e: {  	_ =	shalt  }
0x6f: {  	_ =	shalt  }
0x70: {  	_ =	shalt  }
0x71: {  	_ =	shalt  }
0x72: {  	_ =	shalt  }
0x73: {  	_ =	shalt  }
0x74: {  	_ =	shalt  }
0x75: {  	_ =	shalt  }
0x76: {  	_ =	shalt  }
0x77: {  	_ =	shalt  }
0x78: {  	_ =	shalt  }
0x79: {  	_ =	shalt  }
0x7a: {  	_ =	shalt  }
0x7b: {  	_ =	shalt  }
0x7c: {  	_ =	shalt  }
0x7d: {  	_ =	shalt  }
0x7e: {  	_ =	shalt  }
0x7f: {  	_ =	shalt  }
0x80: {  	_ =	shalt  }
0x81: {  	_ =	shalt  }
0x82: {  	_ =	shalt  }
0x83: {  	_ =	shalt  }
0x84: {  	_ =	shalt  }
0x85: {  	_ =	shalt  }
0x86: {  	_ =	shalt  }
0x87: {  	_ =	shalt  }
.Lfunc_end0:
.L_simem_size_0:
called_computation.3_lowered:
.L_overlay_start_0:
0x88: {  	s2 =	sld [smem:$0x3FD9]  }
0x89: {  	s3 =	sld [smem:$0x3FFE];
	_ =	sdelay $0x1  }
0x8a: {  	s1 =	srdreg.scid  }
0x8b: {  	s0 =	sand.u32 $0x1, s1  }
0x8c: {  	s17 =	sshll.u32 s0, $0xA;
	s2 =	sadd.s32 s3, s2  }
0x8d: {  	s2 =	sadd.s32 s2, s17  }
0x8e: {  	[smem:$0x3FBF] =	sst s2  }
0x8f: {  	_ = 	snop  }
0x90: {  	s2 =	sld [smem:$0x3FD0];
	(tm) =	ssettm $0x1  }
0x91: {  	s18 =	sld [smem:$0x3FFB];
	_ =	sdelay $0x3  }
0x92: {  	_ =	strace s18  }
0x93: {  	s3 =	sld [smem:$0x3FFC];
	_ =	sdelay $0x3  }
0x94: {  	_ =	strace s3  }
0x95: {  	s3 =	sld [smem:$0x3FFD];
	_ =	sdelay $0x3  }
0x96: {  	_ =	strace s3  }
0x97: {  	_ =	strace $0x8FFFFFFF  }
0x98: {  	s19 =	sld [smem:$0x3FDB];
	_ =	sdelay $0x1  }
0x99: {  	s4 =	simm.s32 $_scs_section_size  }
0x9a: {  	s5 =	simm.s32 $_size__tile_overlayer_lowered;
	s6 =	simm.s32 $_tile_overlayer_lowered  }
0x9b: {  	s22 =	simm.s32 $0x1BFF;
	s21 =	sshll.u32 s6, $0x1;
	s3 =	sadd.s32 s4, s19  }
0x9c: {  	s7 =	simm.s32 $0x0;
	s20 =	sshll.u32 s5, $0x1;
	s5 =	sadd.s32 s21, s3  }
0x9d: {  	[timem:s7], [sflag:s22] =	dma.local [hbm:s5], s20  }
0x9e: {  	_ =	swait.ge [sflag:s22], s20  }
0x9f: {  	s4 =	ssub.s32 $0x0, s20;
	[sflag:s22] =	ssyncset.done $0x0  }
0xa0: {  	[sflag:s22] =	ssyncadd.s32 s4;
	_ =	sdelay $0x1  }
0xa1: {  	s23 =	simm.s32 $0x1B8B  }
0xa2: {  	_ =	swait.ge [sflag:s23], $0x1  }
0xa3: {  	[sflag:s23] =	ssyncset.done $0x0  }
0xa4: {  	s25 =	simm.s32 $0x1B8E;
	s24 =	sld [smem:$0x3FFE];
	[sflag:s23] =	ssyncadd.s32 $0xFFFFFFFF  }
0xa5: {  	s26 =	simm.s32 $execute0_lowered;
	[smem:$0x3FD2] =	sst s25  }
0xa6: {  	s5 =	sshll.u32 s26, $0x1;
	_ =	strace $0x8000004F;
	[dreg:$0x1] =	wrdreg $0xFFFFFFFF  }
0xa7: {  	s28 =	simm.s32 $_size_execute0_lowered;
	s3 =	sadd.s32 s3, s5;
	[dreg:$0x0] =	wrdreg $0x0  }
0xa8: {  	s5 =	sshll.u32 s28, $0x1;
	[dreg:$0x2] =	wrdreg s3  }
0xa9: {  	[dreg:$0x3] =	wrdreg s5  }
0xaa: {  	[dreg:$0x4] =	wrdreg $0xC0  }
0xab: {  	_ =	task [dreg:s7], $0x5FFFF  }
0xac: {  	[dreg:$0x1] =	wrdreg $0xFFFFFFFF  }
0xad: {  	[dreg:$0x0] =	wrdreg $0x60  }
0xae: {  	[dreg:$0x2] =	wrdreg s24  }
0xaf: {  	[dreg:$0x3] =	wrdreg s2  }
0xb0: {  	[dreg:$0x4] =	wrdreg $0x88000  }
0xb1: {  	[dreg:$0x5] =	wrdreg $0x9  }
0xb2: {  	_ =	task.clear_ibuf [dreg:s7], $0x6FFFF;
	_ =	strace $0x9000004F  }
0xb3: {  	s29 =	simm.s32 $0x9;
	_ =	strace $0x80000051  }
0xb4: {  	_ =	swait.ge [sflag:s29], $0x1  }
0xb5: {  	[sflag:s29] =	ssyncadd.s32 $0xFFFFFFFF  }
0xb6: {  	_ =	strace $0x90000051  }
0xb7: {  	_ =	sfence  }
0xb8: {  	s30 =	sld [smem:$0x0];
	_ =	sdelay $0x2  }
0xb9: {  	s31 =	sshll.u32 s1, $0xD;
	s1 =	sshrl.u32 s1, $0x2  }
0xba: {  	s3 =	sand.u32 $0x4000, s31;
	s1 =	sadd.s32 s1, s30  }
0xbb: {  	s0 =	sor.u32 s3, s0;
	s1 =	sshll.u32 s1, $0x11  }
0xbc: {  	s0 =	sor.u32 s1, s0  }
0xbd: {  	s0 =	sadd.s32 $0x8F2B, s0  }
0xbe: {  	[sflag:s0] =	ssyncadd.remote.s32 $0x1  }
0xbf: {  	_ =	sfence.sel $0xFFFF  }
0xc0: {  	[dreg:$0x0] =	wrdreg $0xFFFFFFFF;
	(pc) =	sbr.abs _section_cstart, $3  }
0xc1: {  	[dreg:$0x1] =	wrdreg $0xFFFFFFFF  }
0xc2: {  	_ =	task.clear_ibuf [dreg:s7], $0x2FFFF;
	_ =	strace $0x9FFFFFFF  }
0xc3: {  	(tm) =	ssettm $0x7FFFFFFF  }
tec
execute0_lowered:
.L_overlay_start_1:
0x0: {  	(tag) =	ssettag $0x1  }
0x1: {  	s0 =	rddreg [dreg:$0x0]  }
0x2: {  	s3 =	rddreg [dreg:$0x2];
	s4 =	simm.s32 $0x0;
	s1 =	srdreg.scid  }
0x3: {  	s12 =	stileid.u32;
	s13 =	simm.s32 $0x3;
	s14 =	simm.s32 $0x400  }
0x4: {  	s15 =	simm.s32 $0x80;
	s16 =	simm.s32 $0x800;
	s17 =	simm.s32 $0x4800  }
0x5: {  	s18 =	simm.s32 $0x1;
	s19 =	simm.s32 $0x100;
	s20 =	simm.s32 $0x2  }
0x6: {  	s21 =	simm.s32 $0x480;
	s28 =	simm.s32 $0x580;
	s29 =	simm.s32 $0x280  }
0x7: {  	s30 =	simm.s32 $0x600;
	s31 =	simm.s32 $0x300;
	s2 =	smul.u32 $0x98, s12  }
0x8: {  	s1 =	sand.u32 $0x1, s1;
	s5 =	sshll.u32 s12, $0x3;
	s7 =	smul.u32 $0x4F000, s12  }
0x9: {  	[smem:$0x7FF] =	sst s4;
	s9 =	smul.u32 $0x13800, s12;
	s24 =	sshll.u32 s12, $0x6  }
0xa: {  	s10 =	smul.u32 $0x4E000, s12;
	p1 =	sne.s32 s12, $0xF;
	p0 =	seq.s32 s1, $0x1  }
0xb: {  	s6 =	sor.u32 $0x980, s5;
	_ =	strace $0x80000050;
	s5 =	sadd.s32 $0x17800, s0  }
0xc: {  	s22 =	ssub.s32 $0x2, s1;
	s1 =	smul.u32 $0x138800, s1;
	s6 =	smov.u32 @p0 s2  }
0xd: {  	s8 =	sshrl.u32 s22, $0x1;
	s23 =	sshrl.u32 s7, $0x2;
	s26 =	sshrl.u32 s10, $0x2  }
0xe: {  	s2 =	sshll.u32 s6, $0x4;
	s8 =	ssub.s32 s22, s8;
	s11 =	sadd.s32 s23, s3  }
0xf: {  	s6 =	sor.u32 $0x1C03, s24;
	s25 =	sadd.s32 s9, s1;
	s1 =	sshrl.u32 s1, $0x3  }
0x10: {  	s10 =	sadd.s32 s26, s3;
	s22 =	simm.s32 $0x180;
	s23 =	simm.s32 $0x500  }
0x11: {  	s2 =	sadd.s32 s2, s0;
	s0 =	sadd.s32 $0x3EA00, s0;
	s7 =	sshrl.u32 s25, $0x3  }
0x12: {  	s24 =	smax.u32 s8, $0x1;
	s26 =	sshrl.u32 s11, $0x3;
	s8 =	simm.s32 $0x0  }
0x13: {  	s7 =	sadd.s32 s0, s7;
	s0 =	sadd.s32 s0, s1;
	[dreg:$0x6] =	wrdreg s24  }
0x14: {  	s25 =	sadd.s32 $0xD800, s2;
	s9 =	sadd.s32 $0x3800, s2;
	[dreg:$0x8] =	wrdreg s26  }
0x15: {  	s24 =	sshrl.u32 s10, $0x3;
	s26 =	simm.s32 $0x200;
	[dreg:$0x4] =	wrdreg s7  }
0x16: {  	s2 =	simm.s32 $0x380;
	s0 =	sadd.s32 $0x27000, s0;
	[dreg:$0x7] =	wrdreg s25  }
0x17: {  	s1 =	simm.s32 $0x700;
	[dreg:$0x5] =	wrdreg s0;
	s0 =	sadd.s32 $0x138000, s3  }
0x18: {  	s7 =	simm.s32 $0x780;
	s25 =	sshrl.u32 @!p1 s0, $0x3;
	s0 =	simm.s32 $0x680  }
.LBB2_1:
0x19: {  	s10 =	rddreg [dreg:$0x1]  }
0x1a: {  	s11 =	rddreg [dreg:$0x8]  }
0x1b: {  	[spmem:s11], [sflag:s6] =	dma.local [hbm:s10], $0x2780  }
0x1c: {  	_ =	swait.ge [sflag:s13], $0x2780  }
0x1d: {  	[sflag:s13] =	ssyncset.done $0x0  }
0x1e: {  	[sflag:s13] =	ssyncadd.s32 $0xFFFFD880  }
0x1f: {  	[bflag:$0x0] =	sbarrier.arrive $0xFFFF  }
0x20: {  	s12 =	simm.s32 $0x0;
	s11 =	smov.u32 s9;
	s10 =	rddreg [dreg:$0x7]  }
.LBB2_2:
0x21: {  	[tilespmem:s4], [sflag:$0x3] =	stream.linear.gather [hbm4b:s11+s4], $0x400, $0x38;
	[tilespmem:$0x1C400] =	vst v63  }
0x22: {  	_ =	swait.ge [sflag:s13], $0x400  }
0x23: {  	[sflag:s13] =	ssyncset.done $0x0  }
0x24: {  	[sflag:s13] =	ssyncadd.s32 $0xFFFFFC00  }
0x25: {  	[tilespmem:s14], [sflag:$0x3] =	stream.linear.gather [hbm4b:s10+s4], $0x400, $0x38;
	[tilespmem:$0x1C400] =	vst v63  }
0x26: {  	_ =	swait.ge [sflag:s13], $0x400  }
0x27: {  	[sflag:s13] =	ssyncset.done $0x0  }
0x28: {  	[sflag:s13] =	ssyncadd.s32 $0xFFFFFC00  }
0x29: {  	[tilespmem:s16], [sflag:$0x1] =	stream.indirect.gather [hbm4b:s5+s15], $0x80, s4, s15, $0xb8;
	[tilespmem:$0x1C400] =	vst v63  }
0x2a: {  	_ = 	snop  }
0x2b: {  	[tilespmem:s17], [sflag:$0x2] =	stream.indirect.gather [hbm4b:s5+s15], $0x80, s15, s15, $0xb8;
	[tilespmem:$0x1C400] =	vst v63  }
0x2c: {  	_ =	swait.ge [sflag:s18], $0x4000  }
0x2d: {  	[sflag:s18] =	ssyncset.done $0x0  }
0x2e: {  	[sflag:s18] =	ssyncadd.s32 $0xFFFFC000  }
0x2f: {  	[spmem:s3] =	stream.indirect.scatter.add.f32 [tilespmem:s16], [sflag:$0x3], $0x80, s14, s15, $0xb8;
	[tilespmem:$0x1C400] =	vst v63  }
0x30: {  	_ =	swait.ge [sflag:s13], $0x4000  }
0x31: {  	[sflag:s13] =	ssyncset.done $0x0  }
0x32: {  	[sflag:s13] =	ssyncadd.s32 $0xFFFFC000  }
0x33: {  	[tilespmem:s16], [sflag:$0x1] =	stream.indirect.gather [hbm4b:s5+s15], $0x80, s19, s15, $0xb8;
	[tilespmem:$0x1C400] =	vst v63  }
0x34: {  	_ =	swait.ge [sflag:s20], $0x4000  }
0x35: {  	[sflag:s20] =	ssyncset.done $0x0  }
0x36: {  	[sflag:s20] =	ssyncadd.s32 $0xFFFFC000  }
0x37: {  	[spmem:s3] =	stream.indirect.scatter.add.f32 [tilespmem:s17], [sflag:$0x3], $0x80, s21, s15, $0xb8;
	[tilespmem:$0x1C400] =	vst v63  }
0x38: {  	_ =	swait.ge [sflag:s13], $0x4000  }
0x39: {  	[sflag:s13] =	ssyncset.done $0x0  }
0x3a: {  	[sflag:s13] =	ssyncadd.s32 $0xFFFFC000  }
0x3b: {  	[tilespmem:s17], [sflag:$0x2] =	stream.indirect.gather [hbm4b:s5+s15], $0x80, s22, s15, $0xb8;
	[tilespmem:$0x1C400] =	vst v63  }
0x3c: {  	_ =	swait.ge [sflag:s18], $0x4000  }
0x3d: {  	[sflag:s18] =	ssyncset.done $0x0  }
0x3e: {  	[sflag:s18] =	ssyncadd.s32 $0xFFFFC000  }
0x3f: {  	[spmem:s3] =	stream.indirect.scatter.add.f32 [tilespmem:s16], [sflag:$0x3], $0x80, s23, s15, $0xb8;
	[tilespmem:$0x1C400] =	vst v63  }
0x40: {  	_ =	swait.ge [sflag:s13], $0x4000  }
0x41: {  	[sflag:s13] =	ssyncset.done $0x0  }
0x42: {  	[sflag:s13] =	ssyncadd.s32 $0xFFFFC000  }
0x43: {  	[tilespmem:s16], [sflag:$0x1] =	stream.indirect.gather [hbm4b:s5+s15], $0x80, s26, s15, $0xb8;
	[tilespmem:$0x1C400] =	vst v63  }
0x44: {  	_ =	swait.ge [sflag:s20], $0x4000  }
0x45: {  	[sflag:s20] =	ssyncset.done $0x0  }
0x46: {  	[sflag:s20] =	ssyncadd.s32 $0xFFFFC000  }
0x47: {  	[spmem:s3] =	stream.indirect.scatter.add.f32 [tilespmem:s17], [sflag:$0x3], $0x80, s28, s15, $0xb8;
	[tilespmem:$0x1C400] =	vst v63  }
0x48: {  	_ =	swait.ge [sflag:s13], $0x4000  }
0x49: {  	[sflag:s13] =	ssyncset.done $0x0  }
0x4a: {  	[sflag:s13] =	ssyncadd.s32 $0xFFFFC000  }
0x4b: {  	[tilespmem:s17], [sflag:$0x2] =	stream.indirect.gather [hbm4b:s5+s15], $0x80, s29, s15, $0xb8;
	[tilespmem:$0x1C400] =	vst v63  }
0x4c: {  	_ =	swait.ge [sflag:s18], $0x4000  }
0x4d: {  	[sflag:s18] =	ssyncset.done $0x0  }
0x4e: {  	[sflag:s18] =	ssyncadd.s32 $0xFFFFC000  }
0x4f: {  	[spmem:s3] =	stream.indirect.scatter.add.f32 [tilespmem:s16], [sflag:$0x3], $0x80, s30, s15, $0xb8;
	[tilespmem:$0x1C400] =	vst v63  }
0x50: {  	_ =	swait.ge [sflag:s13], $0x4000  }
0x51: {  	[sflag:s13] =	ssyncset.done $0x0  }
0x52: {  	[sflag:s13] =	ssyncadd.s32 $0xFFFFC000  }
0x53: {  	[tilespmem:s16], [sflag:$0x1] =	stream.indirect.gather [hbm4b:s5+s15], $0x80, s31, s15, $0xb8;
	[tilespmem:$0x1C400] =	vst v63  }
0x54: {  	_ =	swait.ge [sflag:s20], $0x4000  }
0x55: {  	[sflag:s20] =	ssyncset.done $0x0  }
0x56: {  	[sflag:s20] =	ssyncadd.s32 $0xFFFFC000  }
0x57: {  	[spmem:s3] =	stream.indirect.scatter.add.f32 [tilespmem:s17], [sflag:$0x3], $0x80, s0, s15, $0xb8;
	[tilespmem:$0x1C400] =	vst v63  }
0x58: {  	_ =	swait.ge [sflag:s13], $0x4000  }
0x59: {  	[sflag:s13] =	ssyncset.done $0x0  }
0x5a: {  	[sflag:s13] =	ssyncadd.s32 $0xFFFFC000  }
0x5b: {  	[tilespmem:s17], [sflag:$0x2] =	stream.indirect.gather [hbm4b:s5+s15], $0x80, s2, s15, $0xb8;
	[tilespmem:$0x1C400] =	vst v63  }
0x5c: {  	_ =	swait.ge [sflag:s18], $0x4000  }
0x5d: {  	[sflag:s18] =	ssyncset.done $0x0  }
0x5e: {  	[sflag:s18] =	ssyncadd.s32 $0xFFFFC000  }
0x5f: {  	[spmem:s3] =	stream.indirect.scatter.add.f32 [tilespmem:s16], [sflag:$0x3], $0x80, s1, s15, $0xb8;
	[tilespmem:$0x1C400] =	vst v63  }
0x60: {  	_ =	swait.ge [sflag:s13], $0x4000  }
0x61: {  	[sflag:s13] =	ssyncset.done $0x0  }
0x62: {  	p2 =	slt.u32 s12, $0x12;
	[sflag:s13] =	ssyncadd.s32 $0xFFFFC000  }
0x63: {  	p2 =	por !p0, !p2;
	_ =	swait.ge [sflag:s20], $0x4000  }
0x64: {  	p2 =	por !p2, !p2;
	[sflag:s20] =	ssyncset.done $0x0  }
.Ltmp0:
0x65: {  	[sflag:s20] =	ssyncadd.s32 $0xFFFFC000;
	(pc) =	sbr.rel @p2 .LBB2_2-.Ltmp0, $4  }
0x66: {  	[spmem:s3] =	stream.indirect.scatter.add.f32 [tilespmem:s17], [sflag:$0x3], $0x80, s7, s15, $0xb8;
	[tilespmem:$0x1C400] =	vst v63  }
0x67: {  	_ =	swait.ge [sflag:s13], $0x4000  }
0x68: {  	s12 =	sadd.s32 $0x1, s12;
	[sflag:s13] =	ssyncset.done $0x0  }
0x69: {  	s11 =	sadd.s32 $0x80, s11;
	s10 =	sadd.s32 $0x80, s10;
	[sflag:s13] =	ssyncadd.s32 $0xFFFFC000  }
0x6a: {  	[bflag:$0x0] =	sbarrier.arrive $0xFFFF  }
0x6b: {  	s10 =	rddreg [dreg:$0x4]  }
0x6c: {  	[hbm:s10], [sflag:s6] =	dma.local [spmem:s24], $0x2700  }
0x6d: {  	_ =	swait.ge [sflag:s13], $0x2700  }
0x6e: {  	[sflag:s13] =	ssyncset.done $0x0  }
0x6f: {  	s10 =	rddreg [dreg:$0x5];
	[sflag:s13] =	ssyncadd.s32 $0xFFFFD900  }
0x70: {  	[hbm:s10], [sflag:s6] =	dma.local @!p1 [spmem:s25], $0x100  }
0x71: {  	s10 =	simm.s32 @!p1 $0x3  }
0x72: {  	_ =	swait.ge @!p1 [sflag:s10], $0x100  }
0x73: {  	s8 =	sadd.s32 $0x1, s8;
	s11 =	rddreg [dreg:$0x6]  }
0x74: {  	p2 =	sne.s32 s8, s11  }
.Ltmp1:
0x75: {  	_ = 	snop;
	(pc) =	sbr.rel @p2 .LBB2_1-.Ltmp1, $3  }
0x76: {  	_ =	sdelay $0x1  }
0x77: {  	[sflag:s10] =	ssyncset.done @!p1 $0x0  }
0x78: {  	[sflag:s10] =	ssyncadd.s32 @!p1 $0xFFFFFF00  }
0x79: {  	_ =	sfence.sel $0x180000  }
0x7a: {  	[bflag:$0x0] =	sbarrier.arrive $0xFFFF  }
0x7b: {  	_ =	strace $0x90000050  }
0x7c: {  	s0 =	stileid.u32;
	[bflag:$0x2] =	sbarrier.arrive $0xFFFF  }
0x7d: {  	p0 =	sne.s32 s0, $0x0;
	s0 =	rddreg [dreg:$0x3]  }
0x7e: {  	s0 =	sadd.s32 @!p0 $0x100000, s0  }
0x7f: {  	[sflag:s0] =	ssyncadd.tile.s32 @!p0 $0x1;
	_ =	shalt  }
.Lfunc_end2:
_tile_overlayer_lowered:
.L_overlay_start_2:
0x80: {  	(tag) =	ssettag $0x2  }
0x81: {  	s0 =	rddreg [dreg:$0x0];
	s2 =	stileid.u32  }
0x82: {  	s1 =	rddreg [dreg:$0x1];
	p0 =	sne.s32 s2, $0x0  }
0x83: {  	s3 =	rddreg [dreg:$0x2];
	[bflag:$0x3] =	sbarrier.arrive $0xFFFF;
	s2 =	simm.s32 @!p0 $0x1C03  }
0x84: {  	[timem:s3], [sflag:s2] =	dma.local @!p0 [hbm:s0], s1  }
0x85: {  	s0 =	simm.s32 @!p0 $0x3  }
0x86: {  	_ =	swait.ge @!p0 [sflag:s0], s1  }
0x87: {  	s1 =	ssub.s32 @!p0 $0x0, s1;
	[sflag:s0] =	ssyncset.done @!p0 $0x0  }
0x88: {  	[sflag:s0] =	ssyncadd.s32 @!p0 s1  }
0x89: {  	[bflag:$0x3] =	sbarrier.arrive $0xFFFF  }
0x8a: {  	_ =	shalt  }

// kernel: kernel.25.cloned.1.call-start
scs
__scs_entry_jumppad:
0x0: {  	(pc) =	sbr.rel $0x88, $3  }
0x1: {  	(tag) =	ssettag $0x0;
	lr =	simm.s32 $0x1  }
0x2: {  	[smem:$0x3F98] =	sst lr;
	_ =	strace $0xD0000000  }
0x3: {  	_ = 	snop  }
0x4: {  	_ = 	snop  }
0x5: {  	_ = 	snop  }
0x6: {  	_ = 	snop  }
0x7: {  	_ = 	snop  }
__scs_overlays_trampoline_lowered:
0x8: {  	[smem:$0x3FA7] =	sst s0  }
0x9: {  	[smem:$0x3FA8] =	sst s1  }
0xa: {  	[smem:$0x3FA9] =	sst s2  }
0xb: {  	[smem:$0x3FAA] =	sst s3  }
0xc: {  	[smem:$0x3FAB] =	sst s4  }
0xd: {  	[smem:$0x3FAC] =	sst s5  }
0xe: {  	[smem:$0x3FAD] =	sst s6  }
0xf: {  	[smem:$0x3FAE] =	sst s7  }
0x10: {  	[smem:$0x3FAF] =	sst s8  }
0x11: {  	[smem:$0x3FB0] =	sst s9;
	s0 =	simm.s32 @!p0 $0x0  }
0x12: {  	s1 =	sld [smem:$0x3F96];
	s0 =	simm.s32 @p0 $0x1  }
0x13: {  	[smem:$0x3FB1] =	sst s0;
	s0 =	simm.s32 @!p1 $0x0  }
0x14: {  	s2 =	sld [smem:$0x3F95];
	s0 =	simm.s32 @p1 $0x1  }
0x15: {  	[smem:$0x3FB2] =	sst s0;
	s0 =	simm.s32 @!p2 $0x0  }
0x16: {  	s3 =	sld [smem:$0x3FDB];
	s0 =	simm.s32 @p2 $0x1  }
0x17: {  	s4 =	simm.s32 $0x1BF5;
	[smem:$0x3FB4] =	sst s0  }
0x18: {  	s0 =	sld [smem:$0x3F97];
	_ =	swait.ge [sflag:s4], $0x0  }
0x19: {  	s7 =	sld [smem:$0x3F98]  }
0x1a: {  	s8 =	sadd.s32 $0xFFFFE003, lr  }
0x1b: {  	s9 =	sadd.s32 $0xFFFFFEF7, lr;
	s5 =	simm.s32 $0xFFFFFFFF;
	p2 =	slt.u32 s8, $0xFFFFF086  }
0x1c: {  	p1 =	slt.u32 s9, $0xF7A;
	s5 =	simm.s32 @!p2 $0x0  }
0x1d: {  	s5 =	simm.s32 @p1 $0x1;
	p0 =	seq.s32 s7, s2  }
0x1e: {  	s7 =	smul.u32 @!p0 $0xF7A, s2;
	p2 =	seq.s32 @!p0 s5, $0x0  }
0x1f: {  	s9 =	smul.u32 $0xF7A, s1;
	s8 =	simm.s32 @!p0 $0x1BF5;
	p2 =	por !p2, p0  }
0x20: {  	[sflag:s8] =	ssyncset.s32 @!p0 $0xFFFFF086;
	s6 =	sadd.s32 @!p0 s3, s7;
	s7 =	simm.s32 @!p0 $0x108  }
0x21: {  	s3 =	sadd.s32 s3, s9;
	s6 =	sadd.s32 @!p0 $0x88, s6;
	s7 =	simm.s32 @p2 $0x1082  }
0x22: {  	[simem:s7], [sflag:s8] =	dma.local @!p0 [hbm:s6], $0xF7A  }
0x23: {  	s9 =	sor.u32 $0xD0000000, s2;
	s6 =	simm.s32 $0x108;
	_ =	swait.ge @!p0 [sflag:s8], $0x0  }
0x24: {  	s3 =	sadd.s32 $0x88, s3;
	s6 =	simm.s32 @!p1 $0x1082;
	[sflag:s4] =	ssyncset.s32 $0xFFFFF086  }
0x25: {  	[simem:s6], [sflag:s4] =	dma.local [hbm:s3], $0xF7A  }
0x26: {  	[smem:$0x3F98] =	sst s1;
	(tag) =	ssettag s2;
	_ =	strace s9  }
0x27: {  	s1 =	sld [smem:$0x3FA8]  }
0x28: {  	s2 =	sld [smem:$0x3FA9]  }
0x29: {  	s4 =	sld [smem:$0x3FAB]  }
0x2a: {  	p0 =	seq.s32 s5, $0x0;
	s5 =	sld [smem:$0x3FAC]  }
0x2b: {  	s6 =	sld [smem:$0x3FAD]  }
0x2c: {  	s7 =	sld [smem:$0x3FAE]  }
0x2d: {  	s3 =	simm.s32 $0x108;
	s8 =	sld [smem:$0x3FAF]  }
0x2e: {  	s3 =	simm.s32 @!p0 $0x1082;
	s9 =	sld [smem:$0x3FB0]  }
0x2f: {  	lr =	sadd.s32 s0, s3;
	s0 =	sld [smem:$0x3FA7]  }
0x30: {  	s3 =	sld [smem:$0x3FAA]  }
0x31: {  	[smem:$0x3FB3] =	sst s10  }
0x32: {  	s10 =	sld [smem:$0x3FB1];
	_ =	sdelay $0x3  }
0x33: {  	p0 =	seq.s32 s10, $0x1;
	s10 =	sld [smem:$0x3FB3];
	_ =	sdelay $0x3  }
0x34: {  	[smem:$0x3FB3] =	sst s10  }
0x35: {  	s10 =	sld [smem:$0x3FB2];
	_ =	sdelay $0x3  }
0x36: {  	p1 =	seq.s32 s10, $0x1;
	s10 =	sld [smem:$0x3FB3];
	_ =	sdelay $0x3  }
0x37: {  	[smem:$0x3FB3] =	sst s10  }
0x38: {  	s10 =	sld [smem:$0x3FB4]  }
0x39: {  	_ = 	snop;
	(pc) =	sbr.ind lr, $3  }
0x3a: {  	_ = 	snop  }
0x3b: {  	_ = 	snop  }
0x3c: {  	p2 =	seq.s32 s10, $0x1;
	s10 =	sld [smem:$0x3FB3]  }
0x3d: {  	_ =	shalt  }
0x3e: {  	_ =	shalt  }
0x3f: {  	_ =	shalt  }
0x40: {  	_ =	shalt  }
0x41: {  	_ =	shalt  }
0x42: {  	_ =	shalt  }
0x43: {  	_ =	shalt  }
0x44: {  	_ =	shalt  }
0x45: {  	_ =	shalt  }
0x46: {  	_ =	shalt  }
0x47: {  	_ =	shalt  }
0x48: {  	_ =	shalt  }
0x49: {  	_ =	shalt  }
0x4a: {  	_ =	shalt  }
0x4b: {  	_ =	shalt  }
0x4c: {  	_ =	shalt  }
0x4d: {  	_ =	shalt  }
0x4e: {  	_ =	shalt  }
0x4f: {  	_ =	shalt  }
0x50: {  	_ =	shalt  }
0x51: {  	_ =	shalt  }
0x52: {  	_ =	shalt  }
0x53: {  	_ =	shalt  }
0x54: {  	_ =	shalt  }
0x55: {  	_ =	shalt  }
0x56: {  	_ =	shalt  }
0x57: {  	_ =	shalt  }
0x58: {  	_ =	shalt  }
0x59: {  	_ =	shalt  }
0x5a: {  	_ =	shalt  }
0x5b: {  	_ =	shalt  }
0x5c: {  	_ =	shalt  }
0x5d: {  	_ =	shalt  }
0x5e: {  	_ =	shalt  }
0x5f: {  	_ =	shalt  }
0x60: {  	_ =	shalt  }
0x61: {  	_ =	shalt  }
0x62: {  	_ =	shalt  }
0x63: {  	_ =	shalt  }
0x64: {  	_ =	shalt  }
0x65: {  	_ =	shalt  }
0x66: {  	_ =	shalt  }
0x67: {  	_ =	shalt  }
0x68: {  	_ =	shalt  }
0x69: {  	_ =	shalt  }
0x6a: {  	_ =	shalt  }
0x6b: {  	_ =	shalt  }
0x6c: {  	_ =	shalt  }
0x6d: {  	_ =	shalt  }
0x6e: {  	_ =	shalt  }
0x6f: {  	_ =	shalt  }
0x70: {  	_ =	shalt  }
0x71: {  	_ =	shalt  }
0x72: {  	_ =	shalt  }
0x73: {  	_ =	shalt  }
0x74: {  	_ =	shalt  }
0x75: {  	_ =	shalt  }
0x76: {  	_ =	shalt  }
0x77: {  	_ =	shalt  }
0x78: {  	_ =	shalt  }
0x79: {  	_ =	shalt  }
0x7a: {  	_ =	shalt  }
0x7b: {  	_ =	shalt  }
0x7c: {  	_ =	shalt  }
0x7d: {  	_ =	shalt  }
0x7e: {  	_ =	shalt  }
0x7f: {  	_ =	shalt  }
0x80: {  	_ =	shalt  }
0x81: {  	_ =	shalt  }
0x82: {  	_ =	shalt  }
0x83: {  	_ =	shalt  }
0x84: {  	_ =	shalt  }
0x85: {  	_ =	shalt  }
0x86: {  	_ =	shalt  }
0x87: {  	_ =	shalt  }
.Lfunc_end0:
.L_simem_size_0:
called_computation.4_lowered:
.L_overlay_start_0:
0x88: {  	s2 =	sld [smem:$0x3FD9]  }
0x89: {  	s3 =	sld [smem:$0x3FFE];
	_ =	sdelay $0x1  }
0x8a: {  	s1 =	srdreg.scid  }
0x8b: {  	s0 =	sand.u32 $0x1, s1  }
0x8c: {  	s17 =	sshll.u32 s0, $0xA;
	s2 =	sadd.s32 s3, s2  }
0x8d: {  	s2 =	sadd.s32 s2, s17  }
0x8e: {  	[smem:$0x3FBF] =	sst s2  }
0x8f: {  	_ = 	snop  }
0x90: {  	s2 =	sld [smem:$0x3FD0];
	(tm) =	ssettm $0x1  }
0x91: {  	s18 =	sld [smem:$0x3FFB];
	_ =	sdelay $0x3  }
0x92: {  	_ =	strace s18  }
0x93: {  	s3 =	sld [smem:$0x3FFC];
	_ =	sdelay $0x3  }
0x94: {  	_ =	strace s3  }
0x95: {  	s3 =	sld [smem:$0x3FFD];
	_ =	sdelay $0x3  }
0x96: {  	_ =	strace s3  }
0x97: {  	_ =	strace $0x8FFFFFFF  }
0x98: {  	s19 =	sld [smem:$0x3FDB];
	_ =	sdelay $0x1  }
0x99: {  	s4 =	simm.s32 $_scs_section_size  }
0x9a: {  	s5 =	simm.s32 $_size__tile_overlayer_lowered;
	s6 =	simm.s32 $_tile_overlayer_lowered  }
0x9b: {  	s22 =	simm.s32 $0x1BFF;
	s21 =	sshll.u32 s6, $0x1;
	s3 =	sadd.s32 s4, s19  }
0x9c: {  	s7 =	simm.s32 $0x0;
	s20 =	sshll.u32 s5, $0x1;
	s5 =	sadd.s32 s21, s3  }
0x9d: {  	[timem:s7], [sflag:s22] =	dma.local [hbm:s5], s20  }
0x9e: {  	_ =	swait.ge [sflag:s22], s20  }
0x9f: {  	s4 =	ssub.s32 $0x0, s20;
	[sflag:s22] =	ssyncset.done $0x0  }
0xa0: {  	[sflag:s22] =	ssyncadd.s32 s4;
	_ =	sdelay $0x1  }
0xa1: {  	s23 =	simm.s32 $0x1B8B  }
0xa2: {  	_ =	swait.ge [sflag:s23], $0x1  }
0xa3: {  	[sflag:s23] =	ssyncset.done $0x0  }
0xa4: {  	s25 =	simm.s32 $0x1B8E;
	s24 =	sld [smem:$0x3FFE];
	[sflag:s23] =	ssyncadd.s32 $0xFFFFFFFF  }
0xa5: {  	s26 =	simm.s32 $execute0_lowered;
	[smem:$0x3FD2] =	sst s25  }
0xa6: {  	s5 =	sshll.u32 s26, $0x1;
	_ =	strace $0x80000052;
	[dreg:$0x1] =	wrdreg $0xFFFFFFFF  }
0xa7: {  	s28 =	simm.s32 $_size_execute0_lowered;
	s3 =	sadd.s32 s3, s5;
	[dreg:$0x0] =	wrdreg $0x0  }
0xa8: {  	s5 =	sshll.u32 s28, $0x1;
	[dreg:$0x2] =	wrdreg s3  }
0xa9: {  	[dreg:$0x3] =	wrdreg s5  }
0xaa: {  	[dreg:$0x4] =	wrdreg $0xC0  }
0xab: {  	_ =	task [dreg:s7], $0x5FFFF  }
0xac: {  	[dreg:$0x1] =	wrdreg $0xFFFFFFFF  }
0xad: {  	[dreg:$0x0] =	wrdreg $0x60  }
0xae: {  	[dreg:$0x2] =	wrdreg s24  }
0xaf: {  	[dreg:$0x3] =	wrdreg s2  }
0xb0: {  	[dreg:$0x4] =	wrdreg $0x88000  }
0xb1: {  	[dreg:$0x5] =	wrdreg $0x9  }
0xb2: {  	_ =	task.clear_ibuf [dreg:s7], $0x6FFFF;
	_ =	strace $0x90000052  }
0xb3: {  	s29 =	simm.s32 $0x9;
	_ =	strace $0x80000054  }
0xb4: {  	_ =	swait.ge [sflag:s29], $0x1  }
0xb5: {  	[sflag:s29] =	ssyncadd.s32 $0xFFFFFFFF  }
0xb6: {  	_ =	strace $0x90000054  }
0xb7: {  	_ =	sfence  }
0xb8: {  	s30 =	sld [smem:$0x0];
	_ =	sdelay $0x2  }
0xb9: {  	s31 =	sshll.u32 s1, $0xD;
	s1 =	sshrl.u32 s1, $0x2  }
0xba: {  	s3 =	sand.u32 $0x4000, s31;
	s1 =	sadd.s32 s1, s30  }
0xbb: {  	s0 =	sor.u32 s3, s0;
	s1 =	sshll.u32 s1, $0x11  }
0xbc: {  	s0 =	sor.u32 s1, s0  }
0xbd: {  	s0 =	sadd.s32 $0x8F2B, s0  }
0xbe: {  	[sflag:s0] =	ssyncadd.remote.s32 $0x1  }
0xbf: {  	_ =	sfence.sel $0xFFFF  }
0xc0: {  	[dreg:$0x0] =	wrdreg $0xFFFFFFFF;
	(pc) =	sbr.abs _section_cstart, $3  }
0xc1: {  	[dreg:$0x1] =	wrdreg $0xFFFFFFFF  }
0xc2: {  	_ =	task.clear_ibuf [dreg:s7], $0x2FFFF;
	_ =	strace $0x9FFFFFFF  }
0xc3: {  	(tm) =	ssettm $0x7FFFFFFF  }
tec
execute0_lowered:
.L_overlay_start_1:
0x0: {  	(tag) =	ssettag $0x1  }
0x1: {  	s0 =	rddreg [dreg:$0x0]  }
0x2: {  	s3 =	rddreg [dreg:$0x2];
	s4 =	simm.s32 $0x0;
	s1 =	srdreg.scid  }
0x3: {  	s12 =	stileid.u32;
	s13 =	simm.s32 $0x3;
	s14 =	simm.s32 $0x400  }
0x4: {  	s15 =	simm.s32 $0x80;
	s16 =	simm.s32 $0x800;
	s17 =	simm.s32 $0x4800  }
0x5: {  	s18 =	simm.s32 $0x1;
	s19 =	simm.s32 $0x100;
	s20 =	simm.s32 $0x2  }
0x6: {  	s21 =	simm.s32 $0x480;
	s28 =	simm.s32 $0x580;
	s29 =	simm.s32 $0x280  }
0x7: {  	s30 =	simm.s32 $0x600;
	s31 =	simm.s32 $0x300;
	s2 =	smul.u32 $0x98, s12  }
0x8: {  	s1 =	sand.u32 $0x1, s1;
	s5 =	sshll.u32 s12, $0x3;
	s7 =	smul.u32 $0x4F000, s12  }
0x9: {  	[smem:$0x7FF] =	sst s4;
	s9 =	smul.u32 $0x13800, s12;
	s24 =	sshll.u32 s12, $0x6  }
0xa: {  	s10 =	smul.u32 $0x4E000, s12;
	p1 =	sne.s32 s12, $0xF;
	p0 =	seq.s32 s1, $0x1  }
0xb: {  	s6 =	sor.u32 $0x980, s5;
	_ =	strace $0x80000053;
	s5 =	sadd.s32 $0x17800, s0  }
0xc: {  	s22 =	ssub.s32 $0x2, s1;
	s1 =	smul.u32 $0x138800, s1;
	s6 =	smov.u32 @p0 s2  }
0xd: {  	s8 =	sshrl.u32 s22, $0x1;
	s23 =	sshrl.u32 s7, $0x2;
	s26 =	sshrl.u32 s10, $0x2  }
0xe: {  	s2 =	sshll.u32 s6, $0x4;
	s8 =	ssub.s32 s22, s8;
	s11 =	sadd.s32 s23, s3  }
0xf: {  	s6 =	sor.u32 $0x1C03, s24;
	s25 =	sadd.s32 s9, s1;
	s1 =	sshrl.u32 s1, $0x3  }
0x10: {  	s10 =	sadd.s32 s26, s3;
	s22 =	simm.s32 $0x180;
	s23 =	simm.s32 $0x500  }
0x11: {  	s2 =	sadd.s32 s2, s0;
	s0 =	sadd.s32 $0x3EA00, s0;
	s7 =	sshrl.u32 s25, $0x3  }
0x12: {  	s24 =	smax.u32 s8, $0x1;
	s26 =	sshrl.u32 s11, $0x3;
	s8 =	simm.s32 $0x0  }
0x13: {  	s7 =	sadd.s32 s0, s7;
	s0 =	sadd.s32 s0, s1;
	[dreg:$0x6] =	wrdreg s24  }
0x14: {  	s25 =	sadd.s32 $0xD800, s2;
	s9 =	sadd.s32 $0x3800, s2;
	[dreg:$0x8] =	wrdreg s26  }
0x15: {  	s24 =	sshrl.u32 s10, $0x3;
	s26 =	simm.s32 $0x200;
	[dreg:$0x4] =	wrdreg s7  }
0x16: {  	s2 =	simm.s32 $0x380;
	s0 =	sadd.s32 $0x27000, s0;
	[dreg:$0x7] =	wrdreg s25  }
0x17: {  	s1 =	simm.s32 $0x700;
	[dreg:$0x5] =	wrdreg s0;
	s0 =	sadd.s32 $0x138000, s3  }
0x18: {  	s7 =	simm.s32 $0x780;
	s25 =	sshrl.u32 @!p1 s0, $0x3;
	s0 =	simm.s32 $0x680  }
.LBB2_1:
0x19: {  	s10 =	rddreg [dreg:$0x1]  }
0x1a: {  	s11 =	rddreg [dreg:$0x8]  }
0x1b: {  	[spmem:s11], [sflag:s6] =	dma.local [hbm:s10], $0x2780  }
0x1c: {  	_ =	swait.ge [sflag:s13], $0x2780  }
0x1d: {  	[sflag:s13] =	ssyncset.done $0x0  }
0x1e: {  	[sflag:s13] =	ssyncadd.s32 $0xFFFFD880  }
0x1f: {  	[bflag:$0x0] =	sbarrier.arrive $0xFFFF  }
0x20: {  	s12 =	simm.s32 $0x0;
	s11 =	smov.u32 s9;
	s10 =	rddreg [dreg:$0x7]  }
.LBB2_2:
0x21: {  	[tilespmem:s4], [sflag:$0x3] =	stream.linear.gather [hbm4b:s11+s4], $0x400, $0x38;
	[tilespmem:$0x1C400] =	vst v63  }
0x22: {  	_ =	swait.ge [sflag:s13], $0x400  }
0x23: {  	[sflag:s13] =	ssyncset.done $0x0  }
0x24: {  	[sflag:s13] =	ssyncadd.s32 $0xFFFFFC00  }
0x25: {  	[tilespmem:s14], [sflag:$0x3] =	stream.linear.gather [hbm4b:s10+s4], $0x400, $0x38;
	[tilespmem:$0x1C400] =	vst v63  }
0x26: {  	_ =	swait.ge [sflag:s13], $0x400  }
0x27: {  	[sflag:s13] =	ssyncset.done $0x0  }
0x28: {  	[sflag:s13] =	ssyncadd.s32 $0xFFFFFC00  }
0x29: {  	[tilespmem:s16], [sflag:$0x1] =	stream.indirect.gather [hbm4b:s5+s15], $0x80, s4, s15, $0xb8;
	[tilespmem:$0x1C400] =	vst v63  }
0x2a: {  	_ = 	snop  }
0x2b: {  	[tilespmem:s17], [sflag:$0x2] =	stream.indirect.gather [hbm4b:s5+s15], $0x80, s15, s15, $0xb8;
	[tilespmem:$0x1C400] =	vst v63  }
0x2c: {  	_ =	swait.ge [sflag:s18], $0x4000  }
0x2d: {  	[sflag:s18] =	ssyncset.done $0x0  }
0x2e: {  	[sflag:s18] =	ssyncadd.s32 $0xFFFFC000  }
0x2f: {  	[spmem:s3] =	stream.indirect.scatter.add.f32 [tilespmem:s16], [sflag:$0x3], $0x80, s14, s15, $0xb8;
	[tilespmem:$0x1C400] =	vst v63  }
0x30: {  	_ =	swait.ge [sflag:s13], $0x4000  }
0x31: {  	[sflag:s13] =	ssyncset.done $0x0  }
0x32: {  	[sflag:s13] =	ssyncadd.s32 $0xFFFFC000  }
0x33: {  	[tilespmem:s16], [sflag:$0x1] =	stream.indirect.gather [hbm4b:s5+s15], $0x80, s19, s15, $0xb8;
	[tilespmem:$0x1C400] =	vst v63  }
0x34: {  	_ =	swait.ge [sflag:s20], $0x4000  }
0x35: {  	[sflag:s20] =	ssyncset.done $0x0  }
0x36: {  	[sflag:s20] =	ssyncadd.s32 $0xFFFFC000  }
0x37: {  	[spmem:s3] =	stream.indirect.scatter.add.f32 [tilespmem:s17], [sflag:$0x3], $0x80, s21, s15, $0xb8;
	[tilespmem:$0x1C400] =	vst v63  }
0x38: {  	_ =	swait.ge [sflag:s13], $0x4000  }
0x39: {  	[sflag:s13] =	ssyncset.done $0x0  }
0x3a: {  	[sflag:s13] =	ssyncadd.s32 $0xFFFFC000  }
0x3b: {  	[tilespmem:s17], [sflag:$0x2] =	stream.indirect.gather [hbm4b:s5+s15], $0x80, s22, s15, $0xb8;
	[tilespmem:$0x1C400] =	vst v63  }
0x3c: {  	_ =	swait.ge [sflag:s18], $0x4000  }
0x3d: {  	[sflag:s18] =	ssyncset.done $0x0  }
0x3e: {  	[sflag:s18] =	ssyncadd.s32 $0xFFFFC000  }
0x3f: {  	[spmem:s3] =	stream.indirect.scatter.add.f32 [tilespmem:s16], [sflag:$0x3], $0x80, s23, s15, $0xb8;
	[tilespmem:$0x1C400] =	vst v63  }
0x40: {  	_ =	swait.ge [sflag:s13], $0x4000  }
0x41: {  	[sflag:s13] =	ssyncset.done $0x0  }
0x42: {  	[sflag:s13] =	ssyncadd.s32 $0xFFFFC000  }
0x43: {  	[tilespmem:s16], [sflag:$0x1] =	stream.indirect.gather [hbm4b:s5+s15], $0x80, s26, s15, $0xb8;
	[tilespmem:$0x1C400] =	vst v63  }
0x44: {  	_ =	swait.ge [sflag:s20], $0x4000  }
0x45: {  	[sflag:s20] =	ssyncset.done $0x0  }
0x46: {  	[sflag:s20] =	ssyncadd.s32 $0xFFFFC000  }
0x47: {  	[spmem:s3] =	stream.indirect.scatter.add.f32 [tilespmem:s17], [sflag:$0x3], $0x80, s28, s15, $0xb8;
	[tilespmem:$0x1C400] =	vst v63  }
0x48: {  	_ =	swait.ge [sflag:s13], $0x4000  }
0x49: {  	[sflag:s13] =	ssyncset.done $0x0  }
0x4a: {  	[sflag:s13] =	ssyncadd.s32 $0xFFFFC000  }
0x4b: {  	[tilespmem:s17], [sflag:$0x2] =	stream.indirect.gather [hbm4b:s5+s15], $0x80, s29, s15, $0xb8;
	[tilespmem:$0x1C400] =	vst v63  }
0x4c: {  	_ =	swait.ge [sflag:s18], $0x4000  }
0x4d: {  	[sflag:s18] =	ssyncset.done $0x0  }
0x4e: {  	[sflag:s18] =	ssyncadd.s32 $0xFFFFC000  }
0x4f: {  	[spmem:s3] =	stream.indirect.scatter.add.f32 [tilespmem:s16], [sflag:$0x3], $0x80, s30, s15, $0xb8;
	[tilespmem:$0x1C400] =	vst v63  }
0x50: {  	_ =	swait.ge [sflag:s13], $0x4000  }
0x51: {  	[sflag:s13] =	ssyncset.done $0x0  }
0x52: {  	[sflag:s13] =	ssyncadd.s32 $0xFFFFC000  }
0x53: {  	[tilespmem:s16], [sflag:$0x1] =	stream.indirect.gather [hbm4b:s5+s15], $0x80, s31, s15, $0xb8;
	[tilespmem:$0x1C400] =	vst v63  }
0x54: {  	_ =	swait.ge [sflag:s20], $0x4000  }
0x55: {  	[sflag:s20] =	ssyncset.done $0x0  }
0x56: {  	[sflag:s20] =	ssyncadd.s32 $0xFFFFC000  }
0x57: {  	[spmem:s3] =	stream.indirect.scatter.add.f32 [tilespmem:s17], [sflag:$0x3], $0x80, s0, s15, $0xb8;
	[tilespmem:$0x1C400] =	vst v63  }
0x58: {  	_ =	swait.ge [sflag:s13], $0x4000  }
0x59: {  	[sflag:s13] =	ssyncset.done $0x0  }
0x5a: {  	[sflag:s13] =	ssyncadd.s32 $0xFFFFC000  }
0x5b: {  	[tilespmem:s17], [sflag:$0x2] =	stream.indirect.gather [hbm4b:s5+s15], $0x80, s2, s15, $0xb8;
	[tilespmem:$0x1C400] =	vst v63  }
0x5c: {  	_ =	swait.ge [sflag:s18], $0x4000  }
0x5d: {  	[sflag:s18] =	ssyncset.done $0x0  }
0x5e: {  	[sflag:s18] =	ssyncadd.s32 $0xFFFFC000  }
0x5f: {  	[spmem:s3] =	stream.indirect.scatter.add.f32 [tilespmem:s16], [sflag:$0x3], $0x80, s1, s15, $0xb8;
	[tilespmem:$0x1C400] =	vst v63  }
0x60: {  	_ =	swait.ge [sflag:s13], $0x4000  }
0x61: {  	[sflag:s13] =	ssyncset.done $0x0  }
0x62: {  	p2 =	slt.u32 s12, $0x12;
	[sflag:s13] =	ssyncadd.s32 $0xFFFFC000  }
0x63: {  	p2 =	por !p0, !p2;
	_ =	swait.ge [sflag:s20], $0x4000  }
0x64: {  	p2 =	por !p2, !p2;
	[sflag:s20] =	ssyncset.done $0x0  }
.Ltmp0:
0x65: {  	[sflag:s20] =	ssyncadd.s32 $0xFFFFC000;
	(pc) =	sbr.rel @p2 .LBB2_2-.Ltmp0, $4  }
0x66: {  	[spmem:s3] =	stream.indirect.scatter.add.f32 [tilespmem:s17], [sflag:$0x3], $0x80, s7, s15, $0xb8;
	[tilespmem:$0x1C400] =	vst v63  }
0x67: {  	_ =	swait.ge [sflag:s13], $0x4000  }
0x68: {  	s12 =	sadd.s32 $0x1, s12;
	[sflag:s13] =	ssyncset.done $0x0  }
0x69: {  	s11 =	sadd.s32 $0x80, s11;
	s10 =	sadd.s32 $0x80, s10;
	[sflag:s13] =	ssyncadd.s32 $0xFFFFC000  }
0x6a: {  	[bflag:$0x0] =	sbarrier.arrive $0xFFFF  }
0x6b: {  	s10 =	rddreg [dreg:$0x4]  }
0x6c: {  	[hbm:s10], [sflag:s6] =	dma.local [spmem:s24], $0x2700  }
0x6d: {  	_ =	swait.ge [sflag:s13], $0x2700  }
0x6e: {  	[sflag:s13] =	ssyncset.done $0x0  }
0x6f: {  	s10 =	rddreg [dreg:$0x5];
	[sflag:s13] =	ssyncadd.s32 $0xFFFFD900  }
0x70: {  	[hbm:s10], [sflag:s6] =	dma.local @!p1 [spmem:s25], $0x100  }
0x71: {  	s10 =	simm.s32 @!p1 $0x3  }
0x72: {  	_ =	swait.ge @!p1 [sflag:s10], $0x100  }
0x73: {  	s8 =	sadd.s32 $0x1, s8;
	s11 =	rddreg [dreg:$0x6]  }
0x74: {  	p2 =	sne.s32 s8, s11  }
.Ltmp1:
0x75: {  	_ = 	snop;
	(pc) =	sbr.rel @p2 .LBB2_1-.Ltmp1, $3  }
0x76: {  	_ =	sdelay $0x1  }
0x77: {  	[sflag:s10] =	ssyncset.done @!p1 $0x0  }
0x78: {  	[sflag:s10] =	ssyncadd.s32 @!p1 $0xFFFFFF00  }
0x79: {  	_ =	sfence.sel $0x180000  }
0x7a: {  	[bflag:$0x0] =	sbarrier.arrive $0xFFFF  }
0x7b: {  	_ =	strace $0x90000053  }
0x7c: {  	s0 =	stileid.u32;
	[bflag:$0x2] =	sbarrier.arrive $0xFFFF  }
0x7d: {  	p0 =	sne.s32 s0, $0x0;
	s0 =	rddreg [dreg:$0x3]  }
0x7e: {  	s0 =	sadd.s32 @!p0 $0x100000, s0  }
0x7f: {  	[sflag:s0] =	ssyncadd.tile.s32 @!p0 $0x1;
	_ =	shalt  }
.Lfunc_end2:
_tile_overlayer_lowered:
.L_overlay_start_2:
0x80: {  	(tag) =	ssettag $0x2  }
0x81: {  	s0 =	rddreg [dreg:$0x0];
	s2 =	stileid.u32  }
0x82: {  	s1 =	rddreg [dreg:$0x1];
	p0 =	sne.s32 s2, $0x0  }
0x83: {  	s3 =	rddreg [dreg:$0x2];
	[bflag:$0x3] =	sbarrier.arrive $0xFFFF;
	s2 =	simm.s32 @!p0 $0x1C03  }
0x84: {  	[timem:s3], [sflag:s2] =	dma.local @!p0 [hbm:s0], s1  }
0x85: {  	s0 =	simm.s32 @!p0 $0x3  }
0x86: {  	_ =	swait.ge @!p0 [sflag:s0], s1  }
0x87: {  	s1 =	ssub.s32 @!p0 $0x0, s1;
	[sflag:s0] =	ssyncset.done @!p0 $0x0  }
0x88: {  	[sflag:s0] =	ssyncadd.s32 @!p0 s1  }
0x89: {  	[bflag:$0x3] =	sbarrier.arrive $0xFFFF  }
0x8a: {  	_ =	shalt  }

</sc_bundles>
